<compile_context>
chip_gen: v7x
topology: tpu7x:2x2x1
jax: 0.10.2.dev20260603
libtpu: 0.0.44.dev20260713+nightly
codegen_flags: <defaults>
</compile_context>

<pallas_src>
import functools

import jax
import jax.numpy as jnp
from jax import lax
from jax.experimental import pallas as pl
from jax.experimental.pallas import tpu as pltpu
from jax.experimental.pallas import tpu_sc as plsc

N = 10000
E = 320000
D_IN = 128
D_HID = 64

NC = 2
NS = 16
NW = NC * NS
BB = 128
NB = 79
EPT = NB * BB
E_PAD = EPT * NW
N_ACC = 10240
ZSL = N_ACC // BB // NS
R_DUMP = N_ACC // NS
ROW_BLK = 2000


def _mesh():
    return plsc.VectorSubcoreMesh(core_axis_name="c", subcore_axis_name="s")



@functools.partial(
    pl.kernel,
    out_type=jax.ShapeDtypeStruct((NC, N_ACC), jnp.float32),
    mesh=_mesh(),
    compiler_params=pltpu.CompilerParams(use_tc_tiling_on_sc=False),
    scratch_types=[
        pltpu.VMEM((NB, 2, BB), jnp.int32),
        pltpu.VMEM((BB,), jnp.float32),
        pltpu.VMEM((BB,), jnp.float32),
        pltpu.VMEM_SHARED((N_ACC,), jnp.float32),
        pltpu.SemaphoreType.DMA,
        pltpu.SemaphoreType.DMA,
        pltpu.SemaphoreType.DMA,
        pltpu.SemaphoreType.DMA,
    ],
)
def _sc_degree(idx_hbm, ones_hbm, zeros_hbm, deg_hbm, idx_v, ones_v, zeros_v,
               acc, sd0, sd1, sd2, sd3):
    semds = (sd0, sd1, sd2, sd3)
    cid = lax.axis_index("c")
    sid = lax.axis_index("s")
    wid = sid * NC + cid
    pltpu.sync_copy(idx_hbm.at[pl.ds(wid * NB, NB)], idx_v)
    pltpu.sync_copy(ones_hbm, ones_v)
    pltpu.sync_copy(zeros_hbm, zeros_v)
    for k in range(ZSL):
        pltpu.sync_copy(zeros_v, acc.at[pl.ds((sid * ZSL + k) * BB, BB)])
    plsc.subcore_barrier()

    def body(j, carry):
        for k in range(4):
            @pl.when(j % 4 == k)
            def _(k=k):
                @pl.when(j >= 4)
                def _():
                    pltpu.make_async_copy(ones_v, acc.at[idx_v.at[j - 4, 1]],
                                          semds[k]).wait()
                pltpu.async_copy(ones_v, acc.at[idx_v.at[j, 1]], semds[k],
                                 add=True)

        return carry

    lax.fori_loop(0, NB, body, 0)
    for t in range(NB - 4, NB):
        pltpu.make_async_copy(ones_v, acc.at[idx_v.at[t, 1]],
                              semds[t % 4]).wait()
    plsc.subcore_barrier()
    pltpu.sync_copy(acc.at[pl.ds(sid * R_DUMP, R_DUMP)],
                    deg_hbm.at[cid, pl.ds(sid * R_DUMP, R_DUMP)])


def _make_scatter_spmem(P, nb0, nb1):
    DW = D_HID
    NST = N // NS
    out_types = [jax.ShapeDtypeStruct((NC, N_ACC, DW), jnp.float32)
                 for _ in range(P)]

    @functools.partial(
        pl.kernel,
        out_type=tuple(out_types),
        mesh=_mesh(),
        compiler_params=pltpu.CompilerParams(use_tc_tiling_on_sc=False),
        scratch_types=(
            [pltpu.VMEM((2, BB), jnp.int32)] * 8
            + [pltpu.VMEM((BB, DW), jnp.float32)] * 4
            + [
                pltpu.VMEM_SHARED((N + 16, DW), jnp.float32),
                pltpu.VMEM_SHARED((N_ACC, DW), jnp.float32),
            ]
            + [pltpu.SemaphoreType.DMA] * 16
        ),
    )
    def _scatter(*refs):
        g_hbms = refs[:P]
        idx_hbm, zrows_hbm = refs[P], refs[P + 1]
        part_hbms = refs[P + 2:2 * P + 2]
        scr = refs[2 * P + 2:]
        ibs = scr[0:8]
        bufs = scr[8:12]
        gsp, acc = scr[12], scr[13]
        semis = scr[14:22]
        semgs = scr[22:26]
        semss = scr[26:30]
        cid = lax.axis_index("c")
        sid = lax.axis_index("s")
        nb = NB
        base = (cid * NS + sid) * NB

        def gat(b, k4, k8):
            return pltpu.make_async_copy(gsp.at[ibs[k8].at[0]], bufs[k4],
                                         semgs[k4])

        def sca_start(k4, k8):
            pltpu.async_copy(bufs[k4], acc.at[ibs[k8].at[1]], semss[k4],
                             add=True)

        def sca_wait(k4, k8):
            pltpu.make_async_copy(bufs[k4], acc.at[ibs[k8].at[1]],
                                  semss[k4]).wait()

        for p in range(P):
            pltpu.sync_copy(g_hbms[p].at[pl.ds(sid * NST, NST)],
                            gsp.at[pl.ds(sid * NST, NST)])
            pltpu.sync_copy(zrows_hbm, bufs[0])
            for k in range(ZSL):
                pltpu.sync_copy(bufs[0], acc.at[pl.ds((sid * ZSL + k) * BB, BB)])
            plsc.subcore_barrier()

            pltpu.sync_copy(idx_hbm.at[base], ibs[0])
            pltpu.async_copy(idx_hbm.at[base + 1], ibs[1], semis[1])
            pltpu.async_copy(idx_hbm.at[base + 2], ibs[2], semis[2])
            gat(0, 0, 0).start()

            def step(j, k8):
                k4 = k8 % 4
                nk8, nk4 = (k8 + 1) % 8, (k8 + 1) % 4
                nxt = j + 1

                @pl.when(jnp.logical_and(nxt < nb, j >= 3))
                def _():
                    sca_wait(nk4, (k8 + 5) % 8)

                @pl.when(nxt < nb)
                def _():
                    pltpu.make_async_copy(idx_hbm.at[base + nxt], ibs[nk8],
                                          semis[nk8]).wait()
                    gat(nxt, nk4, nk8).start()

                gat(j, k4, k8).wait()

                @pl.when(j + 3 < nb)
                def _():
                    pltpu.async_copy(idx_hbm.at[base + j + 3],
                                     ibs[(k8 + 3) % 8], semis[(k8 + 3) % 8])

                sca_start(k4, k8)

            def body(j, carry):
                for k in range(8):
                    @pl.when(j % 8 == k)
                    def _(k=k):
                        step(j, k)

                return carry

            lax.fori_loop(0, nb, body, 0)
            for t in range(nb - 4, nb):
                sca_wait(t % 4, t % 8)
            plsc.subcore_barrier()
            pltpu.sync_copy(acc.at[pl.ds(sid * R_DUMP, R_DUMP)],
                            part_hbms[p].at[cid, pl.ds(sid * R_DUMP, R_DUMP)])
            if p + 1 < P:
                plsc.subcore_barrier()

    return _scatter


TB = NB * NW
_sc_scatter64 = _make_scatter_spmem(1, NB, NB)
_sc_scatter128 = _make_scatter_spmem(2, NB, NB)



def _dinv_from(degT_ref):
    deg = degT_ref[...].sum(axis=1, keepdims=True) + 1.0
    return lax.rsqrt(jnp.maximum(deg, 1.0))


def _tc1a_body(x_ref, W1_ref, mm_ref):
    mm_ref[...] = jnp.dot(x_ref[...], W1_ref[...],
                          preferred_element_type=jnp.float32)


def _tc1b_body(degT_ref, mm_ref, g1_ref):
    g1_ref[...] = mm_ref[...] * _dinv_from(degT_ref)


def _tc2_body(degT_ref, p_ref, g1_ref, b1_ref, W2_ref, g2a_ref, g2b_ref):
    dinv = _dinv_from(degT_ref)
    s = p_ref[0] + p_ref[1] + g1_ref[...]
    h = jnp.maximum(dinv * s + b1_ref[...], 0.0)
    g2 = jnp.dot(h, W2_ref[...], preferred_element_type=jnp.float32) * dinv
    g2a_ref[...] = g2[:, :D_HID]
    g2b_ref[...] = g2[:, D_HID:]


def _tc3_body(degT_ref, qa_ref, qb_ref, g2a_ref, g2b_ref, b2_ref, out_ref):
    dinv = _dinv_from(degT_ref)
    ya = dinv * (qa_ref[0] + qa_ref[1] + g2a_ref[...])
    yb = dinv * (qb_ref[0] + qb_ref[1] + g2b_ref[...])
    out_ref[...] = jnp.concatenate([ya, yb], axis=1) + b2_ref[...]


_GRID = (N // ROW_BLK,)

_tc1a = pl.pallas_call(
    _tc1a_body,
    grid=_GRID,
    in_specs=[
        pl.BlockSpec((ROW_BLK, D_IN), lambda i: (i, 0)),
        pl.BlockSpec((D_IN, D_HID), lambda i: (0, 0)),
    ],
    out_specs=pl.BlockSpec((ROW_BLK, D_HID), lambda i: (i, 0)),
    out_shape=jax.ShapeDtypeStruct((N, D_HID), jnp.float32),
)

_tc1b = pl.pallas_call(
    _tc1b_body,
    grid=_GRID,
    in_specs=[
        pl.BlockSpec((ROW_BLK, 2), lambda i: (i, 0)),
        pl.BlockSpec((ROW_BLK, D_HID), lambda i: (i, 0)),
    ],
    out_specs=pl.BlockSpec((ROW_BLK, D_HID), lambda i: (i, 0)),
    out_shape=jax.ShapeDtypeStruct((N, D_HID), jnp.float32),
)

_tc2 = pl.pallas_call(
    _tc2_body,
    grid=_GRID,
    in_specs=[
        pl.BlockSpec((ROW_BLK, 2), lambda i: (i, 0)),
        pl.BlockSpec((NC, ROW_BLK, D_HID), lambda i: (0, i, 0)),
        pl.BlockSpec((ROW_BLK, D_HID), lambda i: (i, 0)),
        pl.BlockSpec((1, D_HID), lambda i: (0, 0)),
        pl.BlockSpec((D_HID, D_IN), lambda i: (0, 0)),
    ],
    out_specs=[
        pl.BlockSpec((ROW_BLK, D_HID), lambda i: (i, 0)),
        pl.BlockSpec((ROW_BLK, D_HID), lambda i: (i, 0)),
    ],
    out_shape=[
        jax.ShapeDtypeStruct((N, D_HID), jnp.float32),
        jax.ShapeDtypeStruct((N, D_HID), jnp.float32),
    ],
)

_tc3 = pl.pallas_call(
    _tc3_body,
    grid=_GRID,
    in_specs=[
        pl.BlockSpec((ROW_BLK, 2), lambda i: (i, 0)),
        pl.BlockSpec((NC, ROW_BLK, D_HID), lambda i: (0, i, 0)),
        pl.BlockSpec((NC, ROW_BLK, D_HID), lambda i: (0, i, 0)),
        pl.BlockSpec((ROW_BLK, D_HID), lambda i: (i, 0)),
        pl.BlockSpec((ROW_BLK, D_HID), lambda i: (i, 0)),
        pl.BlockSpec((1, D_IN), lambda i: (0, 0)),
    ],
    out_specs=pl.BlockSpec((ROW_BLK, D_IN), lambda i: (i, 0)),
    out_shape=jax.ShapeDtypeStruct((N, D_IN), jnp.float32),
)



def kernel(x, edge_index, W1, b1, W2, b2):
    ei = edge_index.astype(jnp.int32)
    ei_p = jnp.pad(ei, ((0, 0), (0, E_PAD - E)), constant_values=N)
    idx = ei_p.reshape(2, TB, BB).transpose(1, 0, 2)
    ones = jnp.ones((BB,), jnp.float32)
    zeros = jnp.zeros((BB,), jnp.float32)
    z64 = jnp.zeros((BB, D_HID), jnp.float32)

    deg2 = _sc_degree(idx, ones, zeros)
    mm1 = _tc1a(x, W1)
    degT = deg2.T
    g1 = _tc1b(degT, mm1)
    (p,) = _sc_scatter64(g1, idx, z64)
    g2a, g2b = _tc2(degT, p, g1, b1.reshape(1, -1), W2)
    qa, qb = _sc_scatter128(g2a, g2b, idx, z64)
    out = _tc3(degT, qa, qb, g2a, g2b, b2.reshape(1, -1))
    return out

# --- scband reference (transcript-rebuilt; emitter-appended) ---
"""Pipeline reference for scband-graph-autoencoder-62045097558271 (READ-ONLY COPY).

The authoritative reference and input builder live on the scoring server;
editing this copy changes nothing except your own understanding.
"""

import jax, jax.numpy as jnp
import numpy as np

N_NODES = 10000
N_EDGES = 320000
IN_DIM = 128
HID_DIM = 64


def gcn_conv(x, edge_index, W, b):
    # Faithful GCNConv: linear transform, add self-loops, symmetric normalization,
    # scatter-add aggregation, then bias.
    N = x.shape[0]
    loops = jnp.arange(N, dtype=edge_index.dtype)
    src = jnp.concatenate([edge_index[0], loops])
    dst = jnp.concatenate([edge_index[1], loops])
    h = x @ W
    deg = jnp.zeros((N,), dtype=x.dtype).at[dst].add(1.0)
    dinv = jax.lax.rsqrt(jnp.maximum(deg, 1.0))
    norm = dinv[src] * dinv[dst]
    msg = h[src] * norm[:, None]
    out = jnp.zeros((N, W.shape[1]), dtype=x.dtype).at[dst].add(msg)
    return out + b


def setup_inputs(seed: int = 0) -> dict:
    key = jax.random.key(seed)
    k_x, k_e, k_w1, k_w2 = jax.random.split(key, 4)
    x = jax.random.normal(k_x, (N_NODES, IN_DIM), dtype=jnp.float32)
    edge_index = jax.random.randint(k_e, (2, N_EDGES), 0, N_NODES, dtype=jnp.int64)
    W1 = jax.random.normal(k_w1, (IN_DIM, HID_DIM), dtype=jnp.float32) * (1.0 / np.sqrt(IN_DIM))
    b1 = jnp.zeros((HID_DIM,), dtype=jnp.float32)
    W2 = jax.random.normal(k_w2, (HID_DIM, IN_DIM), dtype=jnp.float32) * (1.0 / np.sqrt(HID_DIM))
    b2 = jnp.zeros((IN_DIM,), dtype=jnp.float32)
    return {"x": x, "edge_index": edge_index, "W1": W1, "b1": b1, "W2": W2, "b2": b2}


def reference(x, edge_index, W1, b1, W2, b2):
    h = gcn_conv(x, edge_index, W1, b1)
    h = jax.nn.relu(h)
    out = gcn_conv(h, edge_index, W2, b2)
    return out

if __name__ == "__main__":
    import jax
    _d = setup_inputs()
    print(jax.jit(kernel)(*tuple(_d.values())))

</pallas_src>

<mosaic_0001>
#map = affine_map<(d0, d1) -> (0, 0, 0)>
#map1 = affine_map<(d0, d1) -> (0)>
#map2 = affine_map<(d0, d1) -> (0, 0)>
module attributes {stable_mosaic.version = 14 : i64} {
  func.func @_sc_degree(%arg0: i32, %arg1: i32, %arg2: memref<2528x2x128xi32, #tpu.memory_space<hbm>>, %arg3: memref<128xf32, #tpu.memory_space<hbm>>, %arg4: memref<128xf32, #tpu.memory_space<hbm>>, %arg5: memref<2x10240xf32, #tpu.memory_space<hbm>>, %arg6: memref<79x2x128xi32, #tpu.memory_space<vmem>>, %arg7: memref<128xf32, #tpu.memory_space<vmem>>, %arg8: memref<128xf32, #tpu.memory_space<vmem>>, %arg9: memref<10240xf32, #tpu.memory_space<vmem_shared>>, %arg10: memref<!tpu.dma_semaphore, #tpu.memory_space<semaphore_mem>>, %arg11: memref<!tpu.dma_semaphore, #tpu.memory_space<semaphore_mem>>, %arg12: memref<!tpu.dma_semaphore, #tpu.memory_space<semaphore_mem>>, %arg13: memref<!tpu.dma_semaphore, #tpu.memory_space<semaphore_mem>>) attributes {dimension_semantics = [#tpu.dimension_semantics<core_parallel>, #tpu.dimension_semantics<subcore_parallel>], iteration_bounds = array<i64: 2, 16>, scalar_prefetch = 0 : i64, scratch_operands = 8 : i64, tpu.core_type = #tpu.core_type<sc_vector_subcore>, window_params = [{transform_indices = #map}, {transform_indices = #map1}, {transform_indices = #map1}, {transform_indices = #map2}]} {
    %mul3A = arith.constant 2 : i32
    %mul3A_0 = arith.muli %arg1, %mul3A : i32
    %add3A = arith.addi %mul3A_0, %arg0 : i32
    %mul3A_1 = arith.constant 79 : i32
    %mul3A_2 = arith.muli %add3A, %mul3A_1 : i32
    "tpu.region"() ({
      %run_scoped3A = tpu.sem_alloc : memref<!tpu.dma_semaphore, #tpu.memory_space<semaphore_mem>>
      %dma_start3A = arith.constant 0 : i32
      %dma_start3A_70 = arith.constant 0 : i32
      %dma_start3A_71 = tpu.memref_slice %arg2[%mul3A_2, %dma_start3A, %dma_start3A_70] : memref<2528x2x128xi32, #tpu.memory_space<hbm>> -> memref<79x2x128xi32, #tpu.memory_space<hbm>>
      %dma_start3A_72 = arith.constant 0 : i32
      %dma_start3A_73 = arith.constant 0 : i32
      %dma_start3A_74 = tpu.memref_slice %arg2[%mul3A_2, %dma_start3A_72, %dma_start3A_73] : memref<2528x2x128xi32, #tpu.memory_space<hbm>> -> memref<79x2x128xi32, #tpu.memory_space<hbm>>
      tpu.enqueue_dma source(%dma_start3A_74 : memref<79x2x128xi32, #tpu.memory_space<hbm>>) target(%arg6 : memref<79x2x128xi32, #tpu.memory_space<vmem>>) target_semaphore(%run_scoped3A : memref<!tpu.dma_semaphore, #tpu.memory_space<semaphore_mem>>)
      %dma_wait3A_75 = arith.constant 0 : i32
      %dma_wait3A_76 = arith.constant 0 : i32
      %dma_wait3A_77 = tpu.memref_slice %arg2[%mul3A_2, %dma_wait3A_75, %dma_wait3A_76] : memref<2528x2x128xi32, #tpu.memory_space<hbm>> -> memref<79x2x128xi32, #tpu.memory_space<hbm>>
      %dma_wait3A_78 = arith.constant 0 : i32
      %dma_wait3A_79 = arith.constant 0 : i32
      %dma_wait3A_80 = tpu.memref_slice %arg2[%mul3A_2, %dma_wait3A_78, %dma_wait3A_79] : memref<2528x2x128xi32, #tpu.memory_space<hbm>> -> memref<79x2x128xi32, #tpu.memory_space<hbm>>
      tpu.wait_dma2 semaphore(%run_scoped3A : memref<!tpu.dma_semaphore, #tpu.memory_space<semaphore_mem>>) src(%dma_wait3A_80 : memref<79x2x128xi32, #tpu.memory_space<hbm>>) dst(%arg6 : memref<79x2x128xi32, #tpu.memory_space<vmem>>)
      tpu.yield
    }) : () -> ()
    "tpu.region"() ({
      %run_scoped3A = tpu.sem_alloc : memref<!tpu.dma_semaphore, #tpu.memory_space<semaphore_mem>>
      tpu.enqueue_dma source(%arg3 : memref<128xf32, #tpu.memory_space<hbm>>) target(%arg7 : memref<128xf32, #tpu.memory_space<vmem>>) target_semaphore(%run_scoped3A : memref<!tpu.dma_semaphore, #tpu.memory_space<semaphore_mem>>)
      tpu.wait_dma2 semaphore(%run_scoped3A : memref<!tpu.dma_semaphore, #tpu.memory_space<semaphore_mem>>) src(%arg3 : memref<128xf32, #tpu.memory_space<hbm>>) dst(%arg7 : memref<128xf32, #tpu.memory_space<vmem>>)
      tpu.yield
    }) : () -> ()
    "tpu.region"() ({
      %run_scoped3A = tpu.sem_alloc : memref<!tpu.dma_semaphore, #tpu.memory_space<semaphore_mem>>
      tpu.enqueue_dma source(%arg4 : memref<128xf32, #tpu.memory_space<hbm>>) target(%arg8 : memref<128xf32, #tpu.memory_space<vmem>>) target_semaphore(%run_scoped3A : memref<!tpu.dma_semaphore, #tpu.memory_space<semaphore_mem>>)
      tpu.wait_dma2 semaphore(%run_scoped3A : memref<!tpu.dma_semaphore, #tpu.memory_space<semaphore_mem>>) src(%arg4 : memref<128xf32, #tpu.memory_space<hbm>>) dst(%arg8 : memref<128xf32, #tpu.memory_space<vmem>>)
      tpu.yield
    }) : () -> ()
    %mul3A_3 = arith.constant 5 : i32
    %mul3A_4 = arith.muli %arg1, %mul3A_3 : i32
    %add3A_5 = arith.constant 0 : i32
    %add3A_6 = arith.addi %mul3A_4, %add3A_5 : i32
    %mul3A_7 = arith.constant 128 : i32
    %mul3A_8 = arith.muli %add3A_6, %mul3A_7 : i32
    "tpu.region"() ({
      %run_scoped3A = tpu.sem_alloc : memref<!tpu.dma_semaphore, #tpu.memory_space<semaphore_mem>>
      %dma_start3A = tpu.memref_slice %arg9[%mul3A_8] : memref<10240xf32, #tpu.memory_space<vmem_shared>> -> memref<128xf32, #tpu.memory_space<vmem_shared>>
      %dma_start3A_70 = tpu.memref_slice %arg9[%mul3A_8] : memref<10240xf32, #tpu.memory_space<vmem_shared>> -> memref<128xf32, #tpu.memory_space<vmem_shared>>
      tpu.enqueue_dma source(%arg8 : memref<128xf32, #tpu.memory_space<vmem>>) target(%dma_start3A_70 : memref<128xf32, #tpu.memory_space<vmem_shared>>) target_semaphore(%run_scoped3A : memref<!tpu.dma_semaphore, #tpu.memory_space<semaphore_mem>>)
      %dma_wait3A_71 = tpu.memref_slice %arg9[%mul3A_8] : memref<10240xf32, #tpu.memory_space<vmem_shared>> -> memref<128xf32, #tpu.memory_space<vmem_shared>>
      %dma_wait3A_72 = tpu.memref_slice %arg9[%mul3A_8] : memref<10240xf32, #tpu.memory_space<vmem_shared>> -> memref<128xf32, #tpu.memory_space<vmem_shared>>
      tpu.wait_dma2 semaphore(%run_scoped3A : memref<!tpu.dma_semaphore, #tpu.memory_space<semaphore_mem>>) src(%arg8 : memref<128xf32, #tpu.memory_space<vmem>>) dst(%dma_wait3A_72 : memref<128xf32, #tpu.memory_space<vmem_shared>>)
      tpu.yield
    }) : () -> ()
    %mul3A_9 = arith.constant 5 : i32
    %mul3A_10 = arith.muli %arg1, %mul3A_9 : i32
    %add3A_11 = arith.constant 1 : i32
    %add3A_12 = arith.addi %mul3A_10, %add3A_11 : i32
    %mul3A_13 = arith.constant 128 : i32
    %mul3A_14 = arith.muli %add3A_12, %mul3A_13 : i32
    "tpu.region"() ({
      %run_scoped3A = tpu.sem_alloc : memref<!tpu.dma_semaphore, #tpu.memory_space<semaphore_mem>>
      %dma_start3A = tpu.memref_slice %arg9[%mul3A_14] : memref<10240xf32, #tpu.memory_space<vmem_shared>> -> memref<128xf32, #tpu.memory_space<vmem_shared>>
      %dma_start3A_70 = tpu.memref_slice %arg9[%mul3A_14] : memref<10240xf32, #tpu.memory_space<vmem_shared>> -> memref<128xf32, #tpu.memory_space<vmem_shared>>
      tpu.enqueue_dma source(%arg8 : memref<128xf32, #tpu.memory_space<vmem>>) target(%dma_start3A_70 : memref<128xf32, #tpu.memory_space<vmem_shared>>) target_semaphore(%run_scoped3A : memref<!tpu.dma_semaphore, #tpu.memory_space<semaphore_mem>>)
      %dma_wait3A_71 = tpu.memref_slice %arg9[%mul3A_14] : memref<10240xf32, #tpu.memory_space<vmem_shared>> -> memref<128xf32, #tpu.memory_space<vmem_shared>>
      %dma_wait3A_72 = tpu.memref_slice %arg9[%mul3A_14] : memref<10240xf32, #tpu.memory_space<vmem_shared>> -> memref<128xf32, #tpu.memory_space<vmem_shared>>
      tpu.wait_dma2 semaphore(%run_scoped3A : memref<!tpu.dma_semaphore, #tpu.memory_space<semaphore_mem>>) src(%arg8 : memref<128xf32, #tpu.memory_space<vmem>>) dst(%dma_wait3A_72 : memref<128xf32, #tpu.memory_space<vmem_shared>>)
      tpu.yield
    }) : () -> ()
    %mul3A_15 = arith.constant 5 : i32
    %mul3A_16 = arith.muli %arg1, %mul3A_15 : i32
    %add3A_17 = arith.constant 2 : i32
    %add3A_18 = arith.addi %mul3A_16, %add3A_17 : i32
    %mul3A_19 = arith.constant 128 : i32
    %mul3A_20 = arith.muli %add3A_18, %mul3A_19 : i32
    "tpu.region"() ({
      %run_scoped3A = tpu.sem_alloc : memref<!tpu.dma_semaphore, #tpu.memory_space<semaphore_mem>>
      %dma_start3A = tpu.memref_slice %arg9[%mul3A_20] : memref<10240xf32, #tpu.memory_space<vmem_shared>> -> memref<128xf32, #tpu.memory_space<vmem_shared>>
      %dma_start3A_70 = tpu.memref_slice %arg9[%mul3A_20] : memref<10240xf32, #tpu.memory_space<vmem_shared>> -> memref<128xf32, #tpu.memory_space<vmem_shared>>
      tpu.enqueue_dma source(%arg8 : memref<128xf32, #tpu.memory_space<vmem>>) target(%dma_start3A_70 : memref<128xf32, #tpu.memory_space<vmem_shared>>) target_semaphore(%run_scoped3A : memref<!tpu.dma_semaphore, #tpu.memory_space<semaphore_mem>>)
      %dma_wait3A_71 = tpu.memref_slice %arg9[%mul3A_20] : memref<10240xf32, #tpu.memory_space<vmem_shared>> -> memref<128xf32, #tpu.memory_space<vmem_shared>>
      %dma_wait3A_72 = tpu.memref_slice %arg9[%mul3A_20] : memref<10240xf32, #tpu.memory_space<vmem_shared>> -> memref<128xf32, #tpu.memory_space<vmem_shared>>
      tpu.wait_dma2 semaphore(%run_scoped3A : memref<!tpu.dma_semaphore, #tpu.memory_space<semaphore_mem>>) src(%arg8 : memref<128xf32, #tpu.memory_space<vmem>>) dst(%dma_wait3A_72 : memref<128xf32, #tpu.memory_space<vmem_shared>>)
      tpu.yield
    }) : () -> ()
    %mul3A_21 = arith.constant 5 : i32
    %mul3A_22 = arith.muli %arg1, %mul3A_21 : i32
    %add3A_23 = arith.constant 3 : i32
    %add3A_24 = arith.addi %mul3A_22, %add3A_23 : i32
    %mul3A_25 = arith.constant 128 : i32
    %mul3A_26 = arith.muli %add3A_24, %mul3A_25 : i32
    "tpu.region"() ({
      %run_scoped3A = tpu.sem_alloc : memref<!tpu.dma_semaphore, #tpu.memory_space<semaphore_mem>>
      %dma_start3A = tpu.memref_slice %arg9[%mul3A_26] : memref<10240xf32, #tpu.memory_space<vmem_shared>> -> memref<128xf32, #tpu.memory_space<vmem_shared>>
      %dma_start3A_70 = tpu.memref_slice %arg9[%mul3A_26] : memref<10240xf32, #tpu.memory_space<vmem_shared>> -> memref<128xf32, #tpu.memory_space<vmem_shared>>
      tpu.enqueue_dma source(%arg8 : memref<128xf32, #tpu.memory_space<vmem>>) target(%dma_start3A_70 : memref<128xf32, #tpu.memory_space<vmem_shared>>) target_semaphore(%run_scoped3A : memref<!tpu.dma_semaphore, #tpu.memory_space<semaphore_mem>>)
      %dma_wait3A_71 = tpu.memref_slice %arg9[%mul3A_26] : memref<10240xf32, #tpu.memory_space<vmem_shared>> -> memref<128xf32, #tpu.memory_space<vmem_shared>>
      %dma_wait3A_72 = tpu.memref_slice %arg9[%mul3A_26] : memref<10240xf32, #tpu.memory_space<vmem_shared>> -> memref<128xf32, #tpu.memory_space<vmem_shared>>
      tpu.wait_dma2 semaphore(%run_scoped3A : memref<!tpu.dma_semaphore, #tpu.memory_space<semaphore_mem>>) src(%arg8 : memref<128xf32, #tpu.memory_space<vmem>>) dst(%dma_wait3A_72 : memref<128xf32, #tpu.memory_space<vmem_shared>>)
      tpu.yield
    }) : () -> ()
    %mul3A_27 = arith.constant 5 : i32
    %mul3A_28 = arith.muli %arg1, %mul3A_27 : i32
    %add3A_29 = arith.constant 4 : i32
    %add3A_30 = arith.addi %mul3A_28, %add3A_29 : i32
    %mul3A_31 = arith.constant 128 : i32
    %mul3A_32 = arith.muli %add3A_30, %mul3A_31 : i32
    "tpu.region"() ({
      %run_scoped3A = tpu.sem_alloc : memref<!tpu.dma_semaphore, #tpu.memory_space<semaphore_mem>>
      %dma_start3A = tpu.memref_slice %arg9[%mul3A_32] : memref<10240xf32, #tpu.memory_space<vmem_shared>> -> memref<128xf32, #tpu.memory_space<vmem_shared>>
      %dma_start3A_70 = tpu.memref_slice %arg9[%mul3A_32] : memref<10240xf32, #tpu.memory_space<vmem_shared>> -> memref<128xf32, #tpu.memory_space<vmem_shared>>
      tpu.enqueue_dma source(%arg8 : memref<128xf32, #tpu.memory_space<vmem>>) target(%dma_start3A_70 : memref<128xf32, #tpu.memory_space<vmem_shared>>) target_semaphore(%run_scoped3A : memref<!tpu.dma_semaphore, #tpu.memory_space<semaphore_mem>>)
      %dma_wait3A_71 = tpu.memref_slice %arg9[%mul3A_32] : memref<10240xf32, #tpu.memory_space<vmem_shared>> -> memref<128xf32, #tpu.memory_space<vmem_shared>>
      %dma_wait3A_72 = tpu.memref_slice %arg9[%mul3A_32] : memref<10240xf32, #tpu.memory_space<vmem_shared>> -> memref<128xf32, #tpu.memory_space<vmem_shared>>
      tpu.wait_dma2 semaphore(%run_scoped3A : memref<!tpu.dma_semaphore, #tpu.memory_space<semaphore_mem>>) src(%arg8 : memref<128xf32, #tpu.memory_space<vmem>>) dst(%dma_wait3A_72 : memref<128xf32, #tpu.memory_space<vmem_shared>>)
      tpu.yield
    }) : () -> ()
    %barrier3A = arith.constant 0 : index
    tpu.barrier barrier_id(%barrier3A)
    %scan3A = arith.constant 0 : i32
    %scan3A_33 = arith.constant 0 : i32
    %scan3A_34 = arith.constant 79 : i32
    %scan3A_35 = arith.addi %scan3A_33, %scan3A_34 : i32
    %scan3A_36 = arith.constant 1 : i32
    scf.for %scan3A_70 = %scan3A_33 to %scan3A_35 step %scan3A_36  : i32 {
      %jit3A = arith.constant 4 : i32
      %eq3A = arith.constant 0 : i32
      %eq3A_71 = arith.cmpi eq, %jit3A, %eq3A : i32
      %jit3A_72 = arith.constant 1 : i32
      %select_n3A = arith.select %eq3A_71, %jit3A_72, %jit3A : i32
      %rem3A = arith.remsi %scan3A_70, %select_n3A : i32
      %ne3A = arith.constant 0 : i32
      %ne3A_73 = arith.cmpi ne, %rem3A, %ne3A : i32
      %lt3A = arith.constant 0 : i32
      %lt3A_74 = arith.cmpi slt, %rem3A, %lt3A : i32
      %lt3A_75 = arith.constant 0 : i32
      %lt3A_76 = arith.cmpi slt, %select_n3A, %lt3A_75 : i32
      %ne3A_77 = arith.xori %lt3A_74, %lt3A_76 : i1
      %and3A = arith.andi %ne3A_77, %ne3A_73 : i1
      %add3A_78 = arith.addi %rem3A, %select_n3A : i32
      %select_n3A_79 = arith.select %and3A, %add3A_78, %rem3A : i32
      %eq3A_80 = arith.constant 0 : i32
      %eq3A_81 = arith.cmpi eq, %select_n3A_79, %eq3A_80 : i32
      %convert_element_type3A = arith.extui %eq3A_81 : i1 to i32
      %cond3A = arith.constant 0 : i32
      %cond3A_82 = arith.cmpi ne, %convert_element_type3A, %cond3A : i32
      scf.if %cond3A_82 {
        %ge3A = arith.constant 4 : i32
        %ge3A_146 = arith.cmpi sge, %scan3A_70, %ge3A : i32
        %convert_element_type3A_147 = arith.extui %ge3A_146 : i1 to i32
        %cond3A_148 = arith.constant 0 : i32
        %cond3A_149 = arith.cmpi ne, %convert_element_type3A_147, %cond3A_148 : i32
        scf.if %cond3A_149 {
          %sub3A = arith.constant 4 : i32
          %sub3A_155 = arith.subi %scan3A_70, %sub3A : i32
          %dma_wait3A_156 = arith.constant 1 : i32
          %dma_wait3A_157 = arith.constant 0 : i32
          %dma_wait3A_158 = tpu.memref_slice %arg6[%sub3A_155, %dma_wait3A_156, %dma_wait3A_157] : memref<79x2x128xi32, #tpu.memory_space<vmem>> -> memref<1x1x128xi32, #tpu.memory_space<vmem>>
          %dma_wait3A_159 = tpu.memref_squeeze %dma_wait3A_158 : memref<1x1x128xi32, #tpu.memory_space<vmem>> -> memref<128xi32, #tpu.memory_space<vmem>>
          %dma_wait3A_160 = arith.constant 0 : i32
          %dma_wait3A_161 = tpu.memref_slice %arg9[%dma_wait3A_160] : memref<10240xf32, #tpu.memory_space<vmem_shared>> -> memref<10240xf32, #tpu.memory_space<vmem_shared>>
          tpu.wait_indirect_dma semaphore(%arg10 : memref<!tpu.dma_semaphore, #tpu.memory_space<semaphore_mem>>) src(%arg7 : memref<128xf32, #tpu.memory_space<vmem>>) dst(%dma_wait3A_161 : memref<10240xf32, #tpu.memory_space<vmem_shared>>)
        } else {
        }
        %dma_start3A = arith.constant 1 : i32
        %dma_start3A_150 = arith.constant 0 : i32
        %dma_start3A_151 = tpu.memref_slice %arg6[%scan3A_70, %dma_start3A, %dma_start3A_150] : memref<79x2x128xi32, #tpu.memory_space<vmem>> -> memref<1x1x128xi32, #tpu.memory_space<vmem>>
        %dma_start3A_152 = tpu.memref_squeeze %dma_start3A_151 : memref<1x1x128xi32, #tpu.memory_space<vmem>> -> memref<128xi32, #tpu.memory_space<vmem>>
        %dma_start3A_153 = arith.constant 0 : i32
        %dma_start3A_154 = tpu.memref_slice %arg9[%dma_start3A_153] : memref<10240xf32, #tpu.memory_space<vmem_shared>> -> memref<10240xf32, #tpu.memory_space<vmem_shared>>
        tpu.enqueue_indirect_dma source(%arg7 : memref<128xf32, #tpu.memory_space<vmem>>) target(%dma_start3A_154 : memref<10240xf32, #tpu.memory_space<vmem_shared>>) offsets(%dma_start3A_152 : memref<128xi32, #tpu.memory_space<vmem>>) semaphore(%arg10 : memref<!tpu.dma_semaphore, #tpu.memory_space<semaphore_mem>>) {add = true}
      } else {
      }
      %jit3A_83 = arith.constant 4 : i32
      %eq3A_84 = arith.constant 0 : i32
      %eq3A_85 = arith.cmpi eq, %jit3A_83, %eq3A_84 : i32
      %jit3A_86 = arith.constant 1 : i32
      %select_n3A_87 = arith.select %eq3A_85, %jit3A_86, %jit3A_83 : i32
      %rem3A_88 = arith.remsi %scan3A_70, %select_n3A_87 : i32
      %ne3A_89 = arith.constant 0 : i32
      %ne3A_90 = arith.cmpi ne, %rem3A_88, %ne3A_89 : i32
      %lt3A_91 = arith.constant 0 : i32
      %lt3A_92 = arith.cmpi slt, %rem3A_88, %lt3A_91 : i32
      %lt3A_93 = arith.constant 0 : i32
      %lt3A_94 = arith.cmpi slt, %select_n3A_87, %lt3A_93 : i32
      %ne3A_95 = arith.xori %lt3A_92, %lt3A_94 : i1
      %and3A_96 = arith.andi %ne3A_95, %ne3A_90 : i1
      %add3A_97 = arith.addi %rem3A_88, %select_n3A_87 : i32
      %select_n3A_98 = arith.select %and3A_96, %add3A_97, %rem3A_88 : i32
      %eq3A_99 = arith.constant 1 : i32
      %eq3A_100 = arith.cmpi eq, %select_n3A_98, %eq3A_99 : i32
      %convert_element_type3A_101 = arith.extui %eq3A_100 : i1 to i32
      %cond3A_102 = arith.constant 0 : i32
      %cond3A_103 = arith.cmpi ne, %convert_element_type3A_101, %cond3A_102 : i32
      scf.if %cond3A_103 {
        %ge3A = arith.constant 4 : i32
        %ge3A_146 = arith.cmpi sge, %scan3A_70, %ge3A : i32
        %convert_element_type3A_147 = arith.extui %ge3A_146 : i1 to i32
        %cond3A_148 = arith.constant 0 : i32
        %cond3A_149 = arith.cmpi ne, %convert_element_type3A_147, %cond3A_148 : i32
        scf.if %cond3A_149 {
          %sub3A = arith.constant 4 : i32
          %sub3A_155 = arith.subi %scan3A_70, %sub3A : i32
          %dma_wait3A_156 = arith.constant 1 : i32
          %dma_wait3A_157 = arith.constant 0 : i32
          %dma_wait3A_158 = tpu.memref_slice %arg6[%sub3A_155, %dma_wait3A_156, %dma_wait3A_157] : memref<79x2x128xi32, #tpu.memory_space<vmem>> -> memref<1x1x128xi32, #tpu.memory_space<vmem>>
          %dma_wait3A_159 = tpu.memref_squeeze %dma_wait3A_158 : memref<1x1x128xi32, #tpu.memory_space<vmem>> -> memref<128xi32, #tpu.memory_space<vmem>>
          %dma_wait3A_160 = arith.constant 0 : i32
          %dma_wait3A_161 = tpu.memref_slice %arg9[%dma_wait3A_160] : memref<10240xf32, #tpu.memory_space<vmem_shared>> -> memref<10240xf32, #tpu.memory_space<vmem_shared>>
          tpu.wait_indirect_dma semaphore(%arg11 : memref<!tpu.dma_semaphore, #tpu.memory_space<semaphore_mem>>) src(%arg7 : memref<128xf32, #tpu.memory_space<vmem>>) dst(%dma_wait3A_161 : memref<10240xf32, #tpu.memory_space<vmem_shared>>)
        } else {
        }
        %dma_start3A = arith.constant 1 : i32
        %dma_start3A_150 = arith.constant 0 : i32
        %dma_start3A_151 = tpu.memref_slice %arg6[%scan3A_70, %dma_start3A, %dma_start3A_150] : memref<79x2x128xi32, #tpu.memory_space<vmem>> -> memref<1x1x128xi32, #tpu.memory_space<vmem>>
        %dma_start3A_152 = tpu.memref_squeeze %dma_start3A_151 : memref<1x1x128xi32, #tpu.memory_space<vmem>> -> memref<128xi32, #tpu.memory_space<vmem>>
        %dma_start3A_153 = arith.constant 0 : i32
        %dma_start3A_154 = tpu.memref_slice %arg9[%dma_start3A_153] : memref<10240xf32, #tpu.memory_space<vmem_shared>> -> memref<10240xf32, #tpu.memory_space<vmem_shared>>
        tpu.enqueue_indirect_dma source(%arg7 : memref<128xf32, #tpu.memory_space<vmem>>) target(%dma_start3A_154 : memref<10240xf32, #tpu.memory_space<vmem_shared>>) offsets(%dma_start3A_152 : memref<128xi32, #tpu.memory_space<vmem>>) semaphore(%arg11 : memref<!tpu.dma_semaphore, #tpu.memory_space<semaphore_mem>>) {add = true}
      } else {
      }
      %jit3A_104 = arith.constant 4 : i32
      %eq3A_105 = arith.constant 0 : i32
      %eq3A_106 = arith.cmpi eq, %jit3A_104, %eq3A_105 : i32
      %jit3A_107 = arith.constant 1 : i32
      %select_n3A_108 = arith.select %eq3A_106, %jit3A_107, %jit3A_104 : i32
      %rem3A_109 = arith.remsi %scan3A_70, %select_n3A_108 : i32
      %ne3A_110 = arith.constant 0 : i32
      %ne3A_111 = arith.cmpi ne, %rem3A_109, %ne3A_110 : i32
      %lt3A_112 = arith.constant 0 : i32
      %lt3A_113 = arith.cmpi slt, %rem3A_109, %lt3A_112 : i32
      %lt3A_114 = arith.constant 0 : i32
      %lt3A_115 = arith.cmpi slt, %select_n3A_108, %lt3A_114 : i32
      %ne3A_116 = arith.xori %lt3A_113, %lt3A_115 : i1
      %and3A_117 = arith.andi %ne3A_116, %ne3A_111 : i1
      %add3A_118 = arith.addi %rem3A_109, %select_n3A_108 : i32
      %select_n3A_119 = arith.select %and3A_117, %add3A_118, %rem3A_109 : i32
      %eq3A_120 = arith.constant 2 : i32
      %eq3A_121 = arith.cmpi eq, %select_n3A_119, %eq3A_120 : i32
      %convert_element_type3A_122 = arith.extui %eq3A_121 : i1 to i32
      %cond3A_123 = arith.constant 0 : i32
      %cond3A_124 = arith.cmpi ne, %convert_element_type3A_122, %cond3A_123 : i32
      scf.if %cond3A_124 {
        %ge3A = arith.constant 4 : i32
        %ge3A_146 = arith.cmpi sge, %scan3A_70, %ge3A : i32
        %convert_element_type3A_147 = arith.extui %ge3A_146 : i1 to i32
        %cond3A_148 = arith.constant 0 : i32
        %cond3A_149 = arith.cmpi ne, %convert_element_type3A_147, %cond3A_148 : i32
        scf.if %cond3A_149 {
          %sub3A = arith.constant 4 : i32
          %sub3A_155 = arith.subi %scan3A_70, %sub3A : i32
          %dma_wait3A_156 = arith.constant 1 : i32
          %dma_wait3A_157 = arith.constant 0 : i32
          %dma_wait3A_158 = tpu.memref_slice %arg6[%sub3A_155, %dma_wait3A_156, %dma_wait3A_157] : memref<79x2x128xi32, #tpu.memory_space<vmem>> -> memref<1x1x128xi32, #tpu.memory_space<vmem>>
          %dma_wait3A_159 = tpu.memref_squeeze %dma_wait3A_158 : memref<1x1x128xi32, #tpu.memory_space<vmem>> -> memref<128xi32, #tpu.memory_space<vmem>>
          %dma_wait3A_160 = arith.constant 0 : i32
          %dma_wait3A_161 = tpu.memref_slice %arg9[%dma_wait3A_160] : memref<10240xf32, #tpu.memory_space<vmem_shared>> -> memref<10240xf32, #tpu.memory_space<vmem_shared>>
          tpu.wait_indirect_dma semaphore(%arg12 : memref<!tpu.dma_semaphore, #tpu.memory_space<semaphore_mem>>) src(%arg7 : memref<128xf32, #tpu.memory_space<vmem>>) dst(%dma_wait3A_161 : memref<10240xf32, #tpu.memory_space<vmem_shared>>)
        } else {
        }
        %dma_start3A = arith.constant 1 : i32
        %dma_start3A_150 = arith.constant 0 : i32
        %dma_start3A_151 = tpu.memref_slice %arg6[%scan3A_70, %dma_start3A, %dma_start3A_150] : memref<79x2x128xi32, #tpu.memory_space<vmem>> -> memref<1x1x128xi32, #tpu.memory_space<vmem>>
        %dma_start3A_152 = tpu.memref_squeeze %dma_start3A_151 : memref<1x1x128xi32, #tpu.memory_space<vmem>> -> memref<128xi32, #tpu.memory_space<vmem>>
        %dma_start3A_153 = arith.constant 0 : i32
        %dma_start3A_154 = tpu.memref_slice %arg9[%dma_start3A_153] : memref<10240xf32, #tpu.memory_space<vmem_shared>> -> memref<10240xf32, #tpu.memory_space<vmem_shared>>
        tpu.enqueue_indirect_dma source(%arg7 : memref<128xf32, #tpu.memory_space<vmem>>) target(%dma_start3A_154 : memref<10240xf32, #tpu.memory_space<vmem_shared>>) offsets(%dma_start3A_152 : memref<128xi32, #tpu.memory_space<vmem>>) semaphore(%arg12 : memref<!tpu.dma_semaphore, #tpu.memory_space<semaphore_mem>>) {add = true}
      } else {
      }
      %jit3A_125 = arith.constant 4 : i32
      %eq3A_126 = arith.constant 0 : i32
      %eq3A_127 = arith.cmpi eq, %jit3A_125, %eq3A_126 : i32
      %jit3A_128 = arith.constant 1 : i32
      %select_n3A_129 = arith.select %eq3A_127, %jit3A_128, %jit3A_125 : i32
      %rem3A_130 = arith.remsi %scan3A_70, %select_n3A_129 : i32
      %ne3A_131 = arith.constant 0 : i32
      %ne3A_132 = arith.cmpi ne, %rem3A_130, %ne3A_131 : i32
      %lt3A_133 = arith.constant 0 : i32
      %lt3A_134 = arith.cmpi slt, %rem3A_130, %lt3A_133 : i32
      %lt3A_135 = arith.constant 0 : i32
      %lt3A_136 = arith.cmpi slt, %select_n3A_129, %lt3A_135 : i32
      %ne3A_137 = arith.xori %lt3A_134, %lt3A_136 : i1
      %and3A_138 = arith.andi %ne3A_137, %ne3A_132 : i1
      %add3A_139 = arith.addi %rem3A_130, %select_n3A_129 : i32
      %select_n3A_140 = arith.select %and3A_138, %add3A_139, %rem3A_130 : i32
      %eq3A_141 = arith.constant 3 : i32
      %eq3A_142 = arith.cmpi eq, %select_n3A_140, %eq3A_141 : i32
      %convert_element_type3A_143 = arith.extui %eq3A_142 : i1 to i32
      %cond3A_144 = arith.constant 0 : i32
      %cond3A_145 = arith.cmpi ne, %convert_element_type3A_143, %cond3A_144 : i32
      scf.if %cond3A_145 {
        %ge3A = arith.constant 4 : i32
        %ge3A_146 = arith.cmpi sge, %scan3A_70, %ge3A : i32
        %convert_element_type3A_147 = arith.extui %ge3A_146 : i1 to i32
        %cond3A_148 = arith.constant 0 : i32
        %cond3A_149 = arith.cmpi ne, %convert_element_type3A_147, %cond3A_148 : i32
        scf.if %cond3A_149 {
          %sub3A = arith.constant 4 : i32
          %sub3A_155 = arith.subi %scan3A_70, %sub3A : i32
          %dma_wait3A_156 = arith.constant 1 : i32
          %dma_wait3A_157 = arith.constant 0 : i32
          %dma_wait3A_158 = tpu.memref_slice %arg6[%sub3A_155, %dma_wait3A_156, %dma_wait3A_157] : memref<79x2x128xi32, #tpu.memory_space<vmem>> -> memref<1x1x128xi32, #tpu.memory_space<vmem>>
          %dma_wait3A_159 = tpu.memref_squeeze %dma_wait3A_158 : memref<1x1x128xi32, #tpu.memory_space<vmem>> -> memref<128xi32, #tpu.memory_space<vmem>>
          %dma_wait3A_160 = arith.constant 0 : i32
          %dma_wait3A_161 = tpu.memref_slice %arg9[%dma_wait3A_160] : memref<10240xf32, #tpu.memory_space<vmem_shared>> -> memref<10240xf32, #tpu.memory_space<vmem_shared>>
          tpu.wait_indirect_dma semaphore(%arg13 : memref<!tpu.dma_semaphore, #tpu.memory_space<semaphore_mem>>) src(%arg7 : memref<128xf32, #tpu.memory_space<vmem>>) dst(%dma_wait3A_161 : memref<10240xf32, #tpu.memory_space<vmem_shared>>)
        } else {
        }
        %dma_start3A = arith.constant 1 : i32
        %dma_start3A_150 = arith.constant 0 : i32
        %dma_start3A_151 = tpu.memref_slice %arg6[%scan3A_70, %dma_start3A, %dma_start3A_150] : memref<79x2x128xi32, #tpu.memory_space<vmem>> -> memref<1x1x128xi32, #tpu.memory_space<vmem>>
        %dma_start3A_152 = tpu.memref_squeeze %dma_start3A_151 : memref<1x1x128xi32, #tpu.memory_space<vmem>> -> memref<128xi32, #tpu.memory_space<vmem>>
        %dma_start3A_153 = arith.constant 0 : i32
        %dma_start3A_154 = tpu.memref_slice %arg9[%dma_start3A_153] : memref<10240xf32, #tpu.memory_space<vmem_shared>> -> memref<10240xf32, #tpu.memory_space<vmem_shared>>
        tpu.enqueue_indirect_dma source(%arg7 : memref<128xf32, #tpu.memory_space<vmem>>) target(%dma_start3A_154 : memref<10240xf32, #tpu.memory_space<vmem_shared>>) offsets(%dma_start3A_152 : memref<128xi32, #tpu.memory_space<vmem>>) semaphore(%arg13 : memref<!tpu.dma_semaphore, #tpu.memory_space<semaphore_mem>>) {add = true}
      } else {
      }
    }
    %scan3A_37 = arith.constant 79 : i32
    %dma_wait3A = arith.constant 75 : i32
    %dma_wait3A_38 = arith.constant 1 : i32
    %dma_wait3A_39 = arith.constant 0 : i32
    %dma_wait3A_40 = tpu.memref_slice %arg6[%dma_wait3A, %dma_wait3A_38, %dma_wait3A_39] : memref<79x2x128xi32, #tpu.memory_space<vmem>> -> memref<1x1x128xi32, #tpu.memory_space<vmem>>
    %dma_wait3A_41 = tpu.memref_squeeze %dma_wait3A_40 : memref<1x1x128xi32, #tpu.memory_space<vmem>> -> memref<128xi32, #tpu.memory_space<vmem>>
    %dma_wait3A_42 = arith.constant 0 : i32
    %dma_wait3A_43 = tpu.memref_slice %arg9[%dma_wait3A_42] : memref<10240xf32, #tpu.memory_space<vmem_shared>> -> memref<10240xf32, #tpu.memory_space<vmem_shared>>
    tpu.wait_indirect_dma semaphore(%arg13 : memref<!tpu.dma_semaphore, #tpu.memory_space<semaphore_mem>>) src(%arg7 : memref<128xf32, #tpu.memory_space<vmem>>) dst(%dma_wait3A_43 : memref<10240xf32, #tpu.memory_space<vmem_shared>>)
    %dma_wait3A_44 = arith.constant 76 : i32
    %dma_wait3A_45 = arith.constant 1 : i32
    %dma_wait3A_46 = arith.constant 0 : i32
    %dma_wait3A_47 = tpu.memref_slice %arg6[%dma_wait3A_44, %dma_wait3A_45, %dma_wait3A_46] : memref<79x2x128xi32, #tpu.memory_space<vmem>> -> memref<1x1x128xi32, #tpu.memory_space<vmem>>
    %dma_wait3A_48 = tpu.memref_squeeze %dma_wait3A_47 : memref<1x1x128xi32, #tpu.memory_space<vmem>> -> memref<128xi32, #tpu.memory_space<vmem>>
    %dma_wait3A_49 = arith.constant 0 : i32
    %dma_wait3A_50 = tpu.memref_slice %arg9[%dma_wait3A_49] : memref<10240xf32, #tpu.memory_space<vmem_shared>> -> memref<10240xf32, #tpu.memory_space<vmem_shared>>
    tpu.wait_indirect_dma semaphore(%arg10 : memref<!tpu.dma_semaphore, #tpu.memory_space<semaphore_mem>>) src(%arg7 : memref<128xf32, #tpu.memory_space<vmem>>) dst(%dma_wait3A_50 : memref<10240xf32, #tpu.memory_space<vmem_shared>>)
    %dma_wait3A_51 = arith.constant 77 : i32
    %dma_wait3A_52 = arith.constant 1 : i32
    %dma_wait3A_53 = arith.constant 0 : i32
    %dma_wait3A_54 = tpu.memref_slice %arg6[%dma_wait3A_51, %dma_wait3A_52, %dma_wait3A_53] : memref<79x2x128xi32, #tpu.memory_space<vmem>> -> memref<1x1x128xi32, #tpu.memory_space<vmem>>
    %dma_wait3A_55 = tpu.memref_squeeze %dma_wait3A_54 : memref<1x1x128xi32, #tpu.memory_space<vmem>> -> memref<128xi32, #tpu.memory_space<vmem>>
    %dma_wait3A_56 = arith.constant 0 : i32
    %dma_wait3A_57 = tpu.memref_slice %arg9[%dma_wait3A_56] : memref<10240xf32, #tpu.memory_space<vmem_shared>> -> memref<10240xf32, #tpu.memory_space<vmem_shared>>
    tpu.wait_indirect_dma semaphore(%arg11 : memref<!tpu.dma_semaphore, #tpu.memory_space<semaphore_mem>>) src(%arg7 : memref<128xf32, #tpu.memory_space<vmem>>) dst(%dma_wait3A_57 : memref<10240xf32, #tpu.memory_space<vmem_shared>>)
    %dma_wait3A_58 = arith.constant 78 : i32
    %dma_wait3A_59 = arith.constant 1 : i32
    %dma_wait3A_60 = arith.constant 0 : i32
    %dma_wait3A_61 = tpu.memref_slice %arg6[%dma_wait3A_58, %dma_wait3A_59, %dma_wait3A_60] : memref<79x2x128xi32, #tpu.memory_space<vmem>> -> memref<1x1x128xi32, #tpu.memory_space<vmem>>
    %dma_wait3A_62 = tpu.memref_squeeze %dma_wait3A_61 : memref<1x1x128xi32, #tpu.memory_space<vmem>> -> memref<128xi32, #tpu.memory_space<vmem>>
    %dma_wait3A_63 = arith.constant 0 : i32
    %dma_wait3A_64 = tpu.memref_slice %arg9[%dma_wait3A_63] : memref<10240xf32, #tpu.memory_space<vmem_shared>> -> memref<10240xf32, #tpu.memory_space<vmem_shared>>
    tpu.wait_indirect_dma semaphore(%arg12 : memref<!tpu.dma_semaphore, #tpu.memory_space<semaphore_mem>>) src(%arg7 : memref<128xf32, #tpu.memory_space<vmem>>) dst(%dma_wait3A_64 : memref<10240xf32, #tpu.memory_space<vmem_shared>>)
    %barrier3A_65 = arith.constant 0 : index
    tpu.barrier barrier_id(%barrier3A_65)
    %mul3A_66 = arith.constant 640 : i32
    %mul3A_67 = arith.muli %arg1, %mul3A_66 : i32
    %mul3A_68 = arith.constant 640 : i32
    %mul3A_69 = arith.muli %arg1, %mul3A_68 : i32
    "tpu.region"() ({
      %run_scoped3A = tpu.sem_alloc : memref<!tpu.dma_semaphore, #tpu.memory_space<semaphore_mem>>
      %dma_start3A = tpu.memref_slice %arg5[%arg0, %mul3A_69] : memref<2x10240xf32, #tpu.memory_space<hbm>> -> memref<1x640xf32, #tpu.memory_space<hbm>>
      %dma_start3A_70 = tpu.memref_squeeze %dma_start3A : memref<1x640xf32, #tpu.memory_space<hbm>> -> memref<640xf32, #tpu.memory_space<hbm>>
      %dma_start3A_71 = tpu.memref_slice %arg9[%mul3A_67] : memref<10240xf32, #tpu.memory_space<vmem_shared>> -> memref<640xf32, #tpu.memory_space<vmem_shared>>
      tpu.enqueue_dma source(%dma_start3A_71 : memref<640xf32, #tpu.memory_space<vmem_shared>>) target(%dma_start3A_70 : memref<640xf32, #tpu.memory_space<hbm>>) target_semaphore(%run_scoped3A : memref<!tpu.dma_semaphore, #tpu.memory_space<semaphore_mem>>)
      %dma_wait3A_72 = tpu.memref_slice %arg5[%arg0, %mul3A_69] : memref<2x10240xf32, #tpu.memory_space<hbm>> -> memref<1x640xf32, #tpu.memory_space<hbm>>
      %dma_wait3A_73 = tpu.memref_squeeze %dma_wait3A_72 : memref<1x640xf32, #tpu.memory_space<hbm>> -> memref<640xf32, #tpu.memory_space<hbm>>
      %dma_wait3A_74 = tpu.memref_slice %arg9[%mul3A_67] : memref<10240xf32, #tpu.memory_space<vmem_shared>> -> memref<640xf32, #tpu.memory_space<vmem_shared>>
      tpu.wait_dma2 semaphore(%run_scoped3A : memref<!tpu.dma_semaphore, #tpu.memory_space<semaphore_mem>>) src(%dma_wait3A_74 : memref<640xf32, #tpu.memory_space<vmem_shared>>) dst(%dma_wait3A_73 : memref<640xf32, #tpu.memory_space<hbm>>)
      tpu.yield
    }) : () -> ()
    return
  }
}

#map = affine_map<(d0, d1) -> (0, 0)>
#map1 = affine_map<(d0, d1) -> (0, 0, 0)>
module attributes {stable_mosaic.version = 14 : i64} {
  func.func @_scatter(%arg0: i32, %arg1: i32, %arg2: memref<10000x64xf32, #tpu.memory_space<hbm>>, %arg3: memref<2528x2x128xi32, #tpu.memory_space<hbm>>, %arg4: memref<128x64xf32, #tpu.memory_space<hbm>>, %arg5: memref<2x10240x64xf32, #tpu.memory_space<hbm>>, %arg6: memref<2x128xi32, #tpu.memory_space<vmem>>, %arg7: memref<2x128xi32, #tpu.memory_space<vmem>>, %arg8: memref<2x128xi32, #tpu.memory_space<vmem>>, %arg9: memref<2x128xi32, #tpu.memory_space<vmem>>, %arg10: memref<2x128xi32, #tpu.memory_space<vmem>>, %arg11: memref<2x128xi32, #tpu.memory_space<vmem>>, %arg12: memref<2x128xi32, #tpu.memory_space<vmem>>, %arg13: memref<2x128xi32, #tpu.memory_space<vmem>>, %arg14: memref<128x64xf32, #tpu.memory_space<vmem>>, %arg15: memref<128x64xf32, #tpu.memory_space<vmem>>, %arg16: memref<128x64xf32, #tpu.memory_space<vmem>>, %arg17: memref<128x64xf32, #tpu.memory_space<vmem>>, %arg18: memref<10016x64xf32, #tpu.memory_space<vmem_shared>>, %arg19: memref<10240x64xf32, #tpu.memory_space<vmem_shared>>, %arg20: memref<!tpu.dma_semaphore, #tpu.memory_space<semaphore_mem>>, %arg21: memref<!tpu.dma_semaphore, #tpu.memory_space<semaphore_mem>>, %arg22: memref<!tpu.dma_semaphore, #tpu.memory_space<semaphore_mem>>, %arg23: memref<!tpu.dma_semaphore, #tpu.memory_space<semaphore_mem>>, %arg24: memref<!tpu.dma_semaphore, #tpu.memory_space<semaphore_mem>>, %arg25: memref<!tpu.dma_semaphore, #tpu.memory_space<semaphore_mem>>, %arg26: memref<!tpu.dma_semaphore, #tpu.memory_space<semaphore_mem>>, %arg27: memref<!tpu.dma_semaphore, #tpu.memory_space<semaphore_mem>>, %arg28: memref<!tpu.dma_semaphore, #tpu.memory_space<semaphore_mem>>, %arg29: memref<!tpu.dma_semaphore, #tpu.memory_space<semaphore_mem>>, %arg30: memref<!tpu.dma_semaphore, #tpu.memory_space<semaphore_mem>>, %arg31: memref<!tpu.dma_semaphore, #tpu.memory_space<semaphore_mem>>, %arg32: memref<!tpu.dma_semaphore, #tpu.memory_space<semaphore_mem>>, %arg33: memref<!tpu.dma_semaphore, #tpu.memory_space<semaphore_mem>>, %arg34: memref<!tpu.dma_semaphore, #tpu.memory_space<semaphore_mem>>, %arg35: memref<!tpu.dma_semaphore, #tpu.memory_space<semaphore_mem>>) attributes {dimension_semantics = [#tpu.dimension_semantics<core_parallel>, #tpu.dimension_semantics<subcore_parallel>], iteration_bounds = array<i64: 2, 16>, scalar_prefetch = 0 : i64, scratch_operands = 30 : i64, tpu.core_type = #tpu.core_type<sc_vector_subcore>, window_params = [{transform_indices = #map}, {transform_indices = #map1}, {transform_indices = #map}, {transform_indices = #map1}]} {
    %mul3A = arith.constant 16 : i32
    %mul3A_0 = arith.muli %arg0, %mul3A : i32
    %add3A = arith.addi %mul3A_0, %arg1 : i32
    %mul3A_1 = arith.constant 79 : i32
    %mul3A_2 = arith.muli %add3A, %mul3A_1 : i32
    %mul3A_3 = arith.constant 625 : i32
    %mul3A_4 = arith.muli %arg1, %mul3A_3 : i32
    %mul3A_5 = arith.constant 625 : i32
    %mul3A_6 = arith.muli %arg1, %mul3A_5 : i32
    "tpu.region"() ({
      %run_scoped3A = tpu.sem_alloc : memref<!tpu.dma_semaphore, #tpu.memory_space<semaphore_mem>>
      %dma_start3A_100 = arith.constant 0 : i32
      %dma_start3A_101 = tpu.memref_slice %arg18[%mul3A_6, %dma_start3A_100] : memref<10016x64xf32, #tpu.memory_space<vmem_shared>> -> memref<625x64xf32, #tpu.memory_space<vmem_shared>>
      %dma_start3A_102 = arith.constant 0 : i32
      %dma_start3A_103 = tpu.memref_slice %arg2[%mul3A_4, %dma_start3A_102] : memref<10000x64xf32, #tpu.memory_space<hbm>> -> memref<625x64xf32, #tpu.memory_space<hbm>>
      tpu.enqueue_dma source(%dma_start3A_103 : memref<625x64xf32, #tpu.memory_space<hbm>>) target(%dma_start3A_101 : memref<625x64xf32, #tpu.memory_space<vmem_shared>>) target_semaphore(%run_scoped3A : memref<!tpu.dma_semaphore, #tpu.memory_space<semaphore_mem>>)
      %dma_wait3A_104 = arith.constant 0 : i32
      %dma_wait3A_105 = tpu.memref_slice %arg18[%mul3A_6, %dma_wait3A_104] : memref<10016x64xf32, #tpu.memory_space<vmem_shared>> -> memref<625x64xf32, #tpu.memory_space<vmem_shared>>
      %dma_wait3A_106 = arith.constant 0 : i32
      %dma_wait3A_107 = tpu.memref_slice %arg2[%mul3A_4, %dma_wait3A_106] : memref<10000x64xf32, #tpu.memory_space<hbm>> -> memref<625x64xf32, #tpu.memory_space<hbm>>
      tpu.wait_dma2 semaphore(%run_scoped3A : memref<!tpu.dma_semaphore, #tpu.memory_space<semaphore_mem>>) src(%dma_wait3A_107 : memref<625x64xf32, #tpu.memory_space<hbm>>) dst(%dma_wait3A_105 : memref<625x64xf32, #tpu.memory_space<vmem_shared>>)
      tpu.yield
    }) : () -> ()
    "tpu.region"() ({
      %run_scoped3A = tpu.sem_alloc : memref<!tpu.dma_semaphore, #tpu.memory_space<semaphore_mem>>
      tpu.enqueue_dma source(%arg4 : memref<128x64xf32, #tpu.memory_space<hbm>>) target(%arg14 : memref<128x64xf32, #tpu.memory_space<vmem>>) target_semaphore(%run_scoped3A : memref<!tpu.dma_semaphore, #tpu.memory_space<semaphore_mem>>)
      tpu.wait_dma2 semaphore(%run_scoped3A : memref<!tpu.dma_semaphore, #tpu.memory_space<semaphore_mem>>) src(%arg4 : memref<128x64xf32, #tpu.memory_space<hbm>>) dst(%arg14 : memref<128x64xf32, #tpu.memory_space<vmem>>)
      tpu.yield
    }) : () -> ()
    %mul3A_7 = arith.constant 5 : i32
    %mul3A_8 = arith.muli %arg1, %mul3A_7 : i32
    %add3A_9 = arith.constant 0 : i32
    %add3A_10 = arith.addi %mul3A_8, %add3A_9 : i32
    %mul3A_11 = arith.constant 128 : i32
    %mul3A_12 = arith.muli %add3A_10, %mul3A_11 : i32
    "tpu.region"() ({
      %run_scoped3A = tpu.sem_alloc : memref<!tpu.dma_semaphore, #tpu.memory_space<semaphore_mem>>
      %dma_start3A_100 = arith.constant 0 : i32
      %dma_start3A_101 = tpu.memref_slice %arg19[%mul3A_12, %dma_start3A_100] : memref<10240x64xf32, #tpu.memory_space<vmem_shared>> -> memref<128x64xf32, #tpu.memory_space<vmem_shared>>
      %dma_start3A_102 = arith.constant 0 : i32
      %dma_start3A_103 = tpu.memref_slice %arg19[%mul3A_12, %dma_start3A_102] : memref<10240x64xf32, #tpu.memory_space<vmem_shared>> -> memref<128x64xf32, #tpu.memory_space<vmem_shared>>
      tpu.enqueue_dma source(%arg14 : memref<128x64xf32, #tpu.memory_space<vmem>>) target(%dma_start3A_103 : memref<128x64xf32, #tpu.memory_space<vmem_shared>>) target_semaphore(%run_scoped3A : memref<!tpu.dma_semaphore, #tpu.memory_space<semaphore_mem>>)
      %dma_wait3A_104 = arith.constant 0 : i32
      %dma_wait3A_105 = tpu.memref_slice %arg19[%mul3A_12, %dma_wait3A_104] : memref<10240x64xf32, #tpu.memory_space<vmem_shared>> -> memref<128x64xf32, #tpu.memory_space<vmem_shared>>
      %dma_wait3A_106 = arith.constant 0 : i32
      %dma_wait3A_107 = tpu.memref_slice %arg19[%mul3A_12, %dma_wait3A_106] : memref<10240x64xf32, #tpu.memory_space<vmem_shared>> -> memref<128x64xf32, #tpu.memory_space<vmem_shared>>
      tpu.wait_dma2 semaphore(%run_scoped3A : memref<!tpu.dma_semaphore, #tpu.memory_space<semaphore_mem>>) src(%arg14 : memref<128x64xf32, #tpu.memory_space<vmem>>) dst(%dma_wait3A_107 : memref<128x64xf32, #tpu.memory_space<vmem_shared>>)
      tpu.yield
    }) : () -> ()
    %mul3A_13 = arith.constant 5 : i32
    %mul3A_14 = arith.muli %arg1, %mul3A_13 : i32
    %add3A_15 = arith.constant 1 : i32
    %add3A_16 = arith.addi %mul3A_14, %add3A_15 : i32
    %mul3A_17 = arith.constant 128 : i32
    %mul3A_18 = arith.muli %add3A_16, %mul3A_17 : i32
    "tpu.region"() ({
      %run_scoped3A = tpu.sem_alloc : memref<!tpu.dma_semaphore, #tpu.memory_space<semaphore_mem>>
      %dma_start3A_100 = arith.constant 0 : i32
      %dma_start3A_101 = tpu.memref_slice %arg19[%mul3A_18, %dma_start3A_100] : memref<10240x64xf32, #tpu.memory_space<vmem_shared>> -> memref<128x64xf32, #tpu.memory_space<vmem_shared>>
      %dma_start3A_102 = arith.constant 0 : i32
      %dma_start3A_103 = tpu.memref_slice %arg19[%mul3A_18, %dma_start3A_102] : memref<10240x64xf32, #tpu.memory_space<vmem_shared>> -> memref<128x64xf32, #tpu.memory_space<vmem_shared>>
      tpu.enqueue_dma source(%arg14 : memref<128x64xf32, #tpu.memory_space<vmem>>) target(%dma_start3A_103 : memref<128x64xf32, #tpu.memory_space<vmem_shared>>) target_semaphore(%run_scoped3A : memref<!tpu.dma_semaphore, #tpu.memory_space<semaphore_mem>>)
      %dma_wait3A_104 = arith.constant 0 : i32
      %dma_wait3A_105 = tpu.memref_slice %arg19[%mul3A_18, %dma_wait3A_104] : memref<10240x64xf32, #tpu.memory_space<vmem_shared>> -> memref<128x64xf32, #tpu.memory_space<vmem_shared>>
      %dma_wait3A_106 = arith.constant 0 : i32
      %dma_wait3A_107 = tpu.memref_slice %arg19[%mul3A_18, %dma_wait3A_106] : memref<10240x64xf32, #tpu.memory_space<vmem_shared>> -> memref<128x64xf32, #tpu.memory_space<vmem_shared>>
      tpu.wait_dma2 semaphore(%run_scoped3A : memref<!tpu.dma_semaphore, #tpu.memory_space<semaphore_mem>>) src(%arg14 : memref<128x64xf32, #tpu.memory_space<vmem>>) dst(%dma_wait3A_107 : memref<128x64xf32, #tpu.memory_space<vmem_shared>>)
      tpu.yield
    }) : () -> ()
    %mul3A_19 = arith.constant 5 : i32
    %mul3A_20 = arith.muli %arg1, %mul3A_19 : i32
    %add3A_21 = arith.constant 2 : i32
    %add3A_22 = arith.addi %mul3A_20, %add3A_21 : i32
    %mul3A_23 = arith.constant 128 : i32
    %mul3A_24 = arith.muli %add3A_22, %mul3A_23 : i32
    "tpu.region"() ({
      %run_scoped3A = tpu.sem_alloc : memref<!tpu.dma_semaphore, #tpu.memory_space<semaphore_mem>>
      %dma_start3A_100 = arith.constant 0 : i32
      %dma_start3A_101 = tpu.memref_slice %arg19[%mul3A_24, %dma_start3A_100] : memref<10240x64xf32, #tpu.memory_space<vmem_shared>> -> memref<128x64xf32, #tpu.memory_space<vmem_shared>>
      %dma_start3A_102 = arith.constant 0 : i32
      %dma_start3A_103 = tpu.memref_slice %arg19[%mul3A_24, %dma_start3A_102] : memref<10240x64xf32, #tpu.memory_space<vmem_shared>> -> memref<128x64xf32, #tpu.memory_space<vmem_shared>>
      tpu.enqueue_dma source(%arg14 : memref<128x64xf32, #tpu.memory_space<vmem>>) target(%dma_start3A_103 : memref<128x64xf32, #tpu.memory_space<vmem_shared>>) target_semaphore(%run_scoped3A : memref<!tpu.dma_semaphore, #tpu.memory_space<semaphore_mem>>)
      %dma_wait3A_104 = arith.constant 0 : i32
      %dma_wait3A_105 = tpu.memref_slice %arg19[%mul3A_24, %dma_wait3A_104] : memref<10240x64xf32, #tpu.memory_space<vmem_shared>> -> memref<128x64xf32, #tpu.memory_space<vmem_shared>>
      %dma_wait3A_106 = arith.constant 0 : i32
      %dma_wait3A_107 = tpu.memref_slice %arg19[%mul3A_24, %dma_wait3A_106] : memref<10240x64xf32, #tpu.memory_space<vmem_shared>> -> memref<128x64xf32, #tpu.memory_space<vmem_shared>>
      tpu.wait_dma2 semaphore(%run_scoped3A : memref<!tpu.dma_semaphore, #tpu.memory_space<semaphore_mem>>) src(%arg14 : memref<128x64xf32, #tpu.memory_space<vmem>>) dst(%dma_wait3A_107 : memref<128x64xf32, #tpu.memory_space<vmem_shared>>)
      tpu.yield
    }) : () -> ()
    %mul3A_25 = arith.constant 5 : i32
    %mul3A_26 = arith.muli %arg1, %mul3A_25 : i32
    %add3A_27 = arith.constant 3 : i32
    %add3A_28 = arith.addi %mul3A_26, %add3A_27 : i32
    %mul3A_29 = arith.constant 128 : i32
    %mul3A_30 = arith.muli %add3A_28, %mul3A_29 : i32
    "tpu.region"() ({
      %run_scoped3A = tpu.sem_alloc : memref<!tpu.dma_semaphore, #tpu.memory_space<semaphore_mem>>
      %dma_start3A_100 = arith.constant 0 : i32
      %dma_start3A_101 = tpu.memref_slice %arg19[%mul3A_30, %dma_start3A_100] : memref<10240x64xf32, #tpu.memory_space<vmem_shared>> -> memref<128x64xf32, #tpu.memory_space<vmem_shared>>
      %dma_start3A_102 = arith.constant 0 : i32
      %dma_start3A_103 = tpu.memref_slice %arg19[%mul3A_30, %dma_start3A_102] : memref<10240x64xf32, #tpu.memory_space<vmem_shared>> -> memref<128x64xf32, #tpu.memory_space<vmem_shared>>
      tpu.enqueue_dma source(%arg14 : memref<128x64xf32, #tpu.memory_space<vmem>>) target(%dma_start3A_103 : memref<128x64xf32, #tpu.memory_space<vmem_shared>>) target_semaphore(%run_scoped3A : memref<!tpu.dma_semaphore, #tpu.memory_space<semaphore_mem>>)
      %dma_wait3A_104 = arith.constant 0 : i32
      %dma_wait3A_105 = tpu.memref_slice %arg19[%mul3A_30, %dma_wait3A_104] : memref<10240x64xf32, #tpu.memory_space<vmem_shared>> -> memref<128x64xf32, #tpu.memory_space<vmem_shared>>
      %dma_wait3A_106 = arith.constant 0 : i32
      %dma_wait3A_107 = tpu.memref_slice %arg19[%mul3A_30, %dma_wait3A_106] : memref<10240x64xf32, #tpu.memory_space<vmem_shared>> -> memref<128x64xf32, #tpu.memory_space<vmem_shared>>
      tpu.wait_dma2 semaphore(%run_scoped3A : memref<!tpu.dma_semaphore, #tpu.memory_space<semaphore_mem>>) src(%arg14 : memref<128x64xf32, #tpu.memory_space<vmem>>) dst(%dma_wait3A_107 : memref<128x64xf32, #tpu.memory_space<vmem_shared>>)
      tpu.yield
    }) : () -> ()
    %mul3A_31 = arith.constant 5 : i32
    %mul3A_32 = arith.muli %arg1, %mul3A_31 : i32
    %add3A_33 = arith.constant 4 : i32
    %add3A_34 = arith.addi %mul3A_32, %add3A_33 : i32
    %mul3A_35 = arith.constant 128 : i32
    %mul3A_36 = arith.muli %add3A_34, %mul3A_35 : i32
    "tpu.region"() ({
      %run_scoped3A = tpu.sem_alloc : memref<!tpu.dma_semaphore, #tpu.memory_space<semaphore_mem>>
      %dma_start3A_100 = arith.constant 0 : i32
      %dma_start3A_101 = tpu.memref_slice %arg19[%mul3A_36, %dma_start3A_100] : memref<10240x64xf32, #tpu.memory_space<vmem_shared>> -> memref<128x64xf32, #tpu.memory_space<vmem_shared>>
      %dma_start3A_102 = arith.constant 0 : i32
      %dma_start3A_103 = tpu.memref_slice %arg19[%mul3A_36, %dma_start3A_102] : memref<10240x64xf32, #tpu.memory_space<vmem_shared>> -> memref<128x64xf32, #tpu.memory_space<vmem_shared>>
      tpu.enqueue_dma source(%arg14 : memref<128x64xf32, #tpu.memory_space<vmem>>) target(%dma_start3A_103 : memref<128x64xf32, #tpu.memory_space<vmem_shared>>) target_semaphore(%run_scoped3A : memref<!tpu.dma_semaphore, #tpu.memory_space<semaphore_mem>>)
      %dma_wait3A_104 = arith.constant 0 : i32
      %dma_wait3A_105 = tpu.memref_slice %arg19[%mul3A_36, %dma_wait3A_104] : memref<10240x64xf32, #tpu.memory_space<vmem_shared>> -> memref<128x64xf32, #tpu.memory_space<vmem_shared>>
      %dma_wait3A_106 = arith.constant 0 : i32
      %dma_wait3A_107 = tpu.memref_slice %arg19[%mul3A_36, %dma_wait3A_106] : memref<10240x64xf32, #tpu.memory_space<vmem_shared>> -> memref<128x64xf32, #tpu.memory_space<vmem_shared>>
      tpu.wait_dma2 semaphore(%run_scoped3A : memref<!tpu.dma_semaphore, #tpu.memory_space<semaphore_mem>>) src(%arg14 : memref<128x64xf32, #tpu.memory_space<vmem>>) dst(%dma_wait3A_107 : memref<128x64xf32, #tpu.memory_space<vmem_shared>>)
      tpu.yield
    }) : () -> ()
    %barrier3A = arith.constant 0 : index
    tpu.barrier barrier_id(%barrier3A)
    "tpu.region"() ({
      %run_scoped3A = tpu.sem_alloc : memref<!tpu.dma_semaphore, #tpu.memory_space<semaphore_mem>>
      %dma_start3A_100 = arith.constant 0 : i32
      %dma_start3A_101 = arith.constant 0 : i32
      %dma_start3A_102 = tpu.memref_slice %arg3[%mul3A_2, %dma_start3A_100, %dma_start3A_101] : memref<2528x2x128xi32, #tpu.memory_space<hbm>> -> memref<1x2x128xi32, #tpu.memory_space<hbm>>
      %dma_start3A_103 = tpu.memref_squeeze %dma_start3A_102 : memref<1x2x128xi32, #tpu.memory_space<hbm>> -> memref<2x128xi32, #tpu.memory_space<hbm>>
      %dma_start3A_104 = arith.constant 0 : i32
      %dma_start3A_105 = arith.constant 0 : i32
      %dma_start3A_106 = tpu.memref_slice %arg3[%mul3A_2, %dma_start3A_104, %dma_start3A_105] : memref<2528x2x128xi32, #tpu.memory_space<hbm>> -> memref<1x2x128xi32, #tpu.memory_space<hbm>>
      %dma_start3A_107 = tpu.memref_squeeze %dma_start3A_106 : memref<1x2x128xi32, #tpu.memory_space<hbm>> -> memref<2x128xi32, #tpu.memory_space<hbm>>
      tpu.enqueue_dma source(%dma_start3A_107 : memref<2x128xi32, #tpu.memory_space<hbm>>) target(%arg6 : memref<2x128xi32, #tpu.memory_space<vmem>>) target_semaphore(%run_scoped3A : memref<!tpu.dma_semaphore, #tpu.memory_space<semaphore_mem>>)
      %dma_wait3A_108 = arith.constant 0 : i32
      %dma_wait3A_109 = arith.constant 0 : i32
      %dma_wait3A_110 = tpu.memref_slice %arg3[%mul3A_2, %dma_wait3A_108, %dma_wait3A_109] : memref<2528x2x128xi32, #tpu.memory_space<hbm>> -> memref<1x2x128xi32, #tpu.memory_space<hbm>>
      %dma_wait3A_111 = tpu.memref_squeeze %dma_wait3A_110 : memref<1x2x128xi32, #tpu.memory_space<hbm>> -> memref<2x128xi32, #tpu.memory_space<hbm>>
      %dma_wait3A_112 = arith.constant 0 : i32
      %dma_wait3A_113 = arith.constant 0 : i32
      %dma_wait3A_114 = tpu.memref_slice %arg3[%mul3A_2, %dma_wait3A_112, %dma_wait3A_113] : memref<2528x2x128xi32, #tpu.memory_space<hbm>> -> memref<1x2x128xi32, #tpu.memory_space<hbm>>
      %dma_wait3A_115 = tpu.memref_squeeze %dma_wait3A_114 : memref<1x2x128xi32, #tpu.memory_space<hbm>> -> memref<2x128xi32, #tpu.memory_space<hbm>>
      tpu.wait_dma2 semaphore(%run_scoped3A : memref<!tpu.dma_semaphore, #tpu.memory_space<semaphore_mem>>) src(%dma_wait3A_115 : memref<2x128xi32, #tpu.memory_space<hbm>>) dst(%arg6 : memref<2x128xi32, #tpu.memory_space<vmem>>)
      tpu.yield
    }) : () -> ()
    %add3A_37 = arith.constant 1 : i32
    %add3A_38 = arith.addi %mul3A_2, %add3A_37 : i32
    %dma_start3A = arith.constant 0 : i32
    %dma_start3A_39 = arith.constant 0 : i32
    %dma_start3A_40 = tpu.memref_slice %arg3[%add3A_38, %dma_start3A, %dma_start3A_39] : memref<2528x2x128xi32, #tpu.memory_space<hbm>> -> memref<1x2x128xi32, #tpu.memory_space<hbm>>
    %dma_start3A_41 = tpu.memref_squeeze %dma_start3A_40 : memref<1x2x128xi32, #tpu.memory_space<hbm>> -> memref<2x128xi32, #tpu.memory_space<hbm>>
    %dma_start3A_42 = arith.constant 0 : i32
    %dma_start3A_43 = arith.constant 0 : i32
    %dma_start3A_44 = tpu.memref_slice %arg3[%add3A_38, %dma_start3A_42, %dma_start3A_43] : memref<2528x2x128xi32, #tpu.memory_space<hbm>> -> memref<1x2x128xi32, #tpu.memory_space<hbm>>
    %dma_start3A_45 = tpu.memref_squeeze %dma_start3A_44 : memref<1x2x128xi32, #tpu.memory_space<hbm>> -> memref<2x128xi32, #tpu.memory_space<hbm>>
    tpu.enqueue_dma source(%dma_start3A_45 : memref<2x128xi32, #tpu.memory_space<hbm>>) target(%arg7 : memref<2x128xi32, #tpu.memory_space<vmem>>) target_semaphore(%arg21 : memref<!tpu.dma_semaphore, #tpu.memory_space<semaphore_mem>>)
    %add3A_46 = arith.constant 2 : i32
    %add3A_47 = arith.addi %mul3A_2, %add3A_46 : i32
    %dma_start3A_48 = arith.constant 0 : i32
    %dma_start3A_49 = arith.constant 0 : i32
    %dma_start3A_50 = tpu.memref_slice %arg3[%add3A_47, %dma_start3A_48, %dma_start3A_49] : memref<2528x2x128xi32, #tpu.memory_space<hbm>> -> memref<1x2x128xi32, #tpu.memory_space<hbm>>
    %dma_start3A_51 = tpu.memref_squeeze %dma_start3A_50 : memref<1x2x128xi32, #tpu.memory_space<hbm>> -> memref<2x128xi32, #tpu.memory_space<hbm>>
    %dma_start3A_52 = arith.constant 0 : i32
    %dma_start3A_53 = arith.constant 0 : i32
    %dma_start3A_54 = tpu.memref_slice %arg3[%add3A_47, %dma_start3A_52, %dma_start3A_53] : memref<2528x2x128xi32, #tpu.memory_space<hbm>> -> memref<1x2x128xi32, #tpu.memory_space<hbm>>
    %dma_start3A_55 = tpu.memref_squeeze %dma_start3A_54 : memref<1x2x128xi32, #tpu.memory_space<hbm>> -> memref<2x128xi32, #tpu.memory_space<hbm>>
    tpu.enqueue_dma source(%dma_start3A_55 : memref<2x128xi32, #tpu.memory_space<hbm>>) target(%arg8 : memref<2x128xi32, #tpu.memory_space<vmem>>) target_semaphore(%arg22 : memref<!tpu.dma_semaphore, #tpu.memory_space<semaphore_mem>>)
    %dma_start3A_56 = arith.constant 0 : i32
    %dma_start3A_57 = arith.constant 0 : i32
    %dma_start3A_58 = tpu.memref_slice %arg6[%dma_start3A_56, %dma_start3A_57] : memref<2x128xi32, #tpu.memory_space<vmem>> -> memref<1x128xi32, #tpu.memory_space<vmem>>
    %dma_start3A_59 = tpu.memref_squeeze %dma_start3A_58 : memref<1x128xi32, #tpu.memory_space<vmem>> -> memref<128xi32, #tpu.memory_space<vmem>>
    %dma_start3A_60 = arith.constant 0 : i32
    %dma_start3A_61 = arith.constant 0 : i32
    %dma_start3A_62 = tpu.memref_slice %arg18[%dma_start3A_60, %dma_start3A_61] : memref<10016x64xf32, #tpu.memory_space<vmem_shared>> -> memref<10016x64xf32, #tpu.memory_space<vmem_shared>>
    tpu.enqueue_indirect_dma source(%dma_start3A_62 : memref<10016x64xf32, #tpu.memory_space<vmem_shared>>) target(%arg14 : memref<128x64xf32, #tpu.memory_space<vmem>>) offsets(%dma_start3A_59 : memref<128xi32, #tpu.memory_space<vmem>>) semaphore(%arg28 : memref<!tpu.dma_semaphore, #tpu.memory_space<semaphore_mem>>)
    %scan3A = arith.constant 0 : i32
    %scan3A_63 = arith.constant 0 : i32
    %scan3A_64 = arith.constant 79 : i32
    %scan3A_65 = arith.addi %scan3A_63, %scan3A_64 : i32
    %scan3A_66 = arith.constant 1 : i32
    scf.for %scan3A_100 = %scan3A_63 to %scan3A_65 step %scan3A_66  : i32 {
      %jit3A = arith.constant 8 : i32
      %eq3A = arith.constant 0 : i32
      %eq3A_101 = arith.cmpi eq, %jit3A, %eq3A : i32
      %jit3A_102 = arith.constant 1 : i32
      %select_n3A = arith.select %eq3A_101, %jit3A_102, %jit3A : i32
      %rem3A = arith.remsi %scan3A_100, %select_n3A : i32
      %ne3A = arith.constant 0 : i32
      %ne3A_103 = arith.cmpi ne, %rem3A, %ne3A : i32
      %lt3A = arith.constant 0 : i32
      %lt3A_104 = arith.cmpi slt, %rem3A, %lt3A : i32
      %lt3A_105 = arith.constant 0 : i32
      %lt3A_106 = arith.cmpi slt, %select_n3A, %lt3A_105 : i32
      %ne3A_107 = arith.xori %lt3A_104, %lt3A_106 : i1
      %and3A = arith.andi %ne3A_107, %ne3A_103 : i1
      %add3A_108 = arith.addi %rem3A, %select_n3A : i32
      %select_n3A_109 = arith.select %and3A, %add3A_108, %rem3A : i32
      %eq3A_110 = arith.constant 0 : i32
      %eq3A_111 = arith.cmpi eq, %select_n3A_109, %eq3A_110 : i32
      %convert_element_type3A = arith.extui %eq3A_111 : i1 to i32
      %cond3A = arith.constant 0 : i32
      %cond3A_112 = arith.cmpi ne, %convert_element_type3A, %cond3A : i32
      scf.if %cond3A_112 {
        %add3A_260 = arith.constant 1 : i32
        %add3A_261 = arith.addi %scan3A_100, %add3A_260 : i32
        %lt3A_262 = arith.constant 79 : i32
        %lt3A_263 = arith.cmpi slt, %add3A_261, %lt3A_262 : i32
        %ge3A = arith.constant 3 : i32
        %ge3A_264 = arith.cmpi sge, %scan3A_100, %ge3A : i32
        %and3A_265 = arith.andi %lt3A_263, %ge3A_264 : i1
        %convert_element_type3A_266 = arith.extui %and3A_265 : i1 to i32
        %cond3A_267 = arith.constant 0 : i32
        %cond3A_268 = arith.cmpi ne, %convert_element_type3A_266, %cond3A_267 : i32
        scf.if %cond3A_268 {
          %dma_wait3A_295 = arith.constant 1 : i32
          %dma_wait3A_296 = arith.constant 0 : i32
          %dma_wait3A_297 = tpu.memref_slice %arg11[%dma_wait3A_295, %dma_wait3A_296] : memref<2x128xi32, #tpu.memory_space<vmem>> -> memref<1x128xi32, #tpu.memory_space<vmem>>
          %dma_wait3A_298 = tpu.memref_squeeze %dma_wait3A_297 : memref<1x128xi32, #tpu.memory_space<vmem>> -> memref<128xi32, #tpu.memory_space<vmem>>
          %dma_wait3A_299 = arith.constant 0 : i32
          %dma_wait3A_300 = arith.constant 0 : i32
          %dma_wait3A_301 = tpu.memref_slice %arg19[%dma_wait3A_299, %dma_wait3A_300] : memref<10240x64xf32, #tpu.memory_space<vmem_shared>> -> memref<10240x64xf32, #tpu.memory_space<vmem_shared>>
          tpu.wait_indirect_dma semaphore(%arg33 : memref<!tpu.dma_semaphore, #tpu.memory_space<semaphore_mem>>) src(%arg15 : memref<128x64xf32, #tpu.memory_space<vmem>>) dst(%dma_wait3A_301 : memref<10240x64xf32, #tpu.memory_space<vmem_shared>>)
        } else {
        }
        %lt3A_269 = arith.constant 79 : i32
        %lt3A_270 = arith.cmpi slt, %add3A_261, %lt3A_269 : i32
        %convert_element_type3A_271 = arith.extui %lt3A_270 : i1 to i32
        %cond3A_272 = arith.constant 0 : i32
        %cond3A_273 = arith.cmpi ne, %convert_element_type3A_271, %cond3A_272 : i32
        scf.if %cond3A_273 {
          %add3A_295 = arith.addi %mul3A_2, %add3A_261 : i32
          %dma_wait3A_296 = arith.constant 0 : i32
          %dma_wait3A_297 = arith.constant 0 : i32
          %dma_wait3A_298 = tpu.memref_slice %arg3[%add3A_295, %dma_wait3A_296, %dma_wait3A_297] : memref<2528x2x128xi32, #tpu.memory_space<hbm>> -> memref<1x2x128xi32, #tpu.memory_space<hbm>>
          %dma_wait3A_299 = tpu.memref_squeeze %dma_wait3A_298 : memref<1x2x128xi32, #tpu.memory_space<hbm>> -> memref<2x128xi32, #tpu.memory_space<hbm>>
          %dma_wait3A_300 = arith.constant 0 : i32
          %dma_wait3A_301 = arith.constant 0 : i32
          %dma_wait3A_302 = tpu.memref_slice %arg3[%add3A_295, %dma_wait3A_300, %dma_wait3A_301] : memref<2528x2x128xi32, #tpu.memory_space<hbm>> -> memref<1x2x128xi32, #tpu.memory_space<hbm>>
          %dma_wait3A_303 = tpu.memref_squeeze %dma_wait3A_302 : memref<1x2x128xi32, #tpu.memory_space<hbm>> -> memref<2x128xi32, #tpu.memory_space<hbm>>
          tpu.wait_dma2 semaphore(%arg21 : memref<!tpu.dma_semaphore, #tpu.memory_space<semaphore_mem>>) src(%dma_wait3A_303 : memref<2x128xi32, #tpu.memory_space<hbm>>) dst(%arg7 : memref<2x128xi32, #tpu.memory_space<vmem>>)
          %dma_start3A_304 = arith.constant 0 : i32
          %dma_start3A_305 = arith.constant 0 : i32
          %dma_start3A_306 = tpu.memref_slice %arg7[%dma_start3A_304, %dma_start3A_305] : memref<2x128xi32, #tpu.memory_space<vmem>> -> memref<1x128xi32, #tpu.memory_space<vmem>>
          %dma_start3A_307 = tpu.memref_squeeze %dma_start3A_306 : memref<1x128xi32, #tpu.memory_space<vmem>> -> memref<128xi32, #tpu.memory_space<vmem>>
          %dma_start3A_308 = arith.constant 0 : i32
          %dma_start3A_309 = arith.constant 0 : i32
          %dma_start3A_310 = tpu.memref_slice %arg18[%dma_start3A_308, %dma_start3A_309] : memref<10016x64xf32, #tpu.memory_space<vmem_shared>> -> memref<10016x64xf32, #tpu.memory_space<vmem_shared>>
          tpu.enqueue_indirect_dma source(%dma_start3A_310 : memref<10016x64xf32, #tpu.memory_space<vmem_shared>>) target(%arg15 : memref<128x64xf32, #tpu.memory_space<vmem>>) offsets(%dma_start3A_307 : memref<128xi32, #tpu.memory_space<vmem>>) semaphore(%arg29 : memref<!tpu.dma_semaphore, #tpu.memory_space<semaphore_mem>>)
        } else {
        }
        %dma_wait3A_274 = arith.constant 0 : i32
        %dma_wait3A_275 = arith.constant 0 : i32
        %dma_wait3A_276 = tpu.memref_slice %arg6[%dma_wait3A_274, %dma_wait3A_275] : memref<2x128xi32, #tpu.memory_space<vmem>> -> memref<1x128xi32, #tpu.memory_space<vmem>>
        %dma_wait3A_277 = tpu.memref_squeeze %dma_wait3A_276 : memref<1x128xi32, #tpu.memory_space<vmem>> -> memref<128xi32, #tpu.memory_space<vmem>>
        %dma_wait3A_278 = arith.constant 0 : i32
        %dma_wait3A_279 = arith.constant 0 : i32
        %dma_wait3A_280 = tpu.memref_slice %arg18[%dma_wait3A_278, %dma_wait3A_279] : memref<10016x64xf32, #tpu.memory_space<vmem_shared>> -> memref<10016x64xf32, #tpu.memory_space<vmem_shared>>
        tpu.wait_indirect_dma semaphore(%arg28 : memref<!tpu.dma_semaphore, #tpu.memory_space<semaphore_mem>>) src(%dma_wait3A_280 : memref<10016x64xf32, #tpu.memory_space<vmem_shared>>) dst(%arg14 : memref<128x64xf32, #tpu.memory_space<vmem>>)
        %add3A_281 = arith.constant 3 : i32
        %add3A_282 = arith.addi %scan3A_100, %add3A_281 : i32
        %lt3A_283 = arith.constant 79 : i32
        %lt3A_284 = arith.cmpi slt, %add3A_282, %lt3A_283 : i32
        %convert_element_type3A_285 = arith.extui %lt3A_284 : i1 to i32
        %cond3A_286 = arith.constant 0 : i32
        %cond3A_287 = arith.cmpi ne, %convert_element_type3A_285, %cond3A_286 : i32
        scf.if %cond3A_287 {
          %add3A_295 = arith.addi %mul3A_2, %scan3A_100 : i32
          %add3A_296 = arith.constant 3 : i32
          %add3A_297 = arith.addi %add3A_295, %add3A_296 : i32
          %dma_start3A_298 = arith.constant 0 : i32
          %dma_start3A_299 = arith.constant 0 : i32
          %dma_start3A_300 = tpu.memref_slice %arg3[%add3A_297, %dma_start3A_298, %dma_start3A_299] : memref<2528x2x128xi32, #tpu.memory_space<hbm>> -> memref<1x2x128xi32, #tpu.memory_space<hbm>>
          %dma_start3A_301 = tpu.memref_squeeze %dma_start3A_300 : memref<1x2x128xi32, #tpu.memory_space<hbm>> -> memref<2x128xi32, #tpu.memory_space<hbm>>
          %dma_start3A_302 = arith.constant 0 : i32
          %dma_start3A_303 = arith.constant 0 : i32
          %dma_start3A_304 = tpu.memref_slice %arg3[%add3A_297, %dma_start3A_302, %dma_start3A_303] : memref<2528x2x128xi32, #tpu.memory_space<hbm>> -> memref<1x2x128xi32, #tpu.memory_space<hbm>>
          %dma_start3A_305 = tpu.memref_squeeze %dma_start3A_304 : memref<1x2x128xi32, #tpu.memory_space<hbm>> -> memref<2x128xi32, #tpu.memory_space<hbm>>
          tpu.enqueue_dma source(%dma_start3A_305 : memref<2x128xi32, #tpu.memory_space<hbm>>) target(%arg9 : memref<2x128xi32, #tpu.memory_space<vmem>>) target_semaphore(%arg23 : memref<!tpu.dma_semaphore, #tpu.memory_space<semaphore_mem>>)
        } else {
        }
        %dma_start3A_288 = arith.constant 1 : i32
        %dma_start3A_289 = arith.constant 0 : i32
        %dma_start3A_290 = tpu.memref_slice %arg6[%dma_start3A_288, %dma_start3A_289] : memref<2x128xi32, #tpu.memory_space<vmem>> -> memref<1x128xi32, #tpu.memory_space<vmem>>
        %dma_start3A_291 = tpu.memref_squeeze %dma_start3A_290 : memref<1x128xi32, #tpu.memory_space<vmem>> -> memref<128xi32, #tpu.memory_space<vmem>>
        %dma_start3A_292 = arith.constant 0 : i32
        %dma_start3A_293 = arith.constant 0 : i32
        %dma_start3A_294 = tpu.memref_slice %arg19[%dma_start3A_292, %dma_start3A_293] : memref<10240x64xf32, #tpu.memory_space<vmem_shared>> -> memref<10240x64xf32, #tpu.memory_space<vmem_shared>>
        tpu.enqueue_indirect_dma source(%arg14 : memref<128x64xf32, #tpu.memory_space<vmem>>) target(%dma_start3A_294 : memref<10240x64xf32, #tpu.memory_space<vmem_shared>>) offsets(%dma_start3A_291 : memref<128xi32, #tpu.memory_space<vmem>>) semaphore(%arg32 : memref<!tpu.dma_semaphore, #tpu.memory_space<semaphore_mem>>) {add = true}
      } else {
      }
      %jit3A_113 = arith.constant 8 : i32
      %eq3A_114 = arith.constant 0 : i32
      %eq3A_115 = arith.cmpi eq, %jit3A_113, %eq3A_114 : i32
      %jit3A_116 = arith.constant 1 : i32
      %select_n3A_117 = arith.select %eq3A_115, %jit3A_116, %jit3A_113 : i32
      %rem3A_118 = arith.remsi %scan3A_100, %select_n3A_117 : i32
      %ne3A_119 = arith.constant 0 : i32
      %ne3A_120 = arith.cmpi ne, %rem3A_118, %ne3A_119 : i32
      %lt3A_121 = arith.constant 0 : i32
      %lt3A_122 = arith.cmpi slt, %rem3A_118, %lt3A_121 : i32
      %lt3A_123 = arith.constant 0 : i32
      %lt3A_124 = arith.cmpi slt, %select_n3A_117, %lt3A_123 : i32
      %ne3A_125 = arith.xori %lt3A_122, %lt3A_124 : i1
      %and3A_126 = arith.andi %ne3A_125, %ne3A_120 : i1
      %add3A_127 = arith.addi %rem3A_118, %select_n3A_117 : i32
      %select_n3A_128 = arith.select %and3A_126, %add3A_127, %rem3A_118 : i32
      %eq3A_129 = arith.constant 1 : i32
      %eq3A_130 = arith.cmpi eq, %select_n3A_128, %eq3A_129 : i32
      %convert_element_type3A_131 = arith.extui %eq3A_130 : i1 to i32
      %cond3A_132 = arith.constant 0 : i32
      %cond3A_133 = arith.cmpi ne, %convert_element_type3A_131, %cond3A_132 : i32
      scf.if %cond3A_133 {
        %add3A_260 = arith.constant 1 : i32
        %add3A_261 = arith.addi %scan3A_100, %add3A_260 : i32
        %lt3A_262 = arith.constant 79 : i32
        %lt3A_263 = arith.cmpi slt, %add3A_261, %lt3A_262 : i32
        %ge3A = arith.constant 3 : i32
        %ge3A_264 = arith.cmpi sge, %scan3A_100, %ge3A : i32
        %and3A_265 = arith.andi %lt3A_263, %ge3A_264 : i1
        %convert_element_type3A_266 = arith.extui %and3A_265 : i1 to i32
        %cond3A_267 = arith.constant 0 : i32
        %cond3A_268 = arith.cmpi ne, %convert_element_type3A_266, %cond3A_267 : i32
        scf.if %cond3A_268 {
          %dma_wait3A_295 = arith.constant 1 : i32
          %dma_wait3A_296 = arith.constant 0 : i32
          %dma_wait3A_297 = tpu.memref_slice %arg12[%dma_wait3A_295, %dma_wait3A_296] : memref<2x128xi32, #tpu.memory_space<vmem>> -> memref<1x128xi32, #tpu.memory_space<vmem>>
          %dma_wait3A_298 = tpu.memref_squeeze %dma_wait3A_297 : memref<1x128xi32, #tpu.memory_space<vmem>> -> memref<128xi32, #tpu.memory_space<vmem>>
          %dma_wait3A_299 = arith.constant 0 : i32
          %dma_wait3A_300 = arith.constant 0 : i32
          %dma_wait3A_301 = tpu.memref_slice %arg19[%dma_wait3A_299, %dma_wait3A_300] : memref<10240x64xf32, #tpu.memory_space<vmem_shared>> -> memref<10240x64xf32, #tpu.memory_space<vmem_shared>>
          tpu.wait_indirect_dma semaphore(%arg34 : memref<!tpu.dma_semaphore, #tpu.memory_space<semaphore_mem>>) src(%arg16 : memref<128x64xf32, #tpu.memory_space<vmem>>) dst(%dma_wait3A_301 : memref<10240x64xf32, #tpu.memory_space<vmem_shared>>)
        } else {
        }
        %lt3A_269 = arith.constant 79 : i32
        %lt3A_270 = arith.cmpi slt, %add3A_261, %lt3A_269 : i32
        %convert_element_type3A_271 = arith.extui %lt3A_270 : i1 to i32
        %cond3A_272 = arith.constant 0 : i32
        %cond3A_273 = arith.cmpi ne, %convert_element_type3A_271, %cond3A_272 : i32
        scf.if %cond3A_273 {
          %add3A_295 = arith.addi %mul3A_2, %add3A_261 : i32
          %dma_wait3A_296 = arith.constant 0 : i32
          %dma_wait3A_297 = arith.constant 0 : i32
          %dma_wait3A_298 = tpu.memref_slice %arg3[%add3A_295, %dma_wait3A_296, %dma_wait3A_297] : memref<2528x2x128xi32, #tpu.memory_space<hbm>> -> memref<1x2x128xi32, #tpu.memory_space<hbm>>
          %dma_wait3A_299 = tpu.memref_squeeze %dma_wait3A_298 : memref<1x2x128xi32, #tpu.memory_space<hbm>> -> memref<2x128xi32, #tpu.memory_space<hbm>>
          %dma_wait3A_300 = arith.constant 0 : i32
          %dma_wait3A_301 = arith.constant 0 : i32
          %dma_wait3A_302 = tpu.memref_slice %arg3[%add3A_295, %dma_wait3A_300, %dma_wait3A_301] : memref<2528x2x128xi32, #tpu.memory_space<hbm>> -> memref<1x2x128xi32, #tpu.memory_space<hbm>>
          %dma_wait3A_303 = tpu.memref_squeeze %dma_wait3A_302 : memref<1x2x128xi32, #tpu.memory_space<hbm>> -> memref<2x128xi32, #tpu.memory_space<hbm>>
          tpu.wait_dma2 semaphore(%arg22 : memref<!tpu.dma_semaphore, #tpu.memory_space<semaphore_mem>>) src(%dma_wait3A_303 : memref<2x128xi32, #tpu.memory_space<hbm>>) dst(%arg8 : memref<2x128xi32, #tpu.memory_space<vmem>>)
          %dma_start3A_304 = arith.constant 0 : i32
          %dma_start3A_305 = arith.constant 0 : i32
          %dma_start3A_306 = tpu.memref_slice %arg8[%dma_start3A_304, %dma_start3A_305] : memref<2x128xi32, #tpu.memory_space<vmem>> -> memref<1x128xi32, #tpu.memory_space<vmem>>
          %dma_start3A_307 = tpu.memref_squeeze %dma_start3A_306 : memref<1x128xi32, #tpu.memory_space<vmem>> -> memref<128xi32, #tpu.memory_space<vmem>>
          %dma_start3A_308 = arith.constant 0 : i32
          %dma_start3A_309 = arith.constant 0 : i32
          %dma_start3A_310 = tpu.memref_slice %arg18[%dma_start3A_308, %dma_start3A_309] : memref<10016x64xf32, #tpu.memory_space<vmem_shared>> -> memref<10016x64xf32, #tpu.memory_space<vmem_shared>>
          tpu.enqueue_indirect_dma source(%dma_start3A_310 : memref<10016x64xf32, #tpu.memory_space<vmem_shared>>) target(%arg16 : memref<128x64xf32, #tpu.memory_space<vmem>>) offsets(%dma_start3A_307 : memref<128xi32, #tpu.memory_space<vmem>>) semaphore(%arg30 : memref<!tpu.dma_semaphore, #tpu.memory_space<semaphore_mem>>)
        } else {
        }
        %dma_wait3A_274 = arith.constant 0 : i32
        %dma_wait3A_275 = arith.constant 0 : i32
        %dma_wait3A_276 = tpu.memref_slice %arg7[%dma_wait3A_274, %dma_wait3A_275] : memref<2x128xi32, #tpu.memory_space<vmem>> -> memref<1x128xi32, #tpu.memory_space<vmem>>
        %dma_wait3A_277 = tpu.memref_squeeze %dma_wait3A_276 : memref<1x128xi32, #tpu.memory_space<vmem>> -> memref<128xi32, #tpu.memory_space<vmem>>
        %dma_wait3A_278 = arith.constant 0 : i32
        %dma_wait3A_279 = arith.constant 0 : i32
        %dma_wait3A_280 = tpu.memref_slice %arg18[%dma_wait3A_278, %dma_wait3A_279] : memref<10016x64xf32, #tpu.memory_space<vmem_shared>> -> memref<10016x64xf32, #tpu.memory_space<vmem_shared>>
        tpu.wait_indirect_dma semaphore(%arg29 : memref<!tpu.dma_semaphore, #tpu.memory_space<semaphore_mem>>) src(%dma_wait3A_280 : memref<10016x64xf32, #tpu.memory_space<vmem_shared>>) dst(%arg15 : memref<128x64xf32, #tpu.memory_space<vmem>>)
        %add3A_281 = arith.constant 3 : i32
        %add3A_282 = arith.addi %scan3A_100, %add3A_281 : i32
        %lt3A_283 = arith.constant 79 : i32
        %lt3A_284 = arith.cmpi slt, %add3A_282, %lt3A_283 : i32
        %convert_element_type3A_285 = arith.extui %lt3A_284 : i1 to i32
        %cond3A_286 = arith.constant 0 : i32
        %cond3A_287 = arith.cmpi ne, %convert_element_type3A_285, %cond3A_286 : i32
        scf.if %cond3A_287 {
          %add3A_295 = arith.addi %mul3A_2, %scan3A_100 : i32
          %add3A_296 = arith.constant 3 : i32
          %add3A_297 = arith.addi %add3A_295, %add3A_296 : i32
          %dma_start3A_298 = arith.constant 0 : i32
          %dma_start3A_299 = arith.constant 0 : i32
          %dma_start3A_300 = tpu.memref_slice %arg3[%add3A_297, %dma_start3A_298, %dma_start3A_299] : memref<2528x2x128xi32, #tpu.memory_space<hbm>> -> memref<1x2x128xi32, #tpu.memory_space<hbm>>
          %dma_start3A_301 = tpu.memref_squeeze %dma_start3A_300 : memref<1x2x128xi32, #tpu.memory_space<hbm>> -> memref<2x128xi32, #tpu.memory_space<hbm>>
          %dma_start3A_302 = arith.constant 0 : i32
          %dma_start3A_303 = arith.constant 0 : i32
          %dma_start3A_304 = tpu.memref_slice %arg3[%add3A_297, %dma_start3A_302, %dma_start3A_303] : memref<2528x2x128xi32, #tpu.memory_space<hbm>> -> memref<1x2x128xi32, #tpu.memory_space<hbm>>
          %dma_start3A_305 = tpu.memref_squeeze %dma_start3A_304 : memref<1x2x128xi32, #tpu.memory_space<hbm>> -> memref<2x128xi32, #tpu.memory_space<hbm>>
          tpu.enqueue_dma source(%dma_start3A_305 : memref<2x128xi32, #tpu.memory_space<hbm>>) target(%arg10 : memref<2x128xi32, #tpu.memory_space<vmem>>) target_semaphore(%arg24 : memref<!tpu.dma_semaphore, #tpu.memory_space<semaphore_mem>>)
        } else {
        }
        %dma_start3A_288 = arith.constant 1 : i32
        %dma_start3A_289 = arith.constant 0 : i32
        %dma_start3A_290 = tpu.memref_slice %arg7[%dma_start3A_288, %dma_start3A_289] : memref<2x128xi32, #tpu.memory_space<vmem>> -> memref<1x128xi32, #tpu.memory_space<vmem>>
        %dma_start3A_291 = tpu.memref_squeeze %dma_start3A_290 : memref<1x128xi32, #tpu.memory_space<vmem>> -> memref<128xi32, #tpu.memory_space<vmem>>
        %dma_start3A_292 = arith.constant 0 : i32
        %dma_start3A_293 = arith.constant 0 : i32
        %dma_start3A_294 = tpu.memref_slice %arg19[%dma_start3A_292, %dma_start3A_293] : memref<10240x64xf32, #tpu.memory_space<vmem_shared>> -> memref<10240x64xf32, #tpu.memory_space<vmem_shared>>
        tpu.enqueue_indirect_dma source(%arg15 : memref<128x64xf32, #tpu.memory_space<vmem>>) target(%dma_start3A_294 : memref<10240x64xf32, #tpu.memory_space<vmem_shared>>) offsets(%dma_start3A_291 : memref<128xi32, #tpu.memory_space<vmem>>) semaphore(%arg33 : memref<!tpu.dma_semaphore, #tpu.memory_space<semaphore_mem>>) {add = true}
      } else {
      }
      %jit3A_134 = arith.constant 8 : i32
      %eq3A_135 = arith.constant 0 : i32
      %eq3A_136 = arith.cmpi eq, %jit3A_134, %eq3A_135 : i32
      %jit3A_137 = arith.constant 1 : i32
      %select_n3A_138 = arith.select %eq3A_136, %jit3A_137, %jit3A_134 : i32
      %rem3A_139 = arith.remsi %scan3A_100, %select_n3A_138 : i32
      %ne3A_140 = arith.constant 0 : i32
      %ne3A_141 = arith.cmpi ne, %rem3A_139, %ne3A_140 : i32
      %lt3A_142 = arith.constant 0 : i32
      %lt3A_143 = arith.cmpi slt, %rem3A_139, %lt3A_142 : i32
      %lt3A_144 = arith.constant 0 : i32
      %lt3A_145 = arith.cmpi slt, %select_n3A_138, %lt3A_144 : i32
      %ne3A_146 = arith.xori %lt3A_143, %lt3A_145 : i1
      %and3A_147 = arith.andi %ne3A_146, %ne3A_141 : i1
      %add3A_148 = arith.addi %rem3A_139, %select_n3A_138 : i32
      %select_n3A_149 = arith.select %and3A_147, %add3A_148, %rem3A_139 : i32
      %eq3A_150 = arith.constant 2 : i32
      %eq3A_151 = arith.cmpi eq, %select_n3A_149, %eq3A_150 : i32
      %convert_element_type3A_152 = arith.extui %eq3A_151 : i1 to i32
      %cond3A_153 = arith.constant 0 : i32
      %cond3A_154 = arith.cmpi ne, %convert_element_type3A_152, %cond3A_153 : i32
      scf.if %cond3A_154 {
        %add3A_260 = arith.constant 1 : i32
        %add3A_261 = arith.addi %scan3A_100, %add3A_260 : i32
        %lt3A_262 = arith.constant 79 : i32
        %lt3A_263 = arith.cmpi slt, %add3A_261, %lt3A_262 : i32
        %ge3A = arith.constant 3 : i32
        %ge3A_264 = arith.cmpi sge, %scan3A_100, %ge3A : i32
        %and3A_265 = arith.andi %lt3A_263, %ge3A_264 : i1
        %convert_element_type3A_266 = arith.extui %and3A_265 : i1 to i32
        %cond3A_267 = arith.constant 0 : i32
        %cond3A_268 = arith.cmpi ne, %convert_element_type3A_266, %cond3A_267 : i32
        scf.if %cond3A_268 {
          %dma_wait3A_295 = arith.constant 1 : i32
          %dma_wait3A_296 = arith.constant 0 : i32
          %dma_wait3A_297 = tpu.memref_slice %arg13[%dma_wait3A_295, %dma_wait3A_296] : memref<2x128xi32, #tpu.memory_space<vmem>> -> memref<1x128xi32, #tpu.memory_space<vmem>>
          %dma_wait3A_298 = tpu.memref_squeeze %dma_wait3A_297 : memref<1x128xi32, #tpu.memory_space<vmem>> -> memref<128xi32, #tpu.memory_space<vmem>>
          %dma_wait3A_299 = arith.constant 0 : i32
          %dma_wait3A_300 = arith.constant 0 : i32
          %dma_wait3A_301 = tpu.memref_slice %arg19[%dma_wait3A_299, %dma_wait3A_300] : memref<10240x64xf32, #tpu.memory_space<vmem_shared>> -> memref<10240x64xf32, #tpu.memory_space<vmem_shared>>
          tpu.wait_indirect_dma semaphore(%arg35 : memref<!tpu.dma_semaphore, #tpu.memory_space<semaphore_mem>>) src(%arg17 : memref<128x64xf32, #tpu.memory_space<vmem>>) dst(%dma_wait3A_301 : memref<10240x64xf32, #tpu.memory_space<vmem_shared>>)
        } else {
        }
        %lt3A_269 = arith.constant 79 : i32
        %lt3A_270 = arith.cmpi slt, %add3A_261, %lt3A_269 : i32
        %convert_element_type3A_271 = arith.extui %lt3A_270 : i1 to i32
        %cond3A_272 = arith.constant 0 : i32
        %cond3A_273 = arith.cmpi ne, %convert_element_type3A_271, %cond3A_272 : i32
        scf.if %cond3A_273 {
          %add3A_295 = arith.addi %mul3A_2, %add3A_261 : i32
          %dma_wait3A_296 = arith.constant 0 : i32
          %dma_wait3A_297 = arith.constant 0 : i32
          %dma_wait3A_298 = tpu.memref_slice %arg3[%add3A_295, %dma_wait3A_296, %dma_wait3A_297] : memref<2528x2x128xi32, #tpu.memory_space<hbm>> -> memref<1x2x128xi32, #tpu.memory_space<hbm>>
          %dma_wait3A_299 = tpu.memref_squeeze %dma_wait3A_298 : memref<1x2x128xi32, #tpu.memory_space<hbm>> -> memref<2x128xi32, #tpu.memory_space<hbm>>
          %dma_wait3A_300 = arith.constant 0 : i32
          %dma_wait3A_301 = arith.constant 0 : i32
          %dma_wait3A_302 = tpu.memref_slice %arg3[%add3A_295, %dma_wait3A_300, %dma_wait3A_301] : memref<2528x2x128xi32, #tpu.memory_space<hbm>> -> memref<1x2x128xi32, #tpu.memory_space<hbm>>
          %dma_wait3A_303 = tpu.memref_squeeze %dma_wait3A_302 : memref<1x2x128xi32, #tpu.memory_space<hbm>> -> memref<2x128xi32, #tpu.memory_space<hbm>>
          tpu.wait_dma2 semaphore(%arg23 : memref<!tpu.dma_semaphore, #tpu.memory_space<semaphore_mem>>) src(%dma_wait3A_303 : memref<2x128xi32, #tpu.memory_space<hbm>>) dst(%arg9 : memref<2x128xi32, #tpu.memory_space<vmem>>)
          %dma_start3A_304 = arith.constant 0 : i32
          %dma_start3A_305 = arith.constant 0 : i32
          %dma_start3A_306 = tpu.memref_slice %arg9[%dma_start3A_304, %dma_start3A_305] : memref<2x128xi32, #tpu.memory_space<vmem>> -> memref<1x128xi32, #tpu.memory_space<vmem>>
          %dma_start3A_307 = tpu.memref_squeeze %dma_start3A_306 : memref<1x128xi32, #tpu.memory_space<vmem>> -> memref<128xi32, #tpu.memory_space<vmem>>
          %dma_start3A_308 = arith.constant 0 : i32
          %dma_start3A_309 = arith.constant 0 : i32
          %dma_start3A_310 = tpu.memref_slice %arg18[%dma_start3A_308, %dma_start3A_309] : memref<10016x64xf32, #tpu.memory_space<vmem_shared>> -> memref<10016x64xf32, #tpu.memory_space<vmem_shared>>
          tpu.enqueue_indirect_dma source(%dma_start3A_310 : memref<10016x64xf32, #tpu.memory_space<vmem_shared>>) target(%arg17 : memref<128x64xf32, #tpu.memory_space<vmem>>) offsets(%dma_start3A_307 : memref<128xi32, #tpu.memory_space<vmem>>) semaphore(%arg31 : memref<!tpu.dma_semaphore, #tpu.memory_space<semaphore_mem>>)
        } else {
        }
        %dma_wait3A_274 = arith.constant 0 : i32
        %dma_wait3A_275 = arith.constant 0 : i32
        %dma_wait3A_276 = tpu.memref_slice %arg8[%dma_wait3A_274, %dma_wait3A_275] : memref<2x128xi32, #tpu.memory_space<vmem>> -> memref<1x128xi32, #tpu.memory_space<vmem>>
        %dma_wait3A_277 = tpu.memref_squeeze %dma_wait3A_276 : memref<1x128xi32, #tpu.memory_space<vmem>> -> memref<128xi32, #tpu.memory_space<vmem>>
        %dma_wait3A_278 = arith.constant 0 : i32
        %dma_wait3A_279 = arith.constant 0 : i32
        %dma_wait3A_280 = tpu.memref_slice %arg18[%dma_wait3A_278, %dma_wait3A_279] : memref<10016x64xf32, #tpu.memory_space<vmem_shared>> -> memref<10016x64xf32, #tpu.memory_space<vmem_shared>>
        tpu.wait_indirect_dma semaphore(%arg30 : memref<!tpu.dma_semaphore, #tpu.memory_space<semaphore_mem>>) src(%dma_wait3A_280 : memref<10016x64xf32, #tpu.memory_space<vmem_shared>>) dst(%arg16 : memref<128x64xf32, #tpu.memory_space<vmem>>)
        %add3A_281 = arith.constant 3 : i32
        %add3A_282 = arith.addi %scan3A_100, %add3A_281 : i32
        %lt3A_283 = arith.constant 79 : i32
        %lt3A_284 = arith.cmpi slt, %add3A_282, %lt3A_283 : i32
        %convert_element_type3A_285 = arith.extui %lt3A_284 : i1 to i32
        %cond3A_286 = arith.constant 0 : i32
        %cond3A_287 = arith.cmpi ne, %convert_element_type3A_285, %cond3A_286 : i32
        scf.if %cond3A_287 {
          %add3A_295 = arith.addi %mul3A_2, %scan3A_100 : i32
          %add3A_296 = arith.constant 3 : i32
          %add3A_297 = arith.addi %add3A_295, %add3A_296 : i32
          %dma_start3A_298 = arith.constant 0 : i32
          %dma_start3A_299 = arith.constant 0 : i32
          %dma_start3A_300 = tpu.memref_slice %arg3[%add3A_297, %dma_start3A_298, %dma_start3A_299] : memref<2528x2x128xi32, #tpu.memory_space<hbm>> -> memref<1x2x128xi32, #tpu.memory_space<hbm>>
          %dma_start3A_301 = tpu.memref_squeeze %dma_start3A_300 : memref<1x2x128xi32, #tpu.memory_space<hbm>> -> memref<2x128xi32, #tpu.memory_space<hbm>>
          %dma_start3A_302 = arith.constant 0 : i32
          %dma_start3A_303 = arith.constant 0 : i32
          %dma_start3A_304 = tpu.memref_slice %arg3[%add3A_297, %dma_start3A_302, %dma_start3A_303] : memref<2528x2x128xi32, #tpu.memory_space<hbm>> -> memref<1x2x128xi32, #tpu.memory_space<hbm>>
          %dma_start3A_305 = tpu.memref_squeeze %dma_start3A_304 : memref<1x2x128xi32, #tpu.memory_space<hbm>> -> memref<2x128xi32, #tpu.memory_space<hbm>>
          tpu.enqueue_dma source(%dma_start3A_305 : memref<2x128xi32, #tpu.memory_space<hbm>>) target(%arg11 : memref<2x128xi32, #tpu.memory_space<vmem>>) target_semaphore(%arg25 : memref<!tpu.dma_semaphore, #tpu.memory_space<semaphore_mem>>)
        } else {
        }
        %dma_start3A_288 = arith.constant 1 : i32
        %dma_start3A_289 = arith.constant 0 : i32
        %dma_start3A_290 = tpu.memref_slice %arg8[%dma_start3A_288, %dma_start3A_289] : memref<2x128xi32, #tpu.memory_space<vmem>> -> memref<1x128xi32, #tpu.memory_space<vmem>>
        %dma_start3A_291 = tpu.memref_squeeze %dma_start3A_290 : memref<1x128xi32, #tpu.memory_space<vmem>> -> memref<128xi32, #tpu.memory_space<vmem>>
        %dma_start3A_292 = arith.constant 0 : i32
        %dma_start3A_293 = arith.constant 0 : i32
        %dma_start3A_294 = tpu.memref_slice %arg19[%dma_start3A_292, %dma_start3A_293] : memref<10240x64xf32, #tpu.memory_space<vmem_shared>> -> memref<10240x64xf32, #tpu.memory_space<vmem_shared>>
        tpu.enqueue_indirect_dma source(%arg16 : memref<128x64xf32, #tpu.memory_space<vmem>>) target(%dma_start3A_294 : memref<10240x64xf32, #tpu.memory_space<vmem_shared>>) offsets(%dma_start3A_291 : memref<128xi32, #tpu.memory_space<vmem>>) semaphore(%arg34 : memref<!tpu.dma_semaphore, #tpu.memory_space<semaphore_mem>>) {add = true}
      } else {
      }
      %jit3A_155 = arith.constant 8 : i32
      %eq3A_156 = arith.constant 0 : i32
      %eq3A_157 = arith.cmpi eq, %jit3A_155, %eq3A_156 : i32
      %jit3A_158 = arith.constant 1 : i32
      %select_n3A_159 = arith.select %eq3A_157, %jit3A_158, %jit3A_155 : i32
      %rem3A_160 = arith.remsi %scan3A_100, %select_n3A_159 : i32
      %ne3A_161 = arith.constant 0 : i32
      %ne3A_162 = arith.cmpi ne, %rem3A_160, %ne3A_161 : i32
      %lt3A_163 = arith.constant 0 : i32
      %lt3A_164 = arith.cmpi slt, %rem3A_160, %lt3A_163 : i32
      %lt3A_165 = arith.constant 0 : i32
      %lt3A_166 = arith.cmpi slt, %select_n3A_159, %lt3A_165 : i32
      %ne3A_167 = arith.xori %lt3A_164, %lt3A_166 : i1
      %and3A_168 = arith.andi %ne3A_167, %ne3A_162 : i1
      %add3A_169 = arith.addi %rem3A_160, %select_n3A_159 : i32
      %select_n3A_170 = arith.select %and3A_168, %add3A_169, %rem3A_160 : i32
      %eq3A_171 = arith.constant 3 : i32
      %eq3A_172 = arith.cmpi eq, %select_n3A_170, %eq3A_171 : i32
      %convert_element_type3A_173 = arith.extui %eq3A_172 : i1 to i32
      %cond3A_174 = arith.constant 0 : i32
      %cond3A_175 = arith.cmpi ne, %convert_element_type3A_173, %cond3A_174 : i32
      scf.if %cond3A_175 {
        %add3A_260 = arith.constant 1 : i32
        %add3A_261 = arith.addi %scan3A_100, %add3A_260 : i32
        %lt3A_262 = arith.constant 79 : i32
        %lt3A_263 = arith.cmpi slt, %add3A_261, %lt3A_262 : i32
        %ge3A = arith.constant 3 : i32
        %ge3A_264 = arith.cmpi sge, %scan3A_100, %ge3A : i32
        %and3A_265 = arith.andi %lt3A_263, %ge3A_264 : i1
        %convert_element_type3A_266 = arith.extui %and3A_265 : i1 to i32
        %cond3A_267 = arith.constant 0 : i32
        %cond3A_268 = arith.cmpi ne, %convert_element_type3A_266, %cond3A_267 : i32
        scf.if %cond3A_268 {
          %dma_wait3A_295 = arith.constant 1 : i32
          %dma_wait3A_296 = arith.constant 0 : i32
          %dma_wait3A_297 = tpu.memref_slice %arg6[%dma_wait3A_295, %dma_wait3A_296] : memref<2x128xi32, #tpu.memory_space<vmem>> -> memref<1x128xi32, #tpu.memory_space<vmem>>
          %dma_wait3A_298 = tpu.memref_squeeze %dma_wait3A_297 : memref<1x128xi32, #tpu.memory_space<vmem>> -> memref<128xi32, #tpu.memory_space<vmem>>
          %dma_wait3A_299 = arith.constant 0 : i32
          %dma_wait3A_300 = arith.constant 0 : i32
          %dma_wait3A_301 = tpu.memref_slice %arg19[%dma_wait3A_299, %dma_wait3A_300] : memref<10240x64xf32, #tpu.memory_space<vmem_shared>> -> memref<10240x64xf32, #tpu.memory_space<vmem_shared>>
          tpu.wait_indirect_dma semaphore(%arg32 : memref<!tpu.dma_semaphore, #tpu.memory_space<semaphore_mem>>) src(%arg14 : memref<128x64xf32, #tpu.memory_space<vmem>>) dst(%dma_wait3A_301 : memref<10240x64xf32, #tpu.memory_space<vmem_shared>>)
        } else {
        }
        %lt3A_269 = arith.constant 79 : i32
        %lt3A_270 = arith.cmpi slt, %add3A_261, %lt3A_269 : i32
        %convert_element_type3A_271 = arith.extui %lt3A_270 : i1 to i32
        %cond3A_272 = arith.constant 0 : i32
        %cond3A_273 = arith.cmpi ne, %convert_element_type3A_271, %cond3A_272 : i32
        scf.if %cond3A_273 {
          %add3A_295 = arith.addi %mul3A_2, %add3A_261 : i32
          %dma_wait3A_296 = arith.constant 0 : i32
          %dma_wait3A_297 = arith.constant 0 : i32
          %dma_wait3A_298 = tpu.memref_slice %arg3[%add3A_295, %dma_wait3A_296, %dma_wait3A_297] : memref<2528x2x128xi32, #tpu.memory_space<hbm>> -> memref<1x2x128xi32, #tpu.memory_space<hbm>>
          %dma_wait3A_299 = tpu.memref_squeeze %dma_wait3A_298 : memref<1x2x128xi32, #tpu.memory_space<hbm>> -> memref<2x128xi32, #tpu.memory_space<hbm>>
          %dma_wait3A_300 = arith.constant 0 : i32
          %dma_wait3A_301 = arith.constant 0 : i32
          %dma_wait3A_302 = tpu.memref_slice %arg3[%add3A_295, %dma_wait3A_300, %dma_wait3A_301] : memref<2528x2x128xi32, #tpu.memory_space<hbm>> -> memref<1x2x128xi32, #tpu.memory_space<hbm>>
          %dma_wait3A_303 = tpu.memref_squeeze %dma_wait3A_302 : memref<1x2x128xi32, #tpu.memory_space<hbm>> -> memref<2x128xi32, #tpu.memory_space<hbm>>
          tpu.wait_dma2 semaphore(%arg24 : memref<!tpu.dma_semaphore, #tpu.memory_space<semaphore_mem>>) src(%dma_wait3A_303 : memref<2x128xi32, #tpu.memory_space<hbm>>) dst(%arg10 : memref<2x128xi32, #tpu.memory_space<vmem>>)
          %dma_start3A_304 = arith.constant 0 : i32
          %dma_start3A_305 = arith.constant 0 : i32
          %dma_start3A_306 = tpu.memref_slice %arg10[%dma_start3A_304, %dma_start3A_305] : memref<2x128xi32, #tpu.memory_space<vmem>> -> memref<1x128xi32, #tpu.memory_space<vmem>>
          %dma_start3A_307 = tpu.memref_squeeze %dma_start3A_306 : memref<1x128xi32, #tpu.memory_space<vmem>> -> memref<128xi32, #tpu.memory_space<vmem>>
          %dma_start3A_308 = arith.constant 0 : i32
          %dma_start3A_309 = arith.constant 0 : i32
          %dma_start3A_310 = tpu.memref_slice %arg18[%dma_start3A_308, %dma_start3A_309] : memref<10016x64xf32, #tpu.memory_space<vmem_shared>> -> memref<10016x64xf32, #tpu.memory_space<vmem_shared>>
          tpu.enqueue_indirect_dma source(%dma_start3A_310 : memref<10016x64xf32, #tpu.memory_space<vmem_shared>>) target(%arg14 : memref<128x64xf32, #tpu.memory_space<vmem>>) offsets(%dma_start3A_307 : memref<128xi32, #tpu.memory_space<vmem>>) semaphore(%arg28 : memref<!tpu.dma_semaphore, #tpu.memory_space<semaphore_mem>>)
        } else {
        }
        %dma_wait3A_274 = arith.constant 0 : i32
        %dma_wait3A_275 = arith.constant 0 : i32
        %dma_wait3A_276 = tpu.memref_slice %arg9[%dma_wait3A_274, %dma_wait3A_275] : memref<2x128xi32, #tpu.memory_space<vmem>> -> memref<1x128xi32, #tpu.memory_space<vmem>>
        %dma_wait3A_277 = tpu.memref_squeeze %dma_wait3A_276 : memref<1x128xi32, #tpu.memory_space<vmem>> -> memref<128xi32, #tpu.memory_space<vmem>>
        %dma_wait3A_278 = arith.constant 0 : i32
        %dma_wait3A_279 = arith.constant 0 : i32
        %dma_wait3A_280 = tpu.memref_slice %arg18[%dma_wait3A_278, %dma_wait3A_279] : memref<10016x64xf32, #tpu.memory_space<vmem_shared>> -> memref<10016x64xf32, #tpu.memory_space<vmem_shared>>
        tpu.wait_indirect_dma semaphore(%arg31 : memref<!tpu.dma_semaphore, #tpu.memory_space<semaphore_mem>>) src(%dma_wait3A_280 : memref<10016x64xf32, #tpu.memory_space<vmem_shared>>) dst(%arg17 : memref<128x64xf32, #tpu.memory_space<vmem>>)
        %add3A_281 = arith.constant 3 : i32
        %add3A_282 = arith.addi %scan3A_100, %add3A_281 : i32
        %lt3A_283 = arith.constant 79 : i32
        %lt3A_284 = arith.cmpi slt, %add3A_282, %lt3A_283 : i32
        %convert_element_type3A_285 = arith.extui %lt3A_284 : i1 to i32
        %cond3A_286 = arith.constant 0 : i32
        %cond3A_287 = arith.cmpi ne, %convert_element_type3A_285, %cond3A_286 : i32
        scf.if %cond3A_287 {
          %add3A_295 = arith.addi %mul3A_2, %scan3A_100 : i32
          %add3A_296 = arith.constant 3 : i32
          %add3A_297 = arith.addi %add3A_295, %add3A_296 : i32
          %dma_start3A_298 = arith.constant 0 : i32
          %dma_start3A_299 = arith.constant 0 : i32
          %dma_start3A_300 = tpu.memref_slice %arg3[%add3A_297, %dma_start3A_298, %dma_start3A_299] : memref<2528x2x128xi32, #tpu.memory_space<hbm>> -> memref<1x2x128xi32, #tpu.memory_space<hbm>>
          %dma_start3A_301 = tpu.memref_squeeze %dma_start3A_300 : memref<1x2x128xi32, #tpu.memory_space<hbm>> -> memref<2x128xi32, #tpu.memory_space<hbm>>
          %dma_start3A_302 = arith.constant 0 : i32
          %dma_start3A_303 = arith.constant 0 : i32
          %dma_start3A_304 = tpu.memref_slice %arg3[%add3A_297, %dma_start3A_302, %dma_start3A_303] : memref<2528x2x128xi32, #tpu.memory_space<hbm>> -> memref<1x2x128xi32, #tpu.memory_space<hbm>>
          %dma_start3A_305 = tpu.memref_squeeze %dma_start3A_304 : memref<1x2x128xi32, #tpu.memory_space<hbm>> -> memref<2x128xi32, #tpu.memory_space<hbm>>
          tpu.enqueue_dma source(%dma_start3A_305 : memref<2x128xi32, #tpu.memory_space<hbm>>) target(%arg12 : memref<2x128xi32, #tpu.memory_space<vmem>>) target_semaphore(%arg26 : memref<!tpu.dma_semaphore, #tpu.memory_space<semaphore_mem>>)
        } else {
        }
        %dma_start3A_288 = arith.constant 1 : i32
        %dma_start3A_289 = arith.constant 0 : i32
        %dma_start3A_290 = tpu.memref_slice %arg9[%dma_start3A_288, %dma_start3A_289] : memref<2x128xi32, #tpu.memory_space<vmem>> -> memref<1x128xi32, #tpu.memory_space<vmem>>
        %dma_start3A_291 = tpu.memref_squeeze %dma_start3A_290 : memref<1x128xi32, #tpu.memory_space<vmem>> -> memref<128xi32, #tpu.memory_space<vmem>>
        %dma_start3A_292 = arith.constant 0 : i32
        %dma_start3A_293 = arith.constant 0 : i32
        %dma_start3A_294 = tpu.memref_slice %arg19[%dma_start3A_292, %dma_start3A_293] : memref<10240x64xf32, #tpu.memory_space<vmem_shared>> -> memref<10240x64xf32, #tpu.memory_space<vmem_shared>>
        tpu.enqueue_indirect_dma source(%arg17 : memref<128x64xf32, #tpu.memory_space<vmem>>) target(%dma_start3A_294 : memref<10240x64xf32, #tpu.memory_space<vmem_shared>>) offsets(%dma_start3A_291 : memref<128xi32, #tpu.memory_space<vmem>>) semaphore(%arg35 : memref<!tpu.dma_semaphore, #tpu.memory_space<semaphore_mem>>) {add = true}
      } else {
      }
      %jit3A_176 = arith.constant 8 : i32
      %eq3A_177 = arith.constant 0 : i32
      %eq3A_178 = arith.cmpi eq, %jit3A_176, %eq3A_177 : i32
      %jit3A_179 = arith.constant 1 : i32
      %select_n3A_180 = arith.select %eq3A_178, %jit3A_179, %jit3A_176 : i32
      %rem3A_181 = arith.remsi %scan3A_100, %select_n3A_180 : i32
      %ne3A_182 = arith.constant 0 : i32
      %ne3A_183 = arith.cmpi ne, %rem3A_181, %ne3A_182 : i32
      %lt3A_184 = arith.constant 0 : i32
      %lt3A_185 = arith.cmpi slt, %rem3A_181, %lt3A_184 : i32
      %lt3A_186 = arith.constant 0 : i32
      %lt3A_187 = arith.cmpi slt, %select_n3A_180, %lt3A_186 : i32
      %ne3A_188 = arith.xori %lt3A_185, %lt3A_187 : i1
      %and3A_189 = arith.andi %ne3A_188, %ne3A_183 : i1
      %add3A_190 = arith.addi %rem3A_181, %select_n3A_180 : i32
      %select_n3A_191 = arith.select %and3A_189, %add3A_190, %rem3A_181 : i32
      %eq3A_192 = arith.constant 4 : i32
      %eq3A_193 = arith.cmpi eq, %select_n3A_191, %eq3A_192 : i32
      %convert_element_type3A_194 = arith.extui %eq3A_193 : i1 to i32
      %cond3A_195 = arith.constant 0 : i32
      %cond3A_196 = arith.cmpi ne, %convert_element_type3A_194, %cond3A_195 : i32
      scf.if %cond3A_196 {
        %add3A_260 = arith.constant 1 : i32
        %add3A_261 = arith.addi %scan3A_100, %add3A_260 : i32
        %lt3A_262 = arith.constant 79 : i32
        %lt3A_263 = arith.cmpi slt, %add3A_261, %lt3A_262 : i32
        %ge3A = arith.constant 3 : i32
        %ge3A_264 = arith.cmpi sge, %scan3A_100, %ge3A : i32
        %and3A_265 = arith.andi %lt3A_263, %ge3A_264 : i1
        %convert_element_type3A_266 = arith.extui %and3A_265 : i1 to i32
        %cond3A_267 = arith.constant 0 : i32
        %cond3A_268 = arith.cmpi ne, %convert_element_type3A_266, %cond3A_267 : i32
        scf.if %cond3A_268 {
          %dma_wait3A_295 = arith.constant 1 : i32
          %dma_wait3A_296 = arith.constant 0 : i32
          %dma_wait3A_297 = tpu.memref_slice %arg7[%dma_wait3A_295, %dma_wait3A_296] : memref<2x128xi32, #tpu.memory_space<vmem>> -> memref<1x128xi32, #tpu.memory_space<vmem>>
          %dma_wait3A_298 = tpu.memref_squeeze %dma_wait3A_297 : memref<1x128xi32, #tpu.memory_space<vmem>> -> memref<128xi32, #tpu.memory_space<vmem>>
          %dma_wait3A_299 = arith.constant 0 : i32
          %dma_wait3A_300 = arith.constant 0 : i32
          %dma_wait3A_301 = tpu.memref_slice %arg19[%dma_wait3A_299, %dma_wait3A_300] : memref<10240x64xf32, #tpu.memory_space<vmem_shared>> -> memref<10240x64xf32, #tpu.memory_space<vmem_shared>>
          tpu.wait_indirect_dma semaphore(%arg33 : memref<!tpu.dma_semaphore, #tpu.memory_space<semaphore_mem>>) src(%arg15 : memref<128x64xf32, #tpu.memory_space<vmem>>) dst(%dma_wait3A_301 : memref<10240x64xf32, #tpu.memory_space<vmem_shared>>)
        } else {
        }
        %lt3A_269 = arith.constant 79 : i32
        %lt3A_270 = arith.cmpi slt, %add3A_261, %lt3A_269 : i32
        %convert_element_type3A_271 = arith.extui %lt3A_270 : i1 to i32
        %cond3A_272 = arith.constant 0 : i32
        %cond3A_273 = arith.cmpi ne, %convert_element_type3A_271, %cond3A_272 : i32
        scf.if %cond3A_273 {
          %add3A_295 = arith.addi %mul3A_2, %add3A_261 : i32
          %dma_wait3A_296 = arith.constant 0 : i32
          %dma_wait3A_297 = arith.constant 0 : i32
          %dma_wait3A_298 = tpu.memref_slice %arg3[%add3A_295, %dma_wait3A_296, %dma_wait3A_297] : memref<2528x2x128xi32, #tpu.memory_space<hbm>> -> memref<1x2x128xi32, #tpu.memory_space<hbm>>
          %dma_wait3A_299 = tpu.memref_squeeze %dma_wait3A_298 : memref<1x2x128xi32, #tpu.memory_space<hbm>> -> memref<2x128xi32, #tpu.memory_space<hbm>>
          %dma_wait3A_300 = arith.constant 0 : i32
          %dma_wait3A_301 = arith.constant 0 : i32
          %dma_wait3A_302 = tpu.memref_slice %arg3[%add3A_295, %dma_wait3A_300, %dma_wait3A_301] : memref<2528x2x128xi32, #tpu.memory_space<hbm>> -> memref<1x2x128xi32, #tpu.memory_space<hbm>>
          %dma_wait3A_303 = tpu.memref_squeeze %dma_wait3A_302 : memref<1x2x128xi32, #tpu.memory_space<hbm>> -> memref<2x128xi32, #tpu.memory_space<hbm>>
          tpu.wait_dma2 semaphore(%arg25 : memref<!tpu.dma_semaphore, #tpu.memory_space<semaphore_mem>>) src(%dma_wait3A_303 : memref<2x128xi32, #tpu.memory_space<hbm>>) dst(%arg11 : memref<2x128xi32, #tpu.memory_space<vmem>>)
          %dma_start3A_304 = arith.constant 0 : i32
          %dma_start3A_305 = arith.constant 0 : i32
          %dma_start3A_306 = tpu.memref_slice %arg11[%dma_start3A_304, %dma_start3A_305] : memref<2x128xi32, #tpu.memory_space<vmem>> -> memref<1x128xi32, #tpu.memory_space<vmem>>
          %dma_start3A_307 = tpu.memref_squeeze %dma_start3A_306 : memref<1x128xi32, #tpu.memory_space<vmem>> -> memref<128xi32, #tpu.memory_space<vmem>>
          %dma_start3A_308 = arith.constant 0 : i32
          %dma_start3A_309 = arith.constant 0 : i32
          %dma_start3A_310 = tpu.memref_slice %arg18[%dma_start3A_308, %dma_start3A_309] : memref<10016x64xf32, #tpu.memory_space<vmem_shared>> -> memref<10016x64xf32, #tpu.memory_space<vmem_shared>>
          tpu.enqueue_indirect_dma source(%dma_start3A_310 : memref<10016x64xf32, #tpu.memory_space<vmem_shared>>) target(%arg15 : memref<128x64xf32, #tpu.memory_space<vmem>>) offsets(%dma_start3A_307 : memref<128xi32, #tpu.memory_space<vmem>>) semaphore(%arg29 : memref<!tpu.dma_semaphore, #tpu.memory_space<semaphore_mem>>)
        } else {
        }
        %dma_wait3A_274 = arith.constant 0 : i32
        %dma_wait3A_275 = arith.constant 0 : i32
        %dma_wait3A_276 = tpu.memref_slice %arg10[%dma_wait3A_274, %dma_wait3A_275] : memref<2x128xi32, #tpu.memory_space<vmem>> -> memref<1x128xi32, #tpu.memory_space<vmem>>
        %dma_wait3A_277 = tpu.memref_squeeze %dma_wait3A_276 : memref<1x128xi32, #tpu.memory_space<vmem>> -> memref<128xi32, #tpu.memory_space<vmem>>
        %dma_wait3A_278 = arith.constant 0 : i32
        %dma_wait3A_279 = arith.constant 0 : i32
        %dma_wait3A_280 = tpu.memref_slice %arg18[%dma_wait3A_278, %dma_wait3A_279] : memref<10016x64xf32, #tpu.memory_space<vmem_shared>> -> memref<10016x64xf32, #tpu.memory_space<vmem_shared>>
        tpu.wait_indirect_dma semaphore(%arg28 : memref<!tpu.dma_semaphore, #tpu.memory_space<semaphore_mem>>) src(%dma_wait3A_280 : memref<10016x64xf32, #tpu.memory_space<vmem_shared>>) dst(%arg14 : memref<128x64xf32, #tpu.memory_space<vmem>>)
        %add3A_281 = arith.constant 3 : i32
        %add3A_282 = arith.addi %scan3A_100, %add3A_281 : i32
        %lt3A_283 = arith.constant 79 : i32
        %lt3A_284 = arith.cmpi slt, %add3A_282, %lt3A_283 : i32
        %convert_element_type3A_285 = arith.extui %lt3A_284 : i1 to i32
        %cond3A_286 = arith.constant 0 : i32
        %cond3A_287 = arith.cmpi ne, %convert_element_type3A_285, %cond3A_286 : i32
        scf.if %cond3A_287 {
          %add3A_295 = arith.addi %mul3A_2, %scan3A_100 : i32
          %add3A_296 = arith.constant 3 : i32
          %add3A_297 = arith.addi %add3A_295, %add3A_296 : i32
          %dma_start3A_298 = arith.constant 0 : i32
          %dma_start3A_299 = arith.constant 0 : i32
          %dma_start3A_300 = tpu.memref_slice %arg3[%add3A_297, %dma_start3A_298, %dma_start3A_299] : memref<2528x2x128xi32, #tpu.memory_space<hbm>> -> memref<1x2x128xi32, #tpu.memory_space<hbm>>
          %dma_start3A_301 = tpu.memref_squeeze %dma_start3A_300 : memref<1x2x128xi32, #tpu.memory_space<hbm>> -> memref<2x128xi32, #tpu.memory_space<hbm>>
          %dma_start3A_302 = arith.constant 0 : i32
          %dma_start3A_303 = arith.constant 0 : i32
          %dma_start3A_304 = tpu.memref_slice %arg3[%add3A_297, %dma_start3A_302, %dma_start3A_303] : memref<2528x2x128xi32, #tpu.memory_space<hbm>> -> memref<1x2x128xi32, #tpu.memory_space<hbm>>
          %dma_start3A_305 = tpu.memref_squeeze %dma_start3A_304 : memref<1x2x128xi32, #tpu.memory_space<hbm>> -> memref<2x128xi32, #tpu.memory_space<hbm>>
          tpu.enqueue_dma source(%dma_start3A_305 : memref<2x128xi32, #tpu.memory_space<hbm>>) target(%arg13 : memref<2x128xi32, #tpu.memory_space<vmem>>) target_semaphore(%arg27 : memref<!tpu.dma_semaphore, #tpu.memory_space<semaphore_mem>>)
        } else {
        }
        %dma_start3A_288 = arith.constant 1 : i32
        %dma_start3A_289 = arith.constant 0 : i32
        %dma_start3A_290 = tpu.memref_slice %arg10[%dma_start3A_288, %dma_start3A_289] : memref<2x128xi32, #tpu.memory_space<vmem>> -> memref<1x128xi32, #tpu.memory_space<vmem>>
        %dma_start3A_291 = tpu.memref_squeeze %dma_start3A_290 : memref<1x128xi32, #tpu.memory_space<vmem>> -> memref<128xi32, #tpu.memory_space<vmem>>
        %dma_start3A_292 = arith.constant 0 : i32
        %dma_start3A_293 = arith.constant 0 : i32
        %dma_start3A_294 = tpu.memref_slice %arg19[%dma_start3A_292, %dma_start3A_293] : memref<10240x64xf32, #tpu.memory_space<vmem_shared>> -> memref<10240x64xf32, #tpu.memory_space<vmem_shared>>
        tpu.enqueue_indirect_dma source(%arg14 : memref<128x64xf32, #tpu.memory_space<vmem>>) target(%dma_start3A_294 : memref<10240x64xf32, #tpu.memory_space<vmem_shared>>) offsets(%dma_start3A_291 : memref<128xi32, #tpu.memory_space<vmem>>) semaphore(%arg32 : memref<!tpu.dma_semaphore, #tpu.memory_space<semaphore_mem>>) {add = true}
      } else {
      }
      %jit3A_197 = arith.constant 8 : i32
      %eq3A_198 = arith.constant 0 : i32
      %eq3A_199 = arith.cmpi eq, %jit3A_197, %eq3A_198 : i32
      %jit3A_200 = arith.constant 1 : i32
      %select_n3A_201 = arith.select %eq3A_199, %jit3A_200, %jit3A_197 : i32
      %rem3A_202 = arith.remsi %scan3A_100, %select_n3A_201 : i32
      %ne3A_203 = arith.constant 0 : i32
      %ne3A_204 = arith.cmpi ne, %rem3A_202, %ne3A_203 : i32
      %lt3A_205 = arith.constant 0 : i32
      %lt3A_206 = arith.cmpi slt, %rem3A_202, %lt3A_205 : i32
      %lt3A_207 = arith.constant 0 : i32
      %lt3A_208 = arith.cmpi slt, %select_n3A_201, %lt3A_207 : i32
      %ne3A_209 = arith.xori %lt3A_206, %lt3A_208 : i1
      %and3A_210 = arith.andi %ne3A_209, %ne3A_204 : i1
      %add3A_211 = arith.addi %rem3A_202, %select_n3A_201 : i32
      %select_n3A_212 = arith.select %and3A_210, %add3A_211, %rem3A_202 : i32
      %eq3A_213 = arith.constant 5 : i32
      %eq3A_214 = arith.cmpi eq, %select_n3A_212, %eq3A_213 : i32
      %convert_element_type3A_215 = arith.extui %eq3A_214 : i1 to i32
      %cond3A_216 = arith.constant 0 : i32
      %cond3A_217 = arith.cmpi ne, %convert_element_type3A_215, %cond3A_216 : i32
      scf.if %cond3A_217 {
        %add3A_260 = arith.constant 1 : i32
        %add3A_261 = arith.addi %scan3A_100, %add3A_260 : i32
        %lt3A_262 = arith.constant 79 : i32
        %lt3A_263 = arith.cmpi slt, %add3A_261, %lt3A_262 : i32
        %ge3A = arith.constant 3 : i32
        %ge3A_264 = arith.cmpi sge, %scan3A_100, %ge3A : i32
        %and3A_265 = arith.andi %lt3A_263, %ge3A_264 : i1
        %convert_element_type3A_266 = arith.extui %and3A_265 : i1 to i32
        %cond3A_267 = arith.constant 0 : i32
        %cond3A_268 = arith.cmpi ne, %convert_element_type3A_266, %cond3A_267 : i32
        scf.if %cond3A_268 {
          %dma_wait3A_295 = arith.constant 1 : i32
          %dma_wait3A_296 = arith.constant 0 : i32
          %dma_wait3A_297 = tpu.memref_slice %arg8[%dma_wait3A_295, %dma_wait3A_296] : memref<2x128xi32, #tpu.memory_space<vmem>> -> memref<1x128xi32, #tpu.memory_space<vmem>>
          %dma_wait3A_298 = tpu.memref_squeeze %dma_wait3A_297 : memref<1x128xi32, #tpu.memory_space<vmem>> -> memref<128xi32, #tpu.memory_space<vmem>>
          %dma_wait3A_299 = arith.constant 0 : i32
          %dma_wait3A_300 = arith.constant 0 : i32
          %dma_wait3A_301 = tpu.memref_slice %arg19[%dma_wait3A_299, %dma_wait3A_300] : memref<10240x64xf32, #tpu.memory_space<vmem_shared>> -> memref<10240x64xf32, #tpu.memory_space<vmem_shared>>
          tpu.wait_indirect_dma semaphore(%arg34 : memref<!tpu.dma_semaphore, #tpu.memory_space<semaphore_mem>>) src(%arg16 : memref<128x64xf32, #tpu.memory_space<vmem>>) dst(%dma_wait3A_301 : memref<10240x64xf32, #tpu.memory_space<vmem_shared>>)
        } else {
        }
        %lt3A_269 = arith.constant 79 : i32
        %lt3A_270 = arith.cmpi slt, %add3A_261, %lt3A_269 : i32
        %convert_element_type3A_271 = arith.extui %lt3A_270 : i1 to i32
        %cond3A_272 = arith.constant 0 : i32
        %cond3A_273 = arith.cmpi ne, %convert_element_type3A_271, %cond3A_272 : i32
        scf.if %cond3A_273 {
          %add3A_295 = arith.addi %mul3A_2, %add3A_261 : i32
          %dma_wait3A_296 = arith.constant 0 : i32
          %dma_wait3A_297 = arith.constant 0 : i32
          %dma_wait3A_298 = tpu.memref_slice %arg3[%add3A_295, %dma_wait3A_296, %dma_wait3A_297] : memref<2528x2x128xi32, #tpu.memory_space<hbm>> -> memref<1x2x128xi32, #tpu.memory_space<hbm>>
          %dma_wait3A_299 = tpu.memref_squeeze %dma_wait3A_298 : memref<1x2x128xi32, #tpu.memory_space<hbm>> -> memref<2x128xi32, #tpu.memory_space<hbm>>
          %dma_wait3A_300 = arith.constant 0 : i32
          %dma_wait3A_301 = arith.constant 0 : i32
          %dma_wait3A_302 = tpu.memref_slice %arg3[%add3A_295, %dma_wait3A_300, %dma_wait3A_301] : memref<2528x2x128xi32, #tpu.memory_space<hbm>> -> memref<1x2x128xi32, #tpu.memory_space<hbm>>
          %dma_wait3A_303 = tpu.memref_squeeze %dma_wait3A_302 : memref<1x2x128xi32, #tpu.memory_space<hbm>> -> memref<2x128xi32, #tpu.memory_space<hbm>>
          tpu.wait_dma2 semaphore(%arg26 : memref<!tpu.dma_semaphore, #tpu.memory_space<semaphore_mem>>) src(%dma_wait3A_303 : memref<2x128xi32, #tpu.memory_space<hbm>>) dst(%arg12 : memref<2x128xi32, #tpu.memory_space<vmem>>)
          %dma_start3A_304 = arith.constant 0 : i32
          %dma_start3A_305 = arith.constant 0 : i32
          %dma_start3A_306 = tpu.memref_slice %arg12[%dma_start3A_304, %dma_start3A_305] : memref<2x128xi32, #tpu.memory_space<vmem>> -> memref<1x128xi32, #tpu.memory_space<vmem>>
          %dma_start3A_307 = tpu.memref_squeeze %dma_start3A_306 : memref<1x128xi32, #tpu.memory_space<vmem>> -> memref<128xi32, #tpu.memory_space<vmem>>
          %dma_start3A_308 = arith.constant 0 : i32
          %dma_start3A_309 = arith.constant 0 : i32
          %dma_start3A_310 = tpu.memref_slice %arg18[%dma_start3A_308, %dma_start3A_309] : memref<10016x64xf32, #tpu.memory_space<vmem_shared>> -> memref<10016x64xf32, #tpu.memory_space<vmem_shared>>
          tpu.enqueue_indirect_dma source(%dma_start3A_310 : memref<10016x64xf32, #tpu.memory_space<vmem_shared>>) target(%arg16 : memref<128x64xf32, #tpu.memory_space<vmem>>) offsets(%dma_start3A_307 : memref<128xi32, #tpu.memory_space<vmem>>) semaphore(%arg30 : memref<!tpu.dma_semaphore, #tpu.memory_space<semaphore_mem>>)
        } else {
        }
        %dma_wait3A_274 = arith.constant 0 : i32
        %dma_wait3A_275 = arith.constant 0 : i32
        %dma_wait3A_276 = tpu.memref_slice %arg11[%dma_wait3A_274, %dma_wait3A_275] : memref<2x128xi32, #tpu.memory_space<vmem>> -> memref<1x128xi32, #tpu.memory_space<vmem>>
        %dma_wait3A_277 = tpu.memref_squeeze %dma_wait3A_276 : memref<1x128xi32, #tpu.memory_space<vmem>> -> memref<128xi32, #tpu.memory_space<vmem>>
        %dma_wait3A_278 = arith.constant 0 : i32
        %dma_wait3A_279 = arith.constant 0 : i32
        %dma_wait3A_280 = tpu.memref_slice %arg18[%dma_wait3A_278, %dma_wait3A_279] : memref<10016x64xf32, #tpu.memory_space<vmem_shared>> -> memref<10016x64xf32, #tpu.memory_space<vmem_shared>>
        tpu.wait_indirect_dma semaphore(%arg29 : memref<!tpu.dma_semaphore, #tpu.memory_space<semaphore_mem>>) src(%dma_wait3A_280 : memref<10016x64xf32, #tpu.memory_space<vmem_shared>>) dst(%arg15 : memref<128x64xf32, #tpu.memory_space<vmem>>)
        %add3A_281 = arith.constant 3 : i32
        %add3A_282 = arith.addi %scan3A_100, %add3A_281 : i32
        %lt3A_283 = arith.constant 79 : i32
        %lt3A_284 = arith.cmpi slt, %add3A_282, %lt3A_283 : i32
        %convert_element_type3A_285 = arith.extui %lt3A_284 : i1 to i32
        %cond3A_286 = arith.constant 0 : i32
        %cond3A_287 = arith.cmpi ne, %convert_element_type3A_285, %cond3A_286 : i32
        scf.if %cond3A_287 {
          %add3A_295 = arith.addi %mul3A_2, %scan3A_100 : i32
          %add3A_296 = arith.constant 3 : i32
          %add3A_297 = arith.addi %add3A_295, %add3A_296 : i32
          %dma_start3A_298 = arith.constant 0 : i32
          %dma_start3A_299 = arith.constant 0 : i32
          %dma_start3A_300 = tpu.memref_slice %arg3[%add3A_297, %dma_start3A_298, %dma_start3A_299] : memref<2528x2x128xi32, #tpu.memory_space<hbm>> -> memref<1x2x128xi32, #tpu.memory_space<hbm>>
          %dma_start3A_301 = tpu.memref_squeeze %dma_start3A_300 : memref<1x2x128xi32, #tpu.memory_space<hbm>> -> memref<2x128xi32, #tpu.memory_space<hbm>>
          %dma_start3A_302 = arith.constant 0 : i32
          %dma_start3A_303 = arith.constant 0 : i32
          %dma_start3A_304 = tpu.memref_slice %arg3[%add3A_297, %dma_start3A_302, %dma_start3A_303] : memref<2528x2x128xi32, #tpu.memory_space<hbm>> -> memref<1x2x128xi32, #tpu.memory_space<hbm>>
          %dma_start3A_305 = tpu.memref_squeeze %dma_start3A_304 : memref<1x2x128xi32, #tpu.memory_space<hbm>> -> memref<2x128xi32, #tpu.memory_space<hbm>>
          tpu.enqueue_dma source(%dma_start3A_305 : memref<2x128xi32, #tpu.memory_space<hbm>>) target(%arg6 : memref<2x128xi32, #tpu.memory_space<vmem>>) target_semaphore(%arg20 : memref<!tpu.dma_semaphore, #tpu.memory_space<semaphore_mem>>)
        } else {
        }
        %dma_start3A_288 = arith.constant 1 : i32
        %dma_start3A_289 = arith.constant 0 : i32
        %dma_start3A_290 = tpu.memref_slice %arg11[%dma_start3A_288, %dma_start3A_289] : memref<2x128xi32, #tpu.memory_space<vmem>> -> memref<1x128xi32, #tpu.memory_space<vmem>>
        %dma_start3A_291 = tpu.memref_squeeze %dma_start3A_290 : memref<1x128xi32, #tpu.memory_space<vmem>> -> memref<128xi32, #tpu.memory_space<vmem>>
        %dma_start3A_292 = arith.constant 0 : i32
        %dma_start3A_293 = arith.constant 0 : i32
        %dma_start3A_294 = tpu.memref_slice %arg19[%dma_start3A_292, %dma_start3A_293] : memref<10240x64xf32, #tpu.memory_space<vmem_shared>> -> memref<10240x64xf32, #tpu.memory_space<vmem_shared>>
        tpu.enqueue_indirect_dma source(%arg15 : memref<128x64xf32, #tpu.memory_space<vmem>>) target(%dma_start3A_294 : memref<10240x64xf32, #tpu.memory_space<vmem_shared>>) offsets(%dma_start3A_291 : memref<128xi32, #tpu.memory_space<vmem>>) semaphore(%arg33 : memref<!tpu.dma_semaphore, #tpu.memory_space<semaphore_mem>>) {add = true}
      } else {
      }
      %jit3A_218 = arith.constant 8 : i32
      %eq3A_219 = arith.constant 0 : i32
      %eq3A_220 = arith.cmpi eq, %jit3A_218, %eq3A_219 : i32
      %jit3A_221 = arith.constant 1 : i32
      %select_n3A_222 = arith.select %eq3A_220, %jit3A_221, %jit3A_218 : i32
      %rem3A_223 = arith.remsi %scan3A_100, %select_n3A_222 : i32
      %ne3A_224 = arith.constant 0 : i32
      %ne3A_225 = arith.cmpi ne, %rem3A_223, %ne3A_224 : i32
      %lt3A_226 = arith.constant 0 : i32
      %lt3A_227 = arith.cmpi slt, %rem3A_223, %lt3A_226 : i32
      %lt3A_228 = arith.constant 0 : i32
      %lt3A_229 = arith.cmpi slt, %select_n3A_222, %lt3A_228 : i32
      %ne3A_230 = arith.xori %lt3A_227, %lt3A_229 : i1
      %and3A_231 = arith.andi %ne3A_230, %ne3A_225 : i1
      %add3A_232 = arith.addi %rem3A_223, %select_n3A_222 : i32
      %select_n3A_233 = arith.select %and3A_231, %add3A_232, %rem3A_223 : i32
      %eq3A_234 = arith.constant 6 : i32
      %eq3A_235 = arith.cmpi eq, %select_n3A_233, %eq3A_234 : i32
      %convert_element_type3A_236 = arith.extui %eq3A_235 : i1 to i32
      %cond3A_237 = arith.constant 0 : i32
      %cond3A_238 = arith.cmpi ne, %convert_element_type3A_236, %cond3A_237 : i32
      scf.if %cond3A_238 {
        %add3A_260 = arith.constant 1 : i32
        %add3A_261 = arith.addi %scan3A_100, %add3A_260 : i32
        %lt3A_262 = arith.constant 79 : i32
        %lt3A_263 = arith.cmpi slt, %add3A_261, %lt3A_262 : i32
        %ge3A = arith.constant 3 : i32
        %ge3A_264 = arith.cmpi sge, %scan3A_100, %ge3A : i32
        %and3A_265 = arith.andi %lt3A_263, %ge3A_264 : i1
        %convert_element_type3A_266 = arith.extui %and3A_265 : i1 to i32
        %cond3A_267 = arith.constant 0 : i32
        %cond3A_268 = arith.cmpi ne, %convert_element_type3A_266, %cond3A_267 : i32
        scf.if %cond3A_268 {
          %dma_wait3A_295 = arith.constant 1 : i32
          %dma_wait3A_296 = arith.constant 0 : i32
          %dma_wait3A_297 = tpu.memref_slice %arg9[%dma_wait3A_295, %dma_wait3A_296] : memref<2x128xi32, #tpu.memory_space<vmem>> -> memref<1x128xi32, #tpu.memory_space<vmem>>
          %dma_wait3A_298 = tpu.memref_squeeze %dma_wait3A_297 : memref<1x128xi32, #tpu.memory_space<vmem>> -> memref<128xi32, #tpu.memory_space<vmem>>
          %dma_wait3A_299 = arith.constant 0 : i32
          %dma_wait3A_300 = arith.constant 0 : i32
          %dma_wait3A_301 = tpu.memref_slice %arg19[%dma_wait3A_299, %dma_wait3A_300] : memref<10240x64xf32, #tpu.memory_space<vmem_shared>> -> memref<10240x64xf32, #tpu.memory_space<vmem_shared>>
          tpu.wait_indirect_dma semaphore(%arg35 : memref<!tpu.dma_semaphore, #tpu.memory_space<semaphore_mem>>) src(%arg17 : memref<128x64xf32, #tpu.memory_space<vmem>>) dst(%dma_wait3A_301 : memref<10240x64xf32, #tpu.memory_space<vmem_shared>>)
        } else {
        }
        %lt3A_269 = arith.constant 79 : i32
        %lt3A_270 = arith.cmpi slt, %add3A_261, %lt3A_269 : i32
        %convert_element_type3A_271 = arith.extui %lt3A_270 : i1 to i32
        %cond3A_272 = arith.constant 0 : i32
        %cond3A_273 = arith.cmpi ne, %convert_element_type3A_271, %cond3A_272 : i32
        scf.if %cond3A_273 {
          %add3A_295 = arith.addi %mul3A_2, %add3A_261 : i32
          %dma_wait3A_296 = arith.constant 0 : i32
          %dma_wait3A_297 = arith.constant 0 : i32
          %dma_wait3A_298 = tpu.memref_slice %arg3[%add3A_295, %dma_wait3A_296, %dma_wait3A_297] : memref<2528x2x128xi32, #tpu.memory_space<hbm>> -> memref<1x2x128xi32, #tpu.memory_space<hbm>>
          %dma_wait3A_299 = tpu.memref_squeeze %dma_wait3A_298 : memref<1x2x128xi32, #tpu.memory_space<hbm>> -> memref<2x128xi32, #tpu.memory_space<hbm>>
          %dma_wait3A_300 = arith.constant 0 : i32
          %dma_wait3A_301 = arith.constant 0 : i32
          %dma_wait3A_302 = tpu.memref_slice %arg3[%add3A_295, %dma_wait3A_300, %dma_wait3A_301] : memref<2528x2x128xi32, #tpu.memory_space<hbm>> -> memref<1x2x128xi32, #tpu.memory_space<hbm>>
          %dma_wait3A_303 = tpu.memref_squeeze %dma_wait3A_302 : memref<1x2x128xi32, #tpu.memory_space<hbm>> -> memref<2x128xi32, #tpu.memory_space<hbm>>
          tpu.wait_dma2 semaphore(%arg27 : memref<!tpu.dma_semaphore, #tpu.memory_space<semaphore_mem>>) src(%dma_wait3A_303 : memref<2x128xi32, #tpu.memory_space<hbm>>) dst(%arg13 : memref<2x128xi32, #tpu.memory_space<vmem>>)
          %dma_start3A_304 = arith.constant 0 : i32
          %dma_start3A_305 = arith.constant 0 : i32
          %dma_start3A_306 = tpu.memref_slice %arg13[%dma_start3A_304, %dma_start3A_305] : memref<2x128xi32, #tpu.memory_space<vmem>> -> memref<1x128xi32, #tpu.memory_space<vmem>>
          %dma_start3A_307 = tpu.memref_squeeze %dma_start3A_306 : memref<1x128xi32, #tpu.memory_space<vmem>> -> memref<128xi32, #tpu.memory_space<vmem>>
          %dma_start3A_308 = arith.constant 0 : i32
          %dma_start3A_309 = arith.constant 0 : i32
          %dma_start3A_310 = tpu.memref_slice %arg18[%dma_start3A_308, %dma_start3A_309] : memref<10016x64xf32, #tpu.memory_space<vmem_shared>> -> memref<10016x64xf32, #tpu.memory_space<vmem_shared>>
          tpu.enqueue_indirect_dma source(%dma_start3A_310 : memref<10016x64xf32, #tpu.memory_space<vmem_shared>>) target(%arg17 : memref<128x64xf32, #tpu.memory_space<vmem>>) offsets(%dma_start3A_307 : memref<128xi32, #tpu.memory_space<vmem>>) semaphore(%arg31 : memref<!tpu.dma_semaphore, #tpu.memory_space<semaphore_mem>>)
        } else {
        }
        %dma_wait3A_274 = arith.constant 0 : i32
        %dma_wait3A_275 = arith.constant 0 : i32
        %dma_wait3A_276 = tpu.memref_slice %arg12[%dma_wait3A_274, %dma_wait3A_275] : memref<2x128xi32, #tpu.memory_space<vmem>> -> memref<1x128xi32, #tpu.memory_space<vmem>>
        %dma_wait3A_277 = tpu.memref_squeeze %dma_wait3A_276 : memref<1x128xi32, #tpu.memory_space<vmem>> -> memref<128xi32, #tpu.memory_space<vmem>>
        %dma_wait3A_278 = arith.constant 0 : i32
        %dma_wait3A_279 = arith.constant 0 : i32
        %dma_wait3A_280 = tpu.memref_slice %arg18[%dma_wait3A_278, %dma_wait3A_279] : memref<10016x64xf32, #tpu.memory_space<vmem_shared>> -> memref<10016x64xf32, #tpu.memory_space<vmem_shared>>
        tpu.wait_indirect_dma semaphore(%arg30 : memref<!tpu.dma_semaphore, #tpu.memory_space<semaphore_mem>>) src(%dma_wait3A_280 : memref<10016x64xf32, #tpu.memory_space<vmem_shared>>) dst(%arg16 : memref<128x64xf32, #tpu.memory_space<vmem>>)
        %add3A_281 = arith.constant 3 : i32
        %add3A_282 = arith.addi %scan3A_100, %add3A_281 : i32
        %lt3A_283 = arith.constant 79 : i32
        %lt3A_284 = arith.cmpi slt, %add3A_282, %lt3A_283 : i32
        %convert_element_type3A_285 = arith.extui %lt3A_284 : i1 to i32
        %cond3A_286 = arith.constant 0 : i32
        %cond3A_287 = arith.cmpi ne, %convert_element_type3A_285, %cond3A_286 : i32
        scf.if %cond3A_287 {
          %add3A_295 = arith.addi %mul3A_2, %scan3A_100 : i32
          %add3A_296 = arith.constant 3 : i32
          %add3A_297 = arith.addi %add3A_295, %add3A_296 : i32
          %dma_start3A_298 = arith.constant 0 : i32
          %dma_start3A_299 = arith.constant 0 : i32
          %dma_start3A_300 = tpu.memref_slice %arg3[%add3A_297, %dma_start3A_298, %dma_start3A_299] : memref<2528x2x128xi32, #tpu.memory_space<hbm>> -> memref<1x2x128xi32, #tpu.memory_space<hbm>>
          %dma_start3A_301 = tpu.memref_squeeze %dma_start3A_300 : memref<1x2x128xi32, #tpu.memory_space<hbm>> -> memref<2x128xi32, #tpu.memory_space<hbm>>
          %dma_start3A_302 = arith.constant 0 : i32
          %dma_start3A_303 = arith.constant 0 : i32
          %dma_start3A_304 = tpu.memref_slice %arg3[%add3A_297, %dma_start3A_302, %dma_start3A_303] : memref<2528x2x128xi32, #tpu.memory_space<hbm>> -> memref<1x2x128xi32, #tpu.memory_space<hbm>>
          %dma_start3A_305 = tpu.memref_squeeze %dma_start3A_304 : memref<1x2x128xi32, #tpu.memory_space<hbm>> -> memref<2x128xi32, #tpu.memory_space<hbm>>
          tpu.enqueue_dma source(%dma_start3A_305 : memref<2x128xi32, #tpu.memory_space<hbm>>) target(%arg7 : memref<2x128xi32, #tpu.memory_space<vmem>>) target_semaphore(%arg21 : memref<!tpu.dma_semaphore, #tpu.memory_space<semaphore_mem>>)
        } else {
        }
        %dma_start3A_288 = arith.constant 1 : i32
        %dma_start3A_289 = arith.constant 0 : i32
        %dma_start3A_290 = tpu.memref_slice %arg12[%dma_start3A_288, %dma_start3A_289] : memref<2x128xi32, #tpu.memory_space<vmem>> -> memref<1x128xi32, #tpu.memory_space<vmem>>
        %dma_start3A_291 = tpu.memref_squeeze %dma_start3A_290 : memref<1x128xi32, #tpu.memory_space<vmem>> -> memref<128xi32, #tpu.memory_space<vmem>>
        %dma_start3A_292 = arith.constant 0 : i32
        %dma_start3A_293 = arith.constant 0 : i32
        %dma_start3A_294 = tpu.memref_slice %arg19[%dma_start3A_292, %dma_start3A_293] : memref<10240x64xf32, #tpu.memory_space<vmem_shared>> -> memref<10240x64xf32, #tpu.memory_space<vmem_shared>>
        tpu.enqueue_indirect_dma source(%arg16 : memref<128x64xf32, #tpu.memory_space<vmem>>) target(%dma_start3A_294 : memref<10240x64xf32, #tpu.memory_space<vmem_shared>>) offsets(%dma_start3A_291 : memref<128xi32, #tpu.memory_space<vmem>>) semaphore(%arg34 : memref<!tpu.dma_semaphore, #tpu.memory_space<semaphore_mem>>) {add = true}
      } else {
      }
      %jit3A_239 = arith.constant 8 : i32
      %eq3A_240 = arith.constant 0 : i32
      %eq3A_241 = arith.cmpi eq, %jit3A_239, %eq3A_240 : i32
      %jit3A_242 = arith.constant 1 : i32
      %select_n3A_243 = arith.select %eq3A_241, %jit3A_242, %jit3A_239 : i32
      %rem3A_244 = arith.remsi %scan3A_100, %select_n3A_243 : i32
      %ne3A_245 = arith.constant 0 : i32
      %ne3A_246 = arith.cmpi ne, %rem3A_244, %ne3A_245 : i32
      %lt3A_247 = arith.constant 0 : i32
      %lt3A_248 = arith.cmpi slt, %rem3A_244, %lt3A_247 : i32
      %lt3A_249 = arith.constant 0 : i32
      %lt3A_250 = arith.cmpi slt, %select_n3A_243, %lt3A_249 : i32
      %ne3A_251 = arith.xori %lt3A_248, %lt3A_250 : i1
      %and3A_252 = arith.andi %ne3A_251, %ne3A_246 : i1
      %add3A_253 = arith.addi %rem3A_244, %select_n3A_243 : i32
      %select_n3A_254 = arith.select %and3A_252, %add3A_253, %rem3A_244 : i32
      %eq3A_255 = arith.constant 7 : i32
      %eq3A_256 = arith.cmpi eq, %select_n3A_254, %eq3A_255 : i32
      %convert_element_type3A_257 = arith.extui %eq3A_256 : i1 to i32
      %cond3A_258 = arith.constant 0 : i32
      %cond3A_259 = arith.cmpi ne, %convert_element_type3A_257, %cond3A_258 : i32
      scf.if %cond3A_259 {
        %add3A_260 = arith.constant 1 : i32
        %add3A_261 = arith.addi %scan3A_100, %add3A_260 : i32
        %lt3A_262 = arith.constant 79 : i32
        %lt3A_263 = arith.cmpi slt, %add3A_261, %lt3A_262 : i32
        %ge3A = arith.constant 3 : i32
        %ge3A_264 = arith.cmpi sge, %scan3A_100, %ge3A : i32
        %and3A_265 = arith.andi %lt3A_263, %ge3A_264 : i1
        %convert_element_type3A_266 = arith.extui %and3A_265 : i1 to i32
        %cond3A_267 = arith.constant 0 : i32
        %cond3A_268 = arith.cmpi ne, %convert_element_type3A_266, %cond3A_267 : i32
        scf.if %cond3A_268 {
          %dma_wait3A_295 = arith.constant 1 : i32
          %dma_wait3A_296 = arith.constant 0 : i32
          %dma_wait3A_297 = tpu.memref_slice %arg10[%dma_wait3A_295, %dma_wait3A_296] : memref<2x128xi32, #tpu.memory_space<vmem>> -> memref<1x128xi32, #tpu.memory_space<vmem>>
          %dma_wait3A_298 = tpu.memref_squeeze %dma_wait3A_297 : memref<1x128xi32, #tpu.memory_space<vmem>> -> memref<128xi32, #tpu.memory_space<vmem>>
          %dma_wait3A_299 = arith.constant 0 : i32
          %dma_wait3A_300 = arith.constant 0 : i32
          %dma_wait3A_301 = tpu.memref_slice %arg19[%dma_wait3A_299, %dma_wait3A_300] : memref<10240x64xf32, #tpu.memory_space<vmem_shared>> -> memref<10240x64xf32, #tpu.memory_space<vmem_shared>>
          tpu.wait_indirect_dma semaphore(%arg32 : memref<!tpu.dma_semaphore, #tpu.memory_space<semaphore_mem>>) src(%arg14 : memref<128x64xf32, #tpu.memory_space<vmem>>) dst(%dma_wait3A_301 : memref<10240x64xf32, #tpu.memory_space<vmem_shared>>)
        } else {
        }
        %lt3A_269 = arith.constant 79 : i32
        %lt3A_270 = arith.cmpi slt, %add3A_261, %lt3A_269 : i32
        %convert_element_type3A_271 = arith.extui %lt3A_270 : i1 to i32
        %cond3A_272 = arith.constant 0 : i32
        %cond3A_273 = arith.cmpi ne, %convert_element_type3A_271, %cond3A_272 : i32
        scf.if %cond3A_273 {
          %add3A_295 = arith.addi %mul3A_2, %add3A_261 : i32
          %dma_wait3A_296 = arith.constant 0 : i32
          %dma_wait3A_297 = arith.constant 0 : i32
          %dma_wait3A_298 = tpu.memref_slice %arg3[%add3A_295, %dma_wait3A_296, %dma_wait3A_297] : memref<2528x2x128xi32, #tpu.memory_space<hbm>> -> memref<1x2x128xi32, #tpu.memory_space<hbm>>
          %dma_wait3A_299 = tpu.memref_squeeze %dma_wait3A_298 : memref<1x2x128xi32, #tpu.memory_space<hbm>> -> memref<2x128xi32, #tpu.memory_space<hbm>>
          %dma_wait3A_300 = arith.constant 0 : i32
          %dma_wait3A_301 = arith.constant 0 : i32
          %dma_wait3A_302 = tpu.memref_slice %arg3[%add3A_295, %dma_wait3A_300, %dma_wait3A_301] : memref<2528x2x128xi32, #tpu.memory_space<hbm>> -> memref<1x2x128xi32, #tpu.memory_space<hbm>>
          %dma_wait3A_303 = tpu.memref_squeeze %dma_wait3A_302 : memref<1x2x128xi32, #tpu.memory_space<hbm>> -> memref<2x128xi32, #tpu.memory_space<hbm>>
          tpu.wait_dma2 semaphore(%arg20 : memref<!tpu.dma_semaphore, #tpu.memory_space<semaphore_mem>>) src(%dma_wait3A_303 : memref<2x128xi32, #tpu.memory_space<hbm>>) dst(%arg6 : memref<2x128xi32, #tpu.memory_space<vmem>>)
          %dma_start3A_304 = arith.constant 0 : i32
          %dma_start3A_305 = arith.constant 0 : i32
          %dma_start3A_306 = tpu.memref_slice %arg6[%dma_start3A_304, %dma_start3A_305] : memref<2x128xi32, #tpu.memory_space<vmem>> -> memref<1x128xi32, #tpu.memory_space<vmem>>
          %dma_start3A_307 = tpu.memref_squeeze %dma_start3A_306 : memref<1x128xi32, #tpu.memory_space<vmem>> -> memref<128xi32, #tpu.memory_space<vmem>>
          %dma_start3A_308 = arith.constant 0 : i32
          %dma_start3A_309 = arith.constant 0 : i32
          %dma_start3A_310 = tpu.memref_slice %arg18[%dma_start3A_308, %dma_start3A_309] : memref<10016x64xf32, #tpu.memory_space<vmem_shared>> -> memref<10016x64xf32, #tpu.memory_space<vmem_shared>>
          tpu.enqueue_indirect_dma source(%dma_start3A_310 : memref<10016x64xf32, #tpu.memory_space<vmem_shared>>) target(%arg14 : memref<128x64xf32, #tpu.memory_space<vmem>>) offsets(%dma_start3A_307 : memref<128xi32, #tpu.memory_space<vmem>>) semaphore(%arg28 : memref<!tpu.dma_semaphore, #tpu.memory_space<semaphore_mem>>)
        } else {
        }
        %dma_wait3A_274 = arith.constant 0 : i32
        %dma_wait3A_275 = arith.constant 0 : i32
        %dma_wait3A_276 = tpu.memref_slice %arg13[%dma_wait3A_274, %dma_wait3A_275] : memref<2x128xi32, #tpu.memory_space<vmem>> -> memref<1x128xi32, #tpu.memory_space<vmem>>
        %dma_wait3A_277 = tpu.memref_squeeze %dma_wait3A_276 : memref<1x128xi32, #tpu.memory_space<vmem>> -> memref<128xi32, #tpu.memory_space<vmem>>
        %dma_wait3A_278 = arith.constant 0 : i32
        %dma_wait3A_279 = arith.constant 0 : i32
        %dma_wait3A_280 = tpu.memref_slice %arg18[%dma_wait3A_278, %dma_wait3A_279] : memref<10016x64xf32, #tpu.memory_space<vmem_shared>> -> memref<10016x64xf32, #tpu.memory_space<vmem_shared>>
        tpu.wait_indirect_dma semaphore(%arg31 : memref<!tpu.dma_semaphore, #tpu.memory_space<semaphore_mem>>) src(%dma_wait3A_280 : memref<10016x64xf32, #tpu.memory_space<vmem_shared>>) dst(%arg17 : memref<128x64xf32, #tpu.memory_space<vmem>>)
        %add3A_281 = arith.constant 3 : i32
        %add3A_282 = arith.addi %scan3A_100, %add3A_281 : i32
        %lt3A_283 = arith.constant 79 : i32
        %lt3A_284 = arith.cmpi slt, %add3A_282, %lt3A_283 : i32
        %convert_element_type3A_285 = arith.extui %lt3A_284 : i1 to i32
        %cond3A_286 = arith.constant 0 : i32
        %cond3A_287 = arith.cmpi ne, %convert_element_type3A_285, %cond3A_286 : i32
        scf.if %cond3A_287 {
          %add3A_295 = arith.addi %mul3A_2, %scan3A_100 : i32
          %add3A_296 = arith.constant 3 : i32
          %add3A_297 = arith.addi %add3A_295, %add3A_296 : i32
          %dma_start3A_298 = arith.constant 0 : i32
          %dma_start3A_299 = arith.constant 0 : i32
          %dma_start3A_300 = tpu.memref_slice %arg3[%add3A_297, %dma_start3A_298, %dma_start3A_299] : memref<2528x2x128xi32, #tpu.memory_space<hbm>> -> memref<1x2x128xi32, #tpu.memory_space<hbm>>
          %dma_start3A_301 = tpu.memref_squeeze %dma_start3A_300 : memref<1x2x128xi32, #tpu.memory_space<hbm>> -> memref<2x128xi32, #tpu.memory_space<hbm>>
          %dma_start3A_302 = arith.constant 0 : i32
          %dma_start3A_303 = arith.constant 0 : i32
          %dma_start3A_304 = tpu.memref_slice %arg3[%add3A_297, %dma_start3A_302, %dma_start3A_303] : memref<2528x2x128xi32, #tpu.memory_space<hbm>> -> memref<1x2x128xi32, #tpu.memory_space<hbm>>
          %dma_start3A_305 = tpu.memref_squeeze %dma_start3A_304 : memref<1x2x128xi32, #tpu.memory_space<hbm>> -> memref<2x128xi32, #tpu.memory_space<hbm>>
          tpu.enqueue_dma source(%dma_start3A_305 : memref<2x128xi32, #tpu.memory_space<hbm>>) target(%arg8 : memref<2x128xi32, #tpu.memory_space<vmem>>) target_semaphore(%arg22 : memref<!tpu.dma_semaphore, #tpu.memory_space<semaphore_mem>>)
        } else {
        }
        %dma_start3A_288 = arith.constant 1 : i32
        %dma_start3A_289 = arith.constant 0 : i32
        %dma_start3A_290 = tpu.memref_slice %arg13[%dma_start3A_288, %dma_start3A_289] : memref<2x128xi32, #tpu.memory_space<vmem>> -> memref<1x128xi32, #tpu.memory_space<vmem>>
        %dma_start3A_291 = tpu.memref_squeeze %dma_start3A_290 : memref<1x128xi32, #tpu.memory_space<vmem>> -> memref<128xi32, #tpu.memory_space<vmem>>
        %dma_start3A_292 = arith.constant 0 : i32
        %dma_start3A_293 = arith.constant 0 : i32
        %dma_start3A_294 = tpu.memref_slice %arg19[%dma_start3A_292, %dma_start3A_293] : memref<10240x64xf32, #tpu.memory_space<vmem_shared>> -> memref<10240x64xf32, #tpu.memory_space<vmem_shared>>
        tpu.enqueue_indirect_dma source(%arg17 : memref<128x64xf32, #tpu.memory_space<vmem>>) target(%dma_start3A_294 : memref<10240x64xf32, #tpu.memory_space<vmem_shared>>) offsets(%dma_start3A_291 : memref<128xi32, #tpu.memory_space<vmem>>) semaphore(%arg35 : memref<!tpu.dma_semaphore, #tpu.memory_space<semaphore_mem>>) {add = true}
      } else {
      }
    }
    %scan3A_67 = arith.constant 79 : i32
    %dma_wait3A = arith.constant 1 : i32
    %dma_wait3A_68 = arith.constant 0 : i32
    %dma_wait3A_69 = tpu.memref_slice %arg9[%dma_wait3A, %dma_wait3A_68] : memref<2x128xi32, #tpu.memory_space<vmem>> -> memref<1x128xi32, #tpu.memory_space<vmem>>
    %dma_wait3A_70 = tpu.memref_squeeze %dma_wait3A_69 : memref<1x128xi32, #tpu.memory_space<vmem>> -> memref<128xi32, #tpu.memory_space<vmem>>
    %dma_wait3A_71 = arith.constant 0 : i32
    %dma_wait3A_72 = arith.constant 0 : i32
    %dma_wait3A_73 = tpu.memref_slice %arg19[%dma_wait3A_71, %dma_wait3A_72] : memref<10240x64xf32, #tpu.memory_space<vmem_shared>> -> memref<10240x64xf32, #tpu.memory_space<vmem_shared>>
    tpu.wait_indirect_dma semaphore(%arg35 : memref<!tpu.dma_semaphore, #tpu.memory_space<semaphore_mem>>) src(%arg17 : memref<128x64xf32, #tpu.memory_space<vmem>>) dst(%dma_wait3A_73 : memref<10240x64xf32, #tpu.memory_space<vmem_shared>>)
    %dma_wait3A_74 = arith.constant 1 : i32
    %dma_wait3A_75 = arith.constant 0 : i32
    %dma_wait3A_76 = tpu.memref_slice %arg10[%dma_wait3A_74, %dma_wait3A_75] : memref<2x128xi32, #tpu.memory_space<vmem>> -> memref<1x128xi32, #tpu.memory_space<vmem>>
    %dma_wait3A_77 = tpu.memref_squeeze %dma_wait3A_76 : memref<1x128xi32, #tpu.memory_space<vmem>> -> memref<128xi32, #tpu.memory_space<vmem>>
    %dma_wait3A_78 = arith.constant 0 : i32
    %dma_wait3A_79 = arith.constant 0 : i32
    %dma_wait3A_80 = tpu.memref_slice %arg19[%dma_wait3A_78, %dma_wait3A_79] : memref<10240x64xf32, #tpu.memory_space<vmem_shared>> -> memref<10240x64xf32, #tpu.memory_space<vmem_shared>>
    tpu.wait_indirect_dma semaphore(%arg32 : memref<!tpu.dma_semaphore, #tpu.memory_space<semaphore_mem>>) src(%arg14 : memref<128x64xf32, #tpu.memory_space<vmem>>) dst(%dma_wait3A_80 : memref<10240x64xf32, #tpu.memory_space<vmem_shared>>)
    %dma_wait3A_81 = arith.constant 1 : i32
    %dma_wait3A_82 = arith.constant 0 : i32
    %dma_wait3A_83 = tpu.memref_slice %arg11[%dma_wait3A_81, %dma_wait3A_82] : memref<2x128xi32, #tpu.memory_space<vmem>> -> memref<1x128xi32, #tpu.memory_space<vmem>>
    %dma_wait3A_84 = tpu.memref_squeeze %dma_wait3A_83 : memref<1x128xi32, #tpu.memory_space<vmem>> -> memref<128xi32, #tpu.memory_space<vmem>>
    %dma_wait3A_85 = arith.constant 0 : i32
    %dma_wait3A_86 = arith.constant 0 : i32
    %dma_wait3A_87 = tpu.memref_slice %arg19[%dma_wait3A_85, %dma_wait3A_86] : memref<10240x64xf32, #tpu.memory_space<vmem_shared>> -> memref<10240x64xf32, #tpu.memory_space<vmem_shared>>
    tpu.wait_indirect_dma semaphore(%arg33 : memref<!tpu.dma_semaphore, #tpu.memory_space<semaphore_mem>>) src(%arg15 : memref<128x64xf32, #tpu.memory_space<vmem>>) dst(%dma_wait3A_87 : memref<10240x64xf32, #tpu.memory_space<vmem_shared>>)
    %dma_wait3A_88 = arith.constant 1 : i32
    %dma_wait3A_89 = arith.constant 0 : i32
    %dma_wait3A_90 = tpu.memref_slice %arg12[%dma_wait3A_88, %dma_wait3A_89] : memref<2x128xi32, #tpu.memory_space<vmem>> -> memref<1x128xi32, #tpu.memory_space<vmem>>
    %dma_wait3A_91 = tpu.memref_squeeze %dma_wait3A_90 : memref<1x128xi32, #tpu.memory_space<vmem>> -> memref<128xi32, #tpu.memory_space<vmem>>
    %dma_wait3A_92 = arith.constant 0 : i32
    %dma_wait3A_93 = arith.constant 0 : i32
    %dma_wait3A_94 = tpu.memref_slice %arg19[%dma_wait3A_92, %dma_wait3A_93] : memref<10240x64xf32, #tpu.memory_space<vmem_shared>> -> memref<10240x64xf32, #tpu.memory_space<vmem_shared>>
    tpu.wait_indirect_dma semaphore(%arg34 : memref<!tpu.dma_semaphore, #tpu.memory_space<semaphore_mem>>) src(%arg16 : memref<128x64xf32, #tpu.memory_space<vmem>>) dst(%dma_wait3A_94 : memref<10240x64xf32, #tpu.memory_space<vmem_shared>>)
    %barrier3A_95 = arith.constant 0 : index
    tpu.barrier barrier_id(%barrier3A_95)
    %mul3A_96 = arith.constant 640 : i32
    %mul3A_97 = arith.muli %arg1, %mul3A_96 : i32
    %mul3A_98 = arith.constant 640 : i32
    %mul3A_99 = arith.muli %arg1, %mul3A_98 : i32
    "tpu.region"() ({
      %run_scoped3A = tpu.sem_alloc : memref<!tpu.dma_semaphore, #tpu.memory_space<semaphore_mem>>
      %dma_start3A_100 = arith.constant 0 : i32
      %dma_start3A_101 = tpu.memref_slice %arg5[%arg0, %mul3A_99, %dma_start3A_100] : memref<2x10240x64xf32, #tpu.memory_space<hbm>> -> memref<1x640x64xf32, #tpu.memory_space<hbm>>
      %dma_start3A_102 = tpu.memref_squeeze %dma_start3A_101 : memref<1x640x64xf32, #tpu.memory_space<hbm>> -> memref<640x64xf32, #tpu.memory_space<hbm>>
      %dma_start3A_103 = arith.constant 0 : i32
      %dma_start3A_104 = tpu.memref_slice %arg19[%mul3A_97, %dma_start3A_103] : memref<10240x64xf32, #tpu.memory_space<vmem_shared>> -> memref<640x64xf32, #tpu.memory_space<vmem_shared>>
      tpu.enqueue_dma source(%dma_start3A_104 : memref<640x64xf32, #tpu.memory_space<vmem_shared>>) target(%dma_start3A_102 : memref<640x64xf32, #tpu.memory_space<hbm>>) target_semaphore(%run_scoped3A : memref<!tpu.dma_semaphore, #tpu.memory_space<semaphore_mem>>)
      %dma_wait3A_105 = arith.constant 0 : i32
      %dma_wait3A_106 = tpu.memref_slice %arg5[%arg0, %mul3A_99, %dma_wait3A_105] : memref<2x10240x64xf32, #tpu.memory_space<hbm>> -> memref<1x640x64xf32, #tpu.memory_space<hbm>>
      %dma_wait3A_107 = tpu.memref_squeeze %dma_wait3A_106 : memref<1x640x64xf32, #tpu.memory_space<hbm>> -> memref<640x64xf32, #tpu.memory_space<hbm>>
      %dma_wait3A_108 = arith.constant 0 : i32
      %dma_wait3A_109 = tpu.memref_slice %arg19[%mul3A_97, %dma_wait3A_108] : memref<10240x64xf32, #tpu.memory_space<vmem_shared>> -> memref<640x64xf32, #tpu.memory_space<vmem_shared>>
      tpu.wait_dma2 semaphore(%run_scoped3A : memref<!tpu.dma_semaphore, #tpu.memory_space<semaphore_mem>>) src(%dma_wait3A_109 : memref<640x64xf32, #tpu.memory_space<vmem_shared>>) dst(%dma_wait3A_107 : memref<640x64xf32, #tpu.memory_space<hbm>>)
      tpu.yield
    }) : () -> ()
    return
  }
}

#map = affine_map<(d0, d1) -> (0, 0)>
#map1 = affine_map<(d0, d1) -> (0, 0, 0)>
module attributes {stable_mosaic.version = 14 : i64} {
  func.func @_scatter(%arg0: i32, %arg1: i32, %arg2: memref<10000x64xf32, #tpu.memory_space<hbm>>, %arg3: memref<10000x64xf32, #tpu.memory_space<hbm>>, %arg4: memref<2528x2x128xi32, #tpu.memory_space<hbm>>, %arg5: memref<128x64xf32, #tpu.memory_space<hbm>>, %arg6: memref<2x10240x64xf32, #tpu.memory_space<hbm>>, %arg7: memref<2x10240x64xf32, #tpu.memory_space<hbm>>, %arg8: memref<2x128xi32, #tpu.memory_space<vmem>>, %arg9: memref<2x128xi32, #tpu.memory_space<vmem>>, %arg10: memref<2x128xi32, #tpu.memory_space<vmem>>, %arg11: memref<2x128xi32, #tpu.memory_space<vmem>>, %arg12: memref<2x128xi32, #tpu.memory_space<vmem>>, %arg13: memref<2x128xi32, #tpu.memory_space<vmem>>, %arg14: memref<2x128xi32, #tpu.memory_space<vmem>>, %arg15: memref<2x128xi32, #tpu.memory_space<vmem>>, %arg16: memref<128x64xf32, #tpu.memory_space<vmem>>, %arg17: memref<128x64xf32, #tpu.memory_space<vmem>>, %arg18: memref<128x64xf32, #tpu.memory_space<vmem>>, %arg19: memref<128x64xf32, #tpu.memory_space<vmem>>, %arg20: memref<10016x64xf32, #tpu.memory_space<vmem_shared>>, %arg21: memref<10240x64xf32, #tpu.memory_space<vmem_shared>>, %arg22: memref<!tpu.dma_semaphore, #tpu.memory_space<semaphore_mem>>, %arg23: memref<!tpu.dma_semaphore, #tpu.memory_space<semaphore_mem>>, %arg24: memref<!tpu.dma_semaphore, #tpu.memory_space<semaphore_mem>>, %arg25: memref<!tpu.dma_semaphore, #tpu.memory_space<semaphore_mem>>, %arg26: memref<!tpu.dma_semaphore, #tpu.memory_space<semaphore_mem>>, %arg27: memref<!tpu.dma_semaphore, #tpu.memory_space<semaphore_mem>>, %arg28: memref<!tpu.dma_semaphore, #tpu.memory_space<semaphore_mem>>, %arg29: memref<!tpu.dma_semaphore, #tpu.memory_space<semaphore_mem>>, %arg30: memref<!tpu.dma_semaphore, #tpu.memory_space<semaphore_mem>>, %arg31: memref<!tpu.dma_semaphore, #tpu.memory_space<semaphore_mem>>, %arg32: memref<!tpu.dma_semaphore, #tpu.memory_space<semaphore_mem>>, %arg33: memref<!tpu.dma_semaphore, #tpu.memory_space<semaphore_mem>>, %arg34: memref<!tpu.dma_semaphore, #tpu.memory_space<semaphore_mem>>, %arg35: memref<!tpu.dma_semaphore, #tpu.memory_space<semaphore_mem>>, %arg36: memref<!tpu.dma_semaphore, #tpu.memory_space<semaphore_mem>>, %arg37: memref<!tpu.dma_semaphore, #tpu.memory_space<semaphore_mem>>) attributes {dimension_semantics = [#tpu.dimension_semantics<core_parallel>, #tpu.dimension_semantics<subcore_parallel>], iteration_bounds = array<i64: 2, 16>, scalar_prefetch = 0 : i64, scratch_operands = 30 : i64, tpu.core_type = #tpu.core_type<sc_vector_subcore>, window_params = [{transform_indices = #map}, {transform_indices = #map}, {transform_indices = #map1}, {transform_indices = #map}, {transform_indices = #map1}, {transform_indices = #map1}]} {
    %mul3A = arith.constant 16 : i32
    %mul3A_0 = arith.muli %arg0, %mul3A : i32
    %add3A = arith.addi %mul3A_0, %arg1 : i32
    %mul3A_1 = arith.constant 79 : i32
    %mul3A_2 = arith.muli %add3A, %mul3A_1 : i32
    %mul3A_3 = arith.constant 625 : i32
    %mul3A_4 = arith.muli %arg1, %mul3A_3 : i32
    %mul3A_5 = arith.constant 625 : i32
    %mul3A_6 = arith.muli %arg1, %mul3A_5 : i32
    "tpu.region"() ({
      %run_scoped3A = tpu.sem_alloc : memref<!tpu.dma_semaphore, #tpu.memory_space<semaphore_mem>>
      %dma_start3A_202 = arith.constant 0 : i32
      %dma_start3A_203 = tpu.memref_slice %arg20[%mul3A_6, %dma_start3A_202] : memref<10016x64xf32, #tpu.memory_space<vmem_shared>> -> memref<625x64xf32, #tpu.memory_space<vmem_shared>>
      %dma_start3A_204 = arith.constant 0 : i32
      %dma_start3A_205 = tpu.memref_slice %arg2[%mul3A_4, %dma_start3A_204] : memref<10000x64xf32, #tpu.memory_space<hbm>> -> memref<625x64xf32, #tpu.memory_space<hbm>>
      tpu.enqueue_dma source(%dma_start3A_205 : memref<625x64xf32, #tpu.memory_space<hbm>>) target(%dma_start3A_203 : memref<625x64xf32, #tpu.memory_space<vmem_shared>>) target_semaphore(%run_scoped3A : memref<!tpu.dma_semaphore, #tpu.memory_space<semaphore_mem>>)
      %dma_wait3A_206 = arith.constant 0 : i32
      %dma_wait3A_207 = tpu.memref_slice %arg20[%mul3A_6, %dma_wait3A_206] : memref<10016x64xf32, #tpu.memory_space<vmem_shared>> -> memref<625x64xf32, #tpu.memory_space<vmem_shared>>
      %dma_wait3A_208 = arith.constant 0 : i32
      %dma_wait3A_209 = tpu.memref_slice %arg2[%mul3A_4, %dma_wait3A_208] : memref<10000x64xf32, #tpu.memory_space<hbm>> -> memref<625x64xf32, #tpu.memory_space<hbm>>
      tpu.wait_dma2 semaphore(%run_scoped3A : memref<!tpu.dma_semaphore, #tpu.memory_space<semaphore_mem>>) src(%dma_wait3A_209 : memref<625x64xf32, #tpu.memory_space<hbm>>) dst(%dma_wait3A_207 : memref<625x64xf32, #tpu.memory_space<vmem_shared>>)
      tpu.yield
    }) : () -> ()
    "tpu.region"() ({
      %run_scoped3A = tpu.sem_alloc : memref<!tpu.dma_semaphore, #tpu.memory_space<semaphore_mem>>
      tpu.enqueue_dma source(%arg5 : memref<128x64xf32, #tpu.memory_space<hbm>>) target(%arg16 : memref<128x64xf32, #tpu.memory_space<vmem>>) target_semaphore(%run_scoped3A : memref<!tpu.dma_semaphore, #tpu.memory_space<semaphore_mem>>)
      tpu.wait_dma2 semaphore(%run_scoped3A : memref<!tpu.dma_semaphore, #tpu.memory_space<semaphore_mem>>) src(%arg5 : memref<128x64xf32, #tpu.memory_space<hbm>>) dst(%arg16 : memref<128x64xf32, #tpu.memory_space<vmem>>)
      tpu.yield
    }) : () -> ()
    %mul3A_7 = arith.constant 5 : i32
    %mul3A_8 = arith.muli %arg1, %mul3A_7 : i32
    %add3A_9 = arith.constant 0 : i32
    %add3A_10 = arith.addi %mul3A_8, %add3A_9 : i32
    %mul3A_11 = arith.constant 128 : i32
    %mul3A_12 = arith.muli %add3A_10, %mul3A_11 : i32
    "tpu.region"() ({
      %run_scoped3A = tpu.sem_alloc : memref<!tpu.dma_semaphore, #tpu.memory_space<semaphore_mem>>
      %dma_start3A_202 = arith.constant 0 : i32
      %dma_start3A_203 = tpu.memref_slice %arg21[%mul3A_12, %dma_start3A_202] : memref<10240x64xf32, #tpu.memory_space<vmem_shared>> -> memref<128x64xf32, #tpu.memory_space<vmem_shared>>
      %dma_start3A_204 = arith.constant 0 : i32
      %dma_start3A_205 = tpu.memref_slice %arg21[%mul3A_12, %dma_start3A_204] : memref<10240x64xf32, #tpu.memory_space<vmem_shared>> -> memref<128x64xf32, #tpu.memory_space<vmem_shared>>
      tpu.enqueue_dma source(%arg16 : memref<128x64xf32, #tpu.memory_space<vmem>>) target(%dma_start3A_205 : memref<128x64xf32, #tpu.memory_space<vmem_shared>>) target_semaphore(%run_scoped3A : memref<!tpu.dma_semaphore, #tpu.memory_space<semaphore_mem>>)
      %dma_wait3A_206 = arith.constant 0 : i32
      %dma_wait3A_207 = tpu.memref_slice %arg21[%mul3A_12, %dma_wait3A_206] : memref<10240x64xf32, #tpu.memory_space<vmem_shared>> -> memref<128x64xf32, #tpu.memory_space<vmem_shared>>
      %dma_wait3A_208 = arith.constant 0 : i32
      %dma_wait3A_209 = tpu.memref_slice %arg21[%mul3A_12, %dma_wait3A_208] : memref<10240x64xf32, #tpu.memory_space<vmem_shared>> -> memref<128x64xf32, #tpu.memory_space<vmem_shared>>
      tpu.wait_dma2 semaphore(%run_scoped3A : memref<!tpu.dma_semaphore, #tpu.memory_space<semaphore_mem>>) src(%arg16 : memref<128x64xf32, #tpu.memory_space<vmem>>) dst(%dma_wait3A_209 : memref<128x64xf32, #tpu.memory_space<vmem_shared>>)
      tpu.yield
    }) : () -> ()
    %mul3A_13 = arith.constant 5 : i32
    %mul3A_14 = arith.muli %arg1, %mul3A_13 : i32
    %add3A_15 = arith.constant 1 : i32
    %add3A_16 = arith.addi %mul3A_14, %add3A_15 : i32
    %mul3A_17 = arith.constant 128 : i32
    %mul3A_18 = arith.muli %add3A_16, %mul3A_17 : i32
    "tpu.region"() ({
      %run_scoped3A = tpu.sem_alloc : memref<!tpu.dma_semaphore, #tpu.memory_space<semaphore_mem>>
      %dma_start3A_202 = arith.constant 0 : i32
      %dma_start3A_203 = tpu.memref_slice %arg21[%mul3A_18, %dma_start3A_202] : memref<10240x64xf32, #tpu.memory_space<vmem_shared>> -> memref<128x64xf32, #tpu.memory_space<vmem_shared>>
      %dma_start3A_204 = arith.constant 0 : i32
      %dma_start3A_205 = tpu.memref_slice %arg21[%mul3A_18, %dma_start3A_204] : memref<10240x64xf32, #tpu.memory_space<vmem_shared>> -> memref<128x64xf32, #tpu.memory_space<vmem_shared>>
      tpu.enqueue_dma source(%arg16 : memref<128x64xf32, #tpu.memory_space<vmem>>) target(%dma_start3A_205 : memref<128x64xf32, #tpu.memory_space<vmem_shared>>) target_semaphore(%run_scoped3A : memref<!tpu.dma_semaphore, #tpu.memory_space<semaphore_mem>>)
      %dma_wait3A_206 = arith.constant 0 : i32
      %dma_wait3A_207 = tpu.memref_slice %arg21[%mul3A_18, %dma_wait3A_206] : memref<10240x64xf32, #tpu.memory_space<vmem_shared>> -> memref<128x64xf32, #tpu.memory_space<vmem_shared>>
      %dma_wait3A_208 = arith.constant 0 : i32
      %dma_wait3A_209 = tpu.memref_slice %arg21[%mul3A_18, %dma_wait3A_208] : memref<10240x64xf32, #tpu.memory_space<vmem_shared>> -> memref<128x64xf32, #tpu.memory_space<vmem_shared>>
      tpu.wait_dma2 semaphore(%run_scoped3A : memref<!tpu.dma_semaphore, #tpu.memory_space<semaphore_mem>>) src(%arg16 : memref<128x64xf32, #tpu.memory_space<vmem>>) dst(%dma_wait3A_209 : memref<128x64xf32, #tpu.memory_space<vmem_shared>>)
      tpu.yield
    }) : () -> ()
    %mul3A_19 = arith.constant 5 : i32
    %mul3A_20 = arith.muli %arg1, %mul3A_19 : i32
    %add3A_21 = arith.constant 2 : i32
    %add3A_22 = arith.addi %mul3A_20, %add3A_21 : i32
    %mul3A_23 = arith.constant 128 : i32
    %mul3A_24 = arith.muli %add3A_22, %mul3A_23 : i32
    "tpu.region"() ({
      %run_scoped3A = tpu.sem_alloc : memref<!tpu.dma_semaphore, #tpu.memory_space<semaphore_mem>>
      %dma_start3A_202 = arith.constant 0 : i32
      %dma_start3A_203 = tpu.memref_slice %arg21[%mul3A_24, %dma_start3A_202] : memref<10240x64xf32, #tpu.memory_space<vmem_shared>> -> memref<128x64xf32, #tpu.memory_space<vmem_shared>>
      %dma_start3A_204 = arith.constant 0 : i32
      %dma_start3A_205 = tpu.memref_slice %arg21[%mul3A_24, %dma_start3A_204] : memref<10240x64xf32, #tpu.memory_space<vmem_shared>> -> memref<128x64xf32, #tpu.memory_space<vmem_shared>>
      tpu.enqueue_dma source(%arg16 : memref<128x64xf32, #tpu.memory_space<vmem>>) target(%dma_start3A_205 : memref<128x64xf32, #tpu.memory_space<vmem_shared>>) target_semaphore(%run_scoped3A : memref<!tpu.dma_semaphore, #tpu.memory_space<semaphore_mem>>)
      %dma_wait3A_206 = arith.constant 0 : i32
      %dma_wait3A_207 = tpu.memref_slice %arg21[%mul3A_24, %dma_wait3A_206] : memref<10240x64xf32, #tpu.memory_space<vmem_shared>> -> memref<128x64xf32, #tpu.memory_space<vmem_shared>>
      %dma_wait3A_208 = arith.constant 0 : i32
      %dma_wait3A_209 = tpu.memref_slice %arg21[%mul3A_24, %dma_wait3A_208] : memref<10240x64xf32, #tpu.memory_space<vmem_shared>> -> memref<128x64xf32, #tpu.memory_space<vmem_shared>>
      tpu.wait_dma2 semaphore(%run_scoped3A : memref<!tpu.dma_semaphore, #tpu.memory_space<semaphore_mem>>) src(%arg16 : memref<128x64xf32, #tpu.memory_space<vmem>>) dst(%dma_wait3A_209 : memref<128x64xf32, #tpu.memory_space<vmem_shared>>)
      tpu.yield
    }) : () -> ()
    %mul3A_25 = arith.constant 5 : i32
    %mul3A_26 = arith.muli %arg1, %mul3A_25 : i32
    %add3A_27 = arith.constant 3 : i32
    %add3A_28 = arith.addi %mul3A_26, %add3A_27 : i32
    %mul3A_29 = arith.constant 128 : i32
    %mul3A_30 = arith.muli %add3A_28, %mul3A_29 : i32
    "tpu.region"() ({
      %run_scoped3A = tpu.sem_alloc : memref<!tpu.dma_semaphore, #tpu.memory_space<semaphore_mem>>
      %dma_start3A_202 = arith.constant 0 : i32
      %dma_start3A_203 = tpu.memref_slice %arg21[%mul3A_30, %dma_start3A_202] : memref<10240x64xf32, #tpu.memory_space<vmem_shared>> -> memref<128x64xf32, #tpu.memory_space<vmem_shared>>
      %dma_start3A_204 = arith.constant 0 : i32
      %dma_start3A_205 = tpu.memref_slice %arg21[%mul3A_30, %dma_start3A_204] : memref<10240x64xf32, #tpu.memory_space<vmem_shared>> -> memref<128x64xf32, #tpu.memory_space<vmem_shared>>
      tpu.enqueue_dma source(%arg16 : memref<128x64xf32, #tpu.memory_space<vmem>>) target(%dma_start3A_205 : memref<128x64xf32, #tpu.memory_space<vmem_shared>>) target_semaphore(%run_scoped3A : memref<!tpu.dma_semaphore, #tpu.memory_space<semaphore_mem>>)
      %dma_wait3A_206 = arith.constant 0 : i32
      %dma_wait3A_207 = tpu.memref_slice %arg21[%mul3A_30, %dma_wait3A_206] : memref<10240x64xf32, #tpu.memory_space<vmem_shared>> -> memref<128x64xf32, #tpu.memory_space<vmem_shared>>
      %dma_wait3A_208 = arith.constant 0 : i32
      %dma_wait3A_209 = tpu.memref_slice %arg21[%mul3A_30, %dma_wait3A_208] : memref<10240x64xf32, #tpu.memory_space<vmem_shared>> -> memref<128x64xf32, #tpu.memory_space<vmem_shared>>
      tpu.wait_dma2 semaphore(%run_scoped3A : memref<!tpu.dma_semaphore, #tpu.memory_space<semaphore_mem>>) src(%arg16 : memref<128x64xf32, #tpu.memory_space<vmem>>) dst(%dma_wait3A_209 : memref<128x64xf32, #tpu.memory_space<vmem_shared>>)
      tpu.yield
    }) : () -> ()
    %mul3A_31 = arith.constant 5 : i32
    %mul3A_32 = arith.muli %arg1, %mul3A_31 : i32
    %add3A_33 = arith.constant 4 : i32
    %add3A_34 = arith.addi %mul3A_32, %add3A_33 : i32
    %mul3A_35 = arith.constant 128 : i32
    %mul3A_36 = arith.muli %add3A_34, %mul3A_35 : i32
    "tpu.region"() ({
      %run_scoped3A = tpu.sem_alloc : memref<!tpu.dma_semaphore, #tpu.memory_space<semaphore_mem>>
      %dma_start3A_202 = arith.constant 0 : i32
      %dma_start3A_203 = tpu.memref_slice %arg21[%mul3A_36, %dma_start3A_202] : memref<10240x64xf32, #tpu.memory_space<vmem_shared>> -> memref<128x64xf32, #tpu.memory_space<vmem_shared>>
      %dma_start3A_204 = arith.constant 0 : i32
      %dma_start3A_205 = tpu.memref_slice %arg21[%mul3A_36, %dma_start3A_204] : memref<10240x64xf32, #tpu.memory_space<vmem_shared>> -> memref<128x64xf32, #tpu.memory_space<vmem_shared>>
      tpu.enqueue_dma source(%arg16 : memref<128x64xf32, #tpu.memory_space<vmem>>) target(%dma_start3A_205 : memref<128x64xf32, #tpu.memory_space<vmem_shared>>) target_semaphore(%run_scoped3A : memref<!tpu.dma_semaphore, #tpu.memory_space<semaphore_mem>>)
      %dma_wait3A_206 = arith.constant 0 : i32
      %dma_wait3A_207 = tpu.memref_slice %arg21[%mul3A_36, %dma_wait3A_206] : memref<10240x64xf32, #tpu.memory_space<vmem_shared>> -> memref<128x64xf32, #tpu.memory_space<vmem_shared>>
      %dma_wait3A_208 = arith.constant 0 : i32
      %dma_wait3A_209 = tpu.memref_slice %arg21[%mul3A_36, %dma_wait3A_208] : memref<10240x64xf32, #tpu.memory_space<vmem_shared>> -> memref<128x64xf32, #tpu.memory_space<vmem_shared>>
      tpu.wait_dma2 semaphore(%run_scoped3A : memref<!tpu.dma_semaphore, #tpu.memory_space<semaphore_mem>>) src(%arg16 : memref<128x64xf32, #tpu.memory_space<vmem>>) dst(%dma_wait3A_209 : memref<128x64xf32, #tpu.memory_space<vmem_shared>>)
      tpu.yield
    }) : () -> ()
    %barrier3A = arith.constant 0 : index
    tpu.barrier barrier_id(%barrier3A)
    "tpu.region"() ({
      %run_scoped3A = tpu.sem_alloc : memref<!tpu.dma_semaphore, #tpu.memory_space<semaphore_mem>>
      %dma_start3A_202 = arith.constant 0 : i32
      %dma_start3A_203 = arith.constant 0 : i32
      %dma_start3A_204 = tpu.memref_slice %arg4[%mul3A_2, %dma_start3A_202, %dma_start3A_203] : memref<2528x2x128xi32, #tpu.memory_space<hbm>> -> memref<1x2x128xi32, #tpu.memory_space<hbm>>
      %dma_start3A_205 = tpu.memref_squeeze %dma_start3A_204 : memref<1x2x128xi32, #tpu.memory_space<hbm>> -> memref<2x128xi32, #tpu.memory_space<hbm>>
      %dma_start3A_206 = arith.constant 0 : i32
      %dma_start3A_207 = arith.constant 0 : i32
      %dma_start3A_208 = tpu.memref_slice %arg4[%mul3A_2, %dma_start3A_206, %dma_start3A_207] : memref<2528x2x128xi32, #tpu.memory_space<hbm>> -> memref<1x2x128xi32, #tpu.memory_space<hbm>>
      %dma_start3A_209 = tpu.memref_squeeze %dma_start3A_208 : memref<1x2x128xi32, #tpu.memory_space<hbm>> -> memref<2x128xi32, #tpu.memory_space<hbm>>
      tpu.enqueue_dma source(%dma_start3A_209 : memref<2x128xi32, #tpu.memory_space<hbm>>) target(%arg8 : memref<2x128xi32, #tpu.memory_space<vmem>>) target_semaphore(%run_scoped3A : memref<!tpu.dma_semaphore, #tpu.memory_space<semaphore_mem>>)
      %dma_wait3A_210 = arith.constant 0 : i32
      %dma_wait3A_211 = arith.constant 0 : i32
      %dma_wait3A_212 = tpu.memref_slice %arg4[%mul3A_2, %dma_wait3A_210, %dma_wait3A_211] : memref<2528x2x128xi32, #tpu.memory_space<hbm>> -> memref<1x2x128xi32, #tpu.memory_space<hbm>>
      %dma_wait3A_213 = tpu.memref_squeeze %dma_wait3A_212 : memref<1x2x128xi32, #tpu.memory_space<hbm>> -> memref<2x128xi32, #tpu.memory_space<hbm>>
      %dma_wait3A_214 = arith.constant 0 : i32
      %dma_wait3A_215 = arith.constant 0 : i32
      %dma_wait3A_216 = tpu.memref_slice %arg4[%mul3A_2, %dma_wait3A_214, %dma_wait3A_215] : memref<2528x2x128xi32, #tpu.memory_space<hbm>> -> memref<1x2x128xi32, #tpu.memory_space<hbm>>
      %dma_wait3A_217 = tpu.memref_squeeze %dma_wait3A_216 : memref<1x2x128xi32, #tpu.memory_space<hbm>> -> memref<2x128xi32, #tpu.memory_space<hbm>>
      tpu.wait_dma2 semaphore(%run_scoped3A : memref<!tpu.dma_semaphore, #tpu.memory_space<semaphore_mem>>) src(%dma_wait3A_217 : memref<2x128xi32, #tpu.memory_space<hbm>>) dst(%arg8 : memref<2x128xi32, #tpu.memory_space<vmem>>)
      tpu.yield
    }) : () -> ()
    %add3A_37 = arith.constant 1 : i32
    %add3A_38 = arith.addi %mul3A_2, %add3A_37 : i32
    %dma_start3A = arith.constant 0 : i32
    %dma_start3A_39 = arith.constant 0 : i32
    %dma_start3A_40 = tpu.memref_slice %arg4[%add3A_38, %dma_start3A, %dma_start3A_39] : memref<2528x2x128xi32, #tpu.memory_space<hbm>> -> memref<1x2x128xi32, #tpu.memory_space<hbm>>
    %dma_start3A_41 = tpu.memref_squeeze %dma_start3A_40 : memref<1x2x128xi32, #tpu.memory_space<hbm>> -> memref<2x128xi32, #tpu.memory_space<hbm>>
    %dma_start3A_42 = arith.constant 0 : i32
    %dma_start3A_43 = arith.constant 0 : i32
    %dma_start3A_44 = tpu.memref_slice %arg4[%add3A_38, %dma_start3A_42, %dma_start3A_43] : memref<2528x2x128xi32, #tpu.memory_space<hbm>> -> memref<1x2x128xi32, #tpu.memory_space<hbm>>
    %dma_start3A_45 = tpu.memref_squeeze %dma_start3A_44 : memref<1x2x128xi32, #tpu.memory_space<hbm>> -> memref<2x128xi32, #tpu.memory_space<hbm>>
    tpu.enqueue_dma source(%dma_start3A_45 : memref<2x128xi32, #tpu.memory_space<hbm>>) target(%arg9 : memref<2x128xi32, #tpu.memory_space<vmem>>) target_semaphore(%arg23 : memref<!tpu.dma_semaphore, #tpu.memory_space<semaphore_mem>>)
    %add3A_46 = arith.constant 2 : i32
    %add3A_47 = arith.addi %mul3A_2, %add3A_46 : i32
    %dma_start3A_48 = arith.constant 0 : i32
    %dma_start3A_49 = arith.constant 0 : i32
    %dma_start3A_50 = tpu.memref_slice %arg4[%add3A_47, %dma_start3A_48, %dma_start3A_49] : memref<2528x2x128xi32, #tpu.memory_space<hbm>> -> memref<1x2x128xi32, #tpu.memory_space<hbm>>
    %dma_start3A_51 = tpu.memref_squeeze %dma_start3A_50 : memref<1x2x128xi32, #tpu.memory_space<hbm>> -> memref<2x128xi32, #tpu.memory_space<hbm>>
    %dma_start3A_52 = arith.constant 0 : i32
    %dma_start3A_53 = arith.constant 0 : i32
    %dma_start3A_54 = tpu.memref_slice %arg4[%add3A_47, %dma_start3A_52, %dma_start3A_53] : memref<2528x2x128xi32, #tpu.memory_space<hbm>> -> memref<1x2x128xi32, #tpu.memory_space<hbm>>
    %dma_start3A_55 = tpu.memref_squeeze %dma_start3A_54 : memref<1x2x128xi32, #tpu.memory_space<hbm>> -> memref<2x128xi32, #tpu.memory_space<hbm>>
    tpu.enqueue_dma source(%dma_start3A_55 : memref<2x128xi32, #tpu.memory_space<hbm>>) target(%arg10 : memref<2x128xi32, #tpu.memory_space<vmem>>) target_semaphore(%arg24 : memref<!tpu.dma_semaphore, #tpu.memory_space<semaphore_mem>>)
    %dma_start3A_56 = arith.constant 0 : i32
    %dma_start3A_57 = arith.constant 0 : i32
    %dma_start3A_58 = tpu.memref_slice %arg8[%dma_start3A_56, %dma_start3A_57] : memref<2x128xi32, #tpu.memory_space<vmem>> -> memref<1x128xi32, #tpu.memory_space<vmem>>
    %dma_start3A_59 = tpu.memref_squeeze %dma_start3A_58 : memref<1x128xi32, #tpu.memory_space<vmem>> -> memref<128xi32, #tpu.memory_space<vmem>>
    %dma_start3A_60 = arith.constant 0 : i32
    %dma_start3A_61 = arith.constant 0 : i32
    %dma_start3A_62 = tpu.memref_slice %arg20[%dma_start3A_60, %dma_start3A_61] : memref<10016x64xf32, #tpu.memory_space<vmem_shared>> -> memref<10016x64xf32, #tpu.memory_space<vmem_shared>>
    tpu.enqueue_indirect_dma source(%dma_start3A_62 : memref<10016x64xf32, #tpu.memory_space<vmem_shared>>) target(%arg16 : memref<128x64xf32, #tpu.memory_space<vmem>>) offsets(%dma_start3A_59 : memref<128xi32, #tpu.memory_space<vmem>>) semaphore(%arg30 : memref<!tpu.dma_semaphore, #tpu.memory_space<semaphore_mem>>)
    %scan3A = arith.constant 0 : i32
    %scan3A_63 = arith.constant 0 : i32
    %scan3A_64 = arith.constant 79 : i32
    %scan3A_65 = arith.addi %scan3A_63, %scan3A_64 : i32
    %scan3A_66 = arith.constant 1 : i32
    scf.for %scan3A_202 = %scan3A_63 to %scan3A_65 step %scan3A_66  : i32 {
      %jit3A = arith.constant 8 : i32
      %eq3A = arith.constant 0 : i32
      %eq3A_203 = arith.cmpi eq, %jit3A, %eq3A : i32
      %jit3A_204 = arith.constant 1 : i32
      %select_n3A = arith.select %eq3A_203, %jit3A_204, %jit3A : i32
      %rem3A = arith.remsi %scan3A_202, %select_n3A : i32
      %ne3A = arith.constant 0 : i32
      %ne3A_205 = arith.cmpi ne, %rem3A, %ne3A : i32
      %lt3A = arith.constant 0 : i32
      %lt3A_206 = arith.cmpi slt, %rem3A, %lt3A : i32
      %lt3A_207 = arith.constant 0 : i32
      %lt3A_208 = arith.cmpi slt, %select_n3A, %lt3A_207 : i32
      %ne3A_209 = arith.xori %lt3A_206, %lt3A_208 : i1
      %and3A = arith.andi %ne3A_209, %ne3A_205 : i1
      %add3A_210 = arith.addi %rem3A, %select_n3A : i32
      %select_n3A_211 = arith.select %and3A, %add3A_210, %rem3A : i32
      %eq3A_212 = arith.constant 0 : i32
      %eq3A_213 = arith.cmpi eq, %select_n3A_211, %eq3A_212 : i32
      %convert_element_type3A = arith.extui %eq3A_213 : i1 to i32
      %cond3A = arith.constant 0 : i32
      %cond3A_214 = arith.cmpi ne, %convert_element_type3A, %cond3A : i32
      scf.if %cond3A_214 {
        %add3A_362 = arith.constant 1 : i32
        %add3A_363 = arith.addi %scan3A_202, %add3A_362 : i32
        %lt3A_364 = arith.constant 79 : i32
        %lt3A_365 = arith.cmpi slt, %add3A_363, %lt3A_364 : i32
        %ge3A = arith.constant 3 : i32
        %ge3A_366 = arith.cmpi sge, %scan3A_202, %ge3A : i32
        %and3A_367 = arith.andi %lt3A_365, %ge3A_366 : i1
        %convert_element_type3A_368 = arith.extui %and3A_367 : i1 to i32
        %cond3A_369 = arith.constant 0 : i32
        %cond3A_370 = arith.cmpi ne, %convert_element_type3A_368, %cond3A_369 : i32
        scf.if %cond3A_370 {
          %dma_wait3A_397 = arith.constant 1 : i32
          %dma_wait3A_398 = arith.constant 0 : i32
          %dma_wait3A_399 = tpu.memref_slice %arg13[%dma_wait3A_397, %dma_wait3A_398] : memref<2x128xi32, #tpu.memory_space<vmem>> -> memref<1x128xi32, #tpu.memory_space<vmem>>
          %dma_wait3A_400 = tpu.memref_squeeze %dma_wait3A_399 : memref<1x128xi32, #tpu.memory_space<vmem>> -> memref<128xi32, #tpu.memory_space<vmem>>
          %dma_wait3A_401 = arith.constant 0 : i32
          %dma_wait3A_402 = arith.constant 0 : i32
          %dma_wait3A_403 = tpu.memref_slice %arg21[%dma_wait3A_401, %dma_wait3A_402] : memref<10240x64xf32, #tpu.memory_space<vmem_shared>> -> memref<10240x64xf32, #tpu.memory_space<vmem_shared>>
          tpu.wait_indirect_dma semaphore(%arg35 : memref<!tpu.dma_semaphore, #tpu.memory_space<semaphore_mem>>) src(%arg17 : memref<128x64xf32, #tpu.memory_space<vmem>>) dst(%dma_wait3A_403 : memref<10240x64xf32, #tpu.memory_space<vmem_shared>>)
        } else {
        }
        %lt3A_371 = arith.constant 79 : i32
        %lt3A_372 = arith.cmpi slt, %add3A_363, %lt3A_371 : i32
        %convert_element_type3A_373 = arith.extui %lt3A_372 : i1 to i32
        %cond3A_374 = arith.constant 0 : i32
        %cond3A_375 = arith.cmpi ne, %convert_element_type3A_373, %cond3A_374 : i32
        scf.if %cond3A_375 {
          %add3A_397 = arith.addi %mul3A_2, %add3A_363 : i32
          %dma_wait3A_398 = arith.constant 0 : i32
          %dma_wait3A_399 = arith.constant 0 : i32
          %dma_wait3A_400 = tpu.memref_slice %arg4[%add3A_397, %dma_wait3A_398, %dma_wait3A_399] : memref<2528x2x128xi32, #tpu.memory_space<hbm>> -> memref<1x2x128xi32, #tpu.memory_space<hbm>>
          %dma_wait3A_401 = tpu.memref_squeeze %dma_wait3A_400 : memref<1x2x128xi32, #tpu.memory_space<hbm>> -> memref<2x128xi32, #tpu.memory_space<hbm>>
          %dma_wait3A_402 = arith.constant 0 : i32
          %dma_wait3A_403 = arith.constant 0 : i32
          %dma_wait3A_404 = tpu.memref_slice %arg4[%add3A_397, %dma_wait3A_402, %dma_wait3A_403] : memref<2528x2x128xi32, #tpu.memory_space<hbm>> -> memref<1x2x128xi32, #tpu.memory_space<hbm>>
          %dma_wait3A_405 = tpu.memref_squeeze %dma_wait3A_404 : memref<1x2x128xi32, #tpu.memory_space<hbm>> -> memref<2x128xi32, #tpu.memory_space<hbm>>
          tpu.wait_dma2 semaphore(%arg23 : memref<!tpu.dma_semaphore, #tpu.memory_space<semaphore_mem>>) src(%dma_wait3A_405 : memref<2x128xi32, #tpu.memory_space<hbm>>) dst(%arg9 : memref<2x128xi32, #tpu.memory_space<vmem>>)
          %dma_start3A_406 = arith.constant 0 : i32
          %dma_start3A_407 = arith.constant 0 : i32
          %dma_start3A_408 = tpu.memref_slice %arg9[%dma_start3A_406, %dma_start3A_407] : memref<2x128xi32, #tpu.memory_space<vmem>> -> memref<1x128xi32, #tpu.memory_space<vmem>>
          %dma_start3A_409 = tpu.memref_squeeze %dma_start3A_408 : memref<1x128xi32, #tpu.memory_space<vmem>> -> memref<128xi32, #tpu.memory_space<vmem>>
          %dma_start3A_410 = arith.constant 0 : i32
          %dma_start3A_411 = arith.constant 0 : i32
          %dma_start3A_412 = tpu.memref_slice %arg20[%dma_start3A_410, %dma_start3A_411] : memref<10016x64xf32, #tpu.memory_space<vmem_shared>> -> memref<10016x64xf32, #tpu.memory_space<vmem_shared>>
          tpu.enqueue_indirect_dma source(%dma_start3A_412 : memref<10016x64xf32, #tpu.memory_space<vmem_shared>>) target(%arg17 : memref<128x64xf32, #tpu.memory_space<vmem>>) offsets(%dma_start3A_409 : memref<128xi32, #tpu.memory_space<vmem>>) semaphore(%arg31 : memref<!tpu.dma_semaphore, #tpu.memory_space<semaphore_mem>>)
        } else {
        }
        %dma_wait3A_376 = arith.constant 0 : i32
        %dma_wait3A_377 = arith.constant 0 : i32
        %dma_wait3A_378 = tpu.memref_slice %arg8[%dma_wait3A_376, %dma_wait3A_377] : memref<2x128xi32, #tpu.memory_space<vmem>> -> memref<1x128xi32, #tpu.memory_space<vmem>>
        %dma_wait3A_379 = tpu.memref_squeeze %dma_wait3A_378 : memref<1x128xi32, #tpu.memory_space<vmem>> -> memref<128xi32, #tpu.memory_space<vmem>>
        %dma_wait3A_380 = arith.constant 0 : i32
        %dma_wait3A_381 = arith.constant 0 : i32
        %dma_wait3A_382 = tpu.memref_slice %arg20[%dma_wait3A_380, %dma_wait3A_381] : memref<10016x64xf32, #tpu.memory_space<vmem_shared>> -> memref<10016x64xf32, #tpu.memory_space<vmem_shared>>
        tpu.wait_indirect_dma semaphore(%arg30 : memref<!tpu.dma_semaphore, #tpu.memory_space<semaphore_mem>>) src(%dma_wait3A_382 : memref<10016x64xf32, #tpu.memory_space<vmem_shared>>) dst(%arg16 : memref<128x64xf32, #tpu.memory_space<vmem>>)
        %add3A_383 = arith.constant 3 : i32
        %add3A_384 = arith.addi %scan3A_202, %add3A_383 : i32
        %lt3A_385 = arith.constant 79 : i32
        %lt3A_386 = arith.cmpi slt, %add3A_384, %lt3A_385 : i32
        %convert_element_type3A_387 = arith.extui %lt3A_386 : i1 to i32
        %cond3A_388 = arith.constant 0 : i32
        %cond3A_389 = arith.cmpi ne, %convert_element_type3A_387, %cond3A_388 : i32
        scf.if %cond3A_389 {
          %add3A_397 = arith.addi %mul3A_2, %scan3A_202 : i32
          %add3A_398 = arith.constant 3 : i32
          %add3A_399 = arith.addi %add3A_397, %add3A_398 : i32
          %dma_start3A_400 = arith.constant 0 : i32
          %dma_start3A_401 = arith.constant 0 : i32
          %dma_start3A_402 = tpu.memref_slice %arg4[%add3A_399, %dma_start3A_400, %dma_start3A_401] : memref<2528x2x128xi32, #tpu.memory_space<hbm>> -> memref<1x2x128xi32, #tpu.memory_space<hbm>>
          %dma_start3A_403 = tpu.memref_squeeze %dma_start3A_402 : memref<1x2x128xi32, #tpu.memory_space<hbm>> -> memref<2x128xi32, #tpu.memory_space<hbm>>
          %dma_start3A_404 = arith.constant 0 : i32
          %dma_start3A_405 = arith.constant 0 : i32
          %dma_start3A_406 = tpu.memref_slice %arg4[%add3A_399, %dma_start3A_404, %dma_start3A_405] : memref<2528x2x128xi32, #tpu.memory_space<hbm>> -> memref<1x2x128xi32, #tpu.memory_space<hbm>>
          %dma_start3A_407 = tpu.memref_squeeze %dma_start3A_406 : memref<1x2x128xi32, #tpu.memory_space<hbm>> -> memref<2x128xi32, #tpu.memory_space<hbm>>
          tpu.enqueue_dma source(%dma_start3A_407 : memref<2x128xi32, #tpu.memory_space<hbm>>) target(%arg11 : memref<2x128xi32, #tpu.memory_space<vmem>>) target_semaphore(%arg25 : memref<!tpu.dma_semaphore, #tpu.memory_space<semaphore_mem>>)
        } else {
        }
        %dma_start3A_390 = arith.constant 1 : i32
        %dma_start3A_391 = arith.constant 0 : i32
        %dma_start3A_392 = tpu.memref_slice %arg8[%dma_start3A_390, %dma_start3A_391] : memref<2x128xi32, #tpu.memory_space<vmem>> -> memref<1x128xi32, #tpu.memory_space<vmem>>
        %dma_start3A_393 = tpu.memref_squeeze %dma_start3A_392 : memref<1x128xi32, #tpu.memory_space<vmem>> -> memref<128xi32, #tpu.memory_space<vmem>>
        %dma_start3A_394 = arith.constant 0 : i32
        %dma_start3A_395 = arith.constant 0 : i32
        %dma_start3A_396 = tpu.memref_slice %arg21[%dma_start3A_394, %dma_start3A_395] : memref<10240x64xf32, #tpu.memory_space<vmem_shared>> -> memref<10240x64xf32, #tpu.memory_space<vmem_shared>>
        tpu.enqueue_indirect_dma source(%arg16 : memref<128x64xf32, #tpu.memory_space<vmem>>) target(%dma_start3A_396 : memref<10240x64xf32, #tpu.memory_space<vmem_shared>>) offsets(%dma_start3A_393 : memref<128xi32, #tpu.memory_space<vmem>>) semaphore(%arg34 : memref<!tpu.dma_semaphore, #tpu.memory_space<semaphore_mem>>) {add = true}
      } else {
      }
      %jit3A_215 = arith.constant 8 : i32
      %eq3A_216 = arith.constant 0 : i32
      %eq3A_217 = arith.cmpi eq, %jit3A_215, %eq3A_216 : i32
      %jit3A_218 = arith.constant 1 : i32
      %select_n3A_219 = arith.select %eq3A_217, %jit3A_218, %jit3A_215 : i32
      %rem3A_220 = arith.remsi %scan3A_202, %select_n3A_219 : i32
      %ne3A_221 = arith.constant 0 : i32
      %ne3A_222 = arith.cmpi ne, %rem3A_220, %ne3A_221 : i32
      %lt3A_223 = arith.constant 0 : i32
      %lt3A_224 = arith.cmpi slt, %rem3A_220, %lt3A_223 : i32
      %lt3A_225 = arith.constant 0 : i32
      %lt3A_226 = arith.cmpi slt, %select_n3A_219, %lt3A_225 : i32
      %ne3A_227 = arith.xori %lt3A_224, %lt3A_226 : i1
      %and3A_228 = arith.andi %ne3A_227, %ne3A_222 : i1
      %add3A_229 = arith.addi %rem3A_220, %select_n3A_219 : i32
      %select_n3A_230 = arith.select %and3A_228, %add3A_229, %rem3A_220 : i32
      %eq3A_231 = arith.constant 1 : i32
      %eq3A_232 = arith.cmpi eq, %select_n3A_230, %eq3A_231 : i32
      %convert_element_type3A_233 = arith.extui %eq3A_232 : i1 to i32
      %cond3A_234 = arith.constant 0 : i32
      %cond3A_235 = arith.cmpi ne, %convert_element_type3A_233, %cond3A_234 : i32
      scf.if %cond3A_235 {
        %add3A_362 = arith.constant 1 : i32
        %add3A_363 = arith.addi %scan3A_202, %add3A_362 : i32
        %lt3A_364 = arith.constant 79 : i32
        %lt3A_365 = arith.cmpi slt, %add3A_363, %lt3A_364 : i32
        %ge3A = arith.constant 3 : i32
        %ge3A_366 = arith.cmpi sge, %scan3A_202, %ge3A : i32
        %and3A_367 = arith.andi %lt3A_365, %ge3A_366 : i1
        %convert_element_type3A_368 = arith.extui %and3A_367 : i1 to i32
        %cond3A_369 = arith.constant 0 : i32
        %cond3A_370 = arith.cmpi ne, %convert_element_type3A_368, %cond3A_369 : i32
        scf.if %cond3A_370 {
          %dma_wait3A_397 = arith.constant 1 : i32
          %dma_wait3A_398 = arith.constant 0 : i32
          %dma_wait3A_399 = tpu.memref_slice %arg14[%dma_wait3A_397, %dma_wait3A_398] : memref<2x128xi32, #tpu.memory_space<vmem>> -> memref<1x128xi32, #tpu.memory_space<vmem>>
          %dma_wait3A_400 = tpu.memref_squeeze %dma_wait3A_399 : memref<1x128xi32, #tpu.memory_space<vmem>> -> memref<128xi32, #tpu.memory_space<vmem>>
          %dma_wait3A_401 = arith.constant 0 : i32
          %dma_wait3A_402 = arith.constant 0 : i32
          %dma_wait3A_403 = tpu.memref_slice %arg21[%dma_wait3A_401, %dma_wait3A_402] : memref<10240x64xf32, #tpu.memory_space<vmem_shared>> -> memref<10240x64xf32, #tpu.memory_space<vmem_shared>>
          tpu.wait_indirect_dma semaphore(%arg36 : memref<!tpu.dma_semaphore, #tpu.memory_space<semaphore_mem>>) src(%arg18 : memref<128x64xf32, #tpu.memory_space<vmem>>) dst(%dma_wait3A_403 : memref<10240x64xf32, #tpu.memory_space<vmem_shared>>)
        } else {
        }
        %lt3A_371 = arith.constant 79 : i32
        %lt3A_372 = arith.cmpi slt, %add3A_363, %lt3A_371 : i32
        %convert_element_type3A_373 = arith.extui %lt3A_372 : i1 to i32
        %cond3A_374 = arith.constant 0 : i32
        %cond3A_375 = arith.cmpi ne, %convert_element_type3A_373, %cond3A_374 : i32
        scf.if %cond3A_375 {
          %add3A_397 = arith.addi %mul3A_2, %add3A_363 : i32
          %dma_wait3A_398 = arith.constant 0 : i32
          %dma_wait3A_399 = arith.constant 0 : i32
          %dma_wait3A_400 = tpu.memref_slice %arg4[%add3A_397, %dma_wait3A_398, %dma_wait3A_399] : memref<2528x2x128xi32, #tpu.memory_space<hbm>> -> memref<1x2x128xi32, #tpu.memory_space<hbm>>
          %dma_wait3A_401 = tpu.memref_squeeze %dma_wait3A_400 : memref<1x2x128xi32, #tpu.memory_space<hbm>> -> memref<2x128xi32, #tpu.memory_space<hbm>>
          %dma_wait3A_402 = arith.constant 0 : i32
          %dma_wait3A_403 = arith.constant 0 : i32
          %dma_wait3A_404 = tpu.memref_slice %arg4[%add3A_397, %dma_wait3A_402, %dma_wait3A_403] : memref<2528x2x128xi32, #tpu.memory_space<hbm>> -> memref<1x2x128xi32, #tpu.memory_space<hbm>>
          %dma_wait3A_405 = tpu.memref_squeeze %dma_wait3A_404 : memref<1x2x128xi32, #tpu.memory_space<hbm>> -> memref<2x128xi32, #tpu.memory_space<hbm>>
          tpu.wait_dma2 semaphore(%arg24 : memref<!tpu.dma_semaphore, #tpu.memory_space<semaphore_mem>>) src(%dma_wait3A_405 : memref<2x128xi32, #tpu.memory_space<hbm>>) dst(%arg10 : memref<2x128xi32, #tpu.memory_space<vmem>>)
          %dma_start3A_406 = arith.constant 0 : i32
          %dma_start3A_407 = arith.constant 0 : i32
          %dma_start3A_408 = tpu.memref_slice %arg10[%dma_start3A_406, %dma_start3A_407] : memref<2x128xi32, #tpu.memory_space<vmem>> -> memref<1x128xi32, #tpu.memory_space<vmem>>
          %dma_start3A_409 = tpu.memref_squeeze %dma_start3A_408 : memref<1x128xi32, #tpu.memory_space<vmem>> -> memref<128xi32, #tpu.memory_space<vmem>>
          %dma_start3A_410 = arith.constant 0 : i32
          %dma_start3A_411 = arith.constant 0 : i32
          %dma_start3A_412 = tpu.memref_slice %arg20[%dma_start3A_410, %dma_start3A_411] : memref<10016x64xf32, #tpu.memory_space<vmem_shared>> -> memref<10016x64xf32, #tpu.memory_space<vmem_shared>>
          tpu.enqueue_indirect_dma source(%dma_start3A_412 : memref<10016x64xf32, #tpu.memory_space<vmem_shared>>) target(%arg18 : memref<128x64xf32, #tpu.memory_space<vmem>>) offsets(%dma_start3A_409 : memref<128xi32, #tpu.memory_space<vmem>>) semaphore(%arg32 : memref<!tpu.dma_semaphore, #tpu.memory_space<semaphore_mem>>)
        } else {
        }
        %dma_wait3A_376 = arith.constant 0 : i32
        %dma_wait3A_377 = arith.constant 0 : i32
        %dma_wait3A_378 = tpu.memref_slice %arg9[%dma_wait3A_376, %dma_wait3A_377] : memref<2x128xi32, #tpu.memory_space<vmem>> -> memref<1x128xi32, #tpu.memory_space<vmem>>
        %dma_wait3A_379 = tpu.memref_squeeze %dma_wait3A_378 : memref<1x128xi32, #tpu.memory_space<vmem>> -> memref<128xi32, #tpu.memory_space<vmem>>
        %dma_wait3A_380 = arith.constant 0 : i32
        %dma_wait3A_381 = arith.constant 0 : i32
        %dma_wait3A_382 = tpu.memref_slice %arg20[%dma_wait3A_380, %dma_wait3A_381] : memref<10016x64xf32, #tpu.memory_space<vmem_shared>> -> memref<10016x64xf32, #tpu.memory_space<vmem_shared>>
        tpu.wait_indirect_dma semaphore(%arg31 : memref<!tpu.dma_semaphore, #tpu.memory_space<semaphore_mem>>) src(%dma_wait3A_382 : memref<10016x64xf32, #tpu.memory_space<vmem_shared>>) dst(%arg17 : memref<128x64xf32, #tpu.memory_space<vmem>>)
        %add3A_383 = arith.constant 3 : i32
        %add3A_384 = arith.addi %scan3A_202, %add3A_383 : i32
        %lt3A_385 = arith.constant 79 : i32
        %lt3A_386 = arith.cmpi slt, %add3A_384, %lt3A_385 : i32
        %convert_element_type3A_387 = arith.extui %lt3A_386 : i1 to i32
        %cond3A_388 = arith.constant 0 : i32
        %cond3A_389 = arith.cmpi ne, %convert_element_type3A_387, %cond3A_388 : i32
        scf.if %cond3A_389 {
          %add3A_397 = arith.addi %mul3A_2, %scan3A_202 : i32
          %add3A_398 = arith.constant 3 : i32
          %add3A_399 = arith.addi %add3A_397, %add3A_398 : i32
          %dma_start3A_400 = arith.constant 0 : i32
          %dma_start3A_401 = arith.constant 0 : i32
          %dma_start3A_402 = tpu.memref_slice %arg4[%add3A_399, %dma_start3A_400, %dma_start3A_401] : memref<2528x2x128xi32, #tpu.memory_space<hbm>> -> memref<1x2x128xi32, #tpu.memory_space<hbm>>
          %dma_start3A_403 = tpu.memref_squeeze %dma_start3A_402 : memref<1x2x128xi32, #tpu.memory_space<hbm>> -> memref<2x128xi32, #tpu.memory_space<hbm>>
          %dma_start3A_404 = arith.constant 0 : i32
          %dma_start3A_405 = arith.constant 0 : i32
          %dma_start3A_406 = tpu.memref_slice %arg4[%add3A_399, %dma_start3A_404, %dma_start3A_405] : memref<2528x2x128xi32, #tpu.memory_space<hbm>> -> memref<1x2x128xi32, #tpu.memory_space<hbm>>
          %dma_start3A_407 = tpu.memref_squeeze %dma_start3A_406 : memref<1x2x128xi32, #tpu.memory_space<hbm>> -> memref<2x128xi32, #tpu.memory_space<hbm>>
          tpu.enqueue_dma source(%dma_start3A_407 : memref<2x128xi32, #tpu.memory_space<hbm>>) target(%arg12 : memref<2x128xi32, #tpu.memory_space<vmem>>) target_semaphore(%arg26 : memref<!tpu.dma_semaphore, #tpu.memory_space<semaphore_mem>>)
        } else {
        }
        %dma_start3A_390 = arith.constant 1 : i32
        %dma_start3A_391 = arith.constant 0 : i32
        %dma_start3A_392 = tpu.memref_slice %arg9[%dma_start3A_390, %dma_start3A_391] : memref<2x128xi32, #tpu.memory_space<vmem>> -> memref<1x128xi32, #tpu.memory_space<vmem>>
        %dma_start3A_393 = tpu.memref_squeeze %dma_start3A_392 : memref<1x128xi32, #tpu.memory_space<vmem>> -> memref<128xi32, #tpu.memory_space<vmem>>
        %dma_start3A_394 = arith.constant 0 : i32
        %dma_start3A_395 = arith.constant 0 : i32
        %dma_start3A_396 = tpu.memref_slice %arg21[%dma_start3A_394, %dma_start3A_395] : memref<10240x64xf32, #tpu.memory_space<vmem_shared>> -> memref<10240x64xf32, #tpu.memory_space<vmem_shared>>
        tpu.enqueue_indirect_dma source(%arg17 : memref<128x64xf32, #tpu.memory_space<vmem>>) target(%dma_start3A_396 : memref<10240x64xf32, #tpu.memory_space<vmem_shared>>) offsets(%dma_start3A_393 : memref<128xi32, #tpu.memory_space<vmem>>) semaphore(%arg35 : memref<!tpu.dma_semaphore, #tpu.memory_space<semaphore_mem>>) {add = true}
      } else {
      }
      %jit3A_236 = arith.constant 8 : i32
      %eq3A_237 = arith.constant 0 : i32
      %eq3A_238 = arith.cmpi eq, %jit3A_236, %eq3A_237 : i32
      %jit3A_239 = arith.constant 1 : i32
      %select_n3A_240 = arith.select %eq3A_238, %jit3A_239, %jit3A_236 : i32
      %rem3A_241 = arith.remsi %scan3A_202, %select_n3A_240 : i32
      %ne3A_242 = arith.constant 0 : i32
      %ne3A_243 = arith.cmpi ne, %rem3A_241, %ne3A_242 : i32
      %lt3A_244 = arith.constant 0 : i32
      %lt3A_245 = arith.cmpi slt, %rem3A_241, %lt3A_244 : i32
      %lt3A_246 = arith.constant 0 : i32
      %lt3A_247 = arith.cmpi slt, %select_n3A_240, %lt3A_246 : i32
      %ne3A_248 = arith.xori %lt3A_245, %lt3A_247 : i1
      %and3A_249 = arith.andi %ne3A_248, %ne3A_243 : i1
      %add3A_250 = arith.addi %rem3A_241, %select_n3A_240 : i32
      %select_n3A_251 = arith.select %and3A_249, %add3A_250, %rem3A_241 : i32
      %eq3A_252 = arith.constant 2 : i32
      %eq3A_253 = arith.cmpi eq, %select_n3A_251, %eq3A_252 : i32
      %convert_element_type3A_254 = arith.extui %eq3A_253 : i1 to i32
      %cond3A_255 = arith.constant 0 : i32
      %cond3A_256 = arith.cmpi ne, %convert_element_type3A_254, %cond3A_255 : i32
      scf.if %cond3A_256 {
        %add3A_362 = arith.constant 1 : i32
        %add3A_363 = arith.addi %scan3A_202, %add3A_362 : i32
        %lt3A_364 = arith.constant 79 : i32
        %lt3A_365 = arith.cmpi slt, %add3A_363, %lt3A_364 : i32
        %ge3A = arith.constant 3 : i32
        %ge3A_366 = arith.cmpi sge, %scan3A_202, %ge3A : i32
        %and3A_367 = arith.andi %lt3A_365, %ge3A_366 : i1
        %convert_element_type3A_368 = arith.extui %and3A_367 : i1 to i32
        %cond3A_369 = arith.constant 0 : i32
        %cond3A_370 = arith.cmpi ne, %convert_element_type3A_368, %cond3A_369 : i32
        scf.if %cond3A_370 {
          %dma_wait3A_397 = arith.constant 1 : i32
          %dma_wait3A_398 = arith.constant 0 : i32
          %dma_wait3A_399 = tpu.memref_slice %arg15[%dma_wait3A_397, %dma_wait3A_398] : memref<2x128xi32, #tpu.memory_space<vmem>> -> memref<1x128xi32, #tpu.memory_space<vmem>>
          %dma_wait3A_400 = tpu.memref_squeeze %dma_wait3A_399 : memref<1x128xi32, #tpu.memory_space<vmem>> -> memref<128xi32, #tpu.memory_space<vmem>>
          %dma_wait3A_401 = arith.constant 0 : i32
          %dma_wait3A_402 = arith.constant 0 : i32
          %dma_wait3A_403 = tpu.memref_slice %arg21[%dma_wait3A_401, %dma_wait3A_402] : memref<10240x64xf32, #tpu.memory_space<vmem_shared>> -> memref<10240x64xf32, #tpu.memory_space<vmem_shared>>
          tpu.wait_indirect_dma semaphore(%arg37 : memref<!tpu.dma_semaphore, #tpu.memory_space<semaphore_mem>>) src(%arg19 : memref<128x64xf32, #tpu.memory_space<vmem>>) dst(%dma_wait3A_403 : memref<10240x64xf32, #tpu.memory_space<vmem_shared>>)
        } else {
        }
        %lt3A_371 = arith.constant 79 : i32
        %lt3A_372 = arith.cmpi slt, %add3A_363, %lt3A_371 : i32
        %convert_element_type3A_373 = arith.extui %lt3A_372 : i1 to i32
        %cond3A_374 = arith.constant 0 : i32
        %cond3A_375 = arith.cmpi ne, %convert_element_type3A_373, %cond3A_374 : i32
        scf.if %cond3A_375 {
          %add3A_397 = arith.addi %mul3A_2, %add3A_363 : i32
          %dma_wait3A_398 = arith.constant 0 : i32
          %dma_wait3A_399 = arith.constant 0 : i32
          %dma_wait3A_400 = tpu.memref_slice %arg4[%add3A_397, %dma_wait3A_398, %dma_wait3A_399] : memref<2528x2x128xi32, #tpu.memory_space<hbm>> -> memref<1x2x128xi32, #tpu.memory_space<hbm>>
          %dma_wait3A_401 = tpu.memref_squeeze %dma_wait3A_400 : memref<1x2x128xi32, #tpu.memory_space<hbm>> -> memref<2x128xi32, #tpu.memory_space<hbm>>
          %dma_wait3A_402 = arith.constant 0 : i32
          %dma_wait3A_403 = arith.constant 0 : i32
          %dma_wait3A_404 = tpu.memref_slice %arg4[%add3A_397, %dma_wait3A_402, %dma_wait3A_403] : memref<2528x2x128xi32, #tpu.memory_space<hbm>> -> memref<1x2x128xi32, #tpu.memory_space<hbm>>
          %dma_wait3A_405 = tpu.memref_squeeze %dma_wait3A_404 : memref<1x2x128xi32, #tpu.memory_space<hbm>> -> memref<2x128xi32, #tpu.memory_space<hbm>>
          tpu.wait_dma2 semaphore(%arg25 : memref<!tpu.dma_semaphore, #tpu.memory_space<semaphore_mem>>) src(%dma_wait3A_405 : memref<2x128xi32, #tpu.memory_space<hbm>>) dst(%arg11 : memref<2x128xi32, #tpu.memory_space<vmem>>)
          %dma_start3A_406 = arith.constant 0 : i32
          %dma_start3A_407 = arith.constant 0 : i32
          %dma_start3A_408 = tpu.memref_slice %arg11[%dma_start3A_406, %dma_start3A_407] : memref<2x128xi32, #tpu.memory_space<vmem>> -> memref<1x128xi32, #tpu.memory_space<vmem>>
          %dma_start3A_409 = tpu.memref_squeeze %dma_start3A_408 : memref<1x128xi32, #tpu.memory_space<vmem>> -> memref<128xi32, #tpu.memory_space<vmem>>
          %dma_start3A_410 = arith.constant 0 : i32
          %dma_start3A_411 = arith.constant 0 : i32
          %dma_start3A_412 = tpu.memref_slice %arg20[%dma_start3A_410, %dma_start3A_411] : memref<10016x64xf32, #tpu.memory_space<vmem_shared>> -> memref<10016x64xf32, #tpu.memory_space<vmem_shared>>
          tpu.enqueue_indirect_dma source(%dma_start3A_412 : memref<10016x64xf32, #tpu.memory_space<vmem_shared>>) target(%arg19 : memref<128x64xf32, #tpu.memory_space<vmem>>) offsets(%dma_start3A_409 : memref<128xi32, #tpu.memory_space<vmem>>) semaphore(%arg33 : memref<!tpu.dma_semaphore, #tpu.memory_space<semaphore_mem>>)
        } else {
        }
        %dma_wait3A_376 = arith.constant 0 : i32
        %dma_wait3A_377 = arith.constant 0 : i32
        %dma_wait3A_378 = tpu.memref_slice %arg10[%dma_wait3A_376, %dma_wait3A_377] : memref<2x128xi32, #tpu.memory_space<vmem>> -> memref<1x128xi32, #tpu.memory_space<vmem>>
        %dma_wait3A_379 = tpu.memref_squeeze %dma_wait3A_378 : memref<1x128xi32, #tpu.memory_space<vmem>> -> memref<128xi32, #tpu.memory_space<vmem>>
        %dma_wait3A_380 = arith.constant 0 : i32
        %dma_wait3A_381 = arith.constant 0 : i32
        %dma_wait3A_382 = tpu.memref_slice %arg20[%dma_wait3A_380, %dma_wait3A_381] : memref<10016x64xf32, #tpu.memory_space<vmem_shared>> -> memref<10016x64xf32, #tpu.memory_space<vmem_shared>>
        tpu.wait_indirect_dma semaphore(%arg32 : memref<!tpu.dma_semaphore, #tpu.memory_space<semaphore_mem>>) src(%dma_wait3A_382 : memref<10016x64xf32, #tpu.memory_space<vmem_shared>>) dst(%arg18 : memref<128x64xf32, #tpu.memory_space<vmem>>)
        %add3A_383 = arith.constant 3 : i32
        %add3A_384 = arith.addi %scan3A_202, %add3A_383 : i32
        %lt3A_385 = arith.constant 79 : i32
        %lt3A_386 = arith.cmpi slt, %add3A_384, %lt3A_385 : i32
        %convert_element_type3A_387 = arith.extui %lt3A_386 : i1 to i32
        %cond3A_388 = arith.constant 0 : i32
        %cond3A_389 = arith.cmpi ne, %convert_element_type3A_387, %cond3A_388 : i32
        scf.if %cond3A_389 {
          %add3A_397 = arith.addi %mul3A_2, %scan3A_202 : i32
          %add3A_398 = arith.constant 3 : i32
          %add3A_399 = arith.addi %add3A_397, %add3A_398 : i32
          %dma_start3A_400 = arith.constant 0 : i32
          %dma_start3A_401 = arith.constant 0 : i32
          %dma_start3A_402 = tpu.memref_slice %arg4[%add3A_399, %dma_start3A_400, %dma_start3A_401] : memref<2528x2x128xi32, #tpu.memory_space<hbm>> -> memref<1x2x128xi32, #tpu.memory_space<hbm>>
          %dma_start3A_403 = tpu.memref_squeeze %dma_start3A_402 : memref<1x2x128xi32, #tpu.memory_space<hbm>> -> memref<2x128xi32, #tpu.memory_space<hbm>>
          %dma_start3A_404 = arith.constant 0 : i32
          %dma_start3A_405 = arith.constant 0 : i32
          %dma_start3A_406 = tpu.memref_slice %arg4[%add3A_399, %dma_start3A_404, %dma_start3A_405] : memref<2528x2x128xi32, #tpu.memory_space<hbm>> -> memref<1x2x128xi32, #tpu.memory_space<hbm>>
          %dma_start3A_407 = tpu.memref_squeeze %dma_start3A_406 : memref<1x2x128xi32, #tpu.memory_space<hbm>> -> memref<2x128xi32, #tpu.memory_space<hbm>>
          tpu.enqueue_dma source(%dma_start3A_407 : memref<2x128xi32, #tpu.memory_space<hbm>>) target(%arg13 : memref<2x128xi32, #tpu.memory_space<vmem>>) target_semaphore(%arg27 : memref<!tpu.dma_semaphore, #tpu.memory_space<semaphore_mem>>)
        } else {
        }
        %dma_start3A_390 = arith.constant 1 : i32
        %dma_start3A_391 = arith.constant 0 : i32
        %dma_start3A_392 = tpu.memref_slice %arg10[%dma_start3A_390, %dma_start3A_391] : memref<2x128xi32, #tpu.memory_space<vmem>> -> memref<1x128xi32, #tpu.memory_space<vmem>>
        %dma_start3A_393 = tpu.memref_squeeze %dma_start3A_392 : memref<1x128xi32, #tpu.memory_space<vmem>> -> memref<128xi32, #tpu.memory_space<vmem>>
        %dma_start3A_394 = arith.constant 0 : i32
        %dma_start3A_395 = arith.constant 0 : i32
        %dma_start3A_396 = tpu.memref_slice %arg21[%dma_start3A_394, %dma_start3A_395] : memref<10240x64xf32, #tpu.memory_space<vmem_shared>> -> memref<10240x64xf32, #tpu.memory_space<vmem_shared>>
        tpu.enqueue_indirect_dma source(%arg18 : memref<128x64xf32, #tpu.memory_space<vmem>>) target(%dma_start3A_396 : memref<10240x64xf32, #tpu.memory_space<vmem_shared>>) offsets(%dma_start3A_393 : memref<128xi32, #tpu.memory_space<vmem>>) semaphore(%arg36 : memref<!tpu.dma_semaphore, #tpu.memory_space<semaphore_mem>>) {add = true}
      } else {
      }
      %jit3A_257 = arith.constant 8 : i32
      %eq3A_258 = arith.constant 0 : i32
      %eq3A_259 = arith.cmpi eq, %jit3A_257, %eq3A_258 : i32
      %jit3A_260 = arith.constant 1 : i32
      %select_n3A_261 = arith.select %eq3A_259, %jit3A_260, %jit3A_257 : i32
      %rem3A_262 = arith.remsi %scan3A_202, %select_n3A_261 : i32
      %ne3A_263 = arith.constant 0 : i32
      %ne3A_264 = arith.cmpi ne, %rem3A_262, %ne3A_263 : i32
      %lt3A_265 = arith.constant 0 : i32
      %lt3A_266 = arith.cmpi slt, %rem3A_262, %lt3A_265 : i32
      %lt3A_267 = arith.constant 0 : i32
      %lt3A_268 = arith.cmpi slt, %select_n3A_261, %lt3A_267 : i32
      %ne3A_269 = arith.xori %lt3A_266, %lt3A_268 : i1
      %and3A_270 = arith.andi %ne3A_269, %ne3A_264 : i1
      %add3A_271 = arith.addi %rem3A_262, %select_n3A_261 : i32
      %select_n3A_272 = arith.select %and3A_270, %add3A_271, %rem3A_262 : i32
      %eq3A_273 = arith.constant 3 : i32
      %eq3A_274 = arith.cmpi eq, %select_n3A_272, %eq3A_273 : i32
      %convert_element_type3A_275 = arith.extui %eq3A_274 : i1 to i32
      %cond3A_276 = arith.constant 0 : i32
      %cond3A_277 = arith.cmpi ne, %convert_element_type3A_275, %cond3A_276 : i32
      scf.if %cond3A_277 {
        %add3A_362 = arith.constant 1 : i32
        %add3A_363 = arith.addi %scan3A_202, %add3A_362 : i32
        %lt3A_364 = arith.constant 79 : i32
        %lt3A_365 = arith.cmpi slt, %add3A_363, %lt3A_364 : i32
        %ge3A = arith.constant 3 : i32
        %ge3A_366 = arith.cmpi sge, %scan3A_202, %ge3A : i32
        %and3A_367 = arith.andi %lt3A_365, %ge3A_366 : i1
        %convert_element_type3A_368 = arith.extui %and3A_367 : i1 to i32
        %cond3A_369 = arith.constant 0 : i32
        %cond3A_370 = arith.cmpi ne, %convert_element_type3A_368, %cond3A_369 : i32
        scf.if %cond3A_370 {
          %dma_wait3A_397 = arith.constant 1 : i32
          %dma_wait3A_398 = arith.constant 0 : i32
          %dma_wait3A_399 = tpu.memref_slice %arg8[%dma_wait3A_397, %dma_wait3A_398] : memref<2x128xi32, #tpu.memory_space<vmem>> -> memref<1x128xi32, #tpu.memory_space<vmem>>
          %dma_wait3A_400 = tpu.memref_squeeze %dma_wait3A_399 : memref<1x128xi32, #tpu.memory_space<vmem>> -> memref<128xi32, #tpu.memory_space<vmem>>
          %dma_wait3A_401 = arith.constant 0 : i32
          %dma_wait3A_402 = arith.constant 0 : i32
          %dma_wait3A_403 = tpu.memref_slice %arg21[%dma_wait3A_401, %dma_wait3A_402] : memref<10240x64xf32, #tpu.memory_space<vmem_shared>> -> memref<10240x64xf32, #tpu.memory_space<vmem_shared>>
          tpu.wait_indirect_dma semaphore(%arg34 : memref<!tpu.dma_semaphore, #tpu.memory_space<semaphore_mem>>) src(%arg16 : memref<128x64xf32, #tpu.memory_space<vmem>>) dst(%dma_wait3A_403 : memref<10240x64xf32, #tpu.memory_space<vmem_shared>>)
        } else {
        }
        %lt3A_371 = arith.constant 79 : i32
        %lt3A_372 = arith.cmpi slt, %add3A_363, %lt3A_371 : i32
        %convert_element_type3A_373 = arith.extui %lt3A_372 : i1 to i32
        %cond3A_374 = arith.constant 0 : i32
        %cond3A_375 = arith.cmpi ne, %convert_element_type3A_373, %cond3A_374 : i32
        scf.if %cond3A_375 {
          %add3A_397 = arith.addi %mul3A_2, %add3A_363 : i32
          %dma_wait3A_398 = arith.constant 0 : i32
          %dma_wait3A_399 = arith.constant 0 : i32
          %dma_wait3A_400 = tpu.memref_slice %arg4[%add3A_397, %dma_wait3A_398, %dma_wait3A_399] : memref<2528x2x128xi32, #tpu.memory_space<hbm>> -> memref<1x2x128xi32, #tpu.memory_space<hbm>>
          %dma_wait3A_401 = tpu.memref_squeeze %dma_wait3A_400 : memref<1x2x128xi32, #tpu.memory_space<hbm>> -> memref<2x128xi32, #tpu.memory_space<hbm>>
          %dma_wait3A_402 = arith.constant 0 : i32
          %dma_wait3A_403 = arith.constant 0 : i32
          %dma_wait3A_404 = tpu.memref_slice %arg4[%add3A_397, %dma_wait3A_402, %dma_wait3A_403] : memref<2528x2x128xi32, #tpu.memory_space<hbm>> -> memref<1x2x128xi32, #tpu.memory_space<hbm>>
          %dma_wait3A_405 = tpu.memref_squeeze %dma_wait3A_404 : memref<1x2x128xi32, #tpu.memory_space<hbm>> -> memref<2x128xi32, #tpu.memory_space<hbm>>
          tpu.wait_dma2 semaphore(%arg26 : memref<!tpu.dma_semaphore, #tpu.memory_space<semaphore_mem>>) src(%dma_wait3A_405 : memref<2x128xi32, #tpu.memory_space<hbm>>) dst(%arg12 : memref<2x128xi32, #tpu.memory_space<vmem>>)
          %dma_start3A_406 = arith.constant 0 : i32
          %dma_start3A_407 = arith.constant 0 : i32
          %dma_start3A_408 = tpu.memref_slice %arg12[%dma_start3A_406, %dma_start3A_407] : memref<2x128xi32, #tpu.memory_space<vmem>> -> memref<1x128xi32, #tpu.memory_space<vmem>>
          %dma_start3A_409 = tpu.memref_squeeze %dma_start3A_408 : memref<1x128xi32, #tpu.memory_space<vmem>> -> memref<128xi32, #tpu.memory_space<vmem>>
          %dma_start3A_410 = arith.constant 0 : i32
          %dma_start3A_411 = arith.constant 0 : i32
          %dma_start3A_412 = tpu.memref_slice %arg20[%dma_start3A_410, %dma_start3A_411] : memref<10016x64xf32, #tpu.memory_space<vmem_shared>> -> memref<10016x64xf32, #tpu.memory_space<vmem_shared>>
          tpu.enqueue_indirect_dma source(%dma_start3A_412 : memref<10016x64xf32, #tpu.memory_space<vmem_shared>>) target(%arg16 : memref<128x64xf32, #tpu.memory_space<vmem>>) offsets(%dma_start3A_409 : memref<128xi32, #tpu.memory_space<vmem>>) semaphore(%arg30 : memref<!tpu.dma_semaphore, #tpu.memory_space<semaphore_mem>>)
        } else {
        }
        %dma_wait3A_376 = arith.constant 0 : i32
        %dma_wait3A_377 = arith.constant 0 : i32
        %dma_wait3A_378 = tpu.memref_slice %arg11[%dma_wait3A_376, %dma_wait3A_377] : memref<2x128xi32, #tpu.memory_space<vmem>> -> memref<1x128xi32, #tpu.memory_space<vmem>>
        %dma_wait3A_379 = tpu.memref_squeeze %dma_wait3A_378 : memref<1x128xi32, #tpu.memory_space<vmem>> -> memref<128xi32, #tpu.memory_space<vmem>>
        %dma_wait3A_380 = arith.constant 0 : i32
        %dma_wait3A_381 = arith.constant 0 : i32
        %dma_wait3A_382 = tpu.memref_slice %arg20[%dma_wait3A_380, %dma_wait3A_381] : memref<10016x64xf32, #tpu.memory_space<vmem_shared>> -> memref<10016x64xf32, #tpu.memory_space<vmem_shared>>
        tpu.wait_indirect_dma semaphore(%arg33 : memref<!tpu.dma_semaphore, #tpu.memory_space<semaphore_mem>>) src(%dma_wait3A_382 : memref<10016x64xf32, #tpu.memory_space<vmem_shared>>) dst(%arg19 : memref<128x64xf32, #tpu.memory_space<vmem>>)
        %add3A_383 = arith.constant 3 : i32
        %add3A_384 = arith.addi %scan3A_202, %add3A_383 : i32
        %lt3A_385 = arith.constant 79 : i32
        %lt3A_386 = arith.cmpi slt, %add3A_384, %lt3A_385 : i32
        %convert_element_type3A_387 = arith.extui %lt3A_386 : i1 to i32
        %cond3A_388 = arith.constant 0 : i32
        %cond3A_389 = arith.cmpi ne, %convert_element_type3A_387, %cond3A_388 : i32
        scf.if %cond3A_389 {
          %add3A_397 = arith.addi %mul3A_2, %scan3A_202 : i32
          %add3A_398 = arith.constant 3 : i32
          %add3A_399 = arith.addi %add3A_397, %add3A_398 : i32
          %dma_start3A_400 = arith.constant 0 : i32
          %dma_start3A_401 = arith.constant 0 : i32
          %dma_start3A_402 = tpu.memref_slice %arg4[%add3A_399, %dma_start3A_400, %dma_start3A_401] : memref<2528x2x128xi32, #tpu.memory_space<hbm>> -> memref<1x2x128xi32, #tpu.memory_space<hbm>>
          %dma_start3A_403 = tpu.memref_squeeze %dma_start3A_402 : memref<1x2x128xi32, #tpu.memory_space<hbm>> -> memref<2x128xi32, #tpu.memory_space<hbm>>
          %dma_start3A_404 = arith.constant 0 : i32
          %dma_start3A_405 = arith.constant 0 : i32
          %dma_start3A_406 = tpu.memref_slice %arg4[%add3A_399, %dma_start3A_404, %dma_start3A_405] : memref<2528x2x128xi32, #tpu.memory_space<hbm>> -> memref<1x2x128xi32, #tpu.memory_space<hbm>>
          %dma_start3A_407 = tpu.memref_squeeze %dma_start3A_406 : memref<1x2x128xi32, #tpu.memory_space<hbm>> -> memref<2x128xi32, #tpu.memory_space<hbm>>
          tpu.enqueue_dma source(%dma_start3A_407 : memref<2x128xi32, #tpu.memory_space<hbm>>) target(%arg14 : memref<2x128xi32, #tpu.memory_space<vmem>>) target_semaphore(%arg28 : memref<!tpu.dma_semaphore, #tpu.memory_space<semaphore_mem>>)
        } else {
        }
        %dma_start3A_390 = arith.constant 1 : i32
        %dma_start3A_391 = arith.constant 0 : i32
        %dma_start3A_392 = tpu.memref_slice %arg11[%dma_start3A_390, %dma_start3A_391] : memref<2x128xi32, #tpu.memory_space<vmem>> -> memref<1x128xi32, #tpu.memory_space<vmem>>
        %dma_start3A_393 = tpu.memref_squeeze %dma_start3A_392 : memref<1x128xi32, #tpu.memory_space<vmem>> -> memref<128xi32, #tpu.memory_space<vmem>>
        %dma_start3A_394 = arith.constant 0 : i32
        %dma_start3A_395 = arith.constant 0 : i32
        %dma_start3A_396 = tpu.memref_slice %arg21[%dma_start3A_394, %dma_start3A_395] : memref<10240x64xf32, #tpu.memory_space<vmem_shared>> -> memref<10240x64xf32, #tpu.memory_space<vmem_shared>>
        tpu.enqueue_indirect_dma source(%arg19 : memref<128x64xf32, #tpu.memory_space<vmem>>) target(%dma_start3A_396 : memref<10240x64xf32, #tpu.memory_space<vmem_shared>>) offsets(%dma_start3A_393 : memref<128xi32, #tpu.memory_space<vmem>>) semaphore(%arg37 : memref<!tpu.dma_semaphore, #tpu.memory_space<semaphore_mem>>) {add = true}
      } else {
      }
      %jit3A_278 = arith.constant 8 : i32
      %eq3A_279 = arith.constant 0 : i32
      %eq3A_280 = arith.cmpi eq, %jit3A_278, %eq3A_279 : i32
      %jit3A_281 = arith.constant 1 : i32
      %select_n3A_282 = arith.select %eq3A_280, %jit3A_281, %jit3A_278 : i32
      %rem3A_283 = arith.remsi %scan3A_202, %select_n3A_282 : i32
      %ne3A_284 = arith.constant 0 : i32
      %ne3A_285 = arith.cmpi ne, %rem3A_283, %ne3A_284 : i32
      %lt3A_286 = arith.constant 0 : i32
      %lt3A_287 = arith.cmpi slt, %rem3A_283, %lt3A_286 : i32
      %lt3A_288 = arith.constant 0 : i32
      %lt3A_289 = arith.cmpi slt, %select_n3A_282, %lt3A_288 : i32
      %ne3A_290 = arith.xori %lt3A_287, %lt3A_289 : i1
      %and3A_291 = arith.andi %ne3A_290, %ne3A_285 : i1
      %add3A_292 = arith.addi %rem3A_283, %select_n3A_282 : i32
      %select_n3A_293 = arith.select %and3A_291, %add3A_292, %rem3A_283 : i32
      %eq3A_294 = arith.constant 4 : i32
      %eq3A_295 = arith.cmpi eq, %select_n3A_293, %eq3A_294 : i32
      %convert_element_type3A_296 = arith.extui %eq3A_295 : i1 to i32
      %cond3A_297 = arith.constant 0 : i32
      %cond3A_298 = arith.cmpi ne, %convert_element_type3A_296, %cond3A_297 : i32
      scf.if %cond3A_298 {
        %add3A_362 = arith.constant 1 : i32
        %add3A_363 = arith.addi %scan3A_202, %add3A_362 : i32
        %lt3A_364 = arith.constant 79 : i32
        %lt3A_365 = arith.cmpi slt, %add3A_363, %lt3A_364 : i32
        %ge3A = arith.constant 3 : i32
        %ge3A_366 = arith.cmpi sge, %scan3A_202, %ge3A : i32
        %and3A_367 = arith.andi %lt3A_365, %ge3A_366 : i1
        %convert_element_type3A_368 = arith.extui %and3A_367 : i1 to i32
        %cond3A_369 = arith.constant 0 : i32
        %cond3A_370 = arith.cmpi ne, %convert_element_type3A_368, %cond3A_369 : i32
        scf.if %cond3A_370 {
          %dma_wait3A_397 = arith.constant 1 : i32
          %dma_wait3A_398 = arith.constant 0 : i32
          %dma_wait3A_399 = tpu.memref_slice %arg9[%dma_wait3A_397, %dma_wait3A_398] : memref<2x128xi32, #tpu.memory_space<vmem>> -> memref<1x128xi32, #tpu.memory_space<vmem>>
          %dma_wait3A_400 = tpu.memref_squeeze %dma_wait3A_399 : memref<1x128xi32, #tpu.memory_space<vmem>> -> memref<128xi32, #tpu.memory_space<vmem>>
          %dma_wait3A_401 = arith.constant 0 : i32
          %dma_wait3A_402 = arith.constant 0 : i32
          %dma_wait3A_403 = tpu.memref_slice %arg21[%dma_wait3A_401, %dma_wait3A_402] : memref<10240x64xf32, #tpu.memory_space<vmem_shared>> -> memref<10240x64xf32, #tpu.memory_space<vmem_shared>>
          tpu.wait_indirect_dma semaphore(%arg35 : memref<!tpu.dma_semaphore, #tpu.memory_space<semaphore_mem>>) src(%arg17 : memref<128x64xf32, #tpu.memory_space<vmem>>) dst(%dma_wait3A_403 : memref<10240x64xf32, #tpu.memory_space<vmem_shared>>)
        } else {
        }
        %lt3A_371 = arith.constant 79 : i32
        %lt3A_372 = arith.cmpi slt, %add3A_363, %lt3A_371 : i32
        %convert_element_type3A_373 = arith.extui %lt3A_372 : i1 to i32
        %cond3A_374 = arith.constant 0 : i32
        %cond3A_375 = arith.cmpi ne, %convert_element_type3A_373, %cond3A_374 : i32
        scf.if %cond3A_375 {
          %add3A_397 = arith.addi %mul3A_2, %add3A_363 : i32
          %dma_wait3A_398 = arith.constant 0 : i32
          %dma_wait3A_399 = arith.constant 0 : i32
          %dma_wait3A_400 = tpu.memref_slice %arg4[%add3A_397, %dma_wait3A_398, %dma_wait3A_399] : memref<2528x2x128xi32, #tpu.memory_space<hbm>> -> memref<1x2x128xi32, #tpu.memory_space<hbm>>
          %dma_wait3A_401 = tpu.memref_squeeze %dma_wait3A_400 : memref<1x2x128xi32, #tpu.memory_space<hbm>> -> memref<2x128xi32, #tpu.memory_space<hbm>>
          %dma_wait3A_402 = arith.constant 0 : i32
          %dma_wait3A_403 = arith.constant 0 : i32
          %dma_wait3A_404 = tpu.memref_slice %arg4[%add3A_397, %dma_wait3A_402, %dma_wait3A_403] : memref<2528x2x128xi32, #tpu.memory_space<hbm>> -> memref<1x2x128xi32, #tpu.memory_space<hbm>>
          %dma_wait3A_405 = tpu.memref_squeeze %dma_wait3A_404 : memref<1x2x128xi32, #tpu.memory_space<hbm>> -> memref<2x128xi32, #tpu.memory_space<hbm>>
          tpu.wait_dma2 semaphore(%arg27 : memref<!tpu.dma_semaphore, #tpu.memory_space<semaphore_mem>>) src(%dma_wait3A_405 : memref<2x128xi32, #tpu.memory_space<hbm>>) dst(%arg13 : memref<2x128xi32, #tpu.memory_space<vmem>>)
          %dma_start3A_406 = arith.constant 0 : i32
          %dma_start3A_407 = arith.constant 0 : i32
          %dma_start3A_408 = tpu.memref_slice %arg13[%dma_start3A_406, %dma_start3A_407] : memref<2x128xi32, #tpu.memory_space<vmem>> -> memref<1x128xi32, #tpu.memory_space<vmem>>
          %dma_start3A_409 = tpu.memref_squeeze %dma_start3A_408 : memref<1x128xi32, #tpu.memory_space<vmem>> -> memref<128xi32, #tpu.memory_space<vmem>>
          %dma_start3A_410 = arith.constant 0 : i32
          %dma_start3A_411 = arith.constant 0 : i32
          %dma_start3A_412 = tpu.memref_slice %arg20[%dma_start3A_410, %dma_start3A_411] : memref<10016x64xf32, #tpu.memory_space<vmem_shared>> -> memref<10016x64xf32, #tpu.memory_space<vmem_shared>>
          tpu.enqueue_indirect_dma source(%dma_start3A_412 : memref<10016x64xf32, #tpu.memory_space<vmem_shared>>) target(%arg17 : memref<128x64xf32, #tpu.memory_space<vmem>>) offsets(%dma_start3A_409 : memref<128xi32, #tpu.memory_space<vmem>>) semaphore(%arg31 : memref<!tpu.dma_semaphore, #tpu.memory_space<semaphore_mem>>)
        } else {
        }
        %dma_wait3A_376 = arith.constant 0 : i32
        %dma_wait3A_377 = arith.constant 0 : i32
        %dma_wait3A_378 = tpu.memref_slice %arg12[%dma_wait3A_376, %dma_wait3A_377] : memref<2x128xi32, #tpu.memory_space<vmem>> -> memref<1x128xi32, #tpu.memory_space<vmem>>
        %dma_wait3A_379 = tpu.memref_squeeze %dma_wait3A_378 : memref<1x128xi32, #tpu.memory_space<vmem>> -> memref<128xi32, #tpu.memory_space<vmem>>
        %dma_wait3A_380 = arith.constant 0 : i32
        %dma_wait3A_381 = arith.constant 0 : i32
        %dma_wait3A_382 = tpu.memref_slice %arg20[%dma_wait3A_380, %dma_wait3A_381] : memref<10016x64xf32, #tpu.memory_space<vmem_shared>> -> memref<10016x64xf32, #tpu.memory_space<vmem_shared>>
        tpu.wait_indirect_dma semaphore(%arg30 : memref<!tpu.dma_semaphore, #tpu.memory_space<semaphore_mem>>) src(%dma_wait3A_382 : memref<10016x64xf32, #tpu.memory_space<vmem_shared>>) dst(%arg16 : memref<128x64xf32, #tpu.memory_space<vmem>>)
        %add3A_383 = arith.constant 3 : i32
        %add3A_384 = arith.addi %scan3A_202, %add3A_383 : i32
        %lt3A_385 = arith.constant 79 : i32
        %lt3A_386 = arith.cmpi slt, %add3A_384, %lt3A_385 : i32
        %convert_element_type3A_387 = arith.extui %lt3A_386 : i1 to i32
        %cond3A_388 = arith.constant 0 : i32
        %cond3A_389 = arith.cmpi ne, %convert_element_type3A_387, %cond3A_388 : i32
        scf.if %cond3A_389 {
          %add3A_397 = arith.addi %mul3A_2, %scan3A_202 : i32
          %add3A_398 = arith.constant 3 : i32
          %add3A_399 = arith.addi %add3A_397, %add3A_398 : i32
          %dma_start3A_400 = arith.constant 0 : i32
          %dma_start3A_401 = arith.constant 0 : i32
          %dma_start3A_402 = tpu.memref_slice %arg4[%add3A_399, %dma_start3A_400, %dma_start3A_401] : memref<2528x2x128xi32, #tpu.memory_space<hbm>> -> memref<1x2x128xi32, #tpu.memory_space<hbm>>
          %dma_start3A_403 = tpu.memref_squeeze %dma_start3A_402 : memref<1x2x128xi32, #tpu.memory_space<hbm>> -> memref<2x128xi32, #tpu.memory_space<hbm>>
          %dma_start3A_404 = arith.constant 0 : i32
          %dma_start3A_405 = arith.constant 0 : i32
          %dma_start3A_406 = tpu.memref_slice %arg4[%add3A_399, %dma_start3A_404, %dma_start3A_405] : memref<2528x2x128xi32, #tpu.memory_space<hbm>> -> memref<1x2x128xi32, #tpu.memory_space<hbm>>
          %dma_start3A_407 = tpu.memref_squeeze %dma_start3A_406 : memref<1x2x128xi32, #tpu.memory_space<hbm>> -> memref<2x128xi32, #tpu.memory_space<hbm>>
          tpu.enqueue_dma source(%dma_start3A_407 : memref<2x128xi32, #tpu.memory_space<hbm>>) target(%arg15 : memref<2x128xi32, #tpu.memory_space<vmem>>) target_semaphore(%arg29 : memref<!tpu.dma_semaphore, #tpu.memory_space<semaphore_mem>>)
        } else {
        }
        %dma_start3A_390 = arith.constant 1 : i32
        %dma_start3A_391 = arith.constant 0 : i32
        %dma_start3A_392 = tpu.memref_slice %arg12[%dma_start3A_390, %dma_start3A_391] : memref<2x128xi32, #tpu.memory_space<vmem>> -> memref<1x128xi32, #tpu.memory_space<vmem>>
        %dma_start3A_393 = tpu.memref_squeeze %dma_start3A_392 : memref<1x128xi32, #tpu.memory_space<vmem>> -> memref<128xi32, #tpu.memory_space<vmem>>
        %dma_start3A_394 = arith.constant 0 : i32
        %dma_start3A_395 = arith.constant 0 : i32
        %dma_start3A_396 = tpu.memref_slice %arg21[%dma_start3A_394, %dma_start3A_395] : memref<10240x64xf32, #tpu.memory_space<vmem_shared>> -> memref<10240x64xf32, #tpu.memory_space<vmem_shared>>
        tpu.enqueue_indirect_dma source(%arg16 : memref<128x64xf32, #tpu.memory_space<vmem>>) target(%dma_start3A_396 : memref<10240x64xf32, #tpu.memory_space<vmem_shared>>) offsets(%dma_start3A_393 : memref<128xi32, #tpu.memory_space<vmem>>) semaphore(%arg34 : memref<!tpu.dma_semaphore, #tpu.memory_space<semaphore_mem>>) {add = true}
      } else {
      }
      %jit3A_299 = arith.constant 8 : i32
      %eq3A_300 = arith.constant 0 : i32
      %eq3A_301 = arith.cmpi eq, %jit3A_299, %eq3A_300 : i32
      %jit3A_302 = arith.constant 1 : i32
      %select_n3A_303 = arith.select %eq3A_301, %jit3A_302, %jit3A_299 : i32
      %rem3A_304 = arith.remsi %scan3A_202, %select_n3A_303 : i32
      %ne3A_305 = arith.constant 0 : i32
      %ne3A_306 = arith.cmpi ne, %rem3A_304, %ne3A_305 : i32
      %lt3A_307 = arith.constant 0 : i32
      %lt3A_308 = arith.cmpi slt, %rem3A_304, %lt3A_307 : i32
      %lt3A_309 = arith.constant 0 : i32
      %lt3A_310 = arith.cmpi slt, %select_n3A_303, %lt3A_309 : i32
      %ne3A_311 = arith.xori %lt3A_308, %lt3A_310 : i1
      %and3A_312 = arith.andi %ne3A_311, %ne3A_306 : i1
      %add3A_313 = arith.addi %rem3A_304, %select_n3A_303 : i32
      %select_n3A_314 = arith.select %and3A_312, %add3A_313, %rem3A_304 : i32
      %eq3A_315 = arith.constant 5 : i32
      %eq3A_316 = arith.cmpi eq, %select_n3A_314, %eq3A_315 : i32
      %convert_element_type3A_317 = arith.extui %eq3A_316 : i1 to i32
      %cond3A_318 = arith.constant 0 : i32
      %cond3A_319 = arith.cmpi ne, %convert_element_type3A_317, %cond3A_318 : i32
      scf.if %cond3A_319 {
        %add3A_362 = arith.constant 1 : i32
        %add3A_363 = arith.addi %scan3A_202, %add3A_362 : i32
        %lt3A_364 = arith.constant 79 : i32
        %lt3A_365 = arith.cmpi slt, %add3A_363, %lt3A_364 : i32
        %ge3A = arith.constant 3 : i32
        %ge3A_366 = arith.cmpi sge, %scan3A_202, %ge3A : i32
        %and3A_367 = arith.andi %lt3A_365, %ge3A_366 : i1
        %convert_element_type3A_368 = arith.extui %and3A_367 : i1 to i32
        %cond3A_369 = arith.constant 0 : i32
        %cond3A_370 = arith.cmpi ne, %convert_element_type3A_368, %cond3A_369 : i32
        scf.if %cond3A_370 {
          %dma_wait3A_397 = arith.constant 1 : i32
          %dma_wait3A_398 = arith.constant 0 : i32
          %dma_wait3A_399 = tpu.memref_slice %arg10[%dma_wait3A_397, %dma_wait3A_398] : memref<2x128xi32, #tpu.memory_space<vmem>> -> memref<1x128xi32, #tpu.memory_space<vmem>>
          %dma_wait3A_400 = tpu.memref_squeeze %dma_wait3A_399 : memref<1x128xi32, #tpu.memory_space<vmem>> -> memref<128xi32, #tpu.memory_space<vmem>>
          %dma_wait3A_401 = arith.constant 0 : i32
          %dma_wait3A_402 = arith.constant 0 : i32
          %dma_wait3A_403 = tpu.memref_slice %arg21[%dma_wait3A_401, %dma_wait3A_402] : memref<10240x64xf32, #tpu.memory_space<vmem_shared>> -> memref<10240x64xf32, #tpu.memory_space<vmem_shared>>
          tpu.wait_indirect_dma semaphore(%arg36 : memref<!tpu.dma_semaphore, #tpu.memory_space<semaphore_mem>>) src(%arg18 : memref<128x64xf32, #tpu.memory_space<vmem>>) dst(%dma_wait3A_403 : memref<10240x64xf32, #tpu.memory_space<vmem_shared>>)
        } else {
        }
        %lt3A_371 = arith.constant 79 : i32
        %lt3A_372 = arith.cmpi slt, %add3A_363, %lt3A_371 : i32
        %convert_element_type3A_373 = arith.extui %lt3A_372 : i1 to i32
        %cond3A_374 = arith.constant 0 : i32
        %cond3A_375 = arith.cmpi ne, %convert_element_type3A_373, %cond3A_374 : i32
        scf.if %cond3A_375 {
          %add3A_397 = arith.addi %mul3A_2, %add3A_363 : i32
          %dma_wait3A_398 = arith.constant 0 : i32
          %dma_wait3A_399 = arith.constant 0 : i32
          %dma_wait3A_400 = tpu.memref_slice %arg4[%add3A_397, %dma_wait3A_398, %dma_wait3A_399] : memref<2528x2x128xi32, #tpu.memory_space<hbm>> -> memref<1x2x128xi32, #tpu.memory_space<hbm>>
          %dma_wait3A_401 = tpu.memref_squeeze %dma_wait3A_400 : memref<1x2x128xi32, #tpu.memory_space<hbm>> -> memref<2x128xi32, #tpu.memory_space<hbm>>
          %dma_wait3A_402 = arith.constant 0 : i32
          %dma_wait3A_403 = arith.constant 0 : i32
          %dma_wait3A_404 = tpu.memref_slice %arg4[%add3A_397, %dma_wait3A_402, %dma_wait3A_403] : memref<2528x2x128xi32, #tpu.memory_space<hbm>> -> memref<1x2x128xi32, #tpu.memory_space<hbm>>
          %dma_wait3A_405 = tpu.memref_squeeze %dma_wait3A_404 : memref<1x2x128xi32, #tpu.memory_space<hbm>> -> memref<2x128xi32, #tpu.memory_space<hbm>>
          tpu.wait_dma2 semaphore(%arg28 : memref<!tpu.dma_semaphore, #tpu.memory_space<semaphore_mem>>) src(%dma_wait3A_405 : memref<2x128xi32, #tpu.memory_space<hbm>>) dst(%arg14 : memref<2x128xi32, #tpu.memory_space<vmem>>)
          %dma_start3A_406 = arith.constant 0 : i32
          %dma_start3A_407 = arith.constant 0 : i32
          %dma_start3A_408 = tpu.memref_slice %arg14[%dma_start3A_406, %dma_start3A_407] : memref<2x128xi32, #tpu.memory_space<vmem>> -> memref<1x128xi32, #tpu.memory_space<vmem>>
          %dma_start3A_409 = tpu.memref_squeeze %dma_start3A_408 : memref<1x128xi32, #tpu.memory_space<vmem>> -> memref<128xi32, #tpu.memory_space<vmem>>
          %dma_start3A_410 = arith.constant 0 : i32
          %dma_start3A_411 = arith.constant 0 : i32
          %dma_start3A_412 = tpu.memref_slice %arg20[%dma_start3A_410, %dma_start3A_411] : memref<10016x64xf32, #tpu.memory_space<vmem_shared>> -> memref<10016x64xf32, #tpu.memory_space<vmem_shared>>
          tpu.enqueue_indirect_dma source(%dma_start3A_412 : memref<10016x64xf32, #tpu.memory_space<vmem_shared>>) target(%arg18 : memref<128x64xf32, #tpu.memory_space<vmem>>) offsets(%dma_start3A_409 : memref<128xi32, #tpu.memory_space<vmem>>) semaphore(%arg32 : memref<!tpu.dma_semaphore, #tpu.memory_space<semaphore_mem>>)
        } else {
        }
        %dma_wait3A_376 = arith.constant 0 : i32
        %dma_wait3A_377 = arith.constant 0 : i32
        %dma_wait3A_378 = tpu.memref_slice %arg13[%dma_wait3A_376, %dma_wait3A_377] : memref<2x128xi32, #tpu.memory_space<vmem>> -> memref<1x128xi32, #tpu.memory_space<vmem>>
        %dma_wait3A_379 = tpu.memref_squeeze %dma_wait3A_378 : memref<1x128xi32, #tpu.memory_space<vmem>> -> memref<128xi32, #tpu.memory_space<vmem>>
        %dma_wait3A_380 = arith.constant 0 : i32
        %dma_wait3A_381 = arith.constant 0 : i32
        %dma_wait3A_382 = tpu.memref_slice %arg20[%dma_wait3A_380, %dma_wait3A_381] : memref<10016x64xf32, #tpu.memory_space<vmem_shared>> -> memref<10016x64xf32, #tpu.memory_space<vmem_shared>>
        tpu.wait_indirect_dma semaphore(%arg31 : memref<!tpu.dma_semaphore, #tpu.memory_space<semaphore_mem>>) src(%dma_wait3A_382 : memref<10016x64xf32, #tpu.memory_space<vmem_shared>>) dst(%arg17 : memref<128x64xf32, #tpu.memory_space<vmem>>)
        %add3A_383 = arith.constant 3 : i32
        %add3A_384 = arith.addi %scan3A_202, %add3A_383 : i32
        %lt3A_385 = arith.constant 79 : i32
        %lt3A_386 = arith.cmpi slt, %add3A_384, %lt3A_385 : i32
        %convert_element_type3A_387 = arith.extui %lt3A_386 : i1 to i32
        %cond3A_388 = arith.constant 0 : i32
        %cond3A_389 = arith.cmpi ne, %convert_element_type3A_387, %cond3A_388 : i32
        scf.if %cond3A_389 {
          %add3A_397 = arith.addi %mul3A_2, %scan3A_202 : i32
          %add3A_398 = arith.constant 3 : i32
          %add3A_399 = arith.addi %add3A_397, %add3A_398 : i32
          %dma_start3A_400 = arith.constant 0 : i32
          %dma_start3A_401 = arith.constant 0 : i32
          %dma_start3A_402 = tpu.memref_slice %arg4[%add3A_399, %dma_start3A_400, %dma_start3A_401] : memref<2528x2x128xi32, #tpu.memory_space<hbm>> -> memref<1x2x128xi32, #tpu.memory_space<hbm>>
          %dma_start3A_403 = tpu.memref_squeeze %dma_start3A_402 : memref<1x2x128xi32, #tpu.memory_space<hbm>> -> memref<2x128xi32, #tpu.memory_space<hbm>>
          %dma_start3A_404 = arith.constant 0 : i32
          %dma_start3A_405 = arith.constant 0 : i32
          %dma_start3A_406 = tpu.memref_slice %arg4[%add3A_399, %dma_start3A_404, %dma_start3A_405] : memref<2528x2x128xi32, #tpu.memory_space<hbm>> -> memref<1x2x128xi32, #tpu.memory_space<hbm>>
          %dma_start3A_407 = tpu.memref_squeeze %dma_start3A_406 : memref<1x2x128xi32, #tpu.memory_space<hbm>> -> memref<2x128xi32, #tpu.memory_space<hbm>>
          tpu.enqueue_dma source(%dma_start3A_407 : memref<2x128xi32, #tpu.memory_space<hbm>>) target(%arg8 : memref<2x128xi32, #tpu.memory_space<vmem>>) target_semaphore(%arg22 : memref<!tpu.dma_semaphore, #tpu.memory_space<semaphore_mem>>)
        } else {
        }
        %dma_start3A_390 = arith.constant 1 : i32
        %dma_start3A_391 = arith.constant 0 : i32
        %dma_start3A_392 = tpu.memref_slice %arg13[%dma_start3A_390, %dma_start3A_391] : memref<2x128xi32, #tpu.memory_space<vmem>> -> memref<1x128xi32, #tpu.memory_space<vmem>>
        %dma_start3A_393 = tpu.memref_squeeze %dma_start3A_392 : memref<1x128xi32, #tpu.memory_space<vmem>> -> memref<128xi32, #tpu.memory_space<vmem>>
        %dma_start3A_394 = arith.constant 0 : i32
        %dma_start3A_395 = arith.constant 0 : i32
        %dma_start3A_396 = tpu.memref_slice %arg21[%dma_start3A_394, %dma_start3A_395] : memref<10240x64xf32, #tpu.memory_space<vmem_shared>> -> memref<10240x64xf32, #tpu.memory_space<vmem_shared>>
        tpu.enqueue_indirect_dma source(%arg17 : memref<128x64xf32, #tpu.memory_space<vmem>>) target(%dma_start3A_396 : memref<10240x64xf32, #tpu.memory_space<vmem_shared>>) offsets(%dma_start3A_393 : memref<128xi32, #tpu.memory_space<vmem>>) semaphore(%arg35 : memref<!tpu.dma_semaphore, #tpu.memory_space<semaphore_mem>>) {add = true}
      } else {
      }
      %jit3A_320 = arith.constant 8 : i32
      %eq3A_321 = arith.constant 0 : i32
      %eq3A_322 = arith.cmpi eq, %jit3A_320, %eq3A_321 : i32
      %jit3A_323 = arith.constant 1 : i32
      %select_n3A_324 = arith.select %eq3A_322, %jit3A_323, %jit3A_320 : i32
      %rem3A_325 = arith.remsi %scan3A_202, %select_n3A_324 : i32
      %ne3A_326 = arith.constant 0 : i32
      %ne3A_327 = arith.cmpi ne, %rem3A_325, %ne3A_326 : i32
      %lt3A_328 = arith.constant 0 : i32
      %lt3A_329 = arith.cmpi slt, %rem3A_325, %lt3A_328 : i32
      %lt3A_330 = arith.constant 0 : i32
      %lt3A_331 = arith.cmpi slt, %select_n3A_324, %lt3A_330 : i32
      %ne3A_332 = arith.xori %lt3A_329, %lt3A_331 : i1
      %and3A_333 = arith.andi %ne3A_332, %ne3A_327 : i1
      %add3A_334 = arith.addi %rem3A_325, %select_n3A_324 : i32
      %select_n3A_335 = arith.select %and3A_333, %add3A_334, %rem3A_325 : i32
      %eq3A_336 = arith.constant 6 : i32
      %eq3A_337 = arith.cmpi eq, %select_n3A_335, %eq3A_336 : i32
      %convert_element_type3A_338 = arith.extui %eq3A_337 : i1 to i32
      %cond3A_339 = arith.constant 0 : i32
      %cond3A_340 = arith.cmpi ne, %convert_element_type3A_338, %cond3A_339 : i32
      scf.if %cond3A_340 {
        %add3A_362 = arith.constant 1 : i32
        %add3A_363 = arith.addi %scan3A_202, %add3A_362 : i32
        %lt3A_364 = arith.constant 79 : i32
        %lt3A_365 = arith.cmpi slt, %add3A_363, %lt3A_364 : i32
        %ge3A = arith.constant 3 : i32
        %ge3A_366 = arith.cmpi sge, %scan3A_202, %ge3A : i32
        %and3A_367 = arith.andi %lt3A_365, %ge3A_366 : i1
        %convert_element_type3A_368 = arith.extui %and3A_367 : i1 to i32
        %cond3A_369 = arith.constant 0 : i32
        %cond3A_370 = arith.cmpi ne, %convert_element_type3A_368, %cond3A_369 : i32
        scf.if %cond3A_370 {
          %dma_wait3A_397 = arith.constant 1 : i32
          %dma_wait3A_398 = arith.constant 0 : i32
          %dma_wait3A_399 = tpu.memref_slice %arg11[%dma_wait3A_397, %dma_wait3A_398] : memref<2x128xi32, #tpu.memory_space<vmem>> -> memref<1x128xi32, #tpu.memory_space<vmem>>
          %dma_wait3A_400 = tpu.memref_squeeze %dma_wait3A_399 : memref<1x128xi32, #tpu.memory_space<vmem>> -> memref<128xi32, #tpu.memory_space<vmem>>
          %dma_wait3A_401 = arith.constant 0 : i32
          %dma_wait3A_402 = arith.constant 0 : i32
          %dma_wait3A_403 = tpu.memref_slice %arg21[%dma_wait3A_401, %dma_wait3A_402] : memref<10240x64xf32, #tpu.memory_space<vmem_shared>> -> memref<10240x64xf32, #tpu.memory_space<vmem_shared>>
          tpu.wait_indirect_dma semaphore(%arg37 : memref<!tpu.dma_semaphore, #tpu.memory_space<semaphore_mem>>) src(%arg19 : memref<128x64xf32, #tpu.memory_space<vmem>>) dst(%dma_wait3A_403 : memref<10240x64xf32, #tpu.memory_space<vmem_shared>>)
        } else {
        }
        %lt3A_371 = arith.constant 79 : i32
        %lt3A_372 = arith.cmpi slt, %add3A_363, %lt3A_371 : i32
        %convert_element_type3A_373 = arith.extui %lt3A_372 : i1 to i32
        %cond3A_374 = arith.constant 0 : i32
        %cond3A_375 = arith.cmpi ne, %convert_element_type3A_373, %cond3A_374 : i32
        scf.if %cond3A_375 {
          %add3A_397 = arith.addi %mul3A_2, %add3A_363 : i32
          %dma_wait3A_398 = arith.constant 0 : i32
          %dma_wait3A_399 = arith.constant 0 : i32
          %dma_wait3A_400 = tpu.memref_slice %arg4[%add3A_397, %dma_wait3A_398, %dma_wait3A_399] : memref<2528x2x128xi32, #tpu.memory_space<hbm>> -> memref<1x2x128xi32, #tpu.memory_space<hbm>>
          %dma_wait3A_401 = tpu.memref_squeeze %dma_wait3A_400 : memref<1x2x128xi32, #tpu.memory_space<hbm>> -> memref<2x128xi32, #tpu.memory_space<hbm>>
          %dma_wait3A_402 = arith.constant 0 : i32
          %dma_wait3A_403 = arith.constant 0 : i32
          %dma_wait3A_404 = tpu.memref_slice %arg4[%add3A_397, %dma_wait3A_402, %dma_wait3A_403] : memref<2528x2x128xi32, #tpu.memory_space<hbm>> -> memref<1x2x128xi32, #tpu.memory_space<hbm>>
          %dma_wait3A_405 = tpu.memref_squeeze %dma_wait3A_404 : memref<1x2x128xi32, #tpu.memory_space<hbm>> -> memref<2x128xi32, #tpu.memory_space<hbm>>
          tpu.wait_dma2 semaphore(%arg29 : memref<!tpu.dma_semaphore, #tpu.memory_space<semaphore_mem>>) src(%dma_wait3A_405 : memref<2x128xi32, #tpu.memory_space<hbm>>) dst(%arg15 : memref<2x128xi32, #tpu.memory_space<vmem>>)
          %dma_start3A_406 = arith.constant 0 : i32
          %dma_start3A_407 = arith.constant 0 : i32
          %dma_start3A_408 = tpu.memref_slice %arg15[%dma_start3A_406, %dma_start3A_407] : memref<2x128xi32, #tpu.memory_space<vmem>> -> memref<1x128xi32, #tpu.memory_space<vmem>>
          %dma_start3A_409 = tpu.memref_squeeze %dma_start3A_408 : memref<1x128xi32, #tpu.memory_space<vmem>> -> memref<128xi32, #tpu.memory_space<vmem>>
          %dma_start3A_410 = arith.constant 0 : i32
          %dma_start3A_411 = arith.constant 0 : i32
          %dma_start3A_412 = tpu.memref_slice %arg20[%dma_start3A_410, %dma_start3A_411] : memref<10016x64xf32, #tpu.memory_space<vmem_shared>> -> memref<10016x64xf32, #tpu.memory_space<vmem_shared>>
          tpu.enqueue_indirect_dma source(%dma_start3A_412 : memref<10016x64xf32, #tpu.memory_space<vmem_shared>>) target(%arg19 : memref<128x64xf32, #tpu.memory_space<vmem>>) offsets(%dma_start3A_409 : memref<128xi32, #tpu.memory_space<vmem>>) semaphore(%arg33 : memref<!tpu.dma_semaphore, #tpu.memory_space<semaphore_mem>>)
        } else {
        }
        %dma_wait3A_376 = arith.constant 0 : i32
        %dma_wait3A_377 = arith.constant 0 : i32
        %dma_wait3A_378 = tpu.memref_slice %arg14[%dma_wait3A_376, %dma_wait3A_377] : memref<2x128xi32, #tpu.memory_space<vmem>> -> memref<1x128xi32, #tpu.memory_space<vmem>>
        %dma_wait3A_379 = tpu.memref_squeeze %dma_wait3A_378 : memref<1x128xi32, #tpu.memory_space<vmem>> -> memref<128xi32, #tpu.memory_space<vmem>>
        %dma_wait3A_380 = arith.constant 0 : i32
        %dma_wait3A_381 = arith.constant 0 : i32
        %dma_wait3A_382 = tpu.memref_slice %arg20[%dma_wait3A_380, %dma_wait3A_381] : memref<10016x64xf32, #tpu.memory_space<vmem_shared>> -> memref<10016x64xf32, #tpu.memory_space<vmem_shared>>
        tpu.wait_indirect_dma semaphore(%arg32 : memref<!tpu.dma_semaphore, #tpu.memory_space<semaphore_mem>>) src(%dma_wait3A_382 : memref<10016x64xf32, #tpu.memory_space<vmem_shared>>) dst(%arg18 : memref<128x64xf32, #tpu.memory_space<vmem>>)
        %add3A_383 = arith.constant 3 : i32
        %add3A_384 = arith.addi %scan3A_202, %add3A_383 : i32
        %lt3A_385 = arith.constant 79 : i32
        %lt3A_386 = arith.cmpi slt, %add3A_384, %lt3A_385 : i32
        %convert_element_type3A_387 = arith.extui %lt3A_386 : i1 to i32
        %cond3A_388 = arith.constant 0 : i32
        %cond3A_389 = arith.cmpi ne, %convert_element_type3A_387, %cond3A_388 : i32
        scf.if %cond3A_389 {
          %add3A_397 = arith.addi %mul3A_2, %scan3A_202 : i32
          %add3A_398 = arith.constant 3 : i32
          %add3A_399 = arith.addi %add3A_397, %add3A_398 : i32
          %dma_start3A_400 = arith.constant 0 : i32
          %dma_start3A_401 = arith.constant 0 : i32
          %dma_start3A_402 = tpu.memref_slice %arg4[%add3A_399, %dma_start3A_400, %dma_start3A_401] : memref<2528x2x128xi32, #tpu.memory_space<hbm>> -> memref<1x2x128xi32, #tpu.memory_space<hbm>>
          %dma_start3A_403 = tpu.memref_squeeze %dma_start3A_402 : memref<1x2x128xi32, #tpu.memory_space<hbm>> -> memref<2x128xi32, #tpu.memory_space<hbm>>
          %dma_start3A_404 = arith.constant 0 : i32
          %dma_start3A_405 = arith.constant 0 : i32
          %dma_start3A_406 = tpu.memref_slice %arg4[%add3A_399, %dma_start3A_404, %dma_start3A_405] : memref<2528x2x128xi32, #tpu.memory_space<hbm>> -> memref<1x2x128xi32, #tpu.memory_space<hbm>>
          %dma_start3A_407 = tpu.memref_squeeze %dma_start3A_406 : memref<1x2x128xi32, #tpu.memory_space<hbm>> -> memref<2x128xi32, #tpu.memory_space<hbm>>
          tpu.enqueue_dma source(%dma_start3A_407 : memref<2x128xi32, #tpu.memory_space<hbm>>) target(%arg9 : memref<2x128xi32, #tpu.memory_space<vmem>>) target_semaphore(%arg23 : memref<!tpu.dma_semaphore, #tpu.memory_space<semaphore_mem>>)
        } else {
        }
        %dma_start3A_390 = arith.constant 1 : i32
        %dma_start3A_391 = arith.constant 0 : i32
        %dma_start3A_392 = tpu.memref_slice %arg14[%dma_start3A_390, %dma_start3A_391] : memref<2x128xi32, #tpu.memory_space<vmem>> -> memref<1x128xi32, #tpu.memory_space<vmem>>
        %dma_start3A_393 = tpu.memref_squeeze %dma_start3A_392 : memref<1x128xi32, #tpu.memory_space<vmem>> -> memref<128xi32, #tpu.memory_space<vmem>>
        %dma_start3A_394 = arith.constant 0 : i32
        %dma_start3A_395 = arith.constant 0 : i32
        %dma_start3A_396 = tpu.memref_slice %arg21[%dma_start3A_394, %dma_start3A_395] : memref<10240x64xf32, #tpu.memory_space<vmem_shared>> -> memref<10240x64xf32, #tpu.memory_space<vmem_shared>>
        tpu.enqueue_indirect_dma source(%arg18 : memref<128x64xf32, #tpu.memory_space<vmem>>) target(%dma_start3A_396 : memref<10240x64xf32, #tpu.memory_space<vmem_shared>>) offsets(%dma_start3A_393 : memref<128xi32, #tpu.memory_space<vmem>>) semaphore(%arg36 : memref<!tpu.dma_semaphore, #tpu.memory_space<semaphore_mem>>) {add = true}
      } else {
      }
      %jit3A_341 = arith.constant 8 : i32
      %eq3A_342 = arith.constant 0 : i32
      %eq3A_343 = arith.cmpi eq, %jit3A_341, %eq3A_342 : i32
      %jit3A_344 = arith.constant 1 : i32
      %select_n3A_345 = arith.select %eq3A_343, %jit3A_344, %jit3A_341 : i32
      %rem3A_346 = arith.remsi %scan3A_202, %select_n3A_345 : i32
      %ne3A_347 = arith.constant 0 : i32
      %ne3A_348 = arith.cmpi ne, %rem3A_346, %ne3A_347 : i32
      %lt3A_349 = arith.constant 0 : i32
      %lt3A_350 = arith.cmpi slt, %rem3A_346, %lt3A_349 : i32
      %lt3A_351 = arith.constant 0 : i32
      %lt3A_352 = arith.cmpi slt, %select_n3A_345, %lt3A_351 : i32
      %ne3A_353 = arith.xori %lt3A_350, %lt3A_352 : i1
      %and3A_354 = arith.andi %ne3A_353, %ne3A_348 : i1
      %add3A_355 = arith.addi %rem3A_346, %select_n3A_345 : i32
      %select_n3A_356 = arith.select %and3A_354, %add3A_355, %rem3A_346 : i32
      %eq3A_357 = arith.constant 7 : i32
      %eq3A_358 = arith.cmpi eq, %select_n3A_356, %eq3A_357 : i32
      %convert_element_type3A_359 = arith.extui %eq3A_358 : i1 to i32
      %cond3A_360 = arith.constant 0 : i32
      %cond3A_361 = arith.cmpi ne, %convert_element_type3A_359, %cond3A_360 : i32
      scf.if %cond3A_361 {
        %add3A_362 = arith.constant 1 : i32
        %add3A_363 = arith.addi %scan3A_202, %add3A_362 : i32
        %lt3A_364 = arith.constant 79 : i32
        %lt3A_365 = arith.cmpi slt, %add3A_363, %lt3A_364 : i32
        %ge3A = arith.constant 3 : i32
        %ge3A_366 = arith.cmpi sge, %scan3A_202, %ge3A : i32
        %and3A_367 = arith.andi %lt3A_365, %ge3A_366 : i1
        %convert_element_type3A_368 = arith.extui %and3A_367 : i1 to i32
        %cond3A_369 = arith.constant 0 : i32
        %cond3A_370 = arith.cmpi ne, %convert_element_type3A_368, %cond3A_369 : i32
        scf.if %cond3A_370 {
          %dma_wait3A_397 = arith.constant 1 : i32
          %dma_wait3A_398 = arith.constant 0 : i32
          %dma_wait3A_399 = tpu.memref_slice %arg12[%dma_wait3A_397, %dma_wait3A_398] : memref<2x128xi32, #tpu.memory_space<vmem>> -> memref<1x128xi32, #tpu.memory_space<vmem>>
          %dma_wait3A_400 = tpu.memref_squeeze %dma_wait3A_399 : memref<1x128xi32, #tpu.memory_space<vmem>> -> memref<128xi32, #tpu.memory_space<vmem>>
          %dma_wait3A_401 = arith.constant 0 : i32
          %dma_wait3A_402 = arith.constant 0 : i32
          %dma_wait3A_403 = tpu.memref_slice %arg21[%dma_wait3A_401, %dma_wait3A_402] : memref<10240x64xf32, #tpu.memory_space<vmem_shared>> -> memref<10240x64xf32, #tpu.memory_space<vmem_shared>>
          tpu.wait_indirect_dma semaphore(%arg34 : memref<!tpu.dma_semaphore, #tpu.memory_space<semaphore_mem>>) src(%arg16 : memref<128x64xf32, #tpu.memory_space<vmem>>) dst(%dma_wait3A_403 : memref<10240x64xf32, #tpu.memory_space<vmem_shared>>)
        } else {
        }
        %lt3A_371 = arith.constant 79 : i32
        %lt3A_372 = arith.cmpi slt, %add3A_363, %lt3A_371 : i32
        %convert_element_type3A_373 = arith.extui %lt3A_372 : i1 to i32
        %cond3A_374 = arith.constant 0 : i32
        %cond3A_375 = arith.cmpi ne, %convert_element_type3A_373, %cond3A_374 : i32
        scf.if %cond3A_375 {
          %add3A_397 = arith.addi %mul3A_2, %add3A_363 : i32
          %dma_wait3A_398 = arith.constant 0 : i32
          %dma_wait3A_399 = arith.constant 0 : i32
          %dma_wait3A_400 = tpu.memref_slice %arg4[%add3A_397, %dma_wait3A_398, %dma_wait3A_399] : memref<2528x2x128xi32, #tpu.memory_space<hbm>> -> memref<1x2x128xi32, #tpu.memory_space<hbm>>
          %dma_wait3A_401 = tpu.memref_squeeze %dma_wait3A_400 : memref<1x2x128xi32, #tpu.memory_space<hbm>> -> memref<2x128xi32, #tpu.memory_space<hbm>>
          %dma_wait3A_402 = arith.constant 0 : i32
          %dma_wait3A_403 = arith.constant 0 : i32
          %dma_wait3A_404 = tpu.memref_slice %arg4[%add3A_397, %dma_wait3A_402, %dma_wait3A_403] : memref<2528x2x128xi32, #tpu.memory_space<hbm>> -> memref<1x2x128xi32, #tpu.memory_space<hbm>>
          %dma_wait3A_405 = tpu.memref_squeeze %dma_wait3A_404 : memref<1x2x128xi32, #tpu.memory_space<hbm>> -> memref<2x128xi32, #tpu.memory_space<hbm>>
          tpu.wait_dma2 semaphore(%arg22 : memref<!tpu.dma_semaphore, #tpu.memory_space<semaphore_mem>>) src(%dma_wait3A_405 : memref<2x128xi32, #tpu.memory_space<hbm>>) dst(%arg8 : memref<2x128xi32, #tpu.memory_space<vmem>>)
          %dma_start3A_406 = arith.constant 0 : i32
          %dma_start3A_407 = arith.constant 0 : i32
          %dma_start3A_408 = tpu.memref_slice %arg8[%dma_start3A_406, %dma_start3A_407] : memref<2x128xi32, #tpu.memory_space<vmem>> -> memref<1x128xi32, #tpu.memory_space<vmem>>
          %dma_start3A_409 = tpu.memref_squeeze %dma_start3A_408 : memref<1x128xi32, #tpu.memory_space<vmem>> -> memref<128xi32, #tpu.memory_space<vmem>>
          %dma_start3A_410 = arith.constant 0 : i32
          %dma_start3A_411 = arith.constant 0 : i32
          %dma_start3A_412 = tpu.memref_slice %arg20[%dma_start3A_410, %dma_start3A_411] : memref<10016x64xf32, #tpu.memory_space<vmem_shared>> -> memref<10016x64xf32, #tpu.memory_space<vmem_shared>>
          tpu.enqueue_indirect_dma source(%dma_start3A_412 : memref<10016x64xf32, #tpu.memory_space<vmem_shared>>) target(%arg16 : memref<128x64xf32, #tpu.memory_space<vmem>>) offsets(%dma_start3A_409 : memref<128xi32, #tpu.memory_space<vmem>>) semaphore(%arg30 : memref<!tpu.dma_semaphore, #tpu.memory_space<semaphore_mem>>)
        } else {
        }
        %dma_wait3A_376 = arith.constant 0 : i32
        %dma_wait3A_377 = arith.constant 0 : i32
        %dma_wait3A_378 = tpu.memref_slice %arg15[%dma_wait3A_376, %dma_wait3A_377] : memref<2x128xi32, #tpu.memory_space<vmem>> -> memref<1x128xi32, #tpu.memory_space<vmem>>
        %dma_wait3A_379 = tpu.memref_squeeze %dma_wait3A_378 : memref<1x128xi32, #tpu.memory_space<vmem>> -> memref<128xi32, #tpu.memory_space<vmem>>
        %dma_wait3A_380 = arith.constant 0 : i32
        %dma_wait3A_381 = arith.constant 0 : i32
        %dma_wait3A_382 = tpu.memref_slice %arg20[%dma_wait3A_380, %dma_wait3A_381] : memref<10016x64xf32, #tpu.memory_space<vmem_shared>> -> memref<10016x64xf32, #tpu.memory_space<vmem_shared>>
        tpu.wait_indirect_dma semaphore(%arg33 : memref<!tpu.dma_semaphore, #tpu.memory_space<semaphore_mem>>) src(%dma_wait3A_382 : memref<10016x64xf32, #tpu.memory_space<vmem_shared>>) dst(%arg19 : memref<128x64xf32, #tpu.memory_space<vmem>>)
        %add3A_383 = arith.constant 3 : i32
        %add3A_384 = arith.addi %scan3A_202, %add3A_383 : i32
        %lt3A_385 = arith.constant 79 : i32
        %lt3A_386 = arith.cmpi slt, %add3A_384, %lt3A_385 : i32
        %convert_element_type3A_387 = arith.extui %lt3A_386 : i1 to i32
        %cond3A_388 = arith.constant 0 : i32
        %cond3A_389 = arith.cmpi ne, %convert_element_type3A_387, %cond3A_388 : i32
        scf.if %cond3A_389 {
          %add3A_397 = arith.addi %mul3A_2, %scan3A_202 : i32
          %add3A_398 = arith.constant 3 : i32
          %add3A_399 = arith.addi %add3A_397, %add3A_398 : i32
          %dma_start3A_400 = arith.constant 0 : i32
          %dma_start3A_401 = arith.constant 0 : i32
          %dma_start3A_402 = tpu.memref_slice %arg4[%add3A_399, %dma_start3A_400, %dma_start3A_401] : memref<2528x2x128xi32, #tpu.memory_space<hbm>> -> memref<1x2x128xi32, #tpu.memory_space<hbm>>
          %dma_start3A_403 = tpu.memref_squeeze %dma_start3A_402 : memref<1x2x128xi32, #tpu.memory_space<hbm>> -> memref<2x128xi32, #tpu.memory_space<hbm>>
          %dma_start3A_404 = arith.constant 0 : i32
          %dma_start3A_405 = arith.constant 0 : i32
          %dma_start3A_406 = tpu.memref_slice %arg4[%add3A_399, %dma_start3A_404, %dma_start3A_405] : memref<2528x2x128xi32, #tpu.memory_space<hbm>> -> memref<1x2x128xi32, #tpu.memory_space<hbm>>
          %dma_start3A_407 = tpu.memref_squeeze %dma_start3A_406 : memref<1x2x128xi32, #tpu.memory_space<hbm>> -> memref<2x128xi32, #tpu.memory_space<hbm>>
          tpu.enqueue_dma source(%dma_start3A_407 : memref<2x128xi32, #tpu.memory_space<hbm>>) target(%arg10 : memref<2x128xi32, #tpu.memory_space<vmem>>) target_semaphore(%arg24 : memref<!tpu.dma_semaphore, #tpu.memory_space<semaphore_mem>>)
        } else {
        }
        %dma_start3A_390 = arith.constant 1 : i32
        %dma_start3A_391 = arith.constant 0 : i32
        %dma_start3A_392 = tpu.memref_slice %arg15[%dma_start3A_390, %dma_start3A_391] : memref<2x128xi32, #tpu.memory_space<vmem>> -> memref<1x128xi32, #tpu.memory_space<vmem>>
        %dma_start3A_393 = tpu.memref_squeeze %dma_start3A_392 : memref<1x128xi32, #tpu.memory_space<vmem>> -> memref<128xi32, #tpu.memory_space<vmem>>
        %dma_start3A_394 = arith.constant 0 : i32
        %dma_start3A_395 = arith.constant 0 : i32
        %dma_start3A_396 = tpu.memref_slice %arg21[%dma_start3A_394, %dma_start3A_395] : memref<10240x64xf32, #tpu.memory_space<vmem_shared>> -> memref<10240x64xf32, #tpu.memory_space<vmem_shared>>
        tpu.enqueue_indirect_dma source(%arg19 : memref<128x64xf32, #tpu.memory_space<vmem>>) target(%dma_start3A_396 : memref<10240x64xf32, #tpu.memory_space<vmem_shared>>) offsets(%dma_start3A_393 : memref<128xi32, #tpu.memory_space<vmem>>) semaphore(%arg37 : memref<!tpu.dma_semaphore, #tpu.memory_space<semaphore_mem>>) {add = true}
      } else {
      }
    }
    %scan3A_67 = arith.constant 79 : i32
    %dma_wait3A = arith.constant 1 : i32
    %dma_wait3A_68 = arith.constant 0 : i32
    %dma_wait3A_69 = tpu.memref_slice %arg11[%dma_wait3A, %dma_wait3A_68] : memref<2x128xi32, #tpu.memory_space<vmem>> -> memref<1x128xi32, #tpu.memory_space<vmem>>
    %dma_wait3A_70 = tpu.memref_squeeze %dma_wait3A_69 : memref<1x128xi32, #tpu.memory_space<vmem>> -> memref<128xi32, #tpu.memory_space<vmem>>
    %dma_wait3A_71 = arith.constant 0 : i32
    %dma_wait3A_72 = arith.constant 0 : i32
    %dma_wait3A_73 = tpu.memref_slice %arg21[%dma_wait3A_71, %dma_wait3A_72] : memref<10240x64xf32, #tpu.memory_space<vmem_shared>> -> memref<10240x64xf32, #tpu.memory_space<vmem_shared>>
    tpu.wait_indirect_dma semaphore(%arg37 : memref<!tpu.dma_semaphore, #tpu.memory_space<semaphore_mem>>) src(%arg19 : memref<128x64xf32, #tpu.memory_space<vmem>>) dst(%dma_wait3A_73 : memref<10240x64xf32, #tpu.memory_space<vmem_shared>>)
    %dma_wait3A_74 = arith.constant 1 : i32
    %dma_wait3A_75 = arith.constant 0 : i32
    %dma_wait3A_76 = tpu.memref_slice %arg12[%dma_wait3A_74, %dma_wait3A_75] : memref<2x128xi32, #tpu.memory_space<vmem>> -> memref<1x128xi32, #tpu.memory_space<vmem>>
    %dma_wait3A_77 = tpu.memref_squeeze %dma_wait3A_76 : memref<1x128xi32, #tpu.memory_space<vmem>> -> memref<128xi32, #tpu.memory_space<vmem>>
    %dma_wait3A_78 = arith.constant 0 : i32
    %dma_wait3A_79 = arith.constant 0 : i32
    %dma_wait3A_80 = tpu.memref_slice %arg21[%dma_wait3A_78, %dma_wait3A_79] : memref<10240x64xf32, #tpu.memory_space<vmem_shared>> -> memref<10240x64xf32, #tpu.memory_space<vmem_shared>>
    tpu.wait_indirect_dma semaphore(%arg34 : memref<!tpu.dma_semaphore, #tpu.memory_space<semaphore_mem>>) src(%arg16 : memref<128x64xf32, #tpu.memory_space<vmem>>) dst(%dma_wait3A_80 : memref<10240x64xf32, #tpu.memory_space<vmem_shared>>)
    %dma_wait3A_81 = arith.constant 1 : i32
    %dma_wait3A_82 = arith.constant 0 : i32
    %dma_wait3A_83 = tpu.memref_slice %arg13[%dma_wait3A_81, %dma_wait3A_82] : memref<2x128xi32, #tpu.memory_space<vmem>> -> memref<1x128xi32, #tpu.memory_space<vmem>>
    %dma_wait3A_84 = tpu.memref_squeeze %dma_wait3A_83 : memref<1x128xi32, #tpu.memory_space<vmem>> -> memref<128xi32, #tpu.memory_space<vmem>>
    %dma_wait3A_85 = arith.constant 0 : i32
    %dma_wait3A_86 = arith.constant 0 : i32
    %dma_wait3A_87 = tpu.memref_slice %arg21[%dma_wait3A_85, %dma_wait3A_86] : memref<10240x64xf32, #tpu.memory_space<vmem_shared>> -> memref<10240x64xf32, #tpu.memory_space<vmem_shared>>
    tpu.wait_indirect_dma semaphore(%arg35 : memref<!tpu.dma_semaphore, #tpu.memory_space<semaphore_mem>>) src(%arg17 : memref<128x64xf32, #tpu.memory_space<vmem>>) dst(%dma_wait3A_87 : memref<10240x64xf32, #tpu.memory_space<vmem_shared>>)
    %dma_wait3A_88 = arith.constant 1 : i32
    %dma_wait3A_89 = arith.constant 0 : i32
    %dma_wait3A_90 = tpu.memref_slice %arg14[%dma_wait3A_88, %dma_wait3A_89] : memref<2x128xi32, #tpu.memory_space<vmem>> -> memref<1x128xi32, #tpu.memory_space<vmem>>
    %dma_wait3A_91 = tpu.memref_squeeze %dma_wait3A_90 : memref<1x128xi32, #tpu.memory_space<vmem>> -> memref<128xi32, #tpu.memory_space<vmem>>
    %dma_wait3A_92 = arith.constant 0 : i32
    %dma_wait3A_93 = arith.constant 0 : i32
    %dma_wait3A_94 = tpu.memref_slice %arg21[%dma_wait3A_92, %dma_wait3A_93] : memref<10240x64xf32, #tpu.memory_space<vmem_shared>> -> memref<10240x64xf32, #tpu.memory_space<vmem_shared>>
    tpu.wait_indirect_dma semaphore(%arg36 : memref<!tpu.dma_semaphore, #tpu.memory_space<semaphore_mem>>) src(%arg18 : memref<128x64xf32, #tpu.memory_space<vmem>>) dst(%dma_wait3A_94 : memref<10240x64xf32, #tpu.memory_space<vmem_shared>>)
    %barrier3A_95 = arith.constant 0 : index
    tpu.barrier barrier_id(%barrier3A_95)
    %mul3A_96 = arith.constant 640 : i32
    %mul3A_97 = arith.muli %arg1, %mul3A_96 : i32
    %mul3A_98 = arith.constant 640 : i32
    %mul3A_99 = arith.muli %arg1, %mul3A_98 : i32
    "tpu.region"() ({
      %run_scoped3A = tpu.sem_alloc : memref<!tpu.dma_semaphore, #tpu.memory_space<semaphore_mem>>
      %dma_start3A_202 = arith.constant 0 : i32
      %dma_start3A_203 = tpu.memref_slice %arg6[%arg0, %mul3A_99, %dma_start3A_202] : memref<2x10240x64xf32, #tpu.memory_space<hbm>> -> memref<1x640x64xf32, #tpu.memory_space<hbm>>
      %dma_start3A_204 = tpu.memref_squeeze %dma_start3A_203 : memref<1x640x64xf32, #tpu.memory_space<hbm>> -> memref<640x64xf32, #tpu.memory_space<hbm>>
      %dma_start3A_205 = arith.constant 0 : i32
      %dma_start3A_206 = tpu.memref_slice %arg21[%mul3A_97, %dma_start3A_205] : memref<10240x64xf32, #tpu.memory_space<vmem_shared>> -> memref<640x64xf32, #tpu.memory_space<vmem_shared>>
      tpu.enqueue_dma source(%dma_start3A_206 : memref<640x64xf32, #tpu.memory_space<vmem_shared>>) target(%dma_start3A_204 : memref<640x64xf32, #tpu.memory_space<hbm>>) target_semaphore(%run_scoped3A : memref<!tpu.dma_semaphore, #tpu.memory_space<semaphore_mem>>)
      %dma_wait3A_207 = arith.constant 0 : i32
      %dma_wait3A_208 = tpu.memref_slice %arg6[%arg0, %mul3A_99, %dma_wait3A_207] : memref<2x10240x64xf32, #tpu.memory_space<hbm>> -> memref<1x640x64xf32, #tpu.memory_space<hbm>>
      %dma_wait3A_209 = tpu.memref_squeeze %dma_wait3A_208 : memref<1x640x64xf32, #tpu.memory_space<hbm>> -> memref<640x64xf32, #tpu.memory_space<hbm>>
      %dma_wait3A_210 = arith.constant 0 : i32
      %dma_wait3A_211 = tpu.memref_slice %arg21[%mul3A_97, %dma_wait3A_210] : memref<10240x64xf32, #tpu.memory_space<vmem_shared>> -> memref<640x64xf32, #tpu.memory_space<vmem_shared>>
      tpu.wait_dma2 semaphore(%run_scoped3A : memref<!tpu.dma_semaphore, #tpu.memory_space<semaphore_mem>>) src(%dma_wait3A_211 : memref<640x64xf32, #tpu.memory_space<vmem_shared>>) dst(%dma_wait3A_209 : memref<640x64xf32, #tpu.memory_space<hbm>>)
      tpu.yield
    }) : () -> ()
    %barrier3A_100 = arith.constant 0 : index
    tpu.barrier barrier_id(%barrier3A_100)
    %mul3A_101 = arith.constant 625 : i32
    %mul3A_102 = arith.muli %arg1, %mul3A_101 : i32
    %mul3A_103 = arith.constant 625 : i32
    %mul3A_104 = arith.muli %arg1, %mul3A_103 : i32
    "tpu.region"() ({
      %run_scoped3A = tpu.sem_alloc : memref<!tpu.dma_semaphore, #tpu.memory_space<semaphore_mem>>
      %dma_start3A_202 = arith.constant 0 : i32
      %dma_start3A_203 = tpu.memref_slice %arg20[%mul3A_104, %dma_start3A_202] : memref<10016x64xf32, #tpu.memory_space<vmem_shared>> -> memref<625x64xf32, #tpu.memory_space<vmem_shared>>
      %dma_start3A_204 = arith.constant 0 : i32
      %dma_start3A_205 = tpu.memref_slice %arg3[%mul3A_102, %dma_start3A_204] : memref<10000x64xf32, #tpu.memory_space<hbm>> -> memref<625x64xf32, #tpu.memory_space<hbm>>
      tpu.enqueue_dma source(%dma_start3A_205 : memref<625x64xf32, #tpu.memory_space<hbm>>) target(%dma_start3A_203 : memref<625x64xf32, #tpu.memory_space<vmem_shared>>) target_semaphore(%run_scoped3A : memref<!tpu.dma_semaphore, #tpu.memory_space<semaphore_mem>>)
      %dma_wait3A_206 = arith.constant 0 : i32
      %dma_wait3A_207 = tpu.memref_slice %arg20[%mul3A_104, %dma_wait3A_206] : memref<10016x64xf32, #tpu.memory_space<vmem_shared>> -> memref<625x64xf32, #tpu.memory_space<vmem_shared>>
      %dma_wait3A_208 = arith.constant 0 : i32
      %dma_wait3A_209 = tpu.memref_slice %arg3[%mul3A_102, %dma_wait3A_208] : memref<10000x64xf32, #tpu.memory_space<hbm>> -> memref<625x64xf32, #tpu.memory_space<hbm>>
      tpu.wait_dma2 semaphore(%run_scoped3A : memref<!tpu.dma_semaphore, #tpu.memory_space<semaphore_mem>>) src(%dma_wait3A_209 : memref<625x64xf32, #tpu.memory_space<hbm>>) dst(%dma_wait3A_207 : memref<625x64xf32, #tpu.memory_space<vmem_shared>>)
      tpu.yield
    }) : () -> ()
    "tpu.region"() ({
      %run_scoped3A = tpu.sem_alloc : memref<!tpu.dma_semaphore, #tpu.memory_space<semaphore_mem>>
      tpu.enqueue_dma source(%arg5 : memref<128x64xf32, #tpu.memory_space<hbm>>) target(%arg16 : memref<128x64xf32, #tpu.memory_space<vmem>>) target_semaphore(%run_scoped3A : memref<!tpu.dma_semaphore, #tpu.memory_space<semaphore_mem>>)
      tpu.wait_dma2 semaphore(%run_scoped3A : memref<!tpu.dma_semaphore, #tpu.memory_space<semaphore_mem>>) src(%arg5 : memref<128x64xf32, #tpu.memory_space<hbm>>) dst(%arg16 : memref<128x64xf32, #tpu.memory_space<vmem>>)
      tpu.yield
    }) : () -> ()
    %mul3A_105 = arith.constant 5 : i32
    %mul3A_106 = arith.muli %arg1, %mul3A_105 : i32
    %add3A_107 = arith.constant 0 : i32
    %add3A_108 = arith.addi %mul3A_106, %add3A_107 : i32
    %mul3A_109 = arith.constant 128 : i32
    %mul3A_110 = arith.muli %add3A_108, %mul3A_109 : i32
    "tpu.region"() ({
      %run_scoped3A = tpu.sem_alloc : memref<!tpu.dma_semaphore, #tpu.memory_space<semaphore_mem>>
      %dma_start3A_202 = arith.constant 0 : i32
      %dma_start3A_203 = tpu.memref_slice %arg21[%mul3A_110, %dma_start3A_202] : memref<10240x64xf32, #tpu.memory_space<vmem_shared>> -> memref<128x64xf32, #tpu.memory_space<vmem_shared>>
      %dma_start3A_204 = arith.constant 0 : i32
      %dma_start3A_205 = tpu.memref_slice %arg21[%mul3A_110, %dma_start3A_204] : memref<10240x64xf32, #tpu.memory_space<vmem_shared>> -> memref<128x64xf32, #tpu.memory_space<vmem_shared>>
      tpu.enqueue_dma source(%arg16 : memref<128x64xf32, #tpu.memory_space<vmem>>) target(%dma_start3A_205 : memref<128x64xf32, #tpu.memory_space<vmem_shared>>) target_semaphore(%run_scoped3A : memref<!tpu.dma_semaphore, #tpu.memory_space<semaphore_mem>>)
      %dma_wait3A_206 = arith.constant 0 : i32
      %dma_wait3A_207 = tpu.memref_slice %arg21[%mul3A_110, %dma_wait3A_206] : memref<10240x64xf32, #tpu.memory_space<vmem_shared>> -> memref<128x64xf32, #tpu.memory_space<vmem_shared>>
      %dma_wait3A_208 = arith.constant 0 : i32
      %dma_wait3A_209 = tpu.memref_slice %arg21[%mul3A_110, %dma_wait3A_208] : memref<10240x64xf32, #tpu.memory_space<vmem_shared>> -> memref<128x64xf32, #tpu.memory_space<vmem_shared>>
      tpu.wait_dma2 semaphore(%run_scoped3A : memref<!tpu.dma_semaphore, #tpu.memory_space<semaphore_mem>>) src(%arg16 : memref<128x64xf32, #tpu.memory_space<vmem>>) dst(%dma_wait3A_209 : memref<128x64xf32, #tpu.memory_space<vmem_shared>>)
      tpu.yield
    }) : () -> ()
    %mul3A_111 = arith.constant 5 : i32
    %mul3A_112 = arith.muli %arg1, %mul3A_111 : i32
    %add3A_113 = arith.constant 1 : i32
    %add3A_114 = arith.addi %mul3A_112, %add3A_113 : i32
    %mul3A_115 = arith.constant 128 : i32
    %mul3A_116 = arith.muli %add3A_114, %mul3A_115 : i32
    "tpu.region"() ({
      %run_scoped3A = tpu.sem_alloc : memref<!tpu.dma_semaphore, #tpu.memory_space<semaphore_mem>>
      %dma_start3A_202 = arith.constant 0 : i32
      %dma_start3A_203 = tpu.memref_slice %arg21[%mul3A_116, %dma_start3A_202] : memref<10240x64xf32, #tpu.memory_space<vmem_shared>> -> memref<128x64xf32, #tpu.memory_space<vmem_shared>>
      %dma_start3A_204 = arith.constant 0 : i32
      %dma_start3A_205 = tpu.memref_slice %arg21[%mul3A_116, %dma_start3A_204] : memref<10240x64xf32, #tpu.memory_space<vmem_shared>> -> memref<128x64xf32, #tpu.memory_space<vmem_shared>>
      tpu.enqueue_dma source(%arg16 : memref<128x64xf32, #tpu.memory_space<vmem>>) target(%dma_start3A_205 : memref<128x64xf32, #tpu.memory_space<vmem_shared>>) target_semaphore(%run_scoped3A : memref<!tpu.dma_semaphore, #tpu.memory_space<semaphore_mem>>)
      %dma_wait3A_206 = arith.constant 0 : i32
      %dma_wait3A_207 = tpu.memref_slice %arg21[%mul3A_116, %dma_wait3A_206] : memref<10240x64xf32, #tpu.memory_space<vmem_shared>> -> memref<128x64xf32, #tpu.memory_space<vmem_shared>>
      %dma_wait3A_208 = arith.constant 0 : i32
      %dma_wait3A_209 = tpu.memref_slice %arg21[%mul3A_116, %dma_wait3A_208] : memref<10240x64xf32, #tpu.memory_space<vmem_shared>> -> memref<128x64xf32, #tpu.memory_space<vmem_shared>>
      tpu.wait_dma2 semaphore(%run_scoped3A : memref<!tpu.dma_semaphore, #tpu.memory_space<semaphore_mem>>) src(%arg16 : memref<128x64xf32, #tpu.memory_space<vmem>>) dst(%dma_wait3A_209 : memref<128x64xf32, #tpu.memory_space<vmem_shared>>)
      tpu.yield
    }) : () -> ()
    %mul3A_117 = arith.constant 5 : i32
    %mul3A_118 = arith.muli %arg1, %mul3A_117 : i32
    %add3A_119 = arith.constant 2 : i32
    %add3A_120 = arith.addi %mul3A_118, %add3A_119 : i32
    %mul3A_121 = arith.constant 128 : i32
    %mul3A_122 = arith.muli %add3A_120, %mul3A_121 : i32
    "tpu.region"() ({
      %run_scoped3A = tpu.sem_alloc : memref<!tpu.dma_semaphore, #tpu.memory_space<semaphore_mem>>
      %dma_start3A_202 = arith.constant 0 : i32
      %dma_start3A_203 = tpu.memref_slice %arg21[%mul3A_122, %dma_start3A_202] : memref<10240x64xf32, #tpu.memory_space<vmem_shared>> -> memref<128x64xf32, #tpu.memory_space<vmem_shared>>
      %dma_start3A_204 = arith.constant 0 : i32
      %dma_start3A_205 = tpu.memref_slice %arg21[%mul3A_122, %dma_start3A_204] : memref<10240x64xf32, #tpu.memory_space<vmem_shared>> -> memref<128x64xf32, #tpu.memory_space<vmem_shared>>
      tpu.enqueue_dma source(%arg16 : memref<128x64xf32, #tpu.memory_space<vmem>>) target(%dma_start3A_205 : memref<128x64xf32, #tpu.memory_space<vmem_shared>>) target_semaphore(%run_scoped3A : memref<!tpu.dma_semaphore, #tpu.memory_space<semaphore_mem>>)
      %dma_wait3A_206 = arith.constant 0 : i32
      %dma_wait3A_207 = tpu.memref_slice %arg21[%mul3A_122, %dma_wait3A_206] : memref<10240x64xf32, #tpu.memory_space<vmem_shared>> -> memref<128x64xf32, #tpu.memory_space<vmem_shared>>
      %dma_wait3A_208 = arith.constant 0 : i32
      %dma_wait3A_209 = tpu.memref_slice %arg21[%mul3A_122, %dma_wait3A_208] : memref<10240x64xf32, #tpu.memory_space<vmem_shared>> -> memref<128x64xf32, #tpu.memory_space<vmem_shared>>
      tpu.wait_dma2 semaphore(%run_scoped3A : memref<!tpu.dma_semaphore, #tpu.memory_space<semaphore_mem>>) src(%arg16 : memref<128x64xf32, #tpu.memory_space<vmem>>) dst(%dma_wait3A_209 : memref<128x64xf32, #tpu.memory_space<vmem_shared>>)
      tpu.yield
    }) : () -> ()
    %mul3A_123 = arith.constant 5 : i32
    %mul3A_124 = arith.muli %arg1, %mul3A_123 : i32
    %add3A_125 = arith.constant 3 : i32
    %add3A_126 = arith.addi %mul3A_124, %add3A_125 : i32
    %mul3A_127 = arith.constant 128 : i32
    %mul3A_128 = arith.muli %add3A_126, %mul3A_127 : i32
    "tpu.region"() ({
      %run_scoped3A = tpu.sem_alloc : memref<!tpu.dma_semaphore, #tpu.memory_space<semaphore_mem>>
      %dma_start3A_202 = arith.constant 0 : i32
      %dma_start3A_203 = tpu.memref_slice %arg21[%mul3A_128, %dma_start3A_202] : memref<10240x64xf32, #tpu.memory_space<vmem_shared>> -> memref<128x64xf32, #tpu.memory_space<vmem_shared>>
      %dma_start3A_204 = arith.constant 0 : i32
      %dma_start3A_205 = tpu.memref_slice %arg21[%mul3A_128, %dma_start3A_204] : memref<10240x64xf32, #tpu.memory_space<vmem_shared>> -> memref<128x64xf32, #tpu.memory_space<vmem_shared>>
      tpu.enqueue_dma source(%arg16 : memref<128x64xf32, #tpu.memory_space<vmem>>) target(%dma_start3A_205 : memref<128x64xf32, #tpu.memory_space<vmem_shared>>) target_semaphore(%run_scoped3A : memref<!tpu.dma_semaphore, #tpu.memory_space<semaphore_mem>>)
      %dma_wait3A_206 = arith.constant 0 : i32
      %dma_wait3A_207 = tpu.memref_slice %arg21[%mul3A_128, %dma_wait3A_206] : memref<10240x64xf32, #tpu.memory_space<vmem_shared>> -> memref<128x64xf32, #tpu.memory_space<vmem_shared>>
      %dma_wait3A_208 = arith.constant 0 : i32
      %dma_wait3A_209 = tpu.memref_slice %arg21[%mul3A_128, %dma_wait3A_208] : memref<10240x64xf32, #tpu.memory_space<vmem_shared>> -> memref<128x64xf32, #tpu.memory_space<vmem_shared>>
      tpu.wait_dma2 semaphore(%run_scoped3A : memref<!tpu.dma_semaphore, #tpu.memory_space<semaphore_mem>>) src(%arg16 : memref<128x64xf32, #tpu.memory_space<vmem>>) dst(%dma_wait3A_209 : memref<128x64xf32, #tpu.memory_space<vmem_shared>>)
      tpu.yield
    }) : () -> ()
    %mul3A_129 = arith.constant 5 : i32
    %mul3A_130 = arith.muli %arg1, %mul3A_129 : i32
    %add3A_131 = arith.constant 4 : i32
    %add3A_132 = arith.addi %mul3A_130, %add3A_131 : i32
    %mul3A_133 = arith.constant 128 : i32
    %mul3A_134 = arith.muli %add3A_132, %mul3A_133 : i32
    "tpu.region"() ({
      %run_scoped3A = tpu.sem_alloc : memref<!tpu.dma_semaphore, #tpu.memory_space<semaphore_mem>>
      %dma_start3A_202 = arith.constant 0 : i32
      %dma_start3A_203 = tpu.memref_slice %arg21[%mul3A_134, %dma_start3A_202] : memref<10240x64xf32, #tpu.memory_space<vmem_shared>> -> memref<128x64xf32, #tpu.memory_space<vmem_shared>>
      %dma_start3A_204 = arith.constant 0 : i32
      %dma_start3A_205 = tpu.memref_slice %arg21[%mul3A_134, %dma_start3A_204] : memref<10240x64xf32, #tpu.memory_space<vmem_shared>> -> memref<128x64xf32, #tpu.memory_space<vmem_shared>>
      tpu.enqueue_dma source(%arg16 : memref<128x64xf32, #tpu.memory_space<vmem>>) target(%dma_start3A_205 : memref<128x64xf32, #tpu.memory_space<vmem_shared>>) target_semaphore(%run_scoped3A : memref<!tpu.dma_semaphore, #tpu.memory_space<semaphore_mem>>)
      %dma_wait3A_206 = arith.constant 0 : i32
      %dma_wait3A_207 = tpu.memref_slice %arg21[%mul3A_134, %dma_wait3A_206] : memref<10240x64xf32, #tpu.memory_space<vmem_shared>> -> memref<128x64xf32, #tpu.memory_space<vmem_shared>>
      %dma_wait3A_208 = arith.constant 0 : i32
      %dma_wait3A_209 = tpu.memref_slice %arg21[%mul3A_134, %dma_wait3A_208] : memref<10240x64xf32, #tpu.memory_space<vmem_shared>> -> memref<128x64xf32, #tpu.memory_space<vmem_shared>>
      tpu.wait_dma2 semaphore(%run_scoped3A : memref<!tpu.dma_semaphore, #tpu.memory_space<semaphore_mem>>) src(%arg16 : memref<128x64xf32, #tpu.memory_space<vmem>>) dst(%dma_wait3A_209 : memref<128x64xf32, #tpu.memory_space<vmem_shared>>)
      tpu.yield
    }) : () -> ()
    %barrier3A_135 = arith.constant 0 : index
    tpu.barrier barrier_id(%barrier3A_135)
    "tpu.region"() ({
      %run_scoped3A = tpu.sem_alloc : memref<!tpu.dma_semaphore, #tpu.memory_space<semaphore_mem>>
      %dma_start3A_202 = arith.constant 0 : i32
      %dma_start3A_203 = arith.constant 0 : i32
      %dma_start3A_204 = tpu.memref_slice %arg4[%mul3A_2, %dma_start3A_202, %dma_start3A_203] : memref<2528x2x128xi32, #tpu.memory_space<hbm>> -> memref<1x2x128xi32, #tpu.memory_space<hbm>>
      %dma_start3A_205 = tpu.memref_squeeze %dma_start3A_204 : memref<1x2x128xi32, #tpu.memory_space<hbm>> -> memref<2x128xi32, #tpu.memory_space<hbm>>
      %dma_start3A_206 = arith.constant 0 : i32
      %dma_start3A_207 = arith.constant 0 : i32
      %dma_start3A_208 = tpu.memref_slice %arg4[%mul3A_2, %dma_start3A_206, %dma_start3A_207] : memref<2528x2x128xi32, #tpu.memory_space<hbm>> -> memref<1x2x128xi32, #tpu.memory_space<hbm>>
      %dma_start3A_209 = tpu.memref_squeeze %dma_start3A_208 : memref<1x2x128xi32, #tpu.memory_space<hbm>> -> memref<2x128xi32, #tpu.memory_space<hbm>>
      tpu.enqueue_dma source(%dma_start3A_209 : memref<2x128xi32, #tpu.memory_space<hbm>>) target(%arg8 : memref<2x128xi32, #tpu.memory_space<vmem>>) target_semaphore(%run_scoped3A : memref<!tpu.dma_semaphore, #tpu.memory_space<semaphore_mem>>)
      %dma_wait3A_210 = arith.constant 0 : i32
      %dma_wait3A_211 = arith.constant 0 : i32
      %dma_wait3A_212 = tpu.memref_slice %arg4[%mul3A_2, %dma_wait3A_210, %dma_wait3A_211] : memref<2528x2x128xi32, #tpu.memory_space<hbm>> -> memref<1x2x128xi32, #tpu.memory_space<hbm>>
      %dma_wait3A_213 = tpu.memref_squeeze %dma_wait3A_212 : memref<1x2x128xi32, #tpu.memory_space<hbm>> -> memref<2x128xi32, #tpu.memory_space<hbm>>
      %dma_wait3A_214 = arith.constant 0 : i32
      %dma_wait3A_215 = arith.constant 0 : i32
      %dma_wait3A_216 = tpu.memref_slice %arg4[%mul3A_2, %dma_wait3A_214, %dma_wait3A_215] : memref<2528x2x128xi32, #tpu.memory_space<hbm>> -> memref<1x2x128xi32, #tpu.memory_space<hbm>>
      %dma_wait3A_217 = tpu.memref_squeeze %dma_wait3A_216 : memref<1x2x128xi32, #tpu.memory_space<hbm>> -> memref<2x128xi32, #tpu.memory_space<hbm>>
      tpu.wait_dma2 semaphore(%run_scoped3A : memref<!tpu.dma_semaphore, #tpu.memory_space<semaphore_mem>>) src(%dma_wait3A_217 : memref<2x128xi32, #tpu.memory_space<hbm>>) dst(%arg8 : memref<2x128xi32, #tpu.memory_space<vmem>>)
      tpu.yield
    }) : () -> ()
    %add3A_136 = arith.constant 1 : i32
    %add3A_137 = arith.addi %mul3A_2, %add3A_136 : i32
    %dma_start3A_138 = arith.constant 0 : i32
    %dma_start3A_139 = arith.constant 0 : i32
    %dma_start3A_140 = tpu.memref_slice %arg4[%add3A_137, %dma_start3A_138, %dma_start3A_139] : memref<2528x2x128xi32, #tpu.memory_space<hbm>> -> memref<1x2x128xi32, #tpu.memory_space<hbm>>
    %dma_start3A_141 = tpu.memref_squeeze %dma_start3A_140 : memref<1x2x128xi32, #tpu.memory_space<hbm>> -> memref<2x128xi32, #tpu.memory_space<hbm>>
    %dma_start3A_142 = arith.constant 0 : i32
    %dma_start3A_143 = arith.constant 0 : i32
    %dma_start3A_144 = tpu.memref_slice %arg4[%add3A_137, %dma_start3A_142, %dma_start3A_143] : memref<2528x2x128xi32, #tpu.memory_space<hbm>> -> memref<1x2x128xi32, #tpu.memory_space<hbm>>
    %dma_start3A_145 = tpu.memref_squeeze %dma_start3A_144 : memref<1x2x128xi32, #tpu.memory_space<hbm>> -> memref<2x128xi32, #tpu.memory_space<hbm>>
    tpu.enqueue_dma source(%dma_start3A_145 : memref<2x128xi32, #tpu.memory_space<hbm>>) target(%arg9 : memref<2x128xi32, #tpu.memory_space<vmem>>) target_semaphore(%arg23 : memref<!tpu.dma_semaphore, #tpu.memory_space<semaphore_mem>>)
    %add3A_146 = arith.constant 2 : i32
    %add3A_147 = arith.addi %mul3A_2, %add3A_146 : i32
    %dma_start3A_148 = arith.constant 0 : i32
    %dma_start3A_149 = arith.constant 0 : i32
    %dma_start3A_150 = tpu.memref_slice %arg4[%add3A_147, %dma_start3A_148, %dma_start3A_149] : memref<2528x2x128xi32, #tpu.memory_space<hbm>> -> memref<1x2x128xi32, #tpu.memory_space<hbm>>
    %dma_start3A_151 = tpu.memref_squeeze %dma_start3A_150 : memref<1x2x128xi32, #tpu.memory_space<hbm>> -> memref<2x128xi32, #tpu.memory_space<hbm>>
    %dma_start3A_152 = arith.constant 0 : i32
    %dma_start3A_153 = arith.constant 0 : i32
    %dma_start3A_154 = tpu.memref_slice %arg4[%add3A_147, %dma_start3A_152, %dma_start3A_153] : memref<2528x2x128xi32, #tpu.memory_space<hbm>> -> memref<1x2x128xi32, #tpu.memory_space<hbm>>
    %dma_start3A_155 = tpu.memref_squeeze %dma_start3A_154 : memref<1x2x128xi32, #tpu.memory_space<hbm>> -> memref<2x128xi32, #tpu.memory_space<hbm>>
    tpu.enqueue_dma source(%dma_start3A_155 : memref<2x128xi32, #tpu.memory_space<hbm>>) target(%arg10 : memref<2x128xi32, #tpu.memory_space<vmem>>) target_semaphore(%arg24 : memref<!tpu.dma_semaphore, #tpu.memory_space<semaphore_mem>>)
    %dma_start3A_156 = arith.constant 0 : i32
    %dma_start3A_157 = arith.constant 0 : i32
    %dma_start3A_158 = tpu.memref_slice %arg8[%dma_start3A_156, %dma_start3A_157] : memref<2x128xi32, #tpu.memory_space<vmem>> -> memref<1x128xi32, #tpu.memory_space<vmem>>
    %dma_start3A_159 = tpu.memref_squeeze %dma_start3A_158 : memref<1x128xi32, #tpu.memory_space<vmem>> -> memref<128xi32, #tpu.memory_space<vmem>>
    %dma_start3A_160 = arith.constant 0 : i32
    %dma_start3A_161 = arith.constant 0 : i32
    %dma_start3A_162 = tpu.memref_slice %arg20[%dma_start3A_160, %dma_start3A_161] : memref<10016x64xf32, #tpu.memory_space<vmem_shared>> -> memref<10016x64xf32, #tpu.memory_space<vmem_shared>>
    tpu.enqueue_indirect_dma source(%dma_start3A_162 : memref<10016x64xf32, #tpu.memory_space<vmem_shared>>) target(%arg16 : memref<128x64xf32, #tpu.memory_space<vmem>>) offsets(%dma_start3A_159 : memref<128xi32, #tpu.memory_space<vmem>>) semaphore(%arg30 : memref<!tpu.dma_semaphore, #tpu.memory_space<semaphore_mem>>)
    %scan3A_163 = arith.constant 0 : i32
    %scan3A_164 = arith.constant 0 : i32
    %scan3A_165 = arith.constant 79 : i32
    %scan3A_166 = arith.addi %scan3A_164, %scan3A_165 : i32
    %scan3A_167 = arith.constant 1 : i32
    scf.for %scan3A_202 = %scan3A_164 to %scan3A_166 step %scan3A_167  : i32 {
      %jit3A = arith.constant 8 : i32
      %eq3A = arith.constant 0 : i32
      %eq3A_203 = arith.cmpi eq, %jit3A, %eq3A : i32
      %jit3A_204 = arith.constant 1 : i32
      %select_n3A = arith.select %eq3A_203, %jit3A_204, %jit3A : i32
      %rem3A = arith.remsi %scan3A_202, %select_n3A : i32
      %ne3A = arith.constant 0 : i32
      %ne3A_205 = arith.cmpi ne, %rem3A, %ne3A : i32
      %lt3A = arith.constant 0 : i32
      %lt3A_206 = arith.cmpi slt, %rem3A, %lt3A : i32
      %lt3A_207 = arith.constant 0 : i32
      %lt3A_208 = arith.cmpi slt, %select_n3A, %lt3A_207 : i32
      %ne3A_209 = arith.xori %lt3A_206, %lt3A_208 : i1
      %and3A = arith.andi %ne3A_209, %ne3A_205 : i1
      %add3A_210 = arith.addi %rem3A, %select_n3A : i32
      %select_n3A_211 = arith.select %and3A, %add3A_210, %rem3A : i32
      %eq3A_212 = arith.constant 0 : i32
      %eq3A_213 = arith.cmpi eq, %select_n3A_211, %eq3A_212 : i32
      %convert_element_type3A = arith.extui %eq3A_213 : i1 to i32
      %cond3A = arith.constant 0 : i32
      %cond3A_214 = arith.cmpi ne, %convert_element_type3A, %cond3A : i32
      scf.if %cond3A_214 {
        %add3A_362 = arith.constant 1 : i32
        %add3A_363 = arith.addi %scan3A_202, %add3A_362 : i32
        %lt3A_364 = arith.constant 79 : i32
        %lt3A_365 = arith.cmpi slt, %add3A_363, %lt3A_364 : i32
        %ge3A = arith.constant 3 : i32
        %ge3A_366 = arith.cmpi sge, %scan3A_202, %ge3A : i32
        %and3A_367 = arith.andi %lt3A_365, %ge3A_366 : i1
        %convert_element_type3A_368 = arith.extui %and3A_367 : i1 to i32
        %cond3A_369 = arith.constant 0 : i32
        %cond3A_370 = arith.cmpi ne, %convert_element_type3A_368, %cond3A_369 : i32
        scf.if %cond3A_370 {
          %dma_wait3A_397 = arith.constant 1 : i32
          %dma_wait3A_398 = arith.constant 0 : i32
          %dma_wait3A_399 = tpu.memref_slice %arg13[%dma_wait3A_397, %dma_wait3A_398] : memref<2x128xi32, #tpu.memory_space<vmem>> -> memref<1x128xi32, #tpu.memory_space<vmem>>
          %dma_wait3A_400 = tpu.memref_squeeze %dma_wait3A_399 : memref<1x128xi32, #tpu.memory_space<vmem>> -> memref<128xi32, #tpu.memory_space<vmem>>
          %dma_wait3A_401 = arith.constant 0 : i32
          %dma_wait3A_402 = arith.constant 0 : i32
          %dma_wait3A_403 = tpu.memref_slice %arg21[%dma_wait3A_401, %dma_wait3A_402] : memref<10240x64xf32, #tpu.memory_space<vmem_shared>> -> memref<10240x64xf32, #tpu.memory_space<vmem_shared>>
          tpu.wait_indirect_dma semaphore(%arg35 : memref<!tpu.dma_semaphore, #tpu.memory_space<semaphore_mem>>) src(%arg17 : memref<128x64xf32, #tpu.memory_space<vmem>>) dst(%dma_wait3A_403 : memref<10240x64xf32, #tpu.memory_space<vmem_shared>>)
        } else {
        }
        %lt3A_371 = arith.constant 79 : i32
        %lt3A_372 = arith.cmpi slt, %add3A_363, %lt3A_371 : i32
        %convert_element_type3A_373 = arith.extui %lt3A_372 : i1 to i32
        %cond3A_374 = arith.constant 0 : i32
        %cond3A_375 = arith.cmpi ne, %convert_element_type3A_373, %cond3A_374 : i32
        scf.if %cond3A_375 {
          %add3A_397 = arith.addi %mul3A_2, %add3A_363 : i32
          %dma_wait3A_398 = arith.constant 0 : i32
          %dma_wait3A_399 = arith.constant 0 : i32
          %dma_wait3A_400 = tpu.memref_slice %arg4[%add3A_397, %dma_wait3A_398, %dma_wait3A_399] : memref<2528x2x128xi32, #tpu.memory_space<hbm>> -> memref<1x2x128xi32, #tpu.memory_space<hbm>>
          %dma_wait3A_401 = tpu.memref_squeeze %dma_wait3A_400 : memref<1x2x128xi32, #tpu.memory_space<hbm>> -> memref<2x128xi32, #tpu.memory_space<hbm>>
          %dma_wait3A_402 = arith.constant 0 : i32
          %dma_wait3A_403 = arith.constant 0 : i32
          %dma_wait3A_404 = tpu.memref_slice %arg4[%add3A_397, %dma_wait3A_402, %dma_wait3A_403] : memref<2528x2x128xi32, #tpu.memory_space<hbm>> -> memref<1x2x128xi32, #tpu.memory_space<hbm>>
          %dma_wait3A_405 = tpu.memref_squeeze %dma_wait3A_404 : memref<1x2x128xi32, #tpu.memory_space<hbm>> -> memref<2x128xi32, #tpu.memory_space<hbm>>
          tpu.wait_dma2 semaphore(%arg23 : memref<!tpu.dma_semaphore, #tpu.memory_space<semaphore_mem>>) src(%dma_wait3A_405 : memref<2x128xi32, #tpu.memory_space<hbm>>) dst(%arg9 : memref<2x128xi32, #tpu.memory_space<vmem>>)
          %dma_start3A_406 = arith.constant 0 : i32
          %dma_start3A_407 = arith.constant 0 : i32
          %dma_start3A_408 = tpu.memref_slice %arg9[%dma_start3A_406, %dma_start3A_407] : memref<2x128xi32, #tpu.memory_space<vmem>> -> memref<1x128xi32, #tpu.memory_space<vmem>>
          %dma_start3A_409 = tpu.memref_squeeze %dma_start3A_408 : memref<1x128xi32, #tpu.memory_space<vmem>> -> memref<128xi32, #tpu.memory_space<vmem>>
          %dma_start3A_410 = arith.constant 0 : i32
          %dma_start3A_411 = arith.constant 0 : i32
          %dma_start3A_412 = tpu.memref_slice %arg20[%dma_start3A_410, %dma_start3A_411] : memref<10016x64xf32, #tpu.memory_space<vmem_shared>> -> memref<10016x64xf32, #tpu.memory_space<vmem_shared>>
          tpu.enqueue_indirect_dma source(%dma_start3A_412 : memref<10016x64xf32, #tpu.memory_space<vmem_shared>>) target(%arg17 : memref<128x64xf32, #tpu.memory_space<vmem>>) offsets(%dma_start3A_409 : memref<128xi32, #tpu.memory_space<vmem>>) semaphore(%arg31 : memref<!tpu.dma_semaphore, #tpu.memory_space<semaphore_mem>>)
        } else {
        }
        %dma_wait3A_376 = arith.constant 0 : i32
        %dma_wait3A_377 = arith.constant 0 : i32
        %dma_wait3A_378 = tpu.memref_slice %arg8[%dma_wait3A_376, %dma_wait3A_377] : memref<2x128xi32, #tpu.memory_space<vmem>> -> memref<1x128xi32, #tpu.memory_space<vmem>>
        %dma_wait3A_379 = tpu.memref_squeeze %dma_wait3A_378 : memref<1x128xi32, #tpu.memory_space<vmem>> -> memref<128xi32, #tpu.memory_space<vmem>>
        %dma_wait3A_380 = arith.constant 0 : i32
        %dma_wait3A_381 = arith.constant 0 : i32
        %dma_wait3A_382 = tpu.memref_slice %arg20[%dma_wait3A_380, %dma_wait3A_381] : memref<10016x64xf32, #tpu.memory_space<vmem_shared>> -> memref<10016x64xf32, #tpu.memory_space<vmem_shared>>
        tpu.wait_indirect_dma semaphore(%arg30 : memref<!tpu.dma_semaphore, #tpu.memory_space<semaphore_mem>>) src(%dma_wait3A_382 : memref<10016x64xf32, #tpu.memory_space<vmem_shared>>) dst(%arg16 : memref<128x64xf32, #tpu.memory_space<vmem>>)
        %add3A_383 = arith.constant 3 : i32
        %add3A_384 = arith.addi %scan3A_202, %add3A_383 : i32
        %lt3A_385 = arith.constant 79 : i32
        %lt3A_386 = arith.cmpi slt, %add3A_384, %lt3A_385 : i32
        %convert_element_type3A_387 = arith.extui %lt3A_386 : i1 to i32
        %cond3A_388 = arith.constant 0 : i32
        %cond3A_389 = arith.cmpi ne, %convert_element_type3A_387, %cond3A_388 : i32
        scf.if %cond3A_389 {
          %add3A_397 = arith.addi %mul3A_2, %scan3A_202 : i32
          %add3A_398 = arith.constant 3 : i32
          %add3A_399 = arith.addi %add3A_397, %add3A_398 : i32
          %dma_start3A_400 = arith.constant 0 : i32
          %dma_start3A_401 = arith.constant 0 : i32
          %dma_start3A_402 = tpu.memref_slice %arg4[%add3A_399, %dma_start3A_400, %dma_start3A_401] : memref<2528x2x128xi32, #tpu.memory_space<hbm>> -> memref<1x2x128xi32, #tpu.memory_space<hbm>>
          %dma_start3A_403 = tpu.memref_squeeze %dma_start3A_402 : memref<1x2x128xi32, #tpu.memory_space<hbm>> -> memref<2x128xi32, #tpu.memory_space<hbm>>
          %dma_start3A_404 = arith.constant 0 : i32
          %dma_start3A_405 = arith.constant 0 : i32
          %dma_start3A_406 = tpu.memref_slice %arg4[%add3A_399, %dma_start3A_404, %dma_start3A_405] : memref<2528x2x128xi32, #tpu.memory_space<hbm>> -> memref<1x2x128xi32, #tpu.memory_space<hbm>>
          %dma_start3A_407 = tpu.memref_squeeze %dma_start3A_406 : memref<1x2x128xi32, #tpu.memory_space<hbm>> -> memref<2x128xi32, #tpu.memory_space<hbm>>
          tpu.enqueue_dma source(%dma_start3A_407 : memref<2x128xi32, #tpu.memory_space<hbm>>) target(%arg11 : memref<2x128xi32, #tpu.memory_space<vmem>>) target_semaphore(%arg25 : memref<!tpu.dma_semaphore, #tpu.memory_space<semaphore_mem>>)
        } else {
        }
        %dma_start3A_390 = arith.constant 1 : i32
        %dma_start3A_391 = arith.constant 0 : i32
        %dma_start3A_392 = tpu.memref_slice %arg8[%dma_start3A_390, %dma_start3A_391] : memref<2x128xi32, #tpu.memory_space<vmem>> -> memref<1x128xi32, #tpu.memory_space<vmem>>
        %dma_start3A_393 = tpu.memref_squeeze %dma_start3A_392 : memref<1x128xi32, #tpu.memory_space<vmem>> -> memref<128xi32, #tpu.memory_space<vmem>>
        %dma_start3A_394 = arith.constant 0 : i32
        %dma_start3A_395 = arith.constant 0 : i32
        %dma_start3A_396 = tpu.memref_slice %arg21[%dma_start3A_394, %dma_start3A_395] : memref<10240x64xf32, #tpu.memory_space<vmem_shared>> -> memref<10240x64xf32, #tpu.memory_space<vmem_shared>>
        tpu.enqueue_indirect_dma source(%arg16 : memref<128x64xf32, #tpu.memory_space<vmem>>) target(%dma_start3A_396 : memref<10240x64xf32, #tpu.memory_space<vmem_shared>>) offsets(%dma_start3A_393 : memref<128xi32, #tpu.memory_space<vmem>>) semaphore(%arg34 : memref<!tpu.dma_semaphore, #tpu.memory_space<semaphore_mem>>) {add = true}
      } else {
      }
      %jit3A_215 = arith.constant 8 : i32
      %eq3A_216 = arith.constant 0 : i32
      %eq3A_217 = arith.cmpi eq, %jit3A_215, %eq3A_216 : i32
      %jit3A_218 = arith.constant 1 : i32
      %select_n3A_219 = arith.select %eq3A_217, %jit3A_218, %jit3A_215 : i32
      %rem3A_220 = arith.remsi %scan3A_202, %select_n3A_219 : i32
      %ne3A_221 = arith.constant 0 : i32
      %ne3A_222 = arith.cmpi ne, %rem3A_220, %ne3A_221 : i32
      %lt3A_223 = arith.constant 0 : i32
      %lt3A_224 = arith.cmpi slt, %rem3A_220, %lt3A_223 : i32
      %lt3A_225 = arith.constant 0 : i32
      %lt3A_226 = arith.cmpi slt, %select_n3A_219, %lt3A_225 : i32
      %ne3A_227 = arith.xori %lt3A_224, %lt3A_226 : i1
      %and3A_228 = arith.andi %ne3A_227, %ne3A_222 : i1
      %add3A_229 = arith.addi %rem3A_220, %select_n3A_219 : i32
      %select_n3A_230 = arith.select %and3A_228, %add3A_229, %rem3A_220 : i32
      %eq3A_231 = arith.constant 1 : i32
      %eq3A_232 = arith.cmpi eq, %select_n3A_230, %eq3A_231 : i32
      %convert_element_type3A_233 = arith.extui %eq3A_232 : i1 to i32
      %cond3A_234 = arith.constant 0 : i32
      %cond3A_235 = arith.cmpi ne, %convert_element_type3A_233, %cond3A_234 : i32
      scf.if %cond3A_235 {
        %add3A_362 = arith.constant 1 : i32
        %add3A_363 = arith.addi %scan3A_202, %add3A_362 : i32
        %lt3A_364 = arith.constant 79 : i32
        %lt3A_365 = arith.cmpi slt, %add3A_363, %lt3A_364 : i32
        %ge3A = arith.constant 3 : i32
        %ge3A_366 = arith.cmpi sge, %scan3A_202, %ge3A : i32
        %and3A_367 = arith.andi %lt3A_365, %ge3A_366 : i1
        %convert_element_type3A_368 = arith.extui %and3A_367 : i1 to i32
        %cond3A_369 = arith.constant 0 : i32
        %cond3A_370 = arith.cmpi ne, %convert_element_type3A_368, %cond3A_369 : i32
        scf.if %cond3A_370 {
          %dma_wait3A_397 = arith.constant 1 : i32
          %dma_wait3A_398 = arith.constant 0 : i32
          %dma_wait3A_399 = tpu.memref_slice %arg14[%dma_wait3A_397, %dma_wait3A_398] : memref<2x128xi32, #tpu.memory_space<vmem>> -> memref<1x128xi32, #tpu.memory_space<vmem>>
          %dma_wait3A_400 = tpu.memref_squeeze %dma_wait3A_399 : memref<1x128xi32, #tpu.memory_space<vmem>> -> memref<128xi32, #tpu.memory_space<vmem>>
          %dma_wait3A_401 = arith.constant 0 : i32
          %dma_wait3A_402 = arith.constant 0 : i32
          %dma_wait3A_403 = tpu.memref_slice %arg21[%dma_wait3A_401, %dma_wait3A_402] : memref<10240x64xf32, #tpu.memory_space<vmem_shared>> -> memref<10240x64xf32, #tpu.memory_space<vmem_shared>>
          tpu.wait_indirect_dma semaphore(%arg36 : memref<!tpu.dma_semaphore, #tpu.memory_space<semaphore_mem>>) src(%arg18 : memref<128x64xf32, #tpu.memory_space<vmem>>) dst(%dma_wait3A_403 : memref<10240x64xf32, #tpu.memory_space<vmem_shared>>)
        } else {
        }
        %lt3A_371 = arith.constant 79 : i32
        %lt3A_372 = arith.cmpi slt, %add3A_363, %lt3A_371 : i32
        %convert_element_type3A_373 = arith.extui %lt3A_372 : i1 to i32
        %cond3A_374 = arith.constant 0 : i32
        %cond3A_375 = arith.cmpi ne, %convert_element_type3A_373, %cond3A_374 : i32
        scf.if %cond3A_375 {
          %add3A_397 = arith.addi %mul3A_2, %add3A_363 : i32
          %dma_wait3A_398 = arith.constant 0 : i32
          %dma_wait3A_399 = arith.constant 0 : i32
          %dma_wait3A_400 = tpu.memref_slice %arg4[%add3A_397, %dma_wait3A_398, %dma_wait3A_399] : memref<2528x2x128xi32, #tpu.memory_space<hbm>> -> memref<1x2x128xi32, #tpu.memory_space<hbm>>
          %dma_wait3A_401 = tpu.memref_squeeze %dma_wait3A_400 : memref<1x2x128xi32, #tpu.memory_space<hbm>> -> memref<2x128xi32, #tpu.memory_space<hbm>>
          %dma_wait3A_402 = arith.constant 0 : i32
          %dma_wait3A_403 = arith.constant 0 : i32
          %dma_wait3A_404 = tpu.memref_slice %arg4[%add3A_397, %dma_wait3A_402, %dma_wait3A_403] : memref<2528x2x128xi32, #tpu.memory_space<hbm>> -> memref<1x2x128xi32, #tpu.memory_space<hbm>>
          %dma_wait3A_405 = tpu.memref_squeeze %dma_wait3A_404 : memref<1x2x128xi32, #tpu.memory_space<hbm>> -> memref<2x128xi32, #tpu.memory_space<hbm>>
          tpu.wait_dma2 semaphore(%arg24 : memref<!tpu.dma_semaphore, #tpu.memory_space<semaphore_mem>>) src(%dma_wait3A_405 : memref<2x128xi32, #tpu.memory_space<hbm>>) dst(%arg10 : memref<2x128xi32, #tpu.memory_space<vmem>>)
          %dma_start3A_406 = arith.constant 0 : i32
          %dma_start3A_407 = arith.constant 0 : i32
          %dma_start3A_408 = tpu.memref_slice %arg10[%dma_start3A_406, %dma_start3A_407] : memref<2x128xi32, #tpu.memory_space<vmem>> -> memref<1x128xi32, #tpu.memory_space<vmem>>
          %dma_start3A_409 = tpu.memref_squeeze %dma_start3A_408 : memref<1x128xi32, #tpu.memory_space<vmem>> -> memref<128xi32, #tpu.memory_space<vmem>>
          %dma_start3A_410 = arith.constant 0 : i32
          %dma_start3A_411 = arith.constant 0 : i32
          %dma_start3A_412 = tpu.memref_slice %arg20[%dma_start3A_410, %dma_start3A_411] : memref<10016x64xf32, #tpu.memory_space<vmem_shared>> -> memref<10016x64xf32, #tpu.memory_space<vmem_shared>>
          tpu.enqueue_indirect_dma source(%dma_start3A_412 : memref<10016x64xf32, #tpu.memory_space<vmem_shared>>) target(%arg18 : memref<128x64xf32, #tpu.memory_space<vmem>>) offsets(%dma_start3A_409 : memref<128xi32, #tpu.memory_space<vmem>>) semaphore(%arg32 : memref<!tpu.dma_semaphore, #tpu.memory_space<semaphore_mem>>)
        } else {
        }
        %dma_wait3A_376 = arith.constant 0 : i32
        %dma_wait3A_377 = arith.constant 0 : i32
        %dma_wait3A_378 = tpu.memref_slice %arg9[%dma_wait3A_376, %dma_wait3A_377] : memref<2x128xi32, #tpu.memory_space<vmem>> -> memref<1x128xi32, #tpu.memory_space<vmem>>
        %dma_wait3A_379 = tpu.memref_squeeze %dma_wait3A_378 : memref<1x128xi32, #tpu.memory_space<vmem>> -> memref<128xi32, #tpu.memory_space<vmem>>
        %dma_wait3A_380 = arith.constant 0 : i32
        %dma_wait3A_381 = arith.constant 0 : i32
        %dma_wait3A_382 = tpu.memref_slice %arg20[%dma_wait3A_380, %dma_wait3A_381] : memref<10016x64xf32, #tpu.memory_space<vmem_shared>> -> memref<10016x64xf32, #tpu.memory_space<vmem_shared>>
        tpu.wait_indirect_dma semaphore(%arg31 : memref<!tpu.dma_semaphore, #tpu.memory_space<semaphore_mem>>) src(%dma_wait3A_382 : memref<10016x64xf32, #tpu.memory_space<vmem_shared>>) dst(%arg17 : memref<128x64xf32, #tpu.memory_space<vmem>>)
        %add3A_383 = arith.constant 3 : i32
        %add3A_384 = arith.addi %scan3A_202, %add3A_383 : i32
        %lt3A_385 = arith.constant 79 : i32
        %lt3A_386 = arith.cmpi slt, %add3A_384, %lt3A_385 : i32
        %convert_element_type3A_387 = arith.extui %lt3A_386 : i1 to i32
        %cond3A_388 = arith.constant 0 : i32
        %cond3A_389 = arith.cmpi ne, %convert_element_type3A_387, %cond3A_388 : i32
        scf.if %cond3A_389 {
          %add3A_397 = arith.addi %mul3A_2, %scan3A_202 : i32
          %add3A_398 = arith.constant 3 : i32
          %add3A_399 = arith.addi %add3A_397, %add3A_398 : i32
          %dma_start3A_400 = arith.constant 0 : i32
          %dma_start3A_401 = arith.constant 0 : i32
          %dma_start3A_402 = tpu.memref_slice %arg4[%add3A_399, %dma_start3A_400, %dma_start3A_401] : memref<2528x2x128xi32, #tpu.memory_space<hbm>> -> memref<1x2x128xi32, #tpu.memory_space<hbm>>
          %dma_start3A_403 = tpu.memref_squeeze %dma_start3A_402 : memref<1x2x128xi32, #tpu.memory_space<hbm>> -> memref<2x128xi32, #tpu.memory_space<hbm>>
          %dma_start3A_404 = arith.constant 0 : i32
          %dma_start3A_405 = arith.constant 0 : i32
          %dma_start3A_406 = tpu.memref_slice %arg4[%add3A_399, %dma_start3A_404, %dma_start3A_405] : memref<2528x2x128xi32, #tpu.memory_space<hbm>> -> memref<1x2x128xi32, #tpu.memory_space<hbm>>
          %dma_start3A_407 = tpu.memref_squeeze %dma_start3A_406 : memref<1x2x128xi32, #tpu.memory_space<hbm>> -> memref<2x128xi32, #tpu.memory_space<hbm>>
          tpu.enqueue_dma source(%dma_start3A_407 : memref<2x128xi32, #tpu.memory_space<hbm>>) target(%arg12 : memref<2x128xi32, #tpu.memory_space<vmem>>) target_semaphore(%arg26 : memref<!tpu.dma_semaphore, #tpu.memory_space<semaphore_mem>>)
        } else {
        }
        %dma_start3A_390 = arith.constant 1 : i32
        %dma_start3A_391 = arith.constant 0 : i32
        %dma_start3A_392 = tpu.memref_slice %arg9[%dma_start3A_390, %dma_start3A_391] : memref<2x128xi32, #tpu.memory_space<vmem>> -> memref<1x128xi32, #tpu.memory_space<vmem>>
        %dma_start3A_393 = tpu.memref_squeeze %dma_start3A_392 : memref<1x128xi32, #tpu.memory_space<vmem>> -> memref<128xi32, #tpu.memory_space<vmem>>
        %dma_start3A_394 = arith.constant 0 : i32
        %dma_start3A_395 = arith.constant 0 : i32
        %dma_start3A_396 = tpu.memref_slice %arg21[%dma_start3A_394, %dma_start3A_395] : memref<10240x64xf32, #tpu.memory_space<vmem_shared>> -> memref<10240x64xf32, #tpu.memory_space<vmem_shared>>
        tpu.enqueue_indirect_dma source(%arg17 : memref<128x64xf32, #tpu.memory_space<vmem>>) target(%dma_start3A_396 : memref<10240x64xf32, #tpu.memory_space<vmem_shared>>) offsets(%dma_start3A_393 : memref<128xi32, #tpu.memory_space<vmem>>) semaphore(%arg35 : memref<!tpu.dma_semaphore, #tpu.memory_space<semaphore_mem>>) {add = true}
      } else {
      }
      %jit3A_236 = arith.constant 8 : i32
      %eq3A_237 = arith.constant 0 : i32
      %eq3A_238 = arith.cmpi eq, %jit3A_236, %eq3A_237 : i32
      %jit3A_239 = arith.constant 1 : i32
      %select_n3A_240 = arith.select %eq3A_238, %jit3A_239, %jit3A_236 : i32
      %rem3A_241 = arith.remsi %scan3A_202, %select_n3A_240 : i32
      %ne3A_242 = arith.constant 0 : i32
      %ne3A_243 = arith.cmpi ne, %rem3A_241, %ne3A_242 : i32
      %lt3A_244 = arith.constant 0 : i32
      %lt3A_245 = arith.cmpi slt, %rem3A_241, %lt3A_244 : i32
      %lt3A_246 = arith.constant 0 : i32
      %lt3A_247 = arith.cmpi slt, %select_n3A_240, %lt3A_246 : i32
      %ne3A_248 = arith.xori %lt3A_245, %lt3A_247 : i1
      %and3A_249 = arith.andi %ne3A_248, %ne3A_243 : i1
      %add3A_250 = arith.addi %rem3A_241, %select_n3A_240 : i32
      %select_n3A_251 = arith.select %and3A_249, %add3A_250, %rem3A_241 : i32
      %eq3A_252 = arith.constant 2 : i32
      %eq3A_253 = arith.cmpi eq, %select_n3A_251, %eq3A_252 : i32
      %convert_element_type3A_254 = arith.extui %eq3A_253 : i1 to i32
      %cond3A_255 = arith.constant 0 : i32
      %cond3A_256 = arith.cmpi ne, %convert_element_type3A_254, %cond3A_255 : i32
      scf.if %cond3A_256 {
        %add3A_362 = arith.constant 1 : i32
        %add3A_363 = arith.addi %scan3A_202, %add3A_362 : i32
        %lt3A_364 = arith.constant 79 : i32
        %lt3A_365 = arith.cmpi slt, %add3A_363, %lt3A_364 : i32
        %ge3A = arith.constant 3 : i32
        %ge3A_366 = arith.cmpi sge, %scan3A_202, %ge3A : i32
        %and3A_367 = arith.andi %lt3A_365, %ge3A_366 : i1
        %convert_element_type3A_368 = arith.extui %and3A_367 : i1 to i32
        %cond3A_369 = arith.constant 0 : i32
        %cond3A_370 = arith.cmpi ne, %convert_element_type3A_368, %cond3A_369 : i32
        scf.if %cond3A_370 {
          %dma_wait3A_397 = arith.constant 1 : i32
          %dma_wait3A_398 = arith.constant 0 : i32
          %dma_wait3A_399 = tpu.memref_slice %arg15[%dma_wait3A_397, %dma_wait3A_398] : memref<2x128xi32, #tpu.memory_space<vmem>> -> memref<1x128xi32, #tpu.memory_space<vmem>>
          %dma_wait3A_400 = tpu.memref_squeeze %dma_wait3A_399 : memref<1x128xi32, #tpu.memory_space<vmem>> -> memref<128xi32, #tpu.memory_space<vmem>>
          %dma_wait3A_401 = arith.constant 0 : i32
          %dma_wait3A_402 = arith.constant 0 : i32
          %dma_wait3A_403 = tpu.memref_slice %arg21[%dma_wait3A_401, %dma_wait3A_402] : memref<10240x64xf32, #tpu.memory_space<vmem_shared>> -> memref<10240x64xf32, #tpu.memory_space<vmem_shared>>
          tpu.wait_indirect_dma semaphore(%arg37 : memref<!tpu.dma_semaphore, #tpu.memory_space<semaphore_mem>>) src(%arg19 : memref<128x64xf32, #tpu.memory_space<vmem>>) dst(%dma_wait3A_403 : memref<10240x64xf32, #tpu.memory_space<vmem_shared>>)
        } else {
        }
        %lt3A_371 = arith.constant 79 : i32
        %lt3A_372 = arith.cmpi slt, %add3A_363, %lt3A_371 : i32
        %convert_element_type3A_373 = arith.extui %lt3A_372 : i1 to i32
        %cond3A_374 = arith.constant 0 : i32
        %cond3A_375 = arith.cmpi ne, %convert_element_type3A_373, %cond3A_374 : i32
        scf.if %cond3A_375 {
          %add3A_397 = arith.addi %mul3A_2, %add3A_363 : i32
          %dma_wait3A_398 = arith.constant 0 : i32
          %dma_wait3A_399 = arith.constant 0 : i32
          %dma_wait3A_400 = tpu.memref_slice %arg4[%add3A_397, %dma_wait3A_398, %dma_wait3A_399] : memref<2528x2x128xi32, #tpu.memory_space<hbm>> -> memref<1x2x128xi32, #tpu.memory_space<hbm>>
          %dma_wait3A_401 = tpu.memref_squeeze %dma_wait3A_400 : memref<1x2x128xi32, #tpu.memory_space<hbm>> -> memref<2x128xi32, #tpu.memory_space<hbm>>
          %dma_wait3A_402 = arith.constant 0 : i32
          %dma_wait3A_403 = arith.constant 0 : i32
          %dma_wait3A_404 = tpu.memref_slice %arg4[%add3A_397, %dma_wait3A_402, %dma_wait3A_403] : memref<2528x2x128xi32, #tpu.memory_space<hbm>> -> memref<1x2x128xi32, #tpu.memory_space<hbm>>
          %dma_wait3A_405 = tpu.memref_squeeze %dma_wait3A_404 : memref<1x2x128xi32, #tpu.memory_space<hbm>> -> memref<2x128xi32, #tpu.memory_space<hbm>>
          tpu.wait_dma2 semaphore(%arg25 : memref<!tpu.dma_semaphore, #tpu.memory_space<semaphore_mem>>) src(%dma_wait3A_405 : memref<2x128xi32, #tpu.memory_space<hbm>>) dst(%arg11 : memref<2x128xi32, #tpu.memory_space<vmem>>)
          %dma_start3A_406 = arith.constant 0 : i32
          %dma_start3A_407 = arith.constant 0 : i32
          %dma_start3A_408 = tpu.memref_slice %arg11[%dma_start3A_406, %dma_start3A_407] : memref<2x128xi32, #tpu.memory_space<vmem>> -> memref<1x128xi32, #tpu.memory_space<vmem>>
          %dma_start3A_409 = tpu.memref_squeeze %dma_start3A_408 : memref<1x128xi32, #tpu.memory_space<vmem>> -> memref<128xi32, #tpu.memory_space<vmem>>
          %dma_start3A_410 = arith.constant 0 : i32
          %dma_start3A_411 = arith.constant 0 : i32
          %dma_start3A_412 = tpu.memref_slice %arg20[%dma_start3A_410, %dma_start3A_411] : memref<10016x64xf32, #tpu.memory_space<vmem_shared>> -> memref<10016x64xf32, #tpu.memory_space<vmem_shared>>
          tpu.enqueue_indirect_dma source(%dma_start3A_412 : memref<10016x64xf32, #tpu.memory_space<vmem_shared>>) target(%arg19 : memref<128x64xf32, #tpu.memory_space<vmem>>) offsets(%dma_start3A_409 : memref<128xi32, #tpu.memory_space<vmem>>) semaphore(%arg33 : memref<!tpu.dma_semaphore, #tpu.memory_space<semaphore_mem>>)
        } else {
        }
        %dma_wait3A_376 = arith.constant 0 : i32
        %dma_wait3A_377 = arith.constant 0 : i32
        %dma_wait3A_378 = tpu.memref_slice %arg10[%dma_wait3A_376, %dma_wait3A_377] : memref<2x128xi32, #tpu.memory_space<vmem>> -> memref<1x128xi32, #tpu.memory_space<vmem>>
        %dma_wait3A_379 = tpu.memref_squeeze %dma_wait3A_378 : memref<1x128xi32, #tpu.memory_space<vmem>> -> memref<128xi32, #tpu.memory_space<vmem>>
        %dma_wait3A_380 = arith.constant 0 : i32
        %dma_wait3A_381 = arith.constant 0 : i32
        %dma_wait3A_382 = tpu.memref_slice %arg20[%dma_wait3A_380, %dma_wait3A_381] : memref<10016x64xf32, #tpu.memory_space<vmem_shared>> -> memref<10016x64xf32, #tpu.memory_space<vmem_shared>>
        tpu.wait_indirect_dma semaphore(%arg32 : memref<!tpu.dma_semaphore, #tpu.memory_space<semaphore_mem>>) src(%dma_wait3A_382 : memref<10016x64xf32, #tpu.memory_space<vmem_shared>>) dst(%arg18 : memref<128x64xf32, #tpu.memory_space<vmem>>)
        %add3A_383 = arith.constant 3 : i32
        %add3A_384 = arith.addi %scan3A_202, %add3A_383 : i32
        %lt3A_385 = arith.constant 79 : i32
        %lt3A_386 = arith.cmpi slt, %add3A_384, %lt3A_385 : i32
        %convert_element_type3A_387 = arith.extui %lt3A_386 : i1 to i32
        %cond3A_388 = arith.constant 0 : i32
        %cond3A_389 = arith.cmpi ne, %convert_element_type3A_387, %cond3A_388 : i32
        scf.if %cond3A_389 {
          %add3A_397 = arith.addi %mul3A_2, %scan3A_202 : i32
          %add3A_398 = arith.constant 3 : i32
          %add3A_399 = arith.addi %add3A_397, %add3A_398 : i32
          %dma_start3A_400 = arith.constant 0 : i32
          %dma_start3A_401 = arith.constant 0 : i32
          %dma_start3A_402 = tpu.memref_slice %arg4[%add3A_399, %dma_start3A_400, %dma_start3A_401] : memref<2528x2x128xi32, #tpu.memory_space<hbm>> -> memref<1x2x128xi32, #tpu.memory_space<hbm>>
          %dma_start3A_403 = tpu.memref_squeeze %dma_start3A_402 : memref<1x2x128xi32, #tpu.memory_space<hbm>> -> memref<2x128xi32, #tpu.memory_space<hbm>>
          %dma_start3A_404 = arith.constant 0 : i32
          %dma_start3A_405 = arith.constant 0 : i32
          %dma_start3A_406 = tpu.memref_slice %arg4[%add3A_399, %dma_start3A_404, %dma_start3A_405] : memref<2528x2x128xi32, #tpu.memory_space<hbm>> -> memref<1x2x128xi32, #tpu.memory_space<hbm>>
          %dma_start3A_407 = tpu.memref_squeeze %dma_start3A_406 : memref<1x2x128xi32, #tpu.memory_space<hbm>> -> memref<2x128xi32, #tpu.memory_space<hbm>>
          tpu.enqueue_dma source(%dma_start3A_407 : memref<2x128xi32, #tpu.memory_space<hbm>>) target(%arg13 : memref<2x128xi32, #tpu.memory_space<vmem>>) target_semaphore(%arg27 : memref<!tpu.dma_semaphore, #tpu.memory_space<semaphore_mem>>)
        } else {
        }
        %dma_start3A_390 = arith.constant 1 : i32
        %dma_start3A_391 = arith.constant 0 : i32
        %dma_start3A_392 = tpu.memref_slice %arg10[%dma_start3A_390, %dma_start3A_391] : memref<2x128xi32, #tpu.memory_space<vmem>> -> memref<1x128xi32, #tpu.memory_space<vmem>>
        %dma_start3A_393 = tpu.memref_squeeze %dma_start3A_392 : memref<1x128xi32, #tpu.memory_space<vmem>> -> memref<128xi32, #tpu.memory_space<vmem>>
        %dma_start3A_394 = arith.constant 0 : i32
        %dma_start3A_395 = arith.constant 0 : i32
        %dma_start3A_396 = tpu.memref_slice %arg21[%dma_start3A_394, %dma_start3A_395] : memref<10240x64xf32, #tpu.memory_space<vmem_shared>> -> memref<10240x64xf32, #tpu.memory_space<vmem_shared>>
        tpu.enqueue_indirect_dma source(%arg18 : memref<128x64xf32, #tpu.memory_space<vmem>>) target(%dma_start3A_396 : memref<10240x64xf32, #tpu.memory_space<vmem_shared>>) offsets(%dma_start3A_393 : memref<128xi32, #tpu.memory_space<vmem>>) semaphore(%arg36 : memref<!tpu.dma_semaphore, #tpu.memory_space<semaphore_mem>>) {add = true}
      } else {
      }
      %jit3A_257 = arith.constant 8 : i32
      %eq3A_258 = arith.constant 0 : i32
      %eq3A_259 = arith.cmpi eq, %jit3A_257, %eq3A_258 : i32
      %jit3A_260 = arith.constant 1 : i32
      %select_n3A_261 = arith.select %eq3A_259, %jit3A_260, %jit3A_257 : i32
      %rem3A_262 = arith.remsi %scan3A_202, %select_n3A_261 : i32
      %ne3A_263 = arith.constant 0 : i32
      %ne3A_264 = arith.cmpi ne, %rem3A_262, %ne3A_263 : i32
      %lt3A_265 = arith.constant 0 : i32
      %lt3A_266 = arith.cmpi slt, %rem3A_262, %lt3A_265 : i32
      %lt3A_267 = arith.constant 0 : i32
      %lt3A_268 = arith.cmpi slt, %select_n3A_261, %lt3A_267 : i32
      %ne3A_269 = arith.xori %lt3A_266, %lt3A_268 : i1
      %and3A_270 = arith.andi %ne3A_269, %ne3A_264 : i1
      %add3A_271 = arith.addi %rem3A_262, %select_n3A_261 : i32
      %select_n3A_272 = arith.select %and3A_270, %add3A_271, %rem3A_262 : i32
      %eq3A_273 = arith.constant 3 : i32
      %eq3A_274 = arith.cmpi eq, %select_n3A_272, %eq3A_273 : i32
      %convert_element_type3A_275 = arith.extui %eq3A_274 : i1 to i32
      %cond3A_276 = arith.constant 0 : i32
      %cond3A_277 = arith.cmpi ne, %convert_element_type3A_275, %cond3A_276 : i32
      scf.if %cond3A_277 {
        %add3A_362 = arith.constant 1 : i32
        %add3A_363 = arith.addi %scan3A_202, %add3A_362 : i32
        %lt3A_364 = arith.constant 79 : i32
        %lt3A_365 = arith.cmpi slt, %add3A_363, %lt3A_364 : i32
        %ge3A = arith.constant 3 : i32
        %ge3A_366 = arith.cmpi sge, %scan3A_202, %ge3A : i32
        %and3A_367 = arith.andi %lt3A_365, %ge3A_366 : i1
        %convert_element_type3A_368 = arith.extui %and3A_367 : i1 to i32
        %cond3A_369 = arith.constant 0 : i32
        %cond3A_370 = arith.cmpi ne, %convert_element_type3A_368, %cond3A_369 : i32
        scf.if %cond3A_370 {
          %dma_wait3A_397 = arith.constant 1 : i32
          %dma_wait3A_398 = arith.constant 0 : i32
          %dma_wait3A_399 = tpu.memref_slice %arg8[%dma_wait3A_397, %dma_wait3A_398] : memref<2x128xi32, #tpu.memory_space<vmem>> -> memref<1x128xi32, #tpu.memory_space<vmem>>
          %dma_wait3A_400 = tpu.memref_squeeze %dma_wait3A_399 : memref<1x128xi32, #tpu.memory_space<vmem>> -> memref<128xi32, #tpu.memory_space<vmem>>
          %dma_wait3A_401 = arith.constant 0 : i32
          %dma_wait3A_402 = arith.constant 0 : i32
          %dma_wait3A_403 = tpu.memref_slice %arg21[%dma_wait3A_401, %dma_wait3A_402] : memref<10240x64xf32, #tpu.memory_space<vmem_shared>> -> memref<10240x64xf32, #tpu.memory_space<vmem_shared>>
          tpu.wait_indirect_dma semaphore(%arg34 : memref<!tpu.dma_semaphore, #tpu.memory_space<semaphore_mem>>) src(%arg16 : memref<128x64xf32, #tpu.memory_space<vmem>>) dst(%dma_wait3A_403 : memref<10240x64xf32, #tpu.memory_space<vmem_shared>>)
        } else {
        }
        %lt3A_371 = arith.constant 79 : i32
        %lt3A_372 = arith.cmpi slt, %add3A_363, %lt3A_371 : i32
        %convert_element_type3A_373 = arith.extui %lt3A_372 : i1 to i32
        %cond3A_374 = arith.constant 0 : i32
        %cond3A_375 = arith.cmpi ne, %convert_element_type3A_373, %cond3A_374 : i32
        scf.if %cond3A_375 {
          %add3A_397 = arith.addi %mul3A_2, %add3A_363 : i32
          %dma_wait3A_398 = arith.constant 0 : i32
          %dma_wait3A_399 = arith.constant 0 : i32
          %dma_wait3A_400 = tpu.memref_slice %arg4[%add3A_397, %dma_wait3A_398, %dma_wait3A_399] : memref<2528x2x128xi32, #tpu.memory_space<hbm>> -> memref<1x2x128xi32, #tpu.memory_space<hbm>>
          %dma_wait3A_401 = tpu.memref_squeeze %dma_wait3A_400 : memref<1x2x128xi32, #tpu.memory_space<hbm>> -> memref<2x128xi32, #tpu.memory_space<hbm>>
          %dma_wait3A_402 = arith.constant 0 : i32
          %dma_wait3A_403 = arith.constant 0 : i32
          %dma_wait3A_404 = tpu.memref_slice %arg4[%add3A_397, %dma_wait3A_402, %dma_wait3A_403] : memref<2528x2x128xi32, #tpu.memory_space<hbm>> -> memref<1x2x128xi32, #tpu.memory_space<hbm>>
          %dma_wait3A_405 = tpu.memref_squeeze %dma_wait3A_404 : memref<1x2x128xi32, #tpu.memory_space<hbm>> -> memref<2x128xi32, #tpu.memory_space<hbm>>
          tpu.wait_dma2 semaphore(%arg26 : memref<!tpu.dma_semaphore, #tpu.memory_space<semaphore_mem>>) src(%dma_wait3A_405 : memref<2x128xi32, #tpu.memory_space<hbm>>) dst(%arg12 : memref<2x128xi32, #tpu.memory_space<vmem>>)
          %dma_start3A_406 = arith.constant 0 : i32
          %dma_start3A_407 = arith.constant 0 : i32
          %dma_start3A_408 = tpu.memref_slice %arg12[%dma_start3A_406, %dma_start3A_407] : memref<2x128xi32, #tpu.memory_space<vmem>> -> memref<1x128xi32, #tpu.memory_space<vmem>>
          %dma_start3A_409 = tpu.memref_squeeze %dma_start3A_408 : memref<1x128xi32, #tpu.memory_space<vmem>> -> memref<128xi32, #tpu.memory_space<vmem>>
          %dma_start3A_410 = arith.constant 0 : i32
          %dma_start3A_411 = arith.constant 0 : i32
          %dma_start3A_412 = tpu.memref_slice %arg20[%dma_start3A_410, %dma_start3A_411] : memref<10016x64xf32, #tpu.memory_space<vmem_shared>> -> memref<10016x64xf32, #tpu.memory_space<vmem_shared>>
          tpu.enqueue_indirect_dma source(%dma_start3A_412 : memref<10016x64xf32, #tpu.memory_space<vmem_shared>>) target(%arg16 : memref<128x64xf32, #tpu.memory_space<vmem>>) offsets(%dma_start3A_409 : memref<128xi32, #tpu.memory_space<vmem>>) semaphore(%arg30 : memref<!tpu.dma_semaphore, #tpu.memory_space<semaphore_mem>>)
        } else {
        }
        %dma_wait3A_376 = arith.constant 0 : i32
        %dma_wait3A_377 = arith.constant 0 : i32
        %dma_wait3A_378 = tpu.memref_slice %arg11[%dma_wait3A_376, %dma_wait3A_377] : memref<2x128xi32, #tpu.memory_space<vmem>> -> memref<1x128xi32, #tpu.memory_space<vmem>>
        %dma_wait3A_379 = tpu.memref_squeeze %dma_wait3A_378 : memref<1x128xi32, #tpu.memory_space<vmem>> -> memref<128xi32, #tpu.memory_space<vmem>>
        %dma_wait3A_380 = arith.constant 0 : i32
        %dma_wait3A_381 = arith.constant 0 : i32
        %dma_wait3A_382 = tpu.memref_slice %arg20[%dma_wait3A_380, %dma_wait3A_381] : memref<10016x64xf32, #tpu.memory_space<vmem_shared>> -> memref<10016x64xf32, #tpu.memory_space<vmem_shared>>
        tpu.wait_indirect_dma semaphore(%arg33 : memref<!tpu.dma_semaphore, #tpu.memory_space<semaphore_mem>>) src(%dma_wait3A_382 : memref<10016x64xf32, #tpu.memory_space<vmem_shared>>) dst(%arg19 : memref<128x64xf32, #tpu.memory_space<vmem>>)
        %add3A_383 = arith.constant 3 : i32
        %add3A_384 = arith.addi %scan3A_202, %add3A_383 : i32
        %lt3A_385 = arith.constant 79 : i32
        %lt3A_386 = arith.cmpi slt, %add3A_384, %lt3A_385 : i32
        %convert_element_type3A_387 = arith.extui %lt3A_386 : i1 to i32
        %cond3A_388 = arith.constant 0 : i32
        %cond3A_389 = arith.cmpi ne, %convert_element_type3A_387, %cond3A_388 : i32
        scf.if %cond3A_389 {
          %add3A_397 = arith.addi %mul3A_2, %scan3A_202 : i32
          %add3A_398 = arith.constant 3 : i32
          %add3A_399 = arith.addi %add3A_397, %add3A_398 : i32
          %dma_start3A_400 = arith.constant 0 : i32
          %dma_start3A_401 = arith.constant 0 : i32
          %dma_start3A_402 = tpu.memref_slice %arg4[%add3A_399, %dma_start3A_400, %dma_start3A_401] : memref<2528x2x128xi32, #tpu.memory_space<hbm>> -> memref<1x2x128xi32, #tpu.memory_space<hbm>>
          %dma_start3A_403 = tpu.memref_squeeze %dma_start3A_402 : memref<1x2x128xi32, #tpu.memory_space<hbm>> -> memref<2x128xi32, #tpu.memory_space<hbm>>
          %dma_start3A_404 = arith.constant 0 : i32
          %dma_start3A_405 = arith.constant 0 : i32
          %dma_start3A_406 = tpu.memref_slice %arg4[%add3A_399, %dma_start3A_404, %dma_start3A_405] : memref<2528x2x128xi32, #tpu.memory_space<hbm>> -> memref<1x2x128xi32, #tpu.memory_space<hbm>>
          %dma_start3A_407 = tpu.memref_squeeze %dma_start3A_406 : memref<1x2x128xi32, #tpu.memory_space<hbm>> -> memref<2x128xi32, #tpu.memory_space<hbm>>
          tpu.enqueue_dma source(%dma_start3A_407 : memref<2x128xi32, #tpu.memory_space<hbm>>) target(%arg14 : memref<2x128xi32, #tpu.memory_space<vmem>>) target_semaphore(%arg28 : memref<!tpu.dma_semaphore, #tpu.memory_space<semaphore_mem>>)
        } else {
        }
        %dma_start3A_390 = arith.constant 1 : i32
        %dma_start3A_391 = arith.constant 0 : i32
        %dma_start3A_392 = tpu.memref_slice %arg11[%dma_start3A_390, %dma_start3A_391] : memref<2x128xi32, #tpu.memory_space<vmem>> -> memref<1x128xi32, #tpu.memory_space<vmem>>
        %dma_start3A_393 = tpu.memref_squeeze %dma_start3A_392 : memref<1x128xi32, #tpu.memory_space<vmem>> -> memref<128xi32, #tpu.memory_space<vmem>>
        %dma_start3A_394 = arith.constant 0 : i32
        %dma_start3A_395 = arith.constant 0 : i32
        %dma_start3A_396 = tpu.memref_slice %arg21[%dma_start3A_394, %dma_start3A_395] : memref<10240x64xf32, #tpu.memory_space<vmem_shared>> -> memref<10240x64xf32, #tpu.memory_space<vmem_shared>>
        tpu.enqueue_indirect_dma source(%arg19 : memref<128x64xf32, #tpu.memory_space<vmem>>) target(%dma_start3A_396 : memref<10240x64xf32, #tpu.memory_space<vmem_shared>>) offsets(%dma_start3A_393 : memref<128xi32, #tpu.memory_space<vmem>>) semaphore(%arg37 : memref<!tpu.dma_semaphore, #tpu.memory_space<semaphore_mem>>) {add = true}
      } else {
      }
      %jit3A_278 = arith.constant 8 : i32
      %eq3A_279 = arith.constant 0 : i32
      %eq3A_280 = arith.cmpi eq, %jit3A_278, %eq3A_279 : i32
      %jit3A_281 = arith.constant 1 : i32
      %select_n3A_282 = arith.select %eq3A_280, %jit3A_281, %jit3A_278 : i32
      %rem3A_283 = arith.remsi %scan3A_202, %select_n3A_282 : i32
      %ne3A_284 = arith.constant 0 : i32
      %ne3A_285 = arith.cmpi ne, %rem3A_283, %ne3A_284 : i32
      %lt3A_286 = arith.constant 0 : i32
      %lt3A_287 = arith.cmpi slt, %rem3A_283, %lt3A_286 : i32
      %lt3A_288 = arith.constant 0 : i32
      %lt3A_289 = arith.cmpi slt, %select_n3A_282, %lt3A_288 : i32
      %ne3A_290 = arith.xori %lt3A_287, %lt3A_289 : i1
      %and3A_291 = arith.andi %ne3A_290, %ne3A_285 : i1
      %add3A_292 = arith.addi %rem3A_283, %select_n3A_282 : i32
      %select_n3A_293 = arith.select %and3A_291, %add3A_292, %rem3A_283 : i32
      %eq3A_294 = arith.constant 4 : i32
      %eq3A_295 = arith.cmpi eq, %select_n3A_293, %eq3A_294 : i32
      %convert_element_type3A_296 = arith.extui %eq3A_295 : i1 to i32
      %cond3A_297 = arith.constant 0 : i32
      %cond3A_298 = arith.cmpi ne, %convert_element_type3A_296, %cond3A_297 : i32
      scf.if %cond3A_298 {
        %add3A_362 = arith.constant 1 : i32
        %add3A_363 = arith.addi %scan3A_202, %add3A_362 : i32
        %lt3A_364 = arith.constant 79 : i32
        %lt3A_365 = arith.cmpi slt, %add3A_363, %lt3A_364 : i32
        %ge3A = arith.constant 3 : i32
        %ge3A_366 = arith.cmpi sge, %scan3A_202, %ge3A : i32
        %and3A_367 = arith.andi %lt3A_365, %ge3A_366 : i1
        %convert_element_type3A_368 = arith.extui %and3A_367 : i1 to i32
        %cond3A_369 = arith.constant 0 : i32
        %cond3A_370 = arith.cmpi ne, %convert_element_type3A_368, %cond3A_369 : i32
        scf.if %cond3A_370 {
          %dma_wait3A_397 = arith.constant 1 : i32
          %dma_wait3A_398 = arith.constant 0 : i32
          %dma_wait3A_399 = tpu.memref_slice %arg9[%dma_wait3A_397, %dma_wait3A_398] : memref<2x128xi32, #tpu.memory_space<vmem>> -> memref<1x128xi32, #tpu.memory_space<vmem>>
          %dma_wait3A_400 = tpu.memref_squeeze %dma_wait3A_399 : memref<1x128xi32, #tpu.memory_space<vmem>> -> memref<128xi32, #tpu.memory_space<vmem>>
          %dma_wait3A_401 = arith.constant 0 : i32
          %dma_wait3A_402 = arith.constant 0 : i32
          %dma_wait3A_403 = tpu.memref_slice %arg21[%dma_wait3A_401, %dma_wait3A_402] : memref<10240x64xf32, #tpu.memory_space<vmem_shared>> -> memref<10240x64xf32, #tpu.memory_space<vmem_shared>>
          tpu.wait_indirect_dma semaphore(%arg35 : memref<!tpu.dma_semaphore, #tpu.memory_space<semaphore_mem>>) src(%arg17 : memref<128x64xf32, #tpu.memory_space<vmem>>) dst(%dma_wait3A_403 : memref<10240x64xf32, #tpu.memory_space<vmem_shared>>)
        } else {
        }
        %lt3A_371 = arith.constant 79 : i32
        %lt3A_372 = arith.cmpi slt, %add3A_363, %lt3A_371 : i32
        %convert_element_type3A_373 = arith.extui %lt3A_372 : i1 to i32
        %cond3A_374 = arith.constant 0 : i32
        %cond3A_375 = arith.cmpi ne, %convert_element_type3A_373, %cond3A_374 : i32
        scf.if %cond3A_375 {
          %add3A_397 = arith.addi %mul3A_2, %add3A_363 : i32
          %dma_wait3A_398 = arith.constant 0 : i32
          %dma_wait3A_399 = arith.constant 0 : i32
          %dma_wait3A_400 = tpu.memref_slice %arg4[%add3A_397, %dma_wait3A_398, %dma_wait3A_399] : memref<2528x2x128xi32, #tpu.memory_space<hbm>> -> memref<1x2x128xi32, #tpu.memory_space<hbm>>
          %dma_wait3A_401 = tpu.memref_squeeze %dma_wait3A_400 : memref<1x2x128xi32, #tpu.memory_space<hbm>> -> memref<2x128xi32, #tpu.memory_space<hbm>>
          %dma_wait3A_402 = arith.constant 0 : i32
          %dma_wait3A_403 = arith.constant 0 : i32
          %dma_wait3A_404 = tpu.memref_slice %arg4[%add3A_397, %dma_wait3A_402, %dma_wait3A_403] : memref<2528x2x128xi32, #tpu.memory_space<hbm>> -> memref<1x2x128xi32, #tpu.memory_space<hbm>>
          %dma_wait3A_405 = tpu.memref_squeeze %dma_wait3A_404 : memref<1x2x128xi32, #tpu.memory_space<hbm>> -> memref<2x128xi32, #tpu.memory_space<hbm>>
          tpu.wait_dma2 semaphore(%arg27 : memref<!tpu.dma_semaphore, #tpu.memory_space<semaphore_mem>>) src(%dma_wait3A_405 : memref<2x128xi32, #tpu.memory_space<hbm>>) dst(%arg13 : memref<2x128xi32, #tpu.memory_space<vmem>>)
          %dma_start3A_406 = arith.constant 0 : i32
          %dma_start3A_407 = arith.constant 0 : i32
          %dma_start3A_408 = tpu.memref_slice %arg13[%dma_start3A_406, %dma_start3A_407] : memref<2x128xi32, #tpu.memory_space<vmem>> -> memref<1x128xi32, #tpu.memory_space<vmem>>
          %dma_start3A_409 = tpu.memref_squeeze %dma_start3A_408 : memref<1x128xi32, #tpu.memory_space<vmem>> -> memref<128xi32, #tpu.memory_space<vmem>>
          %dma_start3A_410 = arith.constant 0 : i32
          %dma_start3A_411 = arith.constant 0 : i32
          %dma_start3A_412 = tpu.memref_slice %arg20[%dma_start3A_410, %dma_start3A_411] : memref<10016x64xf32, #tpu.memory_space<vmem_shared>> -> memref<10016x64xf32, #tpu.memory_space<vmem_shared>>
          tpu.enqueue_indirect_dma source(%dma_start3A_412 : memref<10016x64xf32, #tpu.memory_space<vmem_shared>>) target(%arg17 : memref<128x64xf32, #tpu.memory_space<vmem>>) offsets(%dma_start3A_409 : memref<128xi32, #tpu.memory_space<vmem>>) semaphore(%arg31 : memref<!tpu.dma_semaphore, #tpu.memory_space<semaphore_mem>>)
        } else {
        }
        %dma_wait3A_376 = arith.constant 0 : i32
        %dma_wait3A_377 = arith.constant 0 : i32
        %dma_wait3A_378 = tpu.memref_slice %arg12[%dma_wait3A_376, %dma_wait3A_377] : memref<2x128xi32, #tpu.memory_space<vmem>> -> memref<1x128xi32, #tpu.memory_space<vmem>>
        %dma_wait3A_379 = tpu.memref_squeeze %dma_wait3A_378 : memref<1x128xi32, #tpu.memory_space<vmem>> -> memref<128xi32, #tpu.memory_space<vmem>>
        %dma_wait3A_380 = arith.constant 0 : i32
        %dma_wait3A_381 = arith.constant 0 : i32
        %dma_wait3A_382 = tpu.memref_slice %arg20[%dma_wait3A_380, %dma_wait3A_381] : memref<10016x64xf32, #tpu.memory_space<vmem_shared>> -> memref<10016x64xf32, #tpu.memory_space<vmem_shared>>
        tpu.wait_indirect_dma semaphore(%arg30 : memref<!tpu.dma_semaphore, #tpu.memory_space<semaphore_mem>>) src(%dma_wait3A_382 : memref<10016x64xf32, #tpu.memory_space<vmem_shared>>) dst(%arg16 : memref<128x64xf32, #tpu.memory_space<vmem>>)
        %add3A_383 = arith.constant 3 : i32
        %add3A_384 = arith.addi %scan3A_202, %add3A_383 : i32
        %lt3A_385 = arith.constant 79 : i32
        %lt3A_386 = arith.cmpi slt, %add3A_384, %lt3A_385 : i32
        %convert_element_type3A_387 = arith.extui %lt3A_386 : i1 to i32
        %cond3A_388 = arith.constant 0 : i32
        %cond3A_389 = arith.cmpi ne, %convert_element_type3A_387, %cond3A_388 : i32
        scf.if %cond3A_389 {
          %add3A_397 = arith.addi %mul3A_2, %scan3A_202 : i32
          %add3A_398 = arith.constant 3 : i32
          %add3A_399 = arith.addi %add3A_397, %add3A_398 : i32
          %dma_start3A_400 = arith.constant 0 : i32
          %dma_start3A_401 = arith.constant 0 : i32
          %dma_start3A_402 = tpu.memref_slice %arg4[%add3A_399, %dma_start3A_400, %dma_start3A_401] : memref<2528x2x128xi32, #tpu.memory_space<hbm>> -> memref<1x2x128xi32, #tpu.memory_space<hbm>>
          %dma_start3A_403 = tpu.memref_squeeze %dma_start3A_402 : memref<1x2x128xi32, #tpu.memory_space<hbm>> -> memref<2x128xi32, #tpu.memory_space<hbm>>
          %dma_start3A_404 = arith.constant 0 : i32
          %dma_start3A_405 = arith.constant 0 : i32
          %dma_start3A_406 = tpu.memref_slice %arg4[%add3A_399, %dma_start3A_404, %dma_start3A_405] : memref<2528x2x128xi32, #tpu.memory_space<hbm>> -> memref<1x2x128xi32, #tpu.memory_space<hbm>>
          %dma_start3A_407 = tpu.memref_squeeze %dma_start3A_406 : memref<1x2x128xi32, #tpu.memory_space<hbm>> -> memref<2x128xi32, #tpu.memory_space<hbm>>
          tpu.enqueue_dma source(%dma_start3A_407 : memref<2x128xi32, #tpu.memory_space<hbm>>) target(%arg15 : memref<2x128xi32, #tpu.memory_space<vmem>>) target_semaphore(%arg29 : memref<!tpu.dma_semaphore, #tpu.memory_space<semaphore_mem>>)
        } else {
        }
        %dma_start3A_390 = arith.constant 1 : i32
        %dma_start3A_391 = arith.constant 0 : i32
        %dma_start3A_392 = tpu.memref_slice %arg12[%dma_start3A_390, %dma_start3A_391] : memref<2x128xi32, #tpu.memory_space<vmem>> -> memref<1x128xi32, #tpu.memory_space<vmem>>
        %dma_start3A_393 = tpu.memref_squeeze %dma_start3A_392 : memref<1x128xi32, #tpu.memory_space<vmem>> -> memref<128xi32, #tpu.memory_space<vmem>>
        %dma_start3A_394 = arith.constant 0 : i32
        %dma_start3A_395 = arith.constant 0 : i32
        %dma_start3A_396 = tpu.memref_slice %arg21[%dma_start3A_394, %dma_start3A_395] : memref<10240x64xf32, #tpu.memory_space<vmem_shared>> -> memref<10240x64xf32, #tpu.memory_space<vmem_shared>>
        tpu.enqueue_indirect_dma source(%arg16 : memref<128x64xf32, #tpu.memory_space<vmem>>) target(%dma_start3A_396 : memref<10240x64xf32, #tpu.memory_space<vmem_shared>>) offsets(%dma_start3A_393 : memref<128xi32, #tpu.memory_space<vmem>>) semaphore(%arg34 : memref<!tpu.dma_semaphore, #tpu.memory_space<semaphore_mem>>) {add = true}
      } else {
      }
      %jit3A_299 = arith.constant 8 : i32
      %eq3A_300 = arith.constant 0 : i32
      %eq3A_301 = arith.cmpi eq, %jit3A_299, %eq3A_300 : i32
      %jit3A_302 = arith.constant 1 : i32
      %select_n3A_303 = arith.select %eq3A_301, %jit3A_302, %jit3A_299 : i32
      %rem3A_304 = arith.remsi %scan3A_202, %select_n3A_303 : i32
      %ne3A_305 = arith.constant 0 : i32
      %ne3A_306 = arith.cmpi ne, %rem3A_304, %ne3A_305 : i32
      %lt3A_307 = arith.constant 0 : i32
      %lt3A_308 = arith.cmpi slt, %rem3A_304, %lt3A_307 : i32
      %lt3A_309 = arith.constant 0 : i32
      %lt3A_310 = arith.cmpi slt, %select_n3A_303, %lt3A_309 : i32
      %ne3A_311 = arith.xori %lt3A_308, %lt3A_310 : i1
      %and3A_312 = arith.andi %ne3A_311, %ne3A_306 : i1
      %add3A_313 = arith.addi %rem3A_304, %select_n3A_303 : i32
      %select_n3A_314 = arith.select %and3A_312, %add3A_313, %rem3A_304 : i32
      %eq3A_315 = arith.constant 5 : i32
      %eq3A_316 = arith.cmpi eq, %select_n3A_314, %eq3A_315 : i32
      %convert_element_type3A_317 = arith.extui %eq3A_316 : i1 to i32
      %cond3A_318 = arith.constant 0 : i32
      %cond3A_319 = arith.cmpi ne, %convert_element_type3A_317, %cond3A_318 : i32
      scf.if %cond3A_319 {
        %add3A_362 = arith.constant 1 : i32
        %add3A_363 = arith.addi %scan3A_202, %add3A_362 : i32
        %lt3A_364 = arith.constant 79 : i32
        %lt3A_365 = arith.cmpi slt, %add3A_363, %lt3A_364 : i32
        %ge3A = arith.constant 3 : i32
        %ge3A_366 = arith.cmpi sge, %scan3A_202, %ge3A : i32
        %and3A_367 = arith.andi %lt3A_365, %ge3A_366 : i1
        %convert_element_type3A_368 = arith.extui %and3A_367 : i1 to i32
        %cond3A_369 = arith.constant 0 : i32
        %cond3A_370 = arith.cmpi ne, %convert_element_type3A_368, %cond3A_369 : i32
        scf.if %cond3A_370 {
          %dma_wait3A_397 = arith.constant 1 : i32
          %dma_wait3A_398 = arith.constant 0 : i32
          %dma_wait3A_399 = tpu.memref_slice %arg10[%dma_wait3A_397, %dma_wait3A_398] : memref<2x128xi32, #tpu.memory_space<vmem>> -> memref<1x128xi32, #tpu.memory_space<vmem>>
          %dma_wait3A_400 = tpu.memref_squeeze %dma_wait3A_399 : memref<1x128xi32, #tpu.memory_space<vmem>> -> memref<128xi32, #tpu.memory_space<vmem>>
          %dma_wait3A_401 = arith.constant 0 : i32
          %dma_wait3A_402 = arith.constant 0 : i32
          %dma_wait3A_403 = tpu.memref_slice %arg21[%dma_wait3A_401, %dma_wait3A_402] : memref<10240x64xf32, #tpu.memory_space<vmem_shared>> -> memref<10240x64xf32, #tpu.memory_space<vmem_shared>>
          tpu.wait_indirect_dma semaphore(%arg36 : memref<!tpu.dma_semaphore, #tpu.memory_space<semaphore_mem>>) src(%arg18 : memref<128x64xf32, #tpu.memory_space<vmem>>) dst(%dma_wait3A_403 : memref<10240x64xf32, #tpu.memory_space<vmem_shared>>)
        } else {
        }
        %lt3A_371 = arith.constant 79 : i32
        %lt3A_372 = arith.cmpi slt, %add3A_363, %lt3A_371 : i32
        %convert_element_type3A_373 = arith.extui %lt3A_372 : i1 to i32
        %cond3A_374 = arith.constant 0 : i32
        %cond3A_375 = arith.cmpi ne, %convert_element_type3A_373, %cond3A_374 : i32
        scf.if %cond3A_375 {
          %add3A_397 = arith.addi %mul3A_2, %add3A_363 : i32
          %dma_wait3A_398 = arith.constant 0 : i32
          %dma_wait3A_399 = arith.constant 0 : i32
          %dma_wait3A_400 = tpu.memref_slice %arg4[%add3A_397, %dma_wait3A_398, %dma_wait3A_399] : memref<2528x2x128xi32, #tpu.memory_space<hbm>> -> memref<1x2x128xi32, #tpu.memory_space<hbm>>
          %dma_wait3A_401 = tpu.memref_squeeze %dma_wait3A_400 : memref<1x2x128xi32, #tpu.memory_space<hbm>> -> memref<2x128xi32, #tpu.memory_space<hbm>>
          %dma_wait3A_402 = arith.constant 0 : i32
          %dma_wait3A_403 = arith.constant 0 : i32
          %dma_wait3A_404 = tpu.memref_slice %arg4[%add3A_397, %dma_wait3A_402, %dma_wait3A_403] : memref<2528x2x128xi32, #tpu.memory_space<hbm>> -> memref<1x2x128xi32, #tpu.memory_space<hbm>>
          %dma_wait3A_405 = tpu.memref_squeeze %dma_wait3A_404 : memref<1x2x128xi32, #tpu.memory_space<hbm>> -> memref<2x128xi32, #tpu.memory_space<hbm>>
          tpu.wait_dma2 semaphore(%arg28 : memref<!tpu.dma_semaphore, #tpu.memory_space<semaphore_mem>>) src(%dma_wait3A_405 : memref<2x128xi32, #tpu.memory_space<hbm>>) dst(%arg14 : memref<2x128xi32, #tpu.memory_space<vmem>>)
          %dma_start3A_406 = arith.constant 0 : i32
          %dma_start3A_407 = arith.constant 0 : i32
          %dma_start3A_408 = tpu.memref_slice %arg14[%dma_start3A_406, %dma_start3A_407] : memref<2x128xi32, #tpu.memory_space<vmem>> -> memref<1x128xi32, #tpu.memory_space<vmem>>
          %dma_start3A_409 = tpu.memref_squeeze %dma_start3A_408 : memref<1x128xi32, #tpu.memory_space<vmem>> -> memref<128xi32, #tpu.memory_space<vmem>>
          %dma_start3A_410 = arith.constant 0 : i32
          %dma_start3A_411 = arith.constant 0 : i32
          %dma_start3A_412 = tpu.memref_slice %arg20[%dma_start3A_410, %dma_start3A_411] : memref<10016x64xf32, #tpu.memory_space<vmem_shared>> -> memref<10016x64xf32, #tpu.memory_space<vmem_shared>>
          tpu.enqueue_indirect_dma source(%dma_start3A_412 : memref<10016x64xf32, #tpu.memory_space<vmem_shared>>) target(%arg18 : memref<128x64xf32, #tpu.memory_space<vmem>>) offsets(%dma_start3A_409 : memref<128xi32, #tpu.memory_space<vmem>>) semaphore(%arg32 : memref<!tpu.dma_semaphore, #tpu.memory_space<semaphore_mem>>)
        } else {
        }
        %dma_wait3A_376 = arith.constant 0 : i32
        %dma_wait3A_377 = arith.constant 0 : i32
        %dma_wait3A_378 = tpu.memref_slice %arg13[%dma_wait3A_376, %dma_wait3A_377] : memref<2x128xi32, #tpu.memory_space<vmem>> -> memref<1x128xi32, #tpu.memory_space<vmem>>
        %dma_wait3A_379 = tpu.memref_squeeze %dma_wait3A_378 : memref<1x128xi32, #tpu.memory_space<vmem>> -> memref<128xi32, #tpu.memory_space<vmem>>
        %dma_wait3A_380 = arith.constant 0 : i32
        %dma_wait3A_381 = arith.constant 0 : i32
        %dma_wait3A_382 = tpu.memref_slice %arg20[%dma_wait3A_380, %dma_wait3A_381] : memref<10016x64xf32, #tpu.memory_space<vmem_shared>> -> memref<10016x64xf32, #tpu.memory_space<vmem_shared>>
        tpu.wait_indirect_dma semaphore(%arg31 : memref<!tpu.dma_semaphore, #tpu.memory_space<semaphore_mem>>) src(%dma_wait3A_382 : memref<10016x64xf32, #tpu.memory_space<vmem_shared>>) dst(%arg17 : memref<128x64xf32, #tpu.memory_space<vmem>>)
        %add3A_383 = arith.constant 3 : i32
        %add3A_384 = arith.addi %scan3A_202, %add3A_383 : i32
        %lt3A_385 = arith.constant 79 : i32
        %lt3A_386 = arith.cmpi slt, %add3A_384, %lt3A_385 : i32
        %convert_element_type3A_387 = arith.extui %lt3A_386 : i1 to i32
        %cond3A_388 = arith.constant 0 : i32
        %cond3A_389 = arith.cmpi ne, %convert_element_type3A_387, %cond3A_388 : i32
        scf.if %cond3A_389 {
          %add3A_397 = arith.addi %mul3A_2, %scan3A_202 : i32
          %add3A_398 = arith.constant 3 : i32
          %add3A_399 = arith.addi %add3A_397, %add3A_398 : i32
          %dma_start3A_400 = arith.constant 0 : i32
          %dma_start3A_401 = arith.constant 0 : i32
          %dma_start3A_402 = tpu.memref_slice %arg4[%add3A_399, %dma_start3A_400, %dma_start3A_401] : memref<2528x2x128xi32, #tpu.memory_space<hbm>> -> memref<1x2x128xi32, #tpu.memory_space<hbm>>
          %dma_start3A_403 = tpu.memref_squeeze %dma_start3A_402 : memref<1x2x128xi32, #tpu.memory_space<hbm>> -> memref<2x128xi32, #tpu.memory_space<hbm>>
          %dma_start3A_404 = arith.constant 0 : i32
          %dma_start3A_405 = arith.constant 0 : i32
          %dma_start3A_406 = tpu.memref_slice %arg4[%add3A_399, %dma_start3A_404, %dma_start3A_405] : memref<2528x2x128xi32, #tpu.memory_space<hbm>> -> memref<1x2x128xi32, #tpu.memory_space<hbm>>
          %dma_start3A_407 = tpu.memref_squeeze %dma_start3A_406 : memref<1x2x128xi32, #tpu.memory_space<hbm>> -> memref<2x128xi32, #tpu.memory_space<hbm>>
          tpu.enqueue_dma source(%dma_start3A_407 : memref<2x128xi32, #tpu.memory_space<hbm>>) target(%arg8 : memref<2x128xi32, #tpu.memory_space<vmem>>) target_semaphore(%arg22 : memref<!tpu.dma_semaphore, #tpu.memory_space<semaphore_mem>>)
        } else {
        }
        %dma_start3A_390 = arith.constant 1 : i32
        %dma_start3A_391 = arith.constant 0 : i32
        %dma_start3A_392 = tpu.memref_slice %arg13[%dma_start3A_390, %dma_start3A_391] : memref<2x128xi32, #tpu.memory_space<vmem>> -> memref<1x128xi32, #tpu.memory_space<vmem>>
        %dma_start3A_393 = tpu.memref_squeeze %dma_start3A_392 : memref<1x128xi32, #tpu.memory_space<vmem>> -> memref<128xi32, #tpu.memory_space<vmem>>
        %dma_start3A_394 = arith.constant 0 : i32
        %dma_start3A_395 = arith.constant 0 : i32
        %dma_start3A_396 = tpu.memref_slice %arg21[%dma_start3A_394, %dma_start3A_395] : memref<10240x64xf32, #tpu.memory_space<vmem_shared>> -> memref<10240x64xf32, #tpu.memory_space<vmem_shared>>
        tpu.enqueue_indirect_dma source(%arg17 : memref<128x64xf32, #tpu.memory_space<vmem>>) target(%dma_start3A_396 : memref<10240x64xf32, #tpu.memory_space<vmem_shared>>) offsets(%dma_start3A_393 : memref<128xi32, #tpu.memory_space<vmem>>) semaphore(%arg35 : memref<!tpu.dma_semaphore, #tpu.memory_space<semaphore_mem>>) {add = true}
      } else {
      }
      %jit3A_320 = arith.constant 8 : i32
      %eq3A_321 = arith.constant 0 : i32
      %eq3A_322 = arith.cmpi eq, %jit3A_320, %eq3A_321 : i32
      %jit3A_323 = arith.constant 1 : i32
      %select_n3A_324 = arith.select %eq3A_322, %jit3A_323, %jit3A_320 : i32
      %rem3A_325 = arith.remsi %scan3A_202, %select_n3A_324 : i32
      %ne3A_326 = arith.constant 0 : i32
      %ne3A_327 = arith.cmpi ne, %rem3A_325, %ne3A_326 : i32
      %lt3A_328 = arith.constant 0 : i32
      %lt3A_329 = arith.cmpi slt, %rem3A_325, %lt3A_328 : i32
      %lt3A_330 = arith.constant 0 : i32
      %lt3A_331 = arith.cmpi slt, %select_n3A_324, %lt3A_330 : i32
      %ne3A_332 = arith.xori %lt3A_329, %lt3A_331 : i1
      %and3A_333 = arith.andi %ne3A_332, %ne3A_327 : i1
      %add3A_334 = arith.addi %rem3A_325, %select_n3A_324 : i32
      %select_n3A_335 = arith.select %and3A_333, %add3A_334, %rem3A_325 : i32
      %eq3A_336 = arith.constant 6 : i32
      %eq3A_337 = arith.cmpi eq, %select_n3A_335, %eq3A_336 : i32
      %convert_element_type3A_338 = arith.extui %eq3A_337 : i1 to i32
      %cond3A_339 = arith.constant 0 : i32
      %cond3A_340 = arith.cmpi ne, %convert_element_type3A_338, %cond3A_339 : i32
      scf.if %cond3A_340 {
        %add3A_362 = arith.constant 1 : i32
        %add3A_363 = arith.addi %scan3A_202, %add3A_362 : i32
        %lt3A_364 = arith.constant 79 : i32
        %lt3A_365 = arith.cmpi slt, %add3A_363, %lt3A_364 : i32
        %ge3A = arith.constant 3 : i32
        %ge3A_366 = arith.cmpi sge, %scan3A_202, %ge3A : i32
        %and3A_367 = arith.andi %lt3A_365, %ge3A_366 : i1
        %convert_element_type3A_368 = arith.extui %and3A_367 : i1 to i32
        %cond3A_369 = arith.constant 0 : i32
        %cond3A_370 = arith.cmpi ne, %convert_element_type3A_368, %cond3A_369 : i32
        scf.if %cond3A_370 {
          %dma_wait3A_397 = arith.constant 1 : i32
          %dma_wait3A_398 = arith.constant 0 : i32
          %dma_wait3A_399 = tpu.memref_slice %arg11[%dma_wait3A_397, %dma_wait3A_398] : memref<2x128xi32, #tpu.memory_space<vmem>> -> memref<1x128xi32, #tpu.memory_space<vmem>>
          %dma_wait3A_400 = tpu.memref_squeeze %dma_wait3A_399 : memref<1x128xi32, #tpu.memory_space<vmem>> -> memref<128xi32, #tpu.memory_space<vmem>>
          %dma_wait3A_401 = arith.constant 0 : i32
          %dma_wait3A_402 = arith.constant 0 : i32
          %dma_wait3A_403 = tpu.memref_slice %arg21[%dma_wait3A_401, %dma_wait3A_402] : memref<10240x64xf32, #tpu.memory_space<vmem_shared>> -> memref<10240x64xf32, #tpu.memory_space<vmem_shared>>
          tpu.wait_indirect_dma semaphore(%arg37 : memref<!tpu.dma_semaphore, #tpu.memory_space<semaphore_mem>>) src(%arg19 : memref<128x64xf32, #tpu.memory_space<vmem>>) dst(%dma_wait3A_403 : memref<10240x64xf32, #tpu.memory_space<vmem_shared>>)
        } else {
        }
        %lt3A_371 = arith.constant 79 : i32
        %lt3A_372 = arith.cmpi slt, %add3A_363, %lt3A_371 : i32
        %convert_element_type3A_373 = arith.extui %lt3A_372 : i1 to i32
        %cond3A_374 = arith.constant 0 : i32
        %cond3A_375 = arith.cmpi ne, %convert_element_type3A_373, %cond3A_374 : i32
        scf.if %cond3A_375 {
          %add3A_397 = arith.addi %mul3A_2, %add3A_363 : i32
          %dma_wait3A_398 = arith.constant 0 : i32
          %dma_wait3A_399 = arith.constant 0 : i32
          %dma_wait3A_400 = tpu.memref_slice %arg4[%add3A_397, %dma_wait3A_398, %dma_wait3A_399] : memref<2528x2x128xi32, #tpu.memory_space<hbm>> -> memref<1x2x128xi32, #tpu.memory_space<hbm>>
          %dma_wait3A_401 = tpu.memref_squeeze %dma_wait3A_400 : memref<1x2x128xi32, #tpu.memory_space<hbm>> -> memref<2x128xi32, #tpu.memory_space<hbm>>
          %dma_wait3A_402 = arith.constant 0 : i32
          %dma_wait3A_403 = arith.constant 0 : i32
          %dma_wait3A_404 = tpu.memref_slice %arg4[%add3A_397, %dma_wait3A_402, %dma_wait3A_403] : memref<2528x2x128xi32, #tpu.memory_space<hbm>> -> memref<1x2x128xi32, #tpu.memory_space<hbm>>
          %dma_wait3A_405 = tpu.memref_squeeze %dma_wait3A_404 : memref<1x2x128xi32, #tpu.memory_space<hbm>> -> memref<2x128xi32, #tpu.memory_space<hbm>>
          tpu.wait_dma2 semaphore(%arg29 : memref<!tpu.dma_semaphore, #tpu.memory_space<semaphore_mem>>) src(%dma_wait3A_405 : memref<2x128xi32, #tpu.memory_space<hbm>>) dst(%arg15 : memref<2x128xi32, #tpu.memory_space<vmem>>)
          %dma_start3A_406 = arith.constant 0 : i32
          %dma_start3A_407 = arith.constant 0 : i32
          %dma_start3A_408 = tpu.memref_slice %arg15[%dma_start3A_406, %dma_start3A_407] : memref<2x128xi32, #tpu.memory_space<vmem>> -> memref<1x128xi32, #tpu.memory_space<vmem>>
          %dma_start3A_409 = tpu.memref_squeeze %dma_start3A_408 : memref<1x128xi32, #tpu.memory_space<vmem>> -> memref<128xi32, #tpu.memory_space<vmem>>
          %dma_start3A_410 = arith.constant 0 : i32
          %dma_start3A_411 = arith.constant 0 : i32
          %dma_start3A_412 = tpu.memref_slice %arg20[%dma_start3A_410, %dma_start3A_411] : memref<10016x64xf32, #tpu.memory_space<vmem_shared>> -> memref<10016x64xf32, #tpu.memory_space<vmem_shared>>
          tpu.enqueue_indirect_dma source(%dma_start3A_412 : memref<10016x64xf32, #tpu.memory_space<vmem_shared>>) target(%arg19 : memref<128x64xf32, #tpu.memory_space<vmem>>) offsets(%dma_start3A_409 : memref<128xi32, #tpu.memory_space<vmem>>) semaphore(%arg33 : memref<!tpu.dma_semaphore, #tpu.memory_space<semaphore_mem>>)
        } else {
        }
        %dma_wait3A_376 = arith.constant 0 : i32
        %dma_wait3A_377 = arith.constant 0 : i32
        %dma_wait3A_378 = tpu.memref_slice %arg14[%dma_wait3A_376, %dma_wait3A_377] : memref<2x128xi32, #tpu.memory_space<vmem>> -> memref<1x128xi32, #tpu.memory_space<vmem>>
        %dma_wait3A_379 = tpu.memref_squeeze %dma_wait3A_378 : memref<1x128xi32, #tpu.memory_space<vmem>> -> memref<128xi32, #tpu.memory_space<vmem>>
        %dma_wait3A_380 = arith.constant 0 : i32
        %dma_wait3A_381 = arith.constant 0 : i32
        %dma_wait3A_382 = tpu.memref_slice %arg20[%dma_wait3A_380, %dma_wait3A_381] : memref<10016x64xf32, #tpu.memory_space<vmem_shared>> -> memref<10016x64xf32, #tpu.memory_space<vmem_shared>>
        tpu.wait_indirect_dma semaphore(%arg32 : memref<!tpu.dma_semaphore, #tpu.memory_space<semaphore_mem>>) src(%dma_wait3A_382 : memref<10016x64xf32, #tpu.memory_space<vmem_shared>>) dst(%arg18 : memref<128x64xf32, #tpu.memory_space<vmem>>)
        %add3A_383 = arith.constant 3 : i32
        %add3A_384 = arith.addi %scan3A_202, %add3A_383 : i32
        %lt3A_385 = arith.constant 79 : i32
        %lt3A_386 = arith.cmpi slt, %add3A_384, %lt3A_385 : i32
        %convert_element_type3A_387 = arith.extui %lt3A_386 : i1 to i32
        %cond3A_388 = arith.constant 0 : i32
        %cond3A_389 = arith.cmpi ne, %convert_element_type3A_387, %cond3A_388 : i32
        scf.if %cond3A_389 {
          %add3A_397 = arith.addi %mul3A_2, %scan3A_202 : i32
          %add3A_398 = arith.constant 3 : i32
          %add3A_399 = arith.addi %add3A_397, %add3A_398 : i32
          %dma_start3A_400 = arith.constant 0 : i32
          %dma_start3A_401 = arith.constant 0 : i32
          %dma_start3A_402 = tpu.memref_slice %arg4[%add3A_399, %dma_start3A_400, %dma_start3A_401] : memref<2528x2x128xi32, #tpu.memory_space<hbm>> -> memref<1x2x128xi32, #tpu.memory_space<hbm>>
          %dma_start3A_403 = tpu.memref_squeeze %dma_start3A_402 : memref<1x2x128xi32, #tpu.memory_space<hbm>> -> memref<2x128xi32, #tpu.memory_space<hbm>>
          %dma_start3A_404 = arith.constant 0 : i32
          %dma_start3A_405 = arith.constant 0 : i32
          %dma_start3A_406 = tpu.memref_slice %arg4[%add3A_399, %dma_start3A_404, %dma_start3A_405] : memref<2528x2x128xi32, #tpu.memory_space<hbm>> -> memref<1x2x128xi32, #tpu.memory_space<hbm>>
          %dma_start3A_407 = tpu.memref_squeeze %dma_start3A_406 : memref<1x2x128xi32, #tpu.memory_space<hbm>> -> memref<2x128xi32, #tpu.memory_space<hbm>>
          tpu.enqueue_dma source(%dma_start3A_407 : memref<2x128xi32, #tpu.memory_space<hbm>>) target(%arg9 : memref<2x128xi32, #tpu.memory_space<vmem>>) target_semaphore(%arg23 : memref<!tpu.dma_semaphore, #tpu.memory_space<semaphore_mem>>)
        } else {
        }
        %dma_start3A_390 = arith.constant 1 : i32
        %dma_start3A_391 = arith.constant 0 : i32
        %dma_start3A_392 = tpu.memref_slice %arg14[%dma_start3A_390, %dma_start3A_391] : memref<2x128xi32, #tpu.memory_space<vmem>> -> memref<1x128xi32, #tpu.memory_space<vmem>>
        %dma_start3A_393 = tpu.memref_squeeze %dma_start3A_392 : memref<1x128xi32, #tpu.memory_space<vmem>> -> memref<128xi32, #tpu.memory_space<vmem>>
        %dma_start3A_394 = arith.constant 0 : i32
        %dma_start3A_395 = arith.constant 0 : i32
        %dma_start3A_396 = tpu.memref_slice %arg21[%dma_start3A_394, %dma_start3A_395] : memref<10240x64xf32, #tpu.memory_space<vmem_shared>> -> memref<10240x64xf32, #tpu.memory_space<vmem_shared>>
        tpu.enqueue_indirect_dma source(%arg18 : memref<128x64xf32, #tpu.memory_space<vmem>>) target(%dma_start3A_396 : memref<10240x64xf32, #tpu.memory_space<vmem_shared>>) offsets(%dma_start3A_393 : memref<128xi32, #tpu.memory_space<vmem>>) semaphore(%arg36 : memref<!tpu.dma_semaphore, #tpu.memory_space<semaphore_mem>>) {add = true}
      } else {
      }
      %jit3A_341 = arith.constant 8 : i32
      %eq3A_342 = arith.constant 0 : i32
      %eq3A_343 = arith.cmpi eq, %jit3A_341, %eq3A_342 : i32
      %jit3A_344 = arith.constant 1 : i32
      %select_n3A_345 = arith.select %eq3A_343, %jit3A_344, %jit3A_341 : i32
      %rem3A_346 = arith.remsi %scan3A_202, %select_n3A_345 : i32
      %ne3A_347 = arith.constant 0 : i32
      %ne3A_348 = arith.cmpi ne, %rem3A_346, %ne3A_347 : i32
      %lt3A_349 = arith.constant 0 : i32
      %lt3A_350 = arith.cmpi slt, %rem3A_346, %lt3A_349 : i32
      %lt3A_351 = arith.constant 0 : i32
      %lt3A_352 = arith.cmpi slt, %select_n3A_345, %lt3A_351 : i32
      %ne3A_353 = arith.xori %lt3A_350, %lt3A_352 : i1
      %and3A_354 = arith.andi %ne3A_353, %ne3A_348 : i1
      %add3A_355 = arith.addi %rem3A_346, %select_n3A_345 : i32
      %select_n3A_356 = arith.select %and3A_354, %add3A_355, %rem3A_346 : i32
      %eq3A_357 = arith.constant 7 : i32
      %eq3A_358 = arith.cmpi eq, %select_n3A_356, %eq3A_357 : i32
      %convert_element_type3A_359 = arith.extui %eq3A_358 : i1 to i32
      %cond3A_360 = arith.constant 0 : i32
      %cond3A_361 = arith.cmpi ne, %convert_element_type3A_359, %cond3A_360 : i32
      scf.if %cond3A_361 {
        %add3A_362 = arith.constant 1 : i32
        %add3A_363 = arith.addi %scan3A_202, %add3A_362 : i32
        %lt3A_364 = arith.constant 79 : i32
        %lt3A_365 = arith.cmpi slt, %add3A_363, %lt3A_364 : i32
        %ge3A = arith.constant 3 : i32
        %ge3A_366 = arith.cmpi sge, %scan3A_202, %ge3A : i32
        %and3A_367 = arith.andi %lt3A_365, %ge3A_366 : i1
        %convert_element_type3A_368 = arith.extui %and3A_367 : i1 to i32
        %cond3A_369 = arith.constant 0 : i32
        %cond3A_370 = arith.cmpi ne, %convert_element_type3A_368, %cond3A_369 : i32
        scf.if %cond3A_370 {
          %dma_wait3A_397 = arith.constant 1 : i32
          %dma_wait3A_398 = arith.constant 0 : i32
          %dma_wait3A_399 = tpu.memref_slice %arg12[%dma_wait3A_397, %dma_wait3A_398] : memref<2x128xi32, #tpu.memory_space<vmem>> -> memref<1x128xi32, #tpu.memory_space<vmem>>
          %dma_wait3A_400 = tpu.memref_squeeze %dma_wait3A_399 : memref<1x128xi32, #tpu.memory_space<vmem>> -> memref<128xi32, #tpu.memory_space<vmem>>
          %dma_wait3A_401 = arith.constant 0 : i32
          %dma_wait3A_402 = arith.constant 0 : i32
          %dma_wait3A_403 = tpu.memref_slice %arg21[%dma_wait3A_401, %dma_wait3A_402] : memref<10240x64xf32, #tpu.memory_space<vmem_shared>> -> memref<10240x64xf32, #tpu.memory_space<vmem_shared>>
          tpu.wait_indirect_dma semaphore(%arg34 : memref<!tpu.dma_semaphore, #tpu.memory_space<semaphore_mem>>) src(%arg16 : memref<128x64xf32, #tpu.memory_space<vmem>>) dst(%dma_wait3A_403 : memref<10240x64xf32, #tpu.memory_space<vmem_shared>>)
        } else {
        }
        %lt3A_371 = arith.constant 79 : i32
        %lt3A_372 = arith.cmpi slt, %add3A_363, %lt3A_371 : i32
        %convert_element_type3A_373 = arith.extui %lt3A_372 : i1 to i32
        %cond3A_374 = arith.constant 0 : i32
        %cond3A_375 = arith.cmpi ne, %convert_element_type3A_373, %cond3A_374 : i32
        scf.if %cond3A_375 {
          %add3A_397 = arith.addi %mul3A_2, %add3A_363 : i32
          %dma_wait3A_398 = arith.constant 0 : i32
          %dma_wait3A_399 = arith.constant 0 : i32
          %dma_wait3A_400 = tpu.memref_slice %arg4[%add3A_397, %dma_wait3A_398, %dma_wait3A_399] : memref<2528x2x128xi32, #tpu.memory_space<hbm>> -> memref<1x2x128xi32, #tpu.memory_space<hbm>>
          %dma_wait3A_401 = tpu.memref_squeeze %dma_wait3A_400 : memref<1x2x128xi32, #tpu.memory_space<hbm>> -> memref<2x128xi32, #tpu.memory_space<hbm>>
          %dma_wait3A_402 = arith.constant 0 : i32
          %dma_wait3A_403 = arith.constant 0 : i32
          %dma_wait3A_404 = tpu.memref_slice %arg4[%add3A_397, %dma_wait3A_402, %dma_wait3A_403] : memref<2528x2x128xi32, #tpu.memory_space<hbm>> -> memref<1x2x128xi32, #tpu.memory_space<hbm>>
          %dma_wait3A_405 = tpu.memref_squeeze %dma_wait3A_404 : memref<1x2x128xi32, #tpu.memory_space<hbm>> -> memref<2x128xi32, #tpu.memory_space<hbm>>
          tpu.wait_dma2 semaphore(%arg22 : memref<!tpu.dma_semaphore, #tpu.memory_space<semaphore_mem>>) src(%dma_wait3A_405 : memref<2x128xi32, #tpu.memory_space<hbm>>) dst(%arg8 : memref<2x128xi32, #tpu.memory_space<vmem>>)
          %dma_start3A_406 = arith.constant 0 : i32
          %dma_start3A_407 = arith.constant 0 : i32
          %dma_start3A_408 = tpu.memref_slice %arg8[%dma_start3A_406, %dma_start3A_407] : memref<2x128xi32, #tpu.memory_space<vmem>> -> memref<1x128xi32, #tpu.memory_space<vmem>>
          %dma_start3A_409 = tpu.memref_squeeze %dma_start3A_408 : memref<1x128xi32, #tpu.memory_space<vmem>> -> memref<128xi32, #tpu.memory_space<vmem>>
          %dma_start3A_410 = arith.constant 0 : i32
          %dma_start3A_411 = arith.constant 0 : i32
          %dma_start3A_412 = tpu.memref_slice %arg20[%dma_start3A_410, %dma_start3A_411] : memref<10016x64xf32, #tpu.memory_space<vmem_shared>> -> memref<10016x64xf32, #tpu.memory_space<vmem_shared>>
          tpu.enqueue_indirect_dma source(%dma_start3A_412 : memref<10016x64xf32, #tpu.memory_space<vmem_shared>>) target(%arg16 : memref<128x64xf32, #tpu.memory_space<vmem>>) offsets(%dma_start3A_409 : memref<128xi32, #tpu.memory_space<vmem>>) semaphore(%arg30 : memref<!tpu.dma_semaphore, #tpu.memory_space<semaphore_mem>>)
        } else {
        }
        %dma_wait3A_376 = arith.constant 0 : i32
        %dma_wait3A_377 = arith.constant 0 : i32
        %dma_wait3A_378 = tpu.memref_slice %arg15[%dma_wait3A_376, %dma_wait3A_377] : memref<2x128xi32, #tpu.memory_space<vmem>> -> memref<1x128xi32, #tpu.memory_space<vmem>>
        %dma_wait3A_379 = tpu.memref_squeeze %dma_wait3A_378 : memref<1x128xi32, #tpu.memory_space<vmem>> -> memref<128xi32, #tpu.memory_space<vmem>>
        %dma_wait3A_380 = arith.constant 0 : i32
        %dma_wait3A_381 = arith.constant 0 : i32
        %dma_wait3A_382 = tpu.memref_slice %arg20[%dma_wait3A_380, %dma_wait3A_381] : memref<10016x64xf32, #tpu.memory_space<vmem_shared>> -> memref<10016x64xf32, #tpu.memory_space<vmem_shared>>
        tpu.wait_indirect_dma semaphore(%arg33 : memref<!tpu.dma_semaphore, #tpu.memory_space<semaphore_mem>>) src(%dma_wait3A_382 : memref<10016x64xf32, #tpu.memory_space<vmem_shared>>) dst(%arg19 : memref<128x64xf32, #tpu.memory_space<vmem>>)
        %add3A_383 = arith.constant 3 : i32
        %add3A_384 = arith.addi %scan3A_202, %add3A_383 : i32
        %lt3A_385 = arith.constant 79 : i32
        %lt3A_386 = arith.cmpi slt, %add3A_384, %lt3A_385 : i32
        %convert_element_type3A_387 = arith.extui %lt3A_386 : i1 to i32
        %cond3A_388 = arith.constant 0 : i32
        %cond3A_389 = arith.cmpi ne, %convert_element_type3A_387, %cond3A_388 : i32
        scf.if %cond3A_389 {
          %add3A_397 = arith.addi %mul3A_2, %scan3A_202 : i32
          %add3A_398 = arith.constant 3 : i32
          %add3A_399 = arith.addi %add3A_397, %add3A_398 : i32
          %dma_start3A_400 = arith.constant 0 : i32
          %dma_start3A_401 = arith.constant 0 : i32
          %dma_start3A_402 = tpu.memref_slice %arg4[%add3A_399, %dma_start3A_400, %dma_start3A_401] : memref<2528x2x128xi32, #tpu.memory_space<hbm>> -> memref<1x2x128xi32, #tpu.memory_space<hbm>>
          %dma_start3A_403 = tpu.memref_squeeze %dma_start3A_402 : memref<1x2x128xi32, #tpu.memory_space<hbm>> -> memref<2x128xi32, #tpu.memory_space<hbm>>
          %dma_start3A_404 = arith.constant 0 : i32
          %dma_start3A_405 = arith.constant 0 : i32
          %dma_start3A_406 = tpu.memref_slice %arg4[%add3A_399, %dma_start3A_404, %dma_start3A_405] : memref<2528x2x128xi32, #tpu.memory_space<hbm>> -> memref<1x2x128xi32, #tpu.memory_space<hbm>>
          %dma_start3A_407 = tpu.memref_squeeze %dma_start3A_406 : memref<1x2x128xi32, #tpu.memory_space<hbm>> -> memref<2x128xi32, #tpu.memory_space<hbm>>
          tpu.enqueue_dma source(%dma_start3A_407 : memref<2x128xi32, #tpu.memory_space<hbm>>) target(%arg10 : memref<2x128xi32, #tpu.memory_space<vmem>>) target_semaphore(%arg24 : memref<!tpu.dma_semaphore, #tpu.memory_space<semaphore_mem>>)
        } else {
        }
        %dma_start3A_390 = arith.constant 1 : i32
        %dma_start3A_391 = arith.constant 0 : i32
        %dma_start3A_392 = tpu.memref_slice %arg15[%dma_start3A_390, %dma_start3A_391] : memref<2x128xi32, #tpu.memory_space<vmem>> -> memref<1x128xi32, #tpu.memory_space<vmem>>
        %dma_start3A_393 = tpu.memref_squeeze %dma_start3A_392 : memref<1x128xi32, #tpu.memory_space<vmem>> -> memref<128xi32, #tpu.memory_space<vmem>>
        %dma_start3A_394 = arith.constant 0 : i32
        %dma_start3A_395 = arith.constant 0 : i32
        %dma_start3A_396 = tpu.memref_slice %arg21[%dma_start3A_394, %dma_start3A_395] : memref<10240x64xf32, #tpu.memory_space<vmem_shared>> -> memref<10240x64xf32, #tpu.memory_space<vmem_shared>>
        tpu.enqueue_indirect_dma source(%arg19 : memref<128x64xf32, #tpu.memory_space<vmem>>) target(%dma_start3A_396 : memref<10240x64xf32, #tpu.memory_space<vmem_shared>>) offsets(%dma_start3A_393 : memref<128xi32, #tpu.memory_space<vmem>>) semaphore(%arg37 : memref<!tpu.dma_semaphore, #tpu.memory_space<semaphore_mem>>) {add = true}
      } else {
      }
    }
    %scan3A_168 = arith.constant 79 : i32
    %dma_wait3A_169 = arith.constant 1 : i32
    %dma_wait3A_170 = arith.constant 0 : i32
    %dma_wait3A_171 = tpu.memref_slice %arg11[%dma_wait3A_169, %dma_wait3A_170] : memref<2x128xi32, #tpu.memory_space<vmem>> -> memref<1x128xi32, #tpu.memory_space<vmem>>
    %dma_wait3A_172 = tpu.memref_squeeze %dma_wait3A_171 : memref<1x128xi32, #tpu.memory_space<vmem>> -> memref<128xi32, #tpu.memory_space<vmem>>
    %dma_wait3A_173 = arith.constant 0 : i32
    %dma_wait3A_174 = arith.constant 0 : i32
    %dma_wait3A_175 = tpu.memref_slice %arg21[%dma_wait3A_173, %dma_wait3A_174] : memref<10240x64xf32, #tpu.memory_space<vmem_shared>> -> memref<10240x64xf32, #tpu.memory_space<vmem_shared>>
    tpu.wait_indirect_dma semaphore(%arg37 : memref<!tpu.dma_semaphore, #tpu.memory_space<semaphore_mem>>) src(%arg19 : memref<128x64xf32, #tpu.memory_space<vmem>>) dst(%dma_wait3A_175 : memref<10240x64xf32, #tpu.memory_space<vmem_shared>>)
    %dma_wait3A_176 = arith.constant 1 : i32
    %dma_wait3A_177 = arith.constant 0 : i32
    %dma_wait3A_178 = tpu.memref_slice %arg12[%dma_wait3A_176, %dma_wait3A_177] : memref<2x128xi32, #tpu.memory_space<vmem>> -> memref<1x128xi32, #tpu.memory_space<vmem>>
    %dma_wait3A_179 = tpu.memref_squeeze %dma_wait3A_178 : memref<1x128xi32, #tpu.memory_space<vmem>> -> memref<128xi32, #tpu.memory_space<vmem>>
    %dma_wait3A_180 = arith.constant 0 : i32
    %dma_wait3A_181 = arith.constant 0 : i32
    %dma_wait3A_182 = tpu.memref_slice %arg21[%dma_wait3A_180, %dma_wait3A_181] : memref<10240x64xf32, #tpu.memory_space<vmem_shared>> -> memref<10240x64xf32, #tpu.memory_space<vmem_shared>>
    tpu.wait_indirect_dma semaphore(%arg34 : memref<!tpu.dma_semaphore, #tpu.memory_space<semaphore_mem>>) src(%arg16 : memref<128x64xf32, #tpu.memory_space<vmem>>) dst(%dma_wait3A_182 : memref<10240x64xf32, #tpu.memory_space<vmem_shared>>)
    %dma_wait3A_183 = arith.constant 1 : i32
    %dma_wait3A_184 = arith.constant 0 : i32
    %dma_wait3A_185 = tpu.memref_slice %arg13[%dma_wait3A_183, %dma_wait3A_184] : memref<2x128xi32, #tpu.memory_space<vmem>> -> memref<1x128xi32, #tpu.memory_space<vmem>>
    %dma_wait3A_186 = tpu.memref_squeeze %dma_wait3A_185 : memref<1x128xi32, #tpu.memory_space<vmem>> -> memref<128xi32, #tpu.memory_space<vmem>>
    %dma_wait3A_187 = arith.constant 0 : i32
    %dma_wait3A_188 = arith.constant 0 : i32
    %dma_wait3A_189 = tpu.memref_slice %arg21[%dma_wait3A_187, %dma_wait3A_188] : memref<10240x64xf32, #tpu.memory_space<vmem_shared>> -> memref<10240x64xf32, #tpu.memory_space<vmem_shared>>
    tpu.wait_indirect_dma semaphore(%arg35 : memref<!tpu.dma_semaphore, #tpu.memory_space<semaphore_mem>>) src(%arg17 : memref<128x64xf32, #tpu.memory_space<vmem>>) dst(%dma_wait3A_189 : memref<10240x64xf32, #tpu.memory_space<vmem_shared>>)
    %dma_wait3A_190 = arith.constant 1 : i32
    %dma_wait3A_191 = arith.constant 0 : i32
    %dma_wait3A_192 = tpu.memref_slice %arg14[%dma_wait3A_190, %dma_wait3A_191] : memref<2x128xi32, #tpu.memory_space<vmem>> -> memref<1x128xi32, #tpu.memory_space<vmem>>
    %dma_wait3A_193 = tpu.memref_squeeze %dma_wait3A_192 : memref<1x128xi32, #tpu.memory_space<vmem>> -> memref<128xi32, #tpu.memory_space<vmem>>
    %dma_wait3A_194 = arith.constant 0 : i32
    %dma_wait3A_195 = arith.constant 0 : i32
    %dma_wait3A_196 = tpu.memref_slice %arg21[%dma_wait3A_194, %dma_wait3A_195] : memref<10240x64xf32, #tpu.memory_space<vmem_shared>> -> memref<10240x64xf32, #tpu.memory_space<vmem_shared>>
    tpu.wait_indirect_dma semaphore(%arg36 : memref<!tpu.dma_semaphore, #tpu.memory_space<semaphore_mem>>) src(%arg18 : memref<128x64xf32, #tpu.memory_space<vmem>>) dst(%dma_wait3A_196 : memref<10240x64xf32, #tpu.memory_space<vmem_shared>>)
    %barrier3A_197 = arith.constant 0 : index
    tpu.barrier barrier_id(%barrier3A_197)
    %mul3A_198 = arith.constant 640 : i32
    %mul3A_199 = arith.muli %arg1, %mul3A_198 : i32
    %mul3A_200 = arith.constant 640 : i32
    %mul3A_201 = arith.muli %arg1, %mul3A_200 : i32
    "tpu.region"() ({
      %run_scoped3A = tpu.sem_alloc : memref<!tpu.dma_semaphore, #tpu.memory_space<semaphore_mem>>
      %dma_start3A_202 = arith.constant 0 : i32
      %dma_start3A_203 = tpu.memref_slice %arg7[%arg0, %mul3A_201, %dma_start3A_202] : memref<2x10240x64xf32, #tpu.memory_space<hbm>> -> memref<1x640x64xf32, #tpu.memory_space<hbm>>
      %dma_start3A_204 = tpu.memref_squeeze %dma_start3A_203 : memref<1x640x64xf32, #tpu.memory_space<hbm>> -> memref<640x64xf32, #tpu.memory_space<hbm>>
      %dma_start3A_205 = arith.constant 0 : i32
      %dma_start3A_206 = tpu.memref_slice %arg21[%mul3A_199, %dma_start3A_205] : memref<10240x64xf32, #tpu.memory_space<vmem_shared>> -> memref<640x64xf32, #tpu.memory_space<vmem_shared>>
      tpu.enqueue_dma source(%dma_start3A_206 : memref<640x64xf32, #tpu.memory_space<vmem_shared>>) target(%dma_start3A_204 : memref<640x64xf32, #tpu.memory_space<hbm>>) target_semaphore(%run_scoped3A : memref<!tpu.dma_semaphore, #tpu.memory_space<semaphore_mem>>)
      %dma_wait3A_207 = arith.constant 0 : i32
      %dma_wait3A_208 = tpu.memref_slice %arg7[%arg0, %mul3A_201, %dma_wait3A_207] : memref<2x10240x64xf32, #tpu.memory_space<hbm>> -> memref<1x640x64xf32, #tpu.memory_space<hbm>>
      %dma_wait3A_209 = tpu.memref_squeeze %dma_wait3A_208 : memref<1x640x64xf32, #tpu.memory_space<hbm>> -> memref<640x64xf32, #tpu.memory_space<hbm>>
      %dma_wait3A_210 = arith.constant 0 : i32
      %dma_wait3A_211 = tpu.memref_slice %arg21[%mul3A_199, %dma_wait3A_210] : memref<10240x64xf32, #tpu.memory_space<vmem_shared>> -> memref<640x64xf32, #tpu.memory_space<vmem_shared>>
      tpu.wait_dma2 semaphore(%run_scoped3A : memref<!tpu.dma_semaphore, #tpu.memory_space<semaphore_mem>>) src(%dma_wait3A_211 : memref<640x64xf32, #tpu.memory_space<vmem_shared>>) dst(%dma_wait3A_209 : memref<640x64xf32, #tpu.memory_space<hbm>>)
      tpu.yield
    }) : () -> ()
    return
  }
}

module attributes {stable_mosaic.version = 14 : i64} {
  func.func @_tc1a_body(%arg0: i32, %arg1: memref<2000x128xf32, #tpu.memory_space<vmem>>, %arg2: memref<128x64xf32, #tpu.memory_space<vmem>>, %arg3: memref<2000x64xf32, #tpu.memory_space<vmem>>) attributes {dimension_semantics = [#tpu.dimension_semantics<arbitrary>], iteration_bounds = array<i64: 5>, scalar_prefetch = 0 : i64, scratch_operands = 0 : i64, tpu.core_type = #tpu.core_type<tc>, window_params = [{transform_indices = @transform_0, window_bounds = array<i64: 2000, 128>}, {pipeline_mode = #tpu.pipeline_mode<synchronous>, transform_indices = @transform_1, window_bounds = array<i64: 128, 64>}, {transform_indices = @transform_2, window_bounds = array<i64: 2000, 64>}]} {
    %get3A = arith.constant 0 : index
    %get3A_0 = arith.constant 0 : index
    %get3A_1 = vector.load %arg1[%get3A, %get3A_0] : memref<2000x128xf32, #tpu.memory_space<vmem>>, vector<2000x128xf32>
    %get3A_2 = arith.constant 0 : index
    %get3A_3 = arith.constant 0 : index
    %get3A_4 = vector.load %arg2[%get3A_2, %get3A_3] : memref<128x64xf32, #tpu.memory_space<vmem>>, vector<128x64xf32>
    %dot_general3A = arith.constant dense<0.000000e+00> : vector<2000x64xf32>
    %dot_general3A_5 = tpu.matmul %get3A_1, %get3A_4, %dot_general3A {dimension_numbers = #tpu.dot_dimension_numbers<[1], [0], [0], [1], [0, 0, 1, 1], [], []>, transpose_lhs_hint = false} : vector<2000x128xf32>, vector<128x64xf32>, vector<2000x64xf32> -> vector<2000x64xf32>
    %swap3A = arith.constant 0 : index
    %swap3A_6 = arith.constant 0 : index
    %swap3A_7 = vector.load %arg3[%swap3A, %swap3A_6] : memref<2000x64xf32, #tpu.memory_space<vmem>>, vector<2000x64xf32>
    tpu.vector_store %arg3[%swap3A, %swap3A_6], %dot_general3A_5 {strides = array<i32>} : memref<2000x64xf32, #tpu.memory_space<vmem>>, vector<2000x64xf32>,
    return
  }
  func.func @transform_0(%arg0: i32) -> (i32, i32) {
    %c0_i32 = arith.constant 0 : i32
    %c0_i32_0 = arith.constant 0 : i32
    return %arg0, %c0_i32 : i32, i32
  }
  func.func @transform_1(%arg0: i32) -> (i32, i32) {
    %c0_i32 = arith.constant 0 : i32
    %c0_i32_0 = arith.constant 0 : i32
    %c0_i32_1 = arith.constant 0 : i32
    return %c0_i32, %c0_i32_0 : i32, i32
  }
  func.func @transform_2(%arg0: i32) -> (i32, i32) {
    %c0_i32 = arith.constant 0 : i32
    %c0_i32_0 = arith.constant 0 : i32
    return %arg0, %c0_i32 : i32, i32
  }
}

module attributes {stable_mosaic.version = 14 : i64} {
  func.func @_tc1b_body(%arg0: i32, %arg1: memref<2000x2xf32, #tpu.memory_space<vmem>>, %arg2: memref<2000x64xf32, #tpu.memory_space<vmem>>, %arg3: memref<2000x64xf32, #tpu.memory_space<vmem>>) attributes {dimension_semantics = [#tpu.dimension_semantics<arbitrary>], iteration_bounds = array<i64: 5>, scalar_prefetch = 0 : i64, scratch_operands = 0 : i64, tpu.core_type = #tpu.core_type<tc>, window_params = [{transform_indices = @transform_0, window_bounds = array<i64: 2000, 2>}, {transform_indices = @transform_1, window_bounds = array<i64: 2000, 64>}, {transform_indices = @transform_2, window_bounds = array<i64: 2000, 64>}]} {
    %get3A = arith.constant 0 : index
    %get3A_0 = arith.constant 0 : index
    %get3A_1 = vector.load %arg2[%get3A, %get3A_0] : memref<2000x64xf32, #tpu.memory_space<vmem>>, vector<2000x64xf32>
    %get3A_2 = arith.constant 0 : index
    %get3A_3 = arith.constant 0 : index
    %get3A_4 = vector.load %arg1[%get3A_2, %get3A_3] : memref<2000x2xf32, #tpu.memory_space<vmem>>, vector<2000x2xf32>
    %reduce_sum3A = arith.constant dense<0.000000e+00> : vector<2000xf32>
    %reduce_sum3A_5 = vector.multi_reduction <add>, %get3A_4, %reduce_sum3A [1] : vector<2000x2xf32> to vector<2000xf32>
    %broadcast_in_dim3A = vector.shape_cast %reduce_sum3A_5 : vector<2000xf32> to vector<2000x1xf32>
    %add3A = arith.constant 1.000000e+00 : f32
    %add3A_6 = vector.broadcast %add3A : f32 to vector<2000x1xf32>
    %add3A_7 = arith.addf %broadcast_in_dim3A, %add3A_6 : vector<2000x1xf32>
    %max3A = arith.constant 1.000000e+00 : f32
    %max3A_8 = vector.broadcast %max3A : f32 to vector<2000x1xf32>
    %max3A_9 = arith.maximumf %add3A_7, %max3A_8 : vector<2000x1xf32>
    %rsqrt3A = math.rsqrt %max3A_9 : vector<2000x1xf32>
    %mul3A = vector.broadcast %rsqrt3A : vector<2000x1xf32> to vector<2000x64xf32>
    %mul3A_10 = arith.mulf %get3A_1, %mul3A : vector<2000x64xf32>
    %swap3A = arith.constant 0 : index
    %swap3A_11 = arith.constant 0 : index
    %swap3A_12 = vector.load %arg3[%swap3A, %swap3A_11] : memref<2000x64xf32, #tpu.memory_space<vmem>>, vector<2000x64xf32>
    tpu.vector_store %arg3[%swap3A, %swap3A_11], %mul3A_10 {strides = array<i32>} : memref<2000x64xf32, #tpu.memory_space<vmem>>, vector<2000x64xf32>,
    return
  }
  func.func @transform_0(%arg0: i32) -> (i32, i32) {
    %c0_i32 = arith.constant 0 : i32
    %c0_i32_0 = arith.constant 0 : i32
    return %arg0, %c0_i32 : i32, i32
  }
  func.func @transform_1(%arg0: i32) -> (i32, i32) {
    %c0_i32 = arith.constant 0 : i32
    %c0_i32_0 = arith.constant 0 : i32
    return %arg0, %c0_i32 : i32, i32
  }
  func.func @transform_2(%arg0: i32) -> (i32, i32) {
    %c0_i32 = arith.constant 0 : i32
    %c0_i32_0 = arith.constant 0 : i32
    return %arg0, %c0_i32 : i32, i32
  }
}

module attributes {stable_mosaic.version = 14 : i64} {
  func.func @_tc2_body(%arg0: i32, %arg1: memref<2000x2xf32, #tpu.memory_space<vmem>>, %arg2: memref<2x2000x64xf32, #tpu.memory_space<vmem>>, %arg3: memref<2000x64xf32, #tpu.memory_space<vmem>>, %arg4: memref<1x64xf32, #tpu.memory_space<vmem>>, %arg5: memref<64x128xf32, #tpu.memory_space<vmem>>, %arg6: memref<2000x64xf32, #tpu.memory_space<vmem>>, %arg7: memref<2000x64xf32, #tpu.memory_space<vmem>>) attributes {dimension_semantics = [#tpu.dimension_semantics<arbitrary>], iteration_bounds = array<i64: 5>, scalar_prefetch = 0 : i64, scratch_operands = 0 : i64, tpu.core_type = #tpu.core_type<tc>, window_params = [{transform_indices = @transform_0, window_bounds = array<i64: 2000, 2>}, {transform_indices = @transform_1, window_bounds = array<i64: 2, 2000, 64>}, {transform_indices = @transform_2, window_bounds = array<i64: 2000, 64>}, {pipeline_mode = #tpu.pipeline_mode<synchronous>, transform_indices = @transform_3, window_bounds = array<i64: 1, 64>}, {pipeline_mode = #tpu.pipeline_mode<synchronous>, transform_indices = @transform_4, window_bounds = array<i64: 64, 128>}, {transform_indices = @transform_5, window_bounds = array<i64: 2000, 64>}, {transform_indices = @transform_6, window_bounds = array<i64: 2000, 64>}]} {
    %get3A = arith.constant 0 : index
    %get3A_0 = arith.constant 0 : index
    %get3A_1 = vector.load %arg1[%get3A, %get3A_0] : memref<2000x2xf32, #tpu.memory_space<vmem>>, vector<2000x2xf32>
    %reduce_sum3A = arith.constant dense<0.000000e+00> : vector<2000xf32>
    %reduce_sum3A_2 = vector.multi_reduction <add>, %get3A_1, %reduce_sum3A [1] : vector<2000x2xf32> to vector<2000xf32>
    %broadcast_in_dim3A = vector.shape_cast %reduce_sum3A_2 : vector<2000xf32> to vector<2000x1xf32>
    %add3A = arith.constant 1.000000e+00 : f32
    %add3A_3 = vector.broadcast %add3A : f32 to vector<2000x1xf32>
    %add3A_4 = arith.addf %broadcast_in_dim3A, %add3A_3 : vector<2000x1xf32>
    %max3A = arith.constant 1.000000e+00 : f32
    %max3A_5 = vector.broadcast %max3A : f32 to vector<2000x1xf32>
    %max3A_6 = arith.maximumf %add3A_4, %max3A_5 : vector<2000x1xf32>
    %rsqrt3A = math.rsqrt %max3A_6 : vector<2000x1xf32>
    %get3A_7 = arith.constant 0 : index
    %get3A_8 = arith.constant 0 : index
    %get3A_9 = arith.constant 0 : index
    %get3A_10 = vector.load %arg2[%get3A_7, %get3A_8, %get3A_9] : memref<2x2000x64xf32, #tpu.memory_space<vmem>>, vector<1x2000x64xf32>
    %get3A_11 = vector.shape_cast %get3A_10 : vector<1x2000x64xf32> to vector<2000x64xf32>
    %get3A_12 = arith.constant 1 : index
    %get3A_13 = arith.constant 0 : index
    %get3A_14 = arith.constant 0 : index
    %get3A_15 = vector.load %arg2[%get3A_12, %get3A_13, %get3A_14] : memref<2x2000x64xf32, #tpu.memory_space<vmem>>, vector<1x2000x64xf32>
    %get3A_16 = vector.shape_cast %get3A_15 : vector<1x2000x64xf32> to vector<2000x64xf32>
    %add3A_17 = arith.addf %get3A_11, %get3A_16 : vector<2000x64xf32>
    %get3A_18 = arith.constant 0 : index
    %get3A_19 = arith.constant 0 : index
    %get3A_20 = vector.load %arg3[%get3A_18, %get3A_19] : memref<2000x64xf32, #tpu.memory_space<vmem>>, vector<2000x64xf32>
    %add3A_21 = arith.addf %add3A_17, %get3A_20 : vector<2000x64xf32>
    %mul3A = vector.broadcast %rsqrt3A : vector<2000x1xf32> to vector<2000x64xf32>
    %mul3A_22 = arith.mulf %mul3A, %add3A_21 : vector<2000x64xf32>
    %get3A_23 = arith.constant 0 : index
    %get3A_24 = arith.constant 0 : index
    %get3A_25 = vector.load %arg4[%get3A_23, %get3A_24] : memref<1x64xf32, #tpu.memory_space<vmem>>, vector<1x64xf32>
    %add3A_26 = vector.broadcast %get3A_25 : vector<1x64xf32> to vector<2000x64xf32>
    %add3A_27 = arith.addf %mul3A_22, %add3A_26 : vector<2000x64xf32>
    %max3A_28 = arith.constant 0.000000e+00 : f32
    %max3A_29 = vector.broadcast %max3A_28 : f32 to vector<2000x64xf32>
    %max3A_30 = arith.maximumf %add3A_27, %max3A_29 : vector<2000x64xf32>
    %get3A_31 = arith.constant 0 : index
    %get3A_32 = arith.constant 0 : index
    %get3A_33 = vector.load %arg5[%get3A_31, %get3A_32] : memref<64x128xf32, #tpu.memory_space<vmem>>, vector<64x128xf32>
    %dot_general3A = arith.constant dense<0.000000e+00> : vector<2000x128xf32>
    %dot_general3A_34 = tpu.matmul %max3A_30, %get3A_33, %dot_general3A {dimension_numbers = #tpu.dot_dimension_numbers<[1], [0], [0], [1], [0, 0, 1, 1], [], []>, transpose_lhs_hint = false} : vector<2000x64xf32>, vector<64x128xf32>, vector<2000x128xf32> -> vector<2000x128xf32>
    %mul3A_35 = vector.broadcast %rsqrt3A : vector<2000x1xf32> to vector<2000x128xf32>
    %mul3A_36 = arith.mulf %dot_general3A_34, %mul3A_35 : vector<2000x128xf32>
    %slice3A = vector.extract_strided_slice %mul3A_36 {offsets = [0, 0], sizes = [2000, 64], strides = [1, 1]} : vector<2000x128xf32> to vector<2000x64xf32>
    %swap3A = arith.constant 0 : index
    %swap3A_37 = arith.constant 0 : index
    %swap3A_38 = vector.load %arg6[%swap3A, %swap3A_37] : memref<2000x64xf32, #tpu.memory_space<vmem>>, vector<2000x64xf32>
    tpu.vector_store %arg6[%swap3A, %swap3A_37], %slice3A {strides = array<i32>} : memref<2000x64xf32, #tpu.memory_space<vmem>>, vector<2000x64xf32>,
    %slice3A_39 = vector.extract_strided_slice %mul3A_36 {offsets = [0, 64], sizes = [2000, 64], strides = [1, 1]} : vector<2000x128xf32> to vector<2000x64xf32>
    %swap3A_40 = arith.constant 0 : index
    %swap3A_41 = arith.constant 0 : index
    %swap3A_42 = vector.load %arg7[%swap3A_40, %swap3A_41] : memref<2000x64xf32, #tpu.memory_space<vmem>>, vector<2000x64xf32>
    tpu.vector_store %arg7[%swap3A_40, %swap3A_41], %slice3A_39 {strides = array<i32>} : memref<2000x64xf32, #tpu.memory_space<vmem>>, vector<2000x64xf32>,
    return
  }
  func.func @transform_0(%arg0: i32) -> (i32, i32) {
    %c0_i32 = arith.constant 0 : i32
    %c0_i32_0 = arith.constant 0 : i32
    return %arg0, %c0_i32 : i32, i32
  }
  func.func @transform_1(%arg0: i32) -> (i32, i32, i32) {
    %c0_i32 = arith.constant 0 : i32
    %c0_i32_0 = arith.constant 0 : i32
    %c0_i32_1 = arith.constant 0 : i32
    return %c0_i32, %arg0, %c0_i32_0 : i32, i32, i32
  }
  func.func @transform_2(%arg0: i32) -> (i32, i32) {
    %c0_i32 = arith.constant 0 : i32
    %c0_i32_0 = arith.constant 0 : i32
    return %arg0, %c0_i32 : i32, i32
  }
  func.func @transform_3(%arg0: i32) -> (i32, i32) {
    %c0_i32 = arith.constant 0 : i32
    %c0_i32_0 = arith.constant 0 : i32
    %c0_i32_1 = arith.constant 0 : i32
    return %c0_i32, %c0_i32_0 : i32, i32
  }
  func.func @transform_4(%arg0: i32) -> (i32, i32) {
    %c0_i32 = arith.constant 0 : i32
    %c0_i32_0 = arith.constant 0 : i32
    %c0_i32_1 = arith.constant 0 : i32
    return %c0_i32, %c0_i32_0 : i32, i32
  }
  func.func @transform_5(%arg0: i32) -> (i32, i32) {
    %c0_i32 = arith.constant 0 : i32
    %c0_i32_0 = arith.constant 0 : i32
    return %arg0, %c0_i32 : i32, i32
  }
  func.func @transform_6(%arg0: i32) -> (i32, i32) {
    %c0_i32 = arith.constant 0 : i32
    %c0_i32_0 = arith.constant 0 : i32
    return %arg0, %c0_i32 : i32, i32
  }
}

module attributes {stable_mosaic.version = 14 : i64} {
  func.func @_tc3_body(%arg0: i32, %arg1: memref<2000x2xf32, #tpu.memory_space<vmem>>, %arg2: memref<2x2000x64xf32, #tpu.memory_space<vmem>>, %arg3: memref<2x2000x64xf32, #tpu.memory_space<vmem>>, %arg4: memref<2000x64xf32, #tpu.memory_space<vmem>>, %arg5: memref<2000x64xf32, #tpu.memory_space<vmem>>, %arg6: memref<1x128xf32, #tpu.memory_space<vmem>>, %arg7: memref<2000x128xf32, #tpu.memory_space<vmem>>) attributes {dimension_semantics = [#tpu.dimension_semantics<arbitrary>], iteration_bounds = array<i64: 5>, scalar_prefetch = 0 : i64, scratch_operands = 0 : i64, tpu.core_type = #tpu.core_type<tc>, window_params = [{transform_indices = @transform_0, window_bounds = array<i64: 2000, 2>}, {transform_indices = @transform_1, window_bounds = array<i64: 2, 2000, 64>}, {transform_indices = @transform_2, window_bounds = array<i64: 2, 2000, 64>}, {transform_indices = @transform_3, window_bounds = array<i64: 2000, 64>}, {transform_indices = @transform_4, window_bounds = array<i64: 2000, 64>}, {pipeline_mode = #tpu.pipeline_mode<synchronous>, transform_indices = @transform_5, window_bounds = array<i64: 1, 128>}, {transform_indices = @transform_6, window_bounds = array<i64: 2000, 128>}]} {
    %get3A = arith.constant 0 : index
    %get3A_0 = arith.constant 0 : index
    %get3A_1 = vector.load %arg1[%get3A, %get3A_0] : memref<2000x2xf32, #tpu.memory_space<vmem>>, vector<2000x2xf32>
    %reduce_sum3A = arith.constant dense<0.000000e+00> : vector<2000xf32>
    %reduce_sum3A_2 = vector.multi_reduction <add>, %get3A_1, %reduce_sum3A [1] : vector<2000x2xf32> to vector<2000xf32>
    %broadcast_in_dim3A = vector.shape_cast %reduce_sum3A_2 : vector<2000xf32> to vector<2000x1xf32>
    %add3A = arith.constant 1.000000e+00 : f32
    %add3A_3 = vector.broadcast %add3A : f32 to vector<2000x1xf32>
    %add3A_4 = arith.addf %broadcast_in_dim3A, %add3A_3 : vector<2000x1xf32>
    %max3A = arith.constant 1.000000e+00 : f32
    %max3A_5 = vector.broadcast %max3A : f32 to vector<2000x1xf32>
    %max3A_6 = arith.maximumf %add3A_4, %max3A_5 : vector<2000x1xf32>
    %rsqrt3A = math.rsqrt %max3A_6 : vector<2000x1xf32>
    %get3A_7 = arith.constant 0 : index
    %get3A_8 = arith.constant 0 : index
    %get3A_9 = arith.constant 0 : index
    %get3A_10 = vector.load %arg2[%get3A_7, %get3A_8, %get3A_9] : memref<2x2000x64xf32, #tpu.memory_space<vmem>>, vector<1x2000x64xf32>
    %get3A_11 = vector.shape_cast %get3A_10 : vector<1x2000x64xf32> to vector<2000x64xf32>
    %get3A_12 = arith.constant 1 : index
    %get3A_13 = arith.constant 0 : index
    %get3A_14 = arith.constant 0 : index
    %get3A_15 = vector.load %arg2[%get3A_12, %get3A_13, %get3A_14] : memref<2x2000x64xf32, #tpu.memory_space<vmem>>, vector<1x2000x64xf32>
    %get3A_16 = vector.shape_cast %get3A_15 : vector<1x2000x64xf32> to vector<2000x64xf32>
    %add3A_17 = arith.addf %get3A_11, %get3A_16 : vector<2000x64xf32>
    %get3A_18 = arith.constant 0 : index
    %get3A_19 = arith.constant 0 : index
    %get3A_20 = vector.load %arg4[%get3A_18, %get3A_19] : memref<2000x64xf32, #tpu.memory_space<vmem>>, vector<2000x64xf32>
    %add3A_21 = arith.addf %add3A_17, %get3A_20 : vector<2000x64xf32>
    %mul3A = vector.broadcast %rsqrt3A : vector<2000x1xf32> to vector<2000x64xf32>
    %mul3A_22 = arith.mulf %mul3A, %add3A_21 : vector<2000x64xf32>
    %get3A_23 = arith.constant 0 : index
    %get3A_24 = arith.constant 0 : index
    %get3A_25 = arith.constant 0 : index
    %get3A_26 = vector.load %arg3[%get3A_23, %get3A_24, %get3A_25] : memref<2x2000x64xf32, #tpu.memory_space<vmem>>, vector<1x2000x64xf32>
    %get3A_27 = vector.shape_cast %get3A_26 : vector<1x2000x64xf32> to vector<2000x64xf32>
    %get3A_28 = arith.constant 1 : index
    %get3A_29 = arith.constant 0 : index
    %get3A_30 = arith.constant 0 : index
    %get3A_31 = vector.load %arg3[%get3A_28, %get3A_29, %get3A_30] : memref<2x2000x64xf32, #tpu.memory_space<vmem>>, vector<1x2000x64xf32>
    %get3A_32 = vector.shape_cast %get3A_31 : vector<1x2000x64xf32> to vector<2000x64xf32>
    %add3A_33 = arith.addf %get3A_27, %get3A_32 : vector<2000x64xf32>
    %get3A_34 = arith.constant 0 : index
    %get3A_35 = arith.constant 0 : index
    %get3A_36 = vector.load %arg5[%get3A_34, %get3A_35] : memref<2000x64xf32, #tpu.memory_space<vmem>>, vector<2000x64xf32>
    %add3A_37 = arith.addf %add3A_33, %get3A_36 : vector<2000x64xf32>
    %mul3A_38 = vector.broadcast %rsqrt3A : vector<2000x1xf32> to vector<2000x64xf32>
    %mul3A_39 = arith.mulf %mul3A_38, %add3A_37 : vector<2000x64xf32>
    %concatenate3A = tpu.concatenate %mul3A_22, %mul3A_39 in 1 : vector<2000x64xf32>, vector<2000x64xf32> -> vector<2000x128xf32>
    %get3A_40 = arith.constant 0 : index
    %get3A_41 = arith.constant 0 : index
    %get3A_42 = vector.load %arg6[%get3A_40, %get3A_41] : memref<1x128xf32, #tpu.memory_space<vmem>>, vector<1x128xf32>
    %add3A_43 = vector.broadcast %get3A_42 : vector<1x128xf32> to vector<2000x128xf32>
    %add3A_44 = arith.addf %concatenate3A, %add3A_43 : vector<2000x128xf32>
    %swap3A = arith.constant 0 : index
    %swap3A_45 = arith.constant 0 : index
    %swap3A_46 = vector.load %arg7[%swap3A, %swap3A_45] : memref<2000x128xf32, #tpu.memory_space<vmem>>, vector<2000x128xf32>
    tpu.vector_store %arg7[%swap3A, %swap3A_45], %add3A_44 {strides = array<i32>} : memref<2000x128xf32, #tpu.memory_space<vmem>>, vector<2000x128xf32>,
    return
  }
  func.func @transform_0(%arg0: i32) -> (i32, i32) {
    %c0_i32 = arith.constant 0 : i32
    %c0_i32_0 = arith.constant 0 : i32
    return %arg0, %c0_i32 : i32, i32
  }
  func.func @transform_1(%arg0: i32) -> (i32, i32, i32) {
    %c0_i32 = arith.constant 0 : i32
    %c0_i32_0 = arith.constant 0 : i32
    %c0_i32_1 = arith.constant 0 : i32
    return %c0_i32, %arg0, %c0_i32_0 : i32, i32, i32
  }
  func.func @transform_2(%arg0: i32) -> (i32, i32, i32) {
    %c0_i32 = arith.constant 0 : i32
    %c0_i32_0 = arith.constant 0 : i32
    %c0_i32_1 = arith.constant 0 : i32
    return %c0_i32, %arg0, %c0_i32_0 : i32, i32, i32
  }
  func.func @transform_3(%arg0: i32) -> (i32, i32) {
    %c0_i32 = arith.constant 0 : i32
    %c0_i32_0 = arith.constant 0 : i32
    return %arg0, %c0_i32 : i32, i32
  }
  func.func @transform_4(%arg0: i32) -> (i32, i32) {
    %c0_i32 = arith.constant 0 : i32
    %c0_i32_0 = arith.constant 0 : i32
    return %arg0, %c0_i32 : i32, i32
  }
  func.func @transform_5(%arg0: i32) -> (i32, i32) {
    %c0_i32 = arith.constant 0 : i32
    %c0_i32_0 = arith.constant 0 : i32
    %c0_i32_1 = arith.constant 0 : i32
    return %c0_i32, %c0_i32_0 : i32, i32
  }
  func.func @transform_6(%arg0: i32) -> (i32, i32) {
    %c0_i32 = arith.constant 0 : i32
    %c0_i32_0 = arith.constant 0 : i32
    return %arg0, %c0_i32 : i32, i32
  }
}

</mosaic_0001>

<sc_bundles>
// kernel: kernel.12.cloned.1.call-start
scs
__scs_entry_jumppad:
0x0: {  	(pc) =	sbr.rel $0x88, $3  }
0x1: {  	(tag) =	ssettag $0x0;
	lr =	simm.s32 $0x1  }
0x2: {  	[smem:$0x3F9B] =	sst lr;
	_ =	strace $0xD0000000  }
0x3: {  	_ = 	snop  }
0x4: {  	_ = 	snop  }
0x5: {  	_ = 	snop  }
0x6: {  	_ = 	snop  }
0x7: {  	_ = 	snop  }
__scs_overlays_trampoline_lowered:
0x8: {  	[smem:$0x3FAA] =	sst s0  }
0x9: {  	[smem:$0x3FAB] =	sst s1  }
0xa: {  	[smem:$0x3FAC] =	sst s2  }
0xb: {  	[smem:$0x3FAD] =	sst s3  }
0xc: {  	[smem:$0x3FAE] =	sst s4  }
0xd: {  	[smem:$0x3FAF] =	sst s5  }
0xe: {  	[smem:$0x3FB0] =	sst s6  }
0xf: {  	[smem:$0x3FB1] =	sst s7  }
0x10: {  	[smem:$0x3FB2] =	sst s8  }
0x11: {  	[smem:$0x3FB3] =	sst s9;
	s0 =	simm.s32 @!p0 $0x0  }
0x12: {  	s1 =	sld [smem:$0x3F99];
	s0 =	simm.s32 @p0 $0x1  }
0x13: {  	[smem:$0x3FB4] =	sst s0;
	s0 =	simm.s32 @!p1 $0x0  }
0x14: {  	s2 =	sld [smem:$0x3F98];
	s0 =	simm.s32 @p1 $0x1  }
0x15: {  	[smem:$0x3FB5] =	sst s0;
	s0 =	simm.s32 @!p2 $0x0  }
0x16: {  	s3 =	sld [smem:$0x3FDB];
	s0 =	simm.s32 @p2 $0x1  }
0x17: {  	s4 =	simm.s32 $0x1BF5;
	[smem:$0x3FB7] =	sst s0  }
0x18: {  	s0 =	sld [smem:$0x3F9A];
	_ =	swait.ge [sflag:s4], $0x0  }
0x19: {  	s7 =	sld [smem:$0x3F9B]  }
0x1a: {  	s8 =	sadd.s32 $0xFFFFE003, lr  }
0x1b: {  	s9 =	sadd.s32 $0xFFFFFEF7, lr;
	s5 =	simm.s32 $0xFFFFFFFF;
	p2 =	slt.u32 s8, $0xFFFFF086  }
0x1c: {  	p1 =	slt.u32 s9, $0xF7A;
	s5 =	simm.s32 @!p2 $0x0  }
0x1d: {  	s5 =	simm.s32 @p1 $0x1;
	p0 =	seq.s32 s7, s2  }
0x1e: {  	s7 =	smul.u32 @!p0 $0xF7A, s2;
	p2 =	seq.s32 @!p0 s5, $0x0  }
0x1f: {  	s9 =	smul.u32 $0xF7A, s1;
	s8 =	simm.s32 @!p0 $0x1BF5;
	p2 =	por !p2, p0  }
0x20: {  	[sflag:s8] =	ssyncset.s32 @!p0 $0xFFFFF086;
	s6 =	sadd.s32 @!p0 s3, s7;
	s7 =	simm.s32 @!p0 $0x108  }
0x21: {  	s3 =	sadd.s32 s3, s9;
	s6 =	sadd.s32 @!p0 $0x88, s6;
	s7 =	simm.s32 @p2 $0x1082  }
0x22: {  	[simem:s7], [sflag:s8] =	dma.local @!p0 [hbm:s6], $0xF7A  }
0x23: {  	s9 =	sor.u32 $0xD0000000, s2;
	s6 =	simm.s32 $0x108;
	_ =	swait.ge @!p0 [sflag:s8], $0x0  }
0x24: {  	s3 =	sadd.s32 $0x88, s3;
	s6 =	simm.s32 @!p1 $0x1082;
	[sflag:s4] =	ssyncset.s32 $0xFFFFF086  }
0x25: {  	[simem:s6], [sflag:s4] =	dma.local [hbm:s3], $0xF7A  }
0x26: {  	[smem:$0x3F9B] =	sst s1;
	(tag) =	ssettag s2;
	_ =	strace s9  }
0x27: {  	s1 =	sld [smem:$0x3FAB]  }
0x28: {  	s2 =	sld [smem:$0x3FAC]  }
0x29: {  	s4 =	sld [smem:$0x3FAE]  }
0x2a: {  	p0 =	seq.s32 s5, $0x0;
	s5 =	sld [smem:$0x3FAF]  }
0x2b: {  	s6 =	sld [smem:$0x3FB0]  }
0x2c: {  	s7 =	sld [smem:$0x3FB1]  }
0x2d: {  	s3 =	simm.s32 $0x108;
	s8 =	sld [smem:$0x3FB2]  }
0x2e: {  	s3 =	simm.s32 @!p0 $0x1082;
	s9 =	sld [smem:$0x3FB3]  }
0x2f: {  	lr =	sadd.s32 s0, s3;
	s0 =	sld [smem:$0x3FAA]  }
0x30: {  	s3 =	sld [smem:$0x3FAD]  }
0x31: {  	[smem:$0x3FB6] =	sst s10  }
0x32: {  	s10 =	sld [smem:$0x3FB4];
	_ =	sdelay $0x3  }
0x33: {  	p0 =	seq.s32 s10, $0x1;
	s10 =	sld [smem:$0x3FB6];
	_ =	sdelay $0x3  }
0x34: {  	[smem:$0x3FB6] =	sst s10  }
0x35: {  	s10 =	sld [smem:$0x3FB5];
	_ =	sdelay $0x3  }
0x36: {  	p1 =	seq.s32 s10, $0x1;
	s10 =	sld [smem:$0x3FB6];
	_ =	sdelay $0x3  }
0x37: {  	[smem:$0x3FB6] =	sst s10  }
0x38: {  	s10 =	sld [smem:$0x3FB7]  }
0x39: {  	_ = 	snop;
	(pc) =	sbr.ind lr, $3  }
0x3a: {  	_ = 	snop  }
0x3b: {  	_ = 	snop  }
0x3c: {  	p2 =	seq.s32 s10, $0x1;
	s10 =	sld [smem:$0x3FB6]  }
0x3d: {  	_ =	shalt  }
0x3e: {  	_ =	shalt  }
0x3f: {  	_ =	shalt  }
0x40: {  	_ =	shalt  }
0x41: {  	_ =	shalt  }
0x42: {  	_ =	shalt  }
0x43: {  	_ =	shalt  }
0x44: {  	_ =	shalt  }
0x45: {  	_ =	shalt  }
0x46: {  	_ =	shalt  }
0x47: {  	_ =	shalt  }
0x48: {  	_ =	shalt  }
0x49: {  	_ =	shalt  }
0x4a: {  	_ =	shalt  }
0x4b: {  	_ =	shalt  }
0x4c: {  	_ =	shalt  }
0x4d: {  	_ =	shalt  }
0x4e: {  	_ =	shalt  }
0x4f: {  	_ =	shalt  }
0x50: {  	_ =	shalt  }
0x51: {  	_ =	shalt  }
0x52: {  	_ =	shalt  }
0x53: {  	_ =	shalt  }
0x54: {  	_ =	shalt  }
0x55: {  	_ =	shalt  }
0x56: {  	_ =	shalt  }
0x57: {  	_ =	shalt  }
0x58: {  	_ =	shalt  }
0x59: {  	_ =	shalt  }
0x5a: {  	_ =	shalt  }
0x5b: {  	_ =	shalt  }
0x5c: {  	_ =	shalt  }
0x5d: {  	_ =	shalt  }
0x5e: {  	_ =	shalt  }
0x5f: {  	_ =	shalt  }
0x60: {  	_ =	shalt  }
0x61: {  	_ =	shalt  }
0x62: {  	_ =	shalt  }
0x63: {  	_ =	shalt  }
0x64: {  	_ =	shalt  }
0x65: {  	_ =	shalt  }
0x66: {  	_ =	shalt  }
0x67: {  	_ =	shalt  }
0x68: {  	_ =	shalt  }
0x69: {  	_ =	shalt  }
0x6a: {  	_ =	shalt  }
0x6b: {  	_ =	shalt  }
0x6c: {  	_ =	shalt  }
0x6d: {  	_ =	shalt  }
0x6e: {  	_ =	shalt  }
0x6f: {  	_ =	shalt  }
0x70: {  	_ =	shalt  }
0x71: {  	_ =	shalt  }
0x72: {  	_ =	shalt  }
0x73: {  	_ =	shalt  }
0x74: {  	_ =	shalt  }
0x75: {  	_ =	shalt  }
0x76: {  	_ =	shalt  }
0x77: {  	_ =	shalt  }
0x78: {  	_ =	shalt  }
0x79: {  	_ =	shalt  }
0x7a: {  	_ =	shalt  }
0x7b: {  	_ =	shalt  }
0x7c: {  	_ =	shalt  }
0x7d: {  	_ =	shalt  }
0x7e: {  	_ =	shalt  }
0x7f: {  	_ =	shalt  }
0x80: {  	_ =	shalt  }
0x81: {  	_ =	shalt  }
0x82: {  	_ =	shalt  }
0x83: {  	_ =	shalt  }
0x84: {  	_ =	shalt  }
0x85: {  	_ =	shalt  }
0x86: {  	_ =	shalt  }
0x87: {  	_ =	shalt  }
.Lfunc_end0:
.L_simem_size_0:
called_computation.1_lowered:
.L_overlay_start_0:
0x88: {  	s2 =	sld [smem:$0x3FD9]  }
0x89: {  	s3 =	sld [smem:$0x3FFE];
	_ =	sdelay $0x1  }
0x8a: {  	s1 =	srdreg.scid  }
0x8b: {  	s0 =	sand.u32 $0x1, s1  }
0x8c: {  	s17 =	sshll.u32 s0, $0xA;
	s2 =	sadd.s32 s3, s2  }
0x8d: {  	s2 =	sadd.s32 s2, s17  }
0x8e: {  	[smem:$0x3FC2] =	sst s2  }
0x8f: {  	_ = 	snop  }
0x90: {  	s2 =	sld [smem:$0x3FD0];
	(tm) =	ssettm $0x1  }
0x91: {  	s18 =	sld [smem:$0x3FFB];
	_ =	sdelay $0x3  }
0x92: {  	_ =	strace s18  }
0x93: {  	s3 =	sld [smem:$0x3FFC];
	_ =	sdelay $0x3  }
0x94: {  	_ =	strace s3  }
0x95: {  	s3 =	sld [smem:$0x3FFD];
	_ =	sdelay $0x3  }
0x96: {  	_ =	strace s3  }
0x97: {  	_ =	strace $0x8FFFFFFF  }
0x98: {  	s19 =	sld [smem:$0x3FDB];
	_ =	sdelay $0x1  }
0x99: {  	s4 =	simm.s32 $_scs_section_size  }
0x9a: {  	s5 =	simm.s32 $_size__tile_overlayer_lowered;
	s6 =	simm.s32 $_tile_overlayer_lowered  }
0x9b: {  	s22 =	simm.s32 $0x1BFF;
	s21 =	sshll.u32 s6, $0x1;
	s3 =	sadd.s32 s4, s19  }
0x9c: {  	s7 =	simm.s32 $0x0;
	s20 =	sshll.u32 s5, $0x1;
	s5 =	sadd.s32 s21, s3  }
0x9d: {  	[timem:s7], [sflag:s22] =	dma.local [hbm:s5], s20  }
0x9e: {  	_ =	swait.ge [sflag:s22], s20  }
0x9f: {  	s4 =	ssub.s32 $0x0, s20;
	[sflag:s22] =	ssyncset.done $0x0  }
0xa0: {  	[sflag:s22] =	ssyncadd.s32 s4;
	_ =	sdelay $0x1  }
0xa1: {  	s23 =	simm.s32 $0x1B8B  }
0xa2: {  	_ =	swait.ge [sflag:s23], $0x1  }
0xa3: {  	[sflag:s23] =	ssyncset.done $0x0  }
0xa4: {  	s25 =	simm.s32 $0x1B8E;
	s24 =	sld [smem:$0x3FFE];
	[sflag:s23] =	ssyncadd.s32 $0xFFFFFFFF  }
0xa5: {  	s26 =	simm.s32 $execute0_lowered;
	[smem:$0x3FD2] =	sst s25  }
0xa6: {  	s5 =	sshll.u32 s26, $0x1;
	_ =	strace $0x80000049;
	[dreg:$0x1] =	wrdreg $0xFFFFFFFF  }
0xa7: {  	s28 =	simm.s32 $_size_execute0_lowered;
	s3 =	sadd.s32 s3, s5;
	[dreg:$0x0] =	wrdreg $0x0  }
0xa8: {  	s5 =	sshll.u32 s28, $0x1;
	[dreg:$0x2] =	wrdreg s3  }
0xa9: {  	[dreg:$0x3] =	wrdreg s5  }
0xaa: {  	[dreg:$0x4] =	wrdreg $0xC0  }
0xab: {  	_ =	task [dreg:s7], $0x5FFFF  }
0xac: {  	[dreg:$0x1] =	wrdreg $0xFFFFFFFF  }
0xad: {  	[dreg:$0x0] =	wrdreg $0x60  }
0xae: {  	[dreg:$0x2] =	wrdreg s24  }
0xaf: {  	[dreg:$0x3] =	wrdreg s2  }
0xb0: {  	[dreg:$0x4] =	wrdreg $0x88000  }
0xb1: {  	[dreg:$0x5] =	wrdreg $0x124800  }
0xb2: {  	[dreg:$0x6] =	wrdreg $0x9  }
0xb3: {  	_ =	task.clear_ibuf [dreg:s7], $0x7FFFF;
	_ =	strace $0x90000049  }
0xb4: {  	s29 =	simm.s32 $0x9;
	_ =	strace $0x8000004B  }
0xb5: {  	_ =	swait.ge [sflag:s29], $0x1  }
0xb6: {  	[sflag:s29] =	ssyncadd.s32 $0xFFFFFFFF  }
0xb7: {  	_ =	strace $0x9000004B  }
0xb8: {  	_ =	sfence  }
0xb9: {  	s30 =	sld [smem:$0x0];
	_ =	sdelay $0x2  }
0xba: {  	s31 =	sshll.u32 s1, $0xD;
	s1 =	sshrl.u32 s1, $0x2  }
0xbb: {  	s3 =	sand.u32 $0x4000, s31;
	s1 =	sadd.s32 s1, s30  }
0xbc: {  	s0 =	sor.u32 s3, s0;
	s1 =	sshll.u32 s1, $0x11  }
0xbd: {  	s0 =	sor.u32 s1, s0  }
0xbe: {  	s0 =	sadd.s32 $0x8F2B, s0  }
0xbf: {  	[sflag:s0] =	ssyncadd.remote.s32 $0x1  }
0xc0: {  	_ =	sfence.sel $0xFFFF  }
0xc1: {  	[dreg:$0x0] =	wrdreg $0xFFFFFFFF;
	(pc) =	sbr.abs _section_cstart, $3  }
0xc2: {  	[dreg:$0x1] =	wrdreg $0xFFFFFFFF  }
0xc3: {  	_ =	task.clear_ibuf [dreg:s7], $0x2FFFF;
	_ =	strace $0x9FFFFFFF  }
0xc4: {  	(tm) =	ssettm $0x7FFFFFFF  }
0xc5: {  	_ =	shalt  }
tec
execute0_lowered:
.L_overlay_start_1:
0x0: {  	(tag) =	ssettag $0x1  }
0x1: {  	s0 =	rddreg [dreg:$0x0]  }
0x2: {  	s2 =	rddreg [dreg:$0x1]  }
0x3: {  	s1 =	rddreg [dreg:$0x2]  }
0x4: {  	s13 =	stileid.u32;
	s5 =	srdreg.scid  }
0x5: {  	s3 =	rddreg [dreg:$0x3];
	s4 =	smul.u32 $0x9C40, s13  }
0x6: {  	s8 =	simm.s32 $0x0;
	s28 =	simm.s32 $0x9;
	s6 =	smul.u32 $0xA000, s13  }
0x7: {  	s29 =	simm.s32 $0xE;
	s30 =	simm.s32 $0x3;
	s12 =	smul.u32 $0x28000, s13  }
0x8: {  	s31 =	simm.s32 $0x4800;
	s5 =	sand.u32 $0x1, s5;
	s22 =	smul.u32 $0x9E0, s13  }
0x9: {  	[smem:$0x7FF] =	sst s8;
	s9 =	sadd.s32 $0x15E00, s0;
	s7 =	smul.u32 $0xA0000, s5  }
0xa: {  	_ =	strace $0x8000004A;
	[dreg:$0x5] =	wrdreg s9;
	s24 =	ssub.s32 $0x2, s5  }
0xb: {  	s11 =	sshll.u32 s5, $0x4;
	s5 =	smul.u32 $0x9E00, s5;
	s23 =	sshrl.u32 s4, $0x3  }
0xc: {  	s10 =	sshrl.u32 s24, $0x1;
	s26 =	sor.u32 s13, s11;
	s4 =	sadd.s32 s4, s1  }
0xd: {  	s11 =	sshll.u32 s13, $0x6;
	s12 =	sshrl.u32 s12, $0x2;
	s19 =	sadd.s32 s6, s3  }
0xe: {  	s13 =	simm.s32 $0x10;
	s8 =	sadd.s32 s23, s0;
	s7 =	sadd.s32 s6, s7  }
0xf: {  	s25 =	ssub.s32 s24, s10;
	s15 =	sor.u32 $0x1C11, s11;
	s17 =	smul.u32 $0x4F00, s26  }
0x10: {  	s9 =	smul.u32 $0x9E0, s26;
	s26 =	sshrl.u32 s4, $0x3;
	[dreg:$0x8] =	wrdreg s19  }
0x11: {  	s14 =	sadd.s32 s12, s3;
	s10 =	simm.s32 $0x6800;
	[dreg:$0x13] =	wrdreg s26  }
0x12: {  	s11 =	simm.s32 $0xB;
	s8 =	sadd.s32 $0x2400, s8;
	[dreg:$0x7] =	wrdreg s15  }
0x13: {  	s12 =	simm.s32 $0x6;
	s16 =	sadd.s32 $0x2000, s14;
	[dreg:$0x6] =	wrdreg s8  }
0x14: {  	s7 =	sshrl.u32 s7, $0x3;
	s18 =	sadd.s32 $0x4000, s14;
	[dreg:$0x9] =	wrdreg s16  }
0x15: {  	s20 =	sadd.s32 $0x6000, s14;
	s24 =	smax.u32 s25, $0x1;
	[dreg:$0xa] =	wrdreg s18  }
0x16: {  	s26 =	simm.s32 $0x2800;
	s0 =	sadd.s32 s7, s0;
	[dreg:$0xb] =	wrdreg s20  }
0x17: {  	s8 =	sadd.s32 $0x8000, s14;
	s6 =	sshrl.u32 s17, $0x3;
	s21 =	sadd.s32 s2, s9  }
0x18: {  	[dreg:$0x11] =	wrdreg s24;
	s20 =	simm.s32 $0x11;
	s24 =	simm.s32 $0x80  }
0x19: {  	s14 =	simm.s32 $0x5;
	s16 =	simm.s32 $0xC;
	s18 =	simm.s32 $0x8  }
0x1a: {  	s9 =	simm.s32 $0x700;
	s7 =	simm.s32 $0x680;
	[dreg:$0xc] =	wrdreg s8  }
0x1b: {  	s17 =	simm.s32 $0x1;
	[dreg:$0xd] =	wrdreg s21;
	s6 =	sadd.s32 s2, s6  }
0x1c: {  	s2 =	sadd.s32 s5, s2;
	s0 =	sadd.s32 $0x16200, s0;
	s21 =	simm.s32 $0x800  }
.Ltmp0:
0x1d: {  	s5 =	simm.s32 $0xF;
	s8 =	simm.s32 $0x7;
	(pc) =	sbr.rel .LBB2_1-.Ltmp0, $4  }
0x1e: {  	s23 =	sadd.s32 $0x20, s6;
	s6 =	sadd.s32 $0x40, s6;
	[dreg:$0x10] =	wrdreg s0  }
0x1f: {  	s25 =	sadd.s32 s22, s2;
	s2 =	simm.s32 $0xA;
	[dreg:$0xe] =	wrdreg s23  }
0x20: {  	s22 =	simm.s32 $0x0;
	[dreg:$0xf] =	wrdreg s6;
	s0 =	sadd.s32 $0x60, s25  }
0x21: {  	s25 =	simm.s32 $0x2;
	s6 =	simm.s32 $0x4;
	[dreg:$0x12] =	wrdreg s0  }
.LBB2_57:
0x22: {  	_ =	swait.ge [sflag:s13], $0x2000  }
0x23: {  	[sflag:s13] =	ssyncset.done $0x0  }
0x24: {  	s0 =	simm.s32 $0xD;
	[sflag:s13] =	ssyncadd.s32 $0xFFFFE000  }
0x25: {  	_ =	swait.ge [sflag:s0], $0x2000  }
0x26: {  	[sflag:s0] =	ssyncset.done $0x0  }
0x27: {  	[sflag:s0] =	ssyncadd.s32 $0xFFFFE000  }
0x28: {  	_ =	swait.ge [sflag:s29], $0x2000  }
0x29: {  	[sflag:s29] =	ssyncset.done $0x0  }
0x2a: {  	[sflag:s29] =	ssyncadd.s32 $0xFFFFE000  }
0x2b: {  	_ =	swait.ge [sflag:s5], $0x2000  }
0x2c: {  	[sflag:s5] =	ssyncset.done $0x0  }
0x2d: {  	[sflag:s5] =	ssyncadd.s32 $0xFFFFE000  }
0x2e: {  	[bflag:$0x0] =	sbarrier.arrive $0xFFFF  }
0x2f: {  	s19 =	rddreg [dreg:$0x8]  }
0x30: {  	s15 =	rddreg [dreg:$0x7]  }
0x31: {  	s4 =	rddreg [dreg:$0x10];
	s23 =	sshrl.u32 s19, $0x3  }
0x32: {  	[hbm:s4], [sflag:s15] =	dma.local [spmem:s23], $0x1400  }
0x33: {  	_ =	swait.ge [sflag:s20], $0x1400  }
0x34: {  	s22 =	sadd.s32 $0x1, s22;
	s23 =	rddreg [dreg:$0x11]  }
0x35: {  	p0 =	sne.s32 s22, s23  }
.Ltmp1:
0x36: {  	_ = 	snop;
	(pc) =	sbr.rel @!p0 .LBB2_58-.Ltmp1, $3  }
0x37: {  	_ =	sdelay $0x1  }
0x38: {  	[sflag:s20] =	ssyncset.done $0x0  }
0x39: {  	[sflag:s20] =	ssyncadd.s32 $0xFFFFEC00  }
.LBB2_1:
0x3a: {  	s0 =	rddreg [dreg:$0x6]  }
0x3b: {  	s4 =	rddreg [dreg:$0x13]  }
0x3c: {  	[spmem:s4], [sflag:s15] =	dma.local [hbm:s0], $0x1388  }
0x3d: {  	_ =	swait.ge [sflag:s20], $0x1388  }
0x3e: {  	[sflag:s20] =	ssyncset.done $0x0  }
0x3f: {  	s0 =	simm.s32 $0x0;
	s15 =	rddreg [dreg:$0x5];
	[sflag:s20] =	ssyncadd.s32 $0xFFFFEC78  }
0x40: {  	[tilespmem:s21], [sflag:$0x11] =	stream.linear.gather [hbm4b:s15+s0], $0x2000, $0x38;
	[tilespmem:$0x1C480] =	vst v63  }
0x41: {  	_ =	swait.ge [sflag:s20], $0x2000  }
0x42: {  	[sflag:s20] =	ssyncset.done $0x0  }
0x43: {  	[sflag:s20] =	ssyncadd.s32 $0xFFFFE000  }
0x44: {  	[spmem:s19] =	stream.linear.scatter [tilespmem:s21], [sflag:$0x11], $0x2000, $0x38;
	[tilespmem:$0x1C480] =	vst v63  }
0x45: {  	_ =	swait.ge [sflag:s20], $0x2000  }
0x46: {  	[sflag:s20] =	ssyncset.done $0x0  }
0x47: {  	s23 =	rddreg [dreg:$0x9];
	[sflag:s20] =	ssyncadd.s32 $0xFFFFE000  }
0x48: {  	[spmem:s23] =	stream.linear.scatter [tilespmem:s21], [sflag:$0x11], $0x2000, $0x38;
	[tilespmem:$0x1C480] =	vst v63  }
0x49: {  	_ =	swait.ge [sflag:s20], $0x2000  }
0x4a: {  	[sflag:s20] =	ssyncset.done $0x0  }
0x4b: {  	s15 =	rddreg [dreg:$0xa];
	[sflag:s20] =	ssyncadd.s32 $0xFFFFE000  }
0x4c: {  	[spmem:s15] =	stream.linear.scatter [tilespmem:s21], [sflag:$0x11], $0x2000, $0x38;
	[tilespmem:$0x1C480] =	vst v63  }
0x4d: {  	_ =	swait.ge [sflag:s20], $0x2000  }
0x4e: {  	[sflag:s20] =	ssyncset.done $0x0  }
0x4f: {  	s19 =	rddreg [dreg:$0xb];
	[sflag:s20] =	ssyncadd.s32 $0xFFFFE000  }
0x50: {  	[spmem:s19] =	stream.linear.scatter [tilespmem:s21], [sflag:$0x11], $0x2000, $0x38;
	[tilespmem:$0x1C480] =	vst v63  }
0x51: {  	_ =	swait.ge [sflag:s20], $0x2000  }
0x52: {  	[sflag:s20] =	ssyncset.done $0x0  }
0x53: {  	s23 =	rddreg [dreg:$0xc];
	[sflag:s20] =	ssyncadd.s32 $0xFFFFE000  }
0x54: {  	[spmem:s23] =	stream.linear.scatter [tilespmem:s21], [sflag:$0x11], $0x2000, $0x38;
	[tilespmem:$0x1C480] =	vst v63  }
0x55: {  	_ =	swait.ge [sflag:s20], $0x2000  }
0x56: {  	[sflag:s20] =	ssyncset.done $0x0  }
0x57: {  	[sflag:s20] =	ssyncadd.s32 $0xFFFFE000  }
0x58: {  	[bflag:$0x0] =	sbarrier.arrive $0xFFFF  }
0x59: {  	s15 =	rddreg [dreg:$0xd]  }
0x5a: {  	[tilespmem:s0], [sflag:$0x11] =	stream.linear.gather [hbm4b:s15+s0], $0x100, $0x38;
	[tilespmem:$0x1C480] =	vst v63  }
0x5b: {  	_ =	swait.ge [sflag:s20], $0x100  }
0x5c: {  	[sflag:s20] =	ssyncset.done $0x0  }
0x5d: {  	s23 =	simm.s32 $0x100;
	s19 =	rddreg [dreg:$0xe];
	[sflag:s20] =	ssyncadd.s32 $0xFFFFFF00  }
0x5e: {  	[tilespmem:s23], [sflag:$0x2] =	stream.linear.gather [hbm4b:s19+s0], $0x100, $0x38;
	[tilespmem:$0x1C480] =	vst v63  }
.Ltmp2:
0x5f: {  	_ = 	snop;
	(pc) =	sbr.rel .LBB2_2-.Ltmp2, $4  }
0x60: {  	s19 =	rddreg [dreg:$0xf];
	s23 =	simm.s32 $0x200  }
0x61: {  	[tilespmem:s23], [sflag:$0x3] =	stream.linear.gather [hbm4b:s19+s0], $0x100, $0x38;
	[tilespmem:$0x1C480] =	vst v63  }
0x62: {  	s15 =	simm.s32 $0x0;
	s23 =	rddreg [dreg:$0x12]  }
0x63: {  	[tilespmem:s21], [sflag:$0x9] =	stream.indirect.gather [spmem:s1], $0x40, s0, s24, $0xb8;
	[tilespmem:$0x1C480] =	vst v63  }
.LBB2_48:
0x64: {  	_ =	swait.ge [sflag:s18], $0x100  }
0x65: {  	[sflag:s18] =	ssyncset.done $0x0  }
0x66: {  	[sflag:s18] =	ssyncadd.s32 $0xFFFFFF00  }
0x67: {  	[tilespmem:s10], [sflag:$0xC] =	stream.indirect.gather [spmem:s1], $0x40, s9, s24, $0xb8;
	[tilespmem:$0x1C480] =	vst v63  }
.LBB2_49:
0x68: {  	_ =	swait.ge [sflag:s11], $0x2000  }
0x69: {  	p0 =	sgt.u32 s15, $0x4B;
	[sflag:s11] =	ssyncset.done $0x0  }
0x6a: {  	s0 =	simm.s32 @!p0 $0x0;
	s4 =	simm.s32 @!p0 $0x100;
	[sflag:s11] =	ssyncadd.s32 $0xFFFFE000  }
0x6b: {  	[tilespmem:s4], [sflag:$0x2] =	stream.linear.gather @!p0 [hbm4b:s23+s0], $0x100, $0x38;
	[tilespmem:$0x1C480] =	vst v63  }
0x6c: {  	_ = 	snop  }
0x6d: {  	[spmem:s3] =	stream.indirect.scatter.add.f32 [tilespmem:s31], [sflag:$0xF], $0x40, s7, s24, $0xb8;
	[tilespmem:$0x1C480] =	vst v63  }
.LBB2_56:
0x6e: {  	s15 =	sadd.s32 $0x1, s15  }
0x6f: {  	p0 =	sne.s32 s15, $0x4F  }
.Ltmp3:
0x70: {  	_ = 	snop;
	(pc) =	sbr.rel @!p0 .LBB2_57-.Ltmp3, $2  }
0x71: {  	_ =	sdelay $0x2  }
0x72: {  	s23 =	sadd.s32 $0x20, s23  }
.LBB2_2:
0x73: {  	s4 =	sand.u32 $0x7, s15  }
0x74: {  	p0 =	sgt.s32 s4, $0x3  }
.Ltmp4:
0x75: {  	_ = 	snop;
	(pc) =	sbr.rel @p0 .LBB2_10-.Ltmp4, $1  }
0x76: {  	_ =	sdelay $0x3  }
0x77: {  	p0 =	sgt.s32 s4, $0x1  }
.Ltmp5:
0x78: {  	_ = 	snop;
	(pc) =	sbr.rel @p0 .LBB2_26-.Ltmp5, $1  }
0x79: {  	_ =	sdelay $0x3  }
0x7a: {  	p0 =	seq.s32 s4, $0x0  }
.Ltmp6:
0x7b: {  	_ = 	snop;
	(pc) =	sbr.rel @!p0 .LBB2_12-.Ltmp6, $1  }
0x7c: {  	_ =	sdelay $0x3  }
0x7d: {  	p0 =	slt.u32 s15, $0x3  }
.Ltmp7:
0x7e: {  	_ = 	snop;
	(pc) =	sbr.rel @p0 .LBB2_8-.Ltmp7, $1  }
0x7f: {  	_ =	sdelay $0x3  }
0x80: {  	p0 =	seq.s32 s15, $0x4E  }
.Ltmp8:
0x81: {  	_ = 	snop;
	(pc) =	sbr.rel @p0 .LBB2_9-.Ltmp8, $1  }
0x82: {  	_ =	sdelay $0x3  }
0x83: {  	_ =	swait.ge [sflag:s29], $0x2000  }
0x84: {  	[sflag:s29] =	ssyncset.done $0x0  }
0x85: {  	[sflag:s29] =	ssyncadd.s32 $0xFFFFE000  }
.LBB2_8:
0x86: {  	_ =	swait.ge [sflag:s25], $0x100  }
0x87: {  	[sflag:s25] =	ssyncset.done $0x0  }
0x88: {  	s0 =	simm.s32 $0x100;
	[sflag:s25] =	ssyncadd.s32 $0xFFFFFF00  }
0x89: {  	[tilespmem:s26], [sflag:$0xA] =	stream.indirect.gather [spmem:s1], $0x40, s0, s24, $0xb8;
	[tilespmem:$0x1C480] =	vst v63  }
.LBB2_9:
0x8a: {  	_ =	swait.ge [sflag:s28], $0x2000  }
.Ltmp9:
0x8b: {  	p0 =	sgt.u32 s15, $0x4B;
	[sflag:s28] =	ssyncset.done $0x0;
	(pc) =	sbr.rel .LBB2_56-.Ltmp9, $4  }
0x8c: {  	s4 =	simm.s32 @!p0 $0x0;
	s0 =	simm.s32 @!p0 $0x300;
	[sflag:s28] =	ssyncadd.s32 $0xFFFFE000  }
0x8d: {  	[tilespmem:s0], [sflag:$0x4] =	stream.linear.gather @!p0 [hbm4b:s23+s4], $0x100, $0x38;
	[tilespmem:$0x1C480] =	vst v63  }
0x8e: {  	_ = 	snop  }
0x8f: {  	[spmem:s3] =	stream.indirect.scatter.add.f32 [tilespmem:s21], [sflag:$0xD], $0x40, s24, s24, $0xb8;
	[tilespmem:$0x1C480] =	vst v63  }
.LBB2_10:
0x90: {  	p0 =	sgt.s32 s4, $0x5  }
.Ltmp10:
0x91: {  	_ = 	snop;
	(pc) =	sbr.rel @p0 .LBB2_50-.Ltmp10, $1  }
0x92: {  	_ =	sdelay $0x3  }
0x93: {  	p0 =	seq.s32 s4, $0x4  }
.Ltmp11:
0x94: {  	_ = 	snop;
	(pc) =	sbr.rel @p0 .LBB2_34-.Ltmp11, $4  }
.Ltmp12:
0x95: {  	_ = 	snop;
	(pc) =	sbr.rel @!p0 .LBB2_40-.Ltmp12, $4  }
0x96: {  	_ = 	snop  }
0x97: {  	_ = 	snop  }
0x98: {  	_ = 	snop  }
0x99: {  	_ = 	snop  }
.LBB2_26:
0x9a: {  	p0 =	seq.s32 s4, $0x2  }
.Ltmp13:
0x9b: {  	_ = 	snop;
	(pc) =	sbr.rel @!p0 .LBB2_27-.Ltmp13, $1  }
0x9c: {  	_ =	sdelay $0x3  }
0x9d: {  	p0 =	slt.u32 s15, $0x3  }
.Ltmp14:
0x9e: {  	_ = 	snop;
	(pc) =	sbr.rel @p0 .LBB2_20-.Ltmp14, $1  }
0x9f: {  	_ =	sdelay $0x3  }
0xa0: {  	p0 =	seq.s32 s15, $0x4E  }
.Ltmp15:
0xa1: {  	_ = 	snop;
	(pc) =	sbr.rel @p0 .LBB2_21-.Ltmp15, $1  }
0xa2: {  	_ =	sdelay $0x3  }
0xa3: {  	_ =	swait.ge [sflag:s13], $0x2000  }
0xa4: {  	[sflag:s13] =	ssyncset.done $0x0  }
0xa5: {  	[sflag:s13] =	ssyncadd.s32 $0xFFFFE000  }
.LBB2_20:
0xa6: {  	_ =	swait.ge [sflag:s6], $0x100  }
0xa7: {  	[sflag:s6] =	ssyncset.done $0x0  }
0xa8: {  	s0 =	simm.s32 $0x300;
	[sflag:s6] =	ssyncadd.s32 $0xFFFFFF00  }
0xa9: {  	[tilespmem:s10], [sflag:$0xC] =	stream.indirect.gather [spmem:s1], $0x40, s0, s24, $0xb8;
	[tilespmem:$0x1C480] =	vst v63  }
.LBB2_21:
0xaa: {  	_ =	swait.ge [sflag:s11], $0x2000  }
0xab: {  	p0 =	sgt.u32 s15, $0x4B;
	[sflag:s11] =	ssyncset.done $0x0  }
0xac: {  	s0 =	simm.s32 @!p0 $0x0;
	s19 =	simm.s32 @!p0 $0x500;
	[sflag:s11] =	ssyncadd.s32 $0xFFFFE000  }
0xad: {  	[tilespmem:s19], [sflag:$0x6] =	stream.linear.gather @!p0 [hbm4b:s23+s0], $0x100, $0x38;
	[tilespmem:$0x1C480] =	vst v63  }
0xae: {  	p0 =	sgt.s32 s4, $0x4  }
.Ltmp16:
0xaf: {  	_ = 	snop;
	(pc) =	sbr.rel @p0 .LBB2_24-.Ltmp16, $3  }
0xb0: {  	_ =	sdelay $0x1  }
0xb1: {  	s19 =	simm.s32 $0x280  }
0xb2: {  	[spmem:s3] =	stream.indirect.scatter.add.f32 [tilespmem:s31], [sflag:$0xF], $0x40, s19, s24, $0xb8;
	[tilespmem:$0x1C480] =	vst v63  }
0xb3: {  	p0 =	seq.s32 s4, $0x3  }
.Ltmp17:
0xb4: {  	_ = 	snop;
	(pc) =	sbr.rel @p0 .LBB2_27-.Ltmp17, $1  }
0xb5: {  	_ =	sdelay $0x3  }
0xb6: {  	p0 =	seq.s32 s4, $0x4  }
.Ltmp18:
0xb7: {  	_ = 	snop;
	(pc) =	sbr.rel @p0 .LBB2_34-.Ltmp18, $4  }
.Ltmp19:
0xb8: {  	_ = 	snop;
	(pc) =	sbr.rel @!p0 .LBB2_56-.Ltmp19, $4  }
0xb9: {  	_ = 	snop  }
0xba: {  	_ = 	snop  }
0xbb: {  	_ = 	snop  }
0xbc: {  	_ = 	snop  }
.LBB2_50:
0xbd: {  	p0 =	seq.s32 s4, $0x6  }
.Ltmp20:
0xbe: {  	_ = 	snop;
	(pc) =	sbr.rel @p0 .LBB2_45-.Ltmp20, $1  }
0xbf: {  	_ =	sdelay $0x3  }
0xc0: {  	p0 =	slt.u32 s15, $0x3  }
.Ltmp21:
0xc1: {  	_ = 	snop;
	(pc) =	sbr.rel @p0 .LBB2_54-.Ltmp21, $1  }
0xc2: {  	_ =	sdelay $0x3  }
0xc3: {  	p0 =	seq.s32 s15, $0x4E  }
.Ltmp22:
0xc4: {  	_ = 	snop;
	(pc) =	sbr.rel @p0 .LBB2_55-.Ltmp22, $1  }
0xc5: {  	_ =	sdelay $0x3  }
0xc6: {  	s0 =	simm.s32 $0xD  }
0xc7: {  	_ =	swait.ge [sflag:s0], $0x2000  }
0xc8: {  	[sflag:s0] =	ssyncset.done $0x0  }
0xc9: {  	[sflag:s0] =	ssyncadd.s32 $0xFFFFE000  }
.LBB2_54:
0xca: {  	_ =	swait.ge [sflag:s17], $0x100  }
0xcb: {  	[sflag:s17] =	ssyncset.done $0x0  }
0xcc: {  	s0 =	simm.s32 $0x0;
	[sflag:s17] =	ssyncadd.s32 $0xFFFFFF00  }
0xcd: {  	[tilespmem:s21], [sflag:$0x9] =	stream.indirect.gather [spmem:s1], $0x40, s0, s24, $0xb8;
	[tilespmem:$0x1C480] =	vst v63  }
.LBB2_55:
0xce: {  	_ =	swait.ge [sflag:s16], $0x2000  }
.Ltmp23:
0xcf: {  	p0 =	sgt.u32 s15, $0x4B;
	[sflag:s16] =	ssyncset.done $0x0;
	(pc) =	sbr.rel .LBB2_56-.Ltmp23, $4  }
0xd0: {  	s0 =	simm.s32 @!p0 $0x0;
	s4 =	simm.s32 @!p0 $0x200;
	[sflag:s16] =	ssyncadd.s32 $0xFFFFE000  }
0xd1: {  	[tilespmem:s4], [sflag:$0x3] =	stream.linear.gather @!p0 [hbm4b:s23+s0], $0x100, $0x38;
	[tilespmem:$0x1C480] =	vst v63  }
0xd2: {  	s19 =	simm.s32 $0x780  }
0xd3: {  	[spmem:s3] =	stream.indirect.scatter.add.f32 [tilespmem:s10], [sflag:$0x10], $0x40, s19, s24, $0xb8;
	[tilespmem:$0x1C480] =	vst v63  }
.LBB2_27:
0xd4: {  	p0 =	slt.u32 s15, $0x3  }
.Ltmp24:
0xd5: {  	_ = 	snop;
	(pc) =	sbr.rel @p0 .LBB2_30-.Ltmp24, $1  }
0xd6: {  	_ =	sdelay $0x3  }
0xd7: {  	p0 =	seq.s32 s15, $0x4E  }
.Ltmp25:
0xd8: {  	_ = 	snop;
	(pc) =	sbr.rel @p0 .LBB2_31-.Ltmp25, $1  }
0xd9: {  	_ =	sdelay $0x3  }
0xda: {  	s0 =	simm.s32 $0xD  }
0xdb: {  	_ =	swait.ge [sflag:s0], $0x2000  }
0xdc: {  	[sflag:s0] =	ssyncset.done $0x0  }
0xdd: {  	[sflag:s0] =	ssyncadd.s32 $0xFFFFE000  }
.LBB2_30:
0xde: {  	_ =	swait.ge [sflag:s14], $0x100  }
0xdf: {  	[sflag:s14] =	ssyncset.done $0x0  }
0xe0: {  	s0 =	simm.s32 $0x400;
	[sflag:s14] =	ssyncadd.s32 $0xFFFFFF00  }
0xe1: {  	[tilespmem:s21], [sflag:$0x9] =	stream.indirect.gather [spmem:s1], $0x40, s0, s24, $0xb8;
	[tilespmem:$0x1C480] =	vst v63  }
.LBB2_31:
0xe2: {  	_ =	swait.ge [sflag:s16], $0x2000  }
0xe3: {  	p0 =	sgt.u32 s15, $0x4B;
	[sflag:s16] =	ssyncset.done $0x0  }
0xe4: {  	s0 =	simm.s32 @!p0 $0x0;
	s19 =	simm.s32 @!p0 $0x600;
	[sflag:s16] =	ssyncadd.s32 $0xFFFFE000  }
0xe5: {  	[tilespmem:s19], [sflag:$0x7] =	stream.linear.gather @!p0 [hbm4b:s23+s0], $0x100, $0x38;
	[tilespmem:$0x1C480] =	vst v63  }
0xe6: {  	p0 =	seq.s32 s4, $0x6  }
.Ltmp26:
0xe7: {  	_ = 	snop;
	(pc) =	sbr.rel @p0 .LBB2_45-.Ltmp26, $3  }
0xe8: {  	_ =	sdelay $0x1  }
0xe9: {  	s19 =	simm.s32 $0x380  }
0xea: {  	[spmem:s3] =	stream.indirect.scatter.add.f32 [tilespmem:s10], [sflag:$0x10], $0x40, s19, s24, $0xb8;
	[tilespmem:$0x1C480] =	vst v63  }
0xeb: {  	p0 =	seq.s32 s4, $0x5  }
.Ltmp27:
0xec: {  	_ = 	snop;
	(pc) =	sbr.rel @p0 .LBB2_40-.Ltmp27, $1  }
0xed: {  	_ =	sdelay $0x3  }
0xee: {  	p0 =	sne.s32 s4, $0x4  }
.Ltmp28:
0xef: {  	_ = 	snop;
	(pc) =	sbr.rel @p0 .LBB2_56-.Ltmp28, $1  }
0xf0: {  	_ =	sdelay $0x3  }
.LBB2_34:
0xf1: {  	p0 =	slt.u32 s15, $0x3  }
.Ltmp29:
0xf2: {  	_ = 	snop;
	(pc) =	sbr.rel @p0 .LBB2_37-.Ltmp29, $1  }
0xf3: {  	_ =	sdelay $0x3  }
0xf4: {  	p0 =	seq.s32 s15, $0x4E  }
.Ltmp30:
0xf5: {  	_ = 	snop;
	(pc) =	sbr.rel @p0 .LBB2_38-.Ltmp30, $1  }
0xf6: {  	_ =	sdelay $0x3  }
0xf7: {  	_ =	swait.ge [sflag:s29], $0x2000  }
0xf8: {  	[sflag:s29] =	ssyncset.done $0x0  }
0xf9: {  	[sflag:s29] =	ssyncadd.s32 $0xFFFFE000  }
.LBB2_37:
0xfa: {  	_ =	swait.ge [sflag:s12], $0x100  }
0xfb: {  	[sflag:s12] =	ssyncset.done $0x0  }
0xfc: {  	s0 =	simm.s32 $0x500;
	[sflag:s12] =	ssyncadd.s32 $0xFFFFFF00  }
0xfd: {  	[tilespmem:s26], [sflag:$0xA] =	stream.indirect.gather [spmem:s1], $0x40, s0, s24, $0xb8;
	[tilespmem:$0x1C480] =	vst v63  }
.LBB2_38:
0xfe: {  	_ =	swait.ge [sflag:s28], $0x2000  }
0xff: {  	p0 =	sgt.u32 s15, $0x4B;
	[sflag:s28] =	ssyncset.done $0x0  }
0x100: {  	s0 =	simm.s32 @!p0 $0x0;
	s19 =	simm.s32 @!p0 $0x700;
	[sflag:s28] =	ssyncadd.s32 $0xFFFFE000  }
0x101: {  	[tilespmem:s19], [sflag:$0x8] =	stream.linear.gather @!p0 [hbm4b:s23+s0], $0x100, $0x38;
	[tilespmem:$0x1C480] =	vst v63  }
0x102: {  	p0 =	seq.s32 s4, $0x6  }
.Ltmp31:
0x103: {  	_ = 	snop;
	(pc) =	sbr.rel @p0 .LBB2_45-.Ltmp31, $3  }
0x104: {  	_ =	sdelay $0x1  }
0x105: {  	s19 =	simm.s32 $0x480  }
0x106: {  	[spmem:s3] =	stream.indirect.scatter.add.f32 [tilespmem:s21], [sflag:$0xD], $0x40, s19, s24, $0xb8;
	[tilespmem:$0x1C480] =	vst v63  }
0x107: {  	p0 =	sne.s32 s4, $0x5  }
.Ltmp32:
0x108: {  	_ = 	snop;
	(pc) =	sbr.rel @!p0 .LBB2_40-.Ltmp32, $4  }
.Ltmp33:
0x109: {  	_ = 	snop;
	(pc) =	sbr.rel @p0 .LBB2_56-.Ltmp33, $4  }
0x10a: {  	_ = 	snop  }
0x10b: {  	_ = 	snop  }
0x10c: {  	_ = 	snop  }
0x10d: {  	_ = 	snop  }
.LBB2_12:
0x10e: {  	p0 =	slt.u32 s15, $0x3  }
.Ltmp34:
0x10f: {  	_ = 	snop;
	(pc) =	sbr.rel @p0 .LBB2_15-.Ltmp34, $1  }
0x110: {  	_ =	sdelay $0x3  }
0x111: {  	p0 =	seq.s32 s15, $0x4E  }
.Ltmp35:
0x112: {  	_ = 	snop;
	(pc) =	sbr.rel @p0 .LBB2_16-.Ltmp35, $1  }
0x113: {  	_ =	sdelay $0x3  }
0x114: {  	_ =	swait.ge [sflag:s5], $0x2000  }
0x115: {  	[sflag:s5] =	ssyncset.done $0x0  }
0x116: {  	[sflag:s5] =	ssyncadd.s32 $0xFFFFE000  }
.LBB2_15:
0x117: {  	_ =	swait.ge [sflag:s30], $0x100  }
0x118: {  	[sflag:s30] =	ssyncset.done $0x0  }
0x119: {  	s0 =	simm.s32 $0x200;
	[sflag:s30] =	ssyncadd.s32 $0xFFFFFF00  }
0x11a: {  	[tilespmem:s31], [sflag:$0xB] =	stream.indirect.gather [spmem:s1], $0x40, s0, s24, $0xb8;
	[tilespmem:$0x1C480] =	vst v63  }
.LBB2_16:
0x11b: {  	_ =	swait.ge [sflag:s2], $0x2000  }
.Ltmp36:
0x11c: {  	p0 =	sgt.u32 s15, $0x4B;
	[sflag:s2] =	ssyncset.done $0x0;
	(pc) =	sbr.rel .LBB2_56-.Ltmp36, $4  }
0x11d: {  	s0 =	simm.s32 @!p0 $0x0;
	s4 =	simm.s32 @!p0 $0x400;
	[sflag:s2] =	ssyncadd.s32 $0xFFFFE000  }
0x11e: {  	[tilespmem:s4], [sflag:$0x5] =	stream.linear.gather @!p0 [hbm4b:s23+s0], $0x100, $0x38;
	[tilespmem:$0x1C480] =	vst v63  }
0x11f: {  	s19 =	simm.s32 $0x180  }
0x120: {  	[spmem:s3] =	stream.indirect.scatter.add.f32 [tilespmem:s26], [sflag:$0xE], $0x40, s19, s24, $0xb8;
	[tilespmem:$0x1C480] =	vst v63  }
.LBB2_24:
0x121: {  	p0 =	seq.s32 s4, $0x5  }
.Ltmp37:
0x122: {  	_ = 	snop;
	(pc) =	sbr.rel @p0 .LBB2_40-.Ltmp37, $1  }
0x123: {  	_ =	sdelay $0x3  }
0x124: {  	p0 =	seq.s32 s4, $0x6  }
.Ltmp38:
0x125: {  	_ = 	snop;
	(pc) =	sbr.rel @p0 .LBB2_45-.Ltmp38, $4  }
.Ltmp39:
0x126: {  	_ = 	snop;
	(pc) =	sbr.rel @!p0 .LBB2_56-.Ltmp39, $4  }
0x127: {  	_ = 	snop  }
0x128: {  	_ = 	snop  }
0x129: {  	_ = 	snop  }
0x12a: {  	_ = 	snop  }
.LBB2_40:
0x12b: {  	p0 =	slt.u32 s15, $0x3  }
.Ltmp40:
0x12c: {  	_ = 	snop;
	(pc) =	sbr.rel @p0 .LBB2_43-.Ltmp40, $1  }
0x12d: {  	_ =	sdelay $0x3  }
0x12e: {  	p0 =	seq.s32 s15, $0x4E  }
.Ltmp41:
0x12f: {  	_ = 	snop;
	(pc) =	sbr.rel @p0 .LBB2_44-.Ltmp41, $1  }
0x130: {  	_ =	sdelay $0x3  }
0x131: {  	_ =	swait.ge [sflag:s5], $0x2000  }
0x132: {  	[sflag:s5] =	ssyncset.done $0x0  }
0x133: {  	[sflag:s5] =	ssyncadd.s32 $0xFFFFE000  }
.LBB2_43:
0x134: {  	_ =	swait.ge [sflag:s8], $0x100  }
0x135: {  	[sflag:s8] =	ssyncset.done $0x0  }
0x136: {  	s0 =	simm.s32 $0x600;
	[sflag:s8] =	ssyncadd.s32 $0xFFFFFF00  }
0x137: {  	[tilespmem:s31], [sflag:$0xB] =	stream.indirect.gather [spmem:s1], $0x40, s0, s24, $0xb8;
	[tilespmem:$0x1C480] =	vst v63  }
.LBB2_44:
0x138: {  	_ =	swait.ge [sflag:s2], $0x2000  }
0x139: {  	p0 =	sgt.u32 s15, $0x4B;
	[sflag:s2] =	ssyncset.done $0x0  }
0x13a: {  	s0 =	simm.s32 @!p0 $0x0;
	[sflag:s2] =	ssyncadd.s32 $0xFFFFE000  }
0x13b: {  	[tilespmem:s0], [sflag:$0x1] =	stream.linear.gather @!p0 [hbm4b:s23+s0], $0x100, $0x38;
	[tilespmem:$0x1C480] =	vst v63  }
0x13c: {  	p0 =	sne.s32 s4, $0x6  }
.Ltmp42:
0x13d: {  	_ = 	snop;
	(pc) =	sbr.rel @p0 .LBB2_56-.Ltmp42, $3  }
0x13e: {  	_ =	sdelay $0x1  }
0x13f: {  	s19 =	simm.s32 $0x580  }
0x140: {  	[spmem:s3] =	stream.indirect.scatter.add.f32 [tilespmem:s26], [sflag:$0xE], $0x40, s19, s24, $0xb8;
	[tilespmem:$0x1C480] =	vst v63  }
.LBB2_45:
0x141: {  	p0 =	slt.u32 s15, $0x3  }
.Ltmp43:
0x142: {  	_ = 	snop;
	(pc) =	sbr.rel @p0 .LBB2_48-.Ltmp43, $1  }
0x143: {  	_ =	sdelay $0x3  }
0x144: {  	p0 =	seq.s32 s15, $0x4E  }
.Ltmp44:
0x145: {  	_ = 	snop;
	(pc) =	sbr.rel @p0 .LBB2_49-.Ltmp44, $1  }
0x146: {  	_ =	sdelay $0x3  }
.Ltmp45:
0x147: {  	(pc) =	sbr.rel .LBB2_48-.Ltmp45, $4  }
0x148: {  	_ = 	snop  }
0x149: {  	_ =	swait.ge [sflag:s13], $0x2000  }
0x14a: {  	[sflag:s13] =	ssyncset.done $0x0  }
0x14b: {  	[sflag:s13] =	ssyncadd.s32 $0xFFFFE000  }
.LBB2_58:
0x14c: {  	_ =	sfence.sel $0x180000  }
0x14d: {  	[bflag:$0x0] =	sbarrier.arrive $0xFFFF  }
0x14e: {  	_ =	strace $0x9000004A  }
0x14f: {  	s0 =	stileid.u32;
	[bflag:$0x2] =	sbarrier.arrive $0xFFFF  }
0x150: {  	p0 =	sne.s32 s0, $0x0;
	s0 =	rddreg [dreg:$0x4]  }
0x151: {  	s0 =	sadd.s32 @!p0 $0x100000, s0  }
0x152: {  	[sflag:s0] =	ssyncadd.tile.s32 @!p0 $0x1;
	_ =	shalt  }
.Lfunc_end2:
_tile_overlayer_lowered:
.L_overlay_start_2:
0x153: {  	(tag) =	ssettag $0x2  }
0x154: {  	s0 =	rddreg [dreg:$0x0];
	s2 =	stileid.u32  }
0x155: {  	s1 =	rddreg [dreg:$0x1];
	p0 =	sne.s32 s2, $0x0  }
0x156: {  	s3 =	rddreg [dreg:$0x2];
	[bflag:$0x3] =	sbarrier.arrive $0xFFFF;
	s2 =	simm.s32 @!p0 $0x1C11  }
0x157: {  	[timem:s3], [sflag:s2] =	dma.local @!p0 [hbm:s0], s1  }
0x158: {  	s0 =	simm.s32 @!p0 $0x11  }
0x159: {  	_ =	swait.ge @!p0 [sflag:s0], s1  }
0x15a: {  	s1 =	ssub.s32 @!p0 $0x0, s1;
	[sflag:s0] =	ssyncset.done @!p0 $0x0  }
0x15b: {  	[sflag:s0] =	ssyncadd.s32 @!p0 s1  }
0x15c: {  	[bflag:$0x3] =	sbarrier.arrive $0xFFFF  }
0x15d: {  	_ =	shalt  }

// kernel: kernel.15.cloned.1.call-start
scs
__scs_entry_jumppad:
0x0: {  	(pc) =	sbr.rel $0x88, $3  }
0x1: {  	(tag) =	ssettag $0x0;
	lr =	simm.s32 $0x1  }
0x2: {  	[smem:$0x3F9B] =	sst lr;
	_ =	strace $0xD0000000  }
0x3: {  	_ = 	snop  }
0x4: {  	_ = 	snop  }
0x5: {  	_ = 	snop  }
0x6: {  	_ = 	snop  }
0x7: {  	_ = 	snop  }
__scs_overlays_trampoline_lowered:
0x8: {  	[smem:$0x3FAA] =	sst s0  }
0x9: {  	[smem:$0x3FAB] =	sst s1  }
0xa: {  	[smem:$0x3FAC] =	sst s2  }
0xb: {  	[smem:$0x3FAD] =	sst s3  }
0xc: {  	[smem:$0x3FAE] =	sst s4  }
0xd: {  	[smem:$0x3FAF] =	sst s5  }
0xe: {  	[smem:$0x3FB0] =	sst s6  }
0xf: {  	[smem:$0x3FB1] =	sst s7  }
0x10: {  	[smem:$0x3FB2] =	sst s8  }
0x11: {  	[smem:$0x3FB3] =	sst s9;
	s0 =	simm.s32 @!p0 $0x0  }
0x12: {  	s1 =	sld [smem:$0x3F99];
	s0 =	simm.s32 @p0 $0x1  }
0x13: {  	[smem:$0x3FB4] =	sst s0;
	s0 =	simm.s32 @!p1 $0x0  }
0x14: {  	s2 =	sld [smem:$0x3F98];
	s0 =	simm.s32 @p1 $0x1  }
0x15: {  	[smem:$0x3FB5] =	sst s0;
	s0 =	simm.s32 @!p2 $0x0  }
0x16: {  	s3 =	sld [smem:$0x3FDB];
	s0 =	simm.s32 @p2 $0x1  }
0x17: {  	s4 =	simm.s32 $0x1BF5;
	[smem:$0x3FB7] =	sst s0  }
0x18: {  	s0 =	sld [smem:$0x3F9A];
	_ =	swait.ge [sflag:s4], $0x0  }
0x19: {  	s7 =	sld [smem:$0x3F9B]  }
0x1a: {  	s8 =	sadd.s32 $0xFFFFE003, lr  }
0x1b: {  	s9 =	sadd.s32 $0xFFFFFEF7, lr;
	s5 =	simm.s32 $0xFFFFFFFF;
	p2 =	slt.u32 s8, $0xFFFFF086  }
0x1c: {  	p1 =	slt.u32 s9, $0xF7A;
	s5 =	simm.s32 @!p2 $0x0  }
0x1d: {  	s5 =	simm.s32 @p1 $0x1;
	p0 =	seq.s32 s7, s2  }
0x1e: {  	s7 =	smul.u32 @!p0 $0xF7A, s2;
	p2 =	seq.s32 @!p0 s5, $0x0  }
0x1f: {  	s9 =	smul.u32 $0xF7A, s1;
	s8 =	simm.s32 @!p0 $0x1BF5;
	p2 =	por !p2, p0  }
0x20: {  	[sflag:s8] =	ssyncset.s32 @!p0 $0xFFFFF086;
	s6 =	sadd.s32 @!p0 s3, s7;
	s7 =	simm.s32 @!p0 $0x108  }
0x21: {  	s3 =	sadd.s32 s3, s9;
	s6 =	sadd.s32 @!p0 $0x88, s6;
	s7 =	simm.s32 @p2 $0x1082  }
0x22: {  	[simem:s7], [sflag:s8] =	dma.local @!p0 [hbm:s6], $0xF7A  }
0x23: {  	s9 =	sor.u32 $0xD0000000, s2;
	s6 =	simm.s32 $0x108;
	_ =	swait.ge @!p0 [sflag:s8], $0x0  }
0x24: {  	s3 =	sadd.s32 $0x88, s3;
	s6 =	simm.s32 @!p1 $0x1082;
	[sflag:s4] =	ssyncset.s32 $0xFFFFF086  }
0x25: {  	[simem:s6], [sflag:s4] =	dma.local [hbm:s3], $0xF7A  }
0x26: {  	[smem:$0x3F9B] =	sst s1;
	(tag) =	ssettag s2;
	_ =	strace s9  }
0x27: {  	s1 =	sld [smem:$0x3FAB]  }
0x28: {  	s2 =	sld [smem:$0x3FAC]  }
0x29: {  	s4 =	sld [smem:$0x3FAE]  }
0x2a: {  	p0 =	seq.s32 s5, $0x0;
	s5 =	sld [smem:$0x3FAF]  }
0x2b: {  	s6 =	sld [smem:$0x3FB0]  }
0x2c: {  	s7 =	sld [smem:$0x3FB1]  }
0x2d: {  	s3 =	simm.s32 $0x108;
	s8 =	sld [smem:$0x3FB2]  }
0x2e: {  	s3 =	simm.s32 @!p0 $0x1082;
	s9 =	sld [smem:$0x3FB3]  }
0x2f: {  	lr =	sadd.s32 s0, s3;
	s0 =	sld [smem:$0x3FAA]  }
0x30: {  	s3 =	sld [smem:$0x3FAD]  }
0x31: {  	[smem:$0x3FB6] =	sst s10  }
0x32: {  	s10 =	sld [smem:$0x3FB4];
	_ =	sdelay $0x3  }
0x33: {  	p0 =	seq.s32 s10, $0x1;
	s10 =	sld [smem:$0x3FB6];
	_ =	sdelay $0x3  }
0x34: {  	[smem:$0x3FB6] =	sst s10  }
0x35: {  	s10 =	sld [smem:$0x3FB5];
	_ =	sdelay $0x3  }
0x36: {  	p1 =	seq.s32 s10, $0x1;
	s10 =	sld [smem:$0x3FB6];
	_ =	sdelay $0x3  }
0x37: {  	[smem:$0x3FB6] =	sst s10  }
0x38: {  	s10 =	sld [smem:$0x3FB7]  }
0x39: {  	_ = 	snop;
	(pc) =	sbr.ind lr, $3  }
0x3a: {  	_ = 	snop  }
0x3b: {  	_ = 	snop  }
0x3c: {  	p2 =	seq.s32 s10, $0x1;
	s10 =	sld [smem:$0x3FB6]  }
0x3d: {  	_ =	shalt  }
0x3e: {  	_ =	shalt  }
0x3f: {  	_ =	shalt  }
0x40: {  	_ =	shalt  }
0x41: {  	_ =	shalt  }
0x42: {  	_ =	shalt  }
0x43: {  	_ =	shalt  }
0x44: {  	_ =	shalt  }
0x45: {  	_ =	shalt  }
0x46: {  	_ =	shalt  }
0x47: {  	_ =	shalt  }
0x48: {  	_ =	shalt  }
0x49: {  	_ =	shalt  }
0x4a: {  	_ =	shalt  }
0x4b: {  	_ =	shalt  }
0x4c: {  	_ =	shalt  }
0x4d: {  	_ =	shalt  }
0x4e: {  	_ =	shalt  }
0x4f: {  	_ =	shalt  }
0x50: {  	_ =	shalt  }
0x51: {  	_ =	shalt  }
0x52: {  	_ =	shalt  }
0x53: {  	_ =	shalt  }
0x54: {  	_ =	shalt  }
0x55: {  	_ =	shalt  }
0x56: {  	_ =	shalt  }
0x57: {  	_ =	shalt  }
0x58: {  	_ =	shalt  }
0x59: {  	_ =	shalt  }
0x5a: {  	_ =	shalt  }
0x5b: {  	_ =	shalt  }
0x5c: {  	_ =	shalt  }
0x5d: {  	_ =	shalt  }
0x5e: {  	_ =	shalt  }
0x5f: {  	_ =	shalt  }
0x60: {  	_ =	shalt  }
0x61: {  	_ =	shalt  }
0x62: {  	_ =	shalt  }
0x63: {  	_ =	shalt  }
0x64: {  	_ =	shalt  }
0x65: {  	_ =	shalt  }
0x66: {  	_ =	shalt  }
0x67: {  	_ =	shalt  }
0x68: {  	_ =	shalt  }
0x69: {  	_ =	shalt  }
0x6a: {  	_ =	shalt  }
0x6b: {  	_ =	shalt  }
0x6c: {  	_ =	shalt  }
0x6d: {  	_ =	shalt  }
0x6e: {  	_ =	shalt  }
0x6f: {  	_ =	shalt  }
0x70: {  	_ =	shalt  }
0x71: {  	_ =	shalt  }
0x72: {  	_ =	shalt  }
0x73: {  	_ =	shalt  }
0x74: {  	_ =	shalt  }
0x75: {  	_ =	shalt  }
0x76: {  	_ =	shalt  }
0x77: {  	_ =	shalt  }
0x78: {  	_ =	shalt  }
0x79: {  	_ =	shalt  }
0x7a: {  	_ =	shalt  }
0x7b: {  	_ =	shalt  }
0x7c: {  	_ =	shalt  }
0x7d: {  	_ =	shalt  }
0x7e: {  	_ =	shalt  }
0x7f: {  	_ =	shalt  }
0x80: {  	_ =	shalt  }
0x81: {  	_ =	shalt  }
0x82: {  	_ =	shalt  }
0x83: {  	_ =	shalt  }
0x84: {  	_ =	shalt  }
0x85: {  	_ =	shalt  }
0x86: {  	_ =	shalt  }
0x87: {  	_ =	shalt  }
.Lfunc_end0:
.L_simem_size_0:
called_computation.2_lowered:
.L_overlay_start_0:
0x88: {  	s2 =	sld [smem:$0x3FD9]  }
0x89: {  	s3 =	sld [smem:$0x3FFE];
	_ =	sdelay $0x1  }
0x8a: {  	s1 =	srdreg.scid  }
0x8b: {  	s0 =	sand.u32 $0x1, s1  }
0x8c: {  	s17 =	sshll.u32 s0, $0xA;
	s2 =	sadd.s32 s3, s2  }
0x8d: {  	s2 =	sadd.s32 s2, s17  }
0x8e: {  	[smem:$0x3FC2] =	sst s2  }
0x8f: {  	_ = 	snop  }
0x90: {  	s2 =	sld [smem:$0x3FD0];
	(tm) =	ssettm $0x1  }
0x91: {  	s18 =	sld [smem:$0x3FFB];
	_ =	sdelay $0x3  }
0x92: {  	_ =	strace s18  }
0x93: {  	s3 =	sld [smem:$0x3FFC];
	_ =	sdelay $0x3  }
0x94: {  	_ =	strace s3  }
0x95: {  	s3 =	sld [smem:$0x3FFD];
	_ =	sdelay $0x3  }
0x96: {  	_ =	strace s3  }
0x97: {  	_ =	strace $0x8FFFFFFF  }
0x98: {  	s19 =	sld [smem:$0x3FDB];
	_ =	sdelay $0x1  }
0x99: {  	s4 =	simm.s32 $_scs_section_size  }
0x9a: {  	s5 =	simm.s32 $_size__tile_overlayer_lowered;
	s6 =	simm.s32 $_tile_overlayer_lowered  }
0x9b: {  	s22 =	simm.s32 $0x1BFF;
	s21 =	sshll.u32 s6, $0x1;
	s3 =	sadd.s32 s4, s19  }
0x9c: {  	s7 =	simm.s32 $0x0;
	s20 =	sshll.u32 s5, $0x1;
	s5 =	sadd.s32 s21, s3  }
0x9d: {  	[timem:s7], [sflag:s22] =	dma.local [hbm:s5], s20  }
0x9e: {  	_ =	swait.ge [sflag:s22], s20  }
0x9f: {  	s4 =	ssub.s32 $0x0, s20;
	[sflag:s22] =	ssyncset.done $0x0  }
0xa0: {  	[sflag:s22] =	ssyncadd.s32 s4;
	_ =	sdelay $0x1  }
0xa1: {  	s23 =	simm.s32 $0x1B8B  }
0xa2: {  	_ =	swait.ge [sflag:s23], $0x1  }
0xa3: {  	[sflag:s23] =	ssyncset.done $0x0  }
0xa4: {  	s25 =	simm.s32 $0x1B8E;
	s24 =	sld [smem:$0x3FFE];
	[sflag:s23] =	ssyncadd.s32 $0xFFFFFFFF  }
0xa5: {  	s26 =	simm.s32 $execute0_lowered;
	[smem:$0x3FD2] =	sst s25  }
0xa6: {  	s5 =	sshll.u32 s26, $0x1;
	_ =	strace $0x8000004C;
	[dreg:$0x1] =	wrdreg $0xFFFFFFFF  }
0xa7: {  	s28 =	simm.s32 $_size_execute0_lowered;
	s3 =	sadd.s32 s3, s5;
	[dreg:$0x0] =	wrdreg $0x0  }
0xa8: {  	s5 =	sshll.u32 s28, $0x1;
	[dreg:$0x2] =	wrdreg s3  }
0xa9: {  	[dreg:$0x3] =	wrdreg s5  }
0xaa: {  	[dreg:$0x4] =	wrdreg $0xC0  }
0xab: {  	_ =	task [dreg:s7], $0x5FFFF  }
0xac: {  	[dreg:$0x1] =	wrdreg $0xFFFFFFFF  }
0xad: {  	[dreg:$0x0] =	wrdreg $0x60  }
0xae: {  	[dreg:$0x2] =	wrdreg s24  }
0xaf: {  	[dreg:$0x3] =	wrdreg s2  }
0xb0: {  	[dreg:$0x4] =	wrdreg $0x88000  }
0xb1: {  	[dreg:$0x5] =	wrdreg $0x124800  }
0xb2: {  	[dreg:$0x6] =	wrdreg $0x9  }
0xb3: {  	_ =	task.clear_ibuf [dreg:s7], $0x7FFFF;
	_ =	strace $0x9000004C  }
0xb4: {  	s29 =	simm.s32 $0x9;
	_ =	strace $0x8000004E  }
0xb5: {  	_ =	swait.ge [sflag:s29], $0x1  }
0xb6: {  	[sflag:s29] =	ssyncadd.s32 $0xFFFFFFFF  }
0xb7: {  	_ =	strace $0x9000004E  }
0xb8: {  	_ =	sfence  }
0xb9: {  	s30 =	sld [smem:$0x0];
	_ =	sdelay $0x2  }
0xba: {  	s31 =	sshll.u32 s1, $0xD;
	s1 =	sshrl.u32 s1, $0x2  }
0xbb: {  	s3 =	sand.u32 $0x4000, s31;
	s1 =	sadd.s32 s1, s30  }
0xbc: {  	s0 =	sor.u32 s3, s0;
	s1 =	sshll.u32 s1, $0x11  }
0xbd: {  	s0 =	sor.u32 s1, s0  }
0xbe: {  	s0 =	sadd.s32 $0x8F2B, s0  }
0xbf: {  	[sflag:s0] =	ssyncadd.remote.s32 $0x1  }
0xc0: {  	_ =	sfence.sel $0xFFFF  }
0xc1: {  	[dreg:$0x0] =	wrdreg $0xFFFFFFFF;
	(pc) =	sbr.abs _section_cstart, $3  }
0xc2: {  	[dreg:$0x1] =	wrdreg $0xFFFFFFFF  }
0xc3: {  	_ =	task.clear_ibuf [dreg:s7], $0x2FFFF;
	_ =	strace $0x9FFFFFFF  }
0xc4: {  	(tm) =	ssettm $0x7FFFFFFF  }
0xc5: {  	_ =	shalt  }
tec
execute0_lowered:
.L_overlay_start_1:
0x0: {  	(tag) =	ssettag $0x1  }
0x1: {  	s0 =	rddreg [dreg:$0x0]  }
0x2: {  	s1 =	rddreg [dreg:$0x1];
	s12 =	stileid.u32  }
0x3: {  	s3 =	srdreg.scid;
	s2 =	rddreg [dreg:$0x2]  }
0x4: {  	s8 =	simm.s32 $0x0;
	s28 =	simm.s32 $0x2;
	s29 =	simm.s32 $0x2800  }
0x5: {  	s30 =	simm.s32 $0x9;
	s31 =	simm.s32 $0xE;
	s4 =	smul.u32 $0x9C40, s12  }
0x6: {  	s5 =	sand.u32 $0x1, s3;
	s6 =	smul.u32 $0xA000, s12;
	s3 =	rddreg [dreg:$0x3]  }
0x7: {  	[smem:$0x7FF] =	sst s8;
	s9 =	sadd.s32 $0x15E00, s0;
	s11 =	smul.u32 $0x28000, s12  }
0x8: {  	s25 =	sshll.u32 s12, $0x6;
	s7 =	smul.u32 $0xA0000, s5;
	_ =	strace $0x8000004D  }
0x9: {  	[dreg:$0x5] =	wrdreg s9;
	s21 =	ssub.s32 $0x2, s5;
	s10 =	sshll.u32 s5, $0x4  }
0xa: {  	s13 =	sor.u32 $0x1C11, s25;
	s5 =	smul.u32 $0x9E00, s5;
	s9 =	simm.s32 $0x700  }
0xb: {  	s20 =	sshrl.u32 s4, $0x3;
	s22 =	sshrl.u32 s21, $0x1;
	s23 =	sor.u32 s12, s10  }
0xc: {  	s4 =	sadd.s32 s4, s2;
	s26 =	sshrl.u32 s11, $0x2;
	s10 =	simm.s32 $0x6  }
0xd: {  	[dreg:$0x8] =	wrdreg s13;
	s7 =	sadd.s32 s6, s7;
	s8 =	sadd.s32 s20, s0  }
0xe: {  	[dreg:$0x6] =	wrdreg s4;
	s11 =	sadd.s32 s26, s3;
	s6 =	sadd.s32 s6, s3  }
0xf: {  	s14 =	smul.u32 $0x4F00, s23;
	s24 =	sadd.s32 $0x2400, s8;
	[dreg:$0x9] =	wrdreg s6  }
0x10: {  	s18 =	smul.u32 $0x9E0, s23;
	s15 =	sadd.s32 $0x2000, s11;
	[dreg:$0x7] =	wrdreg s24  }
0x11: {  	s7 =	sshrl.u32 s7, $0x3;
	s16 =	sadd.s32 $0x4000, s11;
	[dreg:$0xa] =	wrdreg s15  }
0x12: {  	s17 =	sadd.s32 $0x6000, s11;
	s4 =	sadd.s32 $0x8000, s11;
	[dreg:$0xb] =	wrdreg s16  }
0x13: {  	s11 =	simm.s32 $0x10;
	s0 =	sadd.s32 s7, s0;
	[dreg:$0xc] =	wrdreg s17  }
0x14: {  	s7 =	ssub.s32 s21, s22;
	s19 =	sshrl.u32 s14, $0x3;
	[dreg:$0xd] =	wrdreg s4  }
0x15: {  	s6 =	sadd.s32 s1, s18;
	s22 =	smul.u32 $0x9E0, s12;
	s24 =	sadd.s32 $0x16200, s8  }
0x16: {  	s17 =	simm.s32 $0xF;
	s18 =	simm.s32 $0x4;
	s12 =	simm.s32 $0x5  }
0x17: {  	s14 =	simm.s32 $0xC;
	s16 =	simm.s32 $0xD;
	s8 =	simm.s32 $0x7  }
0x18: {  	s15 =	simm.s32 $0x1;
	s20 =	sadd.s32 s1, s19;
	[dreg:$0xe] =	wrdreg s6  }
0x19: {  	s23 =	sadd.s32 $0x51C00, s0;
	s1 =	sadd.s32 s5, s1;
	[dreg:$0x12] =	wrdreg s24  }
0x1a: {  	s0 =	sadd.s32 $0x29C00, s0;
	s26 =	smax.u32 s7, $0x1;
	s6 =	simm.s32 $0xA  }
0x1b: {  	s5 =	simm.s32 $0xB;
	s19 =	simm.s32 $0x680;
	s7 =	simm.s32 $0x0  }
0x1c: {  	s21 =	sadd.s32 $0x20, s20;
	s4 =	sadd.s32 $0x40, s20;
	[dreg:$0x11] =	wrdreg s23  }
.Ltmp0:
0x1d: {  	[dreg:$0x13] =	wrdreg s0;
	s25 =	sadd.s32 s22, s1;
	(pc) =	sbr.rel .LBB2_1-.Ltmp0, $4  }
0x1e: {  	[dreg:$0x14] =	wrdreg s26;
	s22 =	simm.s32 $0x11;
	s23 =	simm.s32 $0x800  }
0x1f: {  	s26 =	simm.s32 $0x80;
	s1 =	simm.s32 $0x3;
	[dreg:$0xf] =	wrdreg s21  }
0x20: {  	s20 =	simm.s32 $0x6800;
	[dreg:$0x10] =	wrdreg s4;
	s0 =	sadd.s32 $0x60, s25  }
0x21: {  	s21 =	simm.s32 $0x8;
	[dreg:$0x15] =	wrdreg s0;
	s0 =	simm.s32 $0x4800  }
.LBB2_113:
0x22: {  	_ =	swait.ge [sflag:s11], $0x2000  }
0x23: {  	[sflag:s11] =	ssyncset.done $0x0  }
0x24: {  	[sflag:s11] =	ssyncadd.s32 $0xFFFFE000  }
0x25: {  	_ =	swait.ge [sflag:s16], $0x2000  }
0x26: {  	[sflag:s16] =	ssyncset.done $0x0  }
0x27: {  	[sflag:s16] =	ssyncadd.s32 $0xFFFFE000  }
0x28: {  	_ =	swait.ge [sflag:s31], $0x2000  }
0x29: {  	[sflag:s31] =	ssyncset.done $0x0  }
0x2a: {  	[sflag:s31] =	ssyncadd.s32 $0xFFFFE000  }
0x2b: {  	_ =	swait.ge [sflag:s17], $0x2000  }
0x2c: {  	[sflag:s17] =	ssyncset.done $0x0  }
0x2d: {  	[sflag:s17] =	ssyncadd.s32 $0xFFFFE000  }
0x2e: {  	[bflag:$0x0] =	sbarrier.arrive $0xFFFF  }
0x2f: {  	s13 =	rddreg [dreg:$0x8]  }
0x30: {  	s4 =	rddreg [dreg:$0x13]  }
0x31: {  	s7 =	rddreg [dreg:$0x18]  }
0x32: {  	[hbm:s4], [sflag:s13] =	dma.local [spmem:s7], $0x1400  }
0x33: {  	_ =	swait.ge [sflag:s22], $0x1400  }
0x34: {  	s24 =	rddreg [dreg:$0x16]  }
0x35: {  	s25 =	rddreg [dreg:$0x14];
	s7 =	sadd.s32 $0x1, s24  }
0x36: {  	p0 =	sne.s32 s7, s25  }
.Ltmp1:
0x37: {  	_ = 	snop;
	(pc) =	sbr.rel @!p0 .LBB2_114-.Ltmp1, $3  }
0x38: {  	_ =	sdelay $0x1  }
0x39: {  	[sflag:s22] =	ssyncset.done $0x0  }
0x3a: {  	[sflag:s22] =	ssyncadd.s32 $0xFFFFEC00  }
.LBB2_1:
0x3b: {  	[dreg:$0x16] =	wrdreg s7  }
0x3c: {  	s4 =	rddreg [dreg:$0x6]  }
0x3d: {  	s25 =	rddreg [dreg:$0x7];
	s24 =	sshrl.u32 s4, $0x3  }
0x3e: {  	[dreg:$0x17] =	wrdreg s24  }
0x3f: {  	[spmem:s24], [sflag:s13] =	dma.local [hbm:s25], $0x1388  }
0x40: {  	_ =	swait.ge [sflag:s22], $0x1388  }
0x41: {  	[sflag:s22] =	ssyncset.done $0x0  }
0x42: {  	s4 =	simm.s32 $0x0;
	s13 =	rddreg [dreg:$0x5];
	[sflag:s22] =	ssyncadd.s32 $0xFFFFEC78  }
0x43: {  	[tilespmem:s23], [sflag:$0x11] =	stream.linear.gather [hbm4b:s13+s4], $0x2000, $0x38;
	[tilespmem:$0x1C480] =	vst v63  }
0x44: {  	_ =	swait.ge [sflag:s22], $0x2000  }
0x45: {  	[sflag:s22] =	ssyncset.done $0x0  }
0x46: {  	s24 =	rddreg [dreg:$0x9];
	[sflag:s22] =	ssyncadd.s32 $0xFFFFE000  }
0x47: {  	[spmem:s24] =	stream.linear.scatter [tilespmem:s23], [sflag:$0x11], $0x2000, $0x38;
	[tilespmem:$0x1C480] =	vst v63  }
0x48: {  	_ =	swait.ge [sflag:s22], $0x2000  }
0x49: {  	[sflag:s22] =	ssyncset.done $0x0  }
0x4a: {  	s25 =	rddreg [dreg:$0xa];
	[sflag:s22] =	ssyncadd.s32 $0xFFFFE000  }
0x4b: {  	[spmem:s25] =	stream.linear.scatter [tilespmem:s23], [sflag:$0x11], $0x2000, $0x38;
	[tilespmem:$0x1C480] =	vst v63  }
0x4c: {  	_ =	swait.ge [sflag:s22], $0x2000  }
0x4d: {  	[sflag:s22] =	ssyncset.done $0x0  }
0x4e: {  	s13 =	rddreg [dreg:$0xb];
	[sflag:s22] =	ssyncadd.s32 $0xFFFFE000  }
0x4f: {  	[spmem:s13] =	stream.linear.scatter [tilespmem:s23], [sflag:$0x11], $0x2000, $0x38;
	[tilespmem:$0x1C480] =	vst v63  }
0x50: {  	_ =	swait.ge [sflag:s22], $0x2000  }
0x51: {  	[sflag:s22] =	ssyncset.done $0x0  }
0x52: {  	s24 =	rddreg [dreg:$0xc];
	[sflag:s22] =	ssyncadd.s32 $0xFFFFE000  }
0x53: {  	[spmem:s24] =	stream.linear.scatter [tilespmem:s23], [sflag:$0x11], $0x2000, $0x38;
	[tilespmem:$0x1C480] =	vst v63  }
0x54: {  	_ =	swait.ge [sflag:s22], $0x2000  }
0x55: {  	[sflag:s22] =	ssyncset.done $0x0  }
0x56: {  	s25 =	rddreg [dreg:$0xd];
	[sflag:s22] =	ssyncadd.s32 $0xFFFFE000  }
0x57: {  	[spmem:s25] =	stream.linear.scatter [tilespmem:s23], [sflag:$0x11], $0x2000, $0x38;
	[tilespmem:$0x1C480] =	vst v63  }
0x58: {  	_ =	swait.ge [sflag:s22], $0x2000  }
0x59: {  	[sflag:s22] =	ssyncset.done $0x0  }
0x5a: {  	[sflag:s22] =	ssyncadd.s32 $0xFFFFE000  }
0x5b: {  	[bflag:$0x0] =	sbarrier.arrive $0xFFFF  }
0x5c: {  	s13 =	rddreg [dreg:$0xe]  }
0x5d: {  	[tilespmem:s4], [sflag:$0x11] =	stream.linear.gather [hbm4b:s13+s4], $0x100, $0x38;
	[tilespmem:$0x1C480] =	vst v63  }
0x5e: {  	_ =	swait.ge [sflag:s22], $0x100  }
0x5f: {  	[sflag:s22] =	ssyncset.done $0x0  }
0x60: {  	s25 =	simm.s32 $0x100;
	s24 =	rddreg [dreg:$0xf];
	[sflag:s22] =	ssyncadd.s32 $0xFFFFFF00  }
0x61: {  	[tilespmem:s25], [sflag:$0x2] =	stream.linear.gather [hbm4b:s24+s4], $0x100, $0x38;
	[tilespmem:$0x1C480] =	vst v63  }
.Ltmp2:
0x62: {  	s24 =	rddreg [dreg:$0x10];
	s25 =	simm.s32 $0x200;
	(pc) =	sbr.rel .LBB2_2-.Ltmp2, $4  }
0x63: {  	[tilespmem:s25], [sflag:$0x3] =	stream.linear.gather [hbm4b:s24+s4], $0x100, $0x38;
	[tilespmem:$0x1C480] =	vst v63  }
0x64: {  	_ = 	snop  }
0x65: {  	[tilespmem:s23], [sflag:$0x9] =	stream.indirect.gather [spmem:s2], $0x40, s4, s26, $0xb8;
	[tilespmem:$0x1C480] =	vst v63  }
0x66: {  	s25 =	simm.s32 $0x0;
	s4 =	rddreg [dreg:$0x15]  }
.LBB2_48:
0x67: {  	_ =	swait.ge [sflag:s21], $0x100  }
0x68: {  	[sflag:s21] =	ssyncset.done $0x0  }
0x69: {  	[sflag:s21] =	ssyncadd.s32 $0xFFFFFF00  }
0x6a: {  	[tilespmem:s20], [sflag:$0xC] =	stream.indirect.gather [spmem:s2], $0x40, s9, s26, $0xb8;
	[tilespmem:$0x1C480] =	vst v63  }
.LBB2_49:
0x6b: {  	_ =	swait.ge [sflag:s5], $0x2000  }
0x6c: {  	p0 =	sgt.u32 s25, $0x4B;
	[sflag:s5] =	ssyncset.done $0x0  }
0x6d: {  	s7 =	simm.s32 @!p0 $0x0;
	s13 =	simm.s32 @!p0 $0x100;
	[sflag:s5] =	ssyncadd.s32 $0xFFFFE000  }
0x6e: {  	[tilespmem:s13], [sflag:$0x2] =	stream.linear.gather @!p0 [hbm4b:s4+s7], $0x100, $0x38;
	[tilespmem:$0x1C480] =	vst v63  }
0x6f: {  	_ = 	snop  }
0x70: {  	[spmem:s3] =	stream.indirect.scatter.add.f32 [tilespmem:s0], [sflag:$0xF], $0x40, s19, s26, $0xb8;
	[tilespmem:$0x1C480] =	vst v63  }
.LBB2_56:
0x71: {  	s25 =	sadd.s32 $0x1, s25  }
0x72: {  	p0 =	sne.s32 s25, $0x4F  }
.Ltmp3:
0x73: {  	_ = 	snop;
	(pc) =	sbr.rel @!p0 .LBB2_57-.Ltmp3, $2  }
0x74: {  	_ =	sdelay $0x2  }
0x75: {  	s4 =	sadd.s32 $0x20, s4  }
.LBB2_2:
0x76: {  	s13 =	sand.u32 $0x7, s25  }
0x77: {  	p0 =	sgt.s32 s13, $0x3  }
.Ltmp4:
0x78: {  	_ = 	snop;
	(pc) =	sbr.rel @p0 .LBB2_10-.Ltmp4, $1  }
0x79: {  	_ =	sdelay $0x3  }
0x7a: {  	p0 =	sgt.s32 s13, $0x1  }
.Ltmp5:
0x7b: {  	_ = 	snop;
	(pc) =	sbr.rel @p0 .LBB2_26-.Ltmp5, $1  }
0x7c: {  	_ =	sdelay $0x3  }
0x7d: {  	p0 =	seq.s32 s13, $0x0  }
.Ltmp6:
0x7e: {  	_ = 	snop;
	(pc) =	sbr.rel @!p0 .LBB2_12-.Ltmp6, $1  }
0x7f: {  	_ =	sdelay $0x3  }
0x80: {  	p0 =	slt.u32 s25, $0x3  }
.Ltmp7:
0x81: {  	_ = 	snop;
	(pc) =	sbr.rel @p0 .LBB2_8-.Ltmp7, $1  }
0x82: {  	_ =	sdelay $0x3  }
0x83: {  	p0 =	seq.s32 s25, $0x4E  }
.Ltmp8:
0x84: {  	_ = 	snop;
	(pc) =	sbr.rel @p0 .LBB2_9-.Ltmp8, $1  }
0x85: {  	_ =	sdelay $0x3  }
0x86: {  	_ =	swait.ge [sflag:s31], $0x2000  }
0x87: {  	[sflag:s31] =	ssyncset.done $0x0  }
0x88: {  	[sflag:s31] =	ssyncadd.s32 $0xFFFFE000  }
.LBB2_8:
0x89: {  	_ =	swait.ge [sflag:s28], $0x100  }
0x8a: {  	[sflag:s28] =	ssyncset.done $0x0  }
0x8b: {  	s7 =	simm.s32 $0x100;
	[sflag:s28] =	ssyncadd.s32 $0xFFFFFF00  }
0x8c: {  	[tilespmem:s29], [sflag:$0xA] =	stream.indirect.gather [spmem:s2], $0x40, s7, s26, $0xb8;
	[tilespmem:$0x1C480] =	vst v63  }
.LBB2_9:
0x8d: {  	_ =	swait.ge [sflag:s30], $0x2000  }
.Ltmp9:
0x8e: {  	p0 =	sgt.u32 s25, $0x4B;
	[sflag:s30] =	ssyncset.done $0x0;
	(pc) =	sbr.rel .LBB2_56-.Ltmp9, $4  }
0x8f: {  	s13 =	simm.s32 @!p0 $0x0;
	s24 =	simm.s32 @!p0 $0x300;
	[sflag:s30] =	ssyncadd.s32 $0xFFFFE000  }
0x90: {  	[tilespmem:s24], [sflag:$0x4] =	stream.linear.gather @!p0 [hbm4b:s4+s13], $0x100, $0x38;
	[tilespmem:$0x1C480] =	vst v63  }
0x91: {  	_ = 	snop  }
0x92: {  	[spmem:s3] =	stream.indirect.scatter.add.f32 [tilespmem:s23], [sflag:$0xD], $0x40, s26, s26, $0xb8;
	[tilespmem:$0x1C480] =	vst v63  }
.LBB2_10:
0x93: {  	p0 =	sgt.s32 s13, $0x5  }
.Ltmp10:
0x94: {  	_ = 	snop;
	(pc) =	sbr.rel @p0 .LBB2_50-.Ltmp10, $1  }
0x95: {  	_ =	sdelay $0x3  }
0x96: {  	p0 =	seq.s32 s13, $0x4  }
.Ltmp11:
0x97: {  	_ = 	snop;
	(pc) =	sbr.rel @p0 .LBB2_34-.Ltmp11, $4  }
.Ltmp12:
0x98: {  	_ = 	snop;
	(pc) =	sbr.rel @!p0 .LBB2_40-.Ltmp12, $4  }
0x99: {  	_ = 	snop  }
0x9a: {  	_ = 	snop  }
0x9b: {  	_ = 	snop  }
0x9c: {  	_ = 	snop  }
.LBB2_26:
0x9d: {  	p0 =	seq.s32 s13, $0x2  }
.Ltmp13:
0x9e: {  	_ = 	snop;
	(pc) =	sbr.rel @!p0 .LBB2_27-.Ltmp13, $1  }
0x9f: {  	_ =	sdelay $0x3  }
0xa0: {  	p0 =	slt.u32 s25, $0x3  }
.Ltmp14:
0xa1: {  	_ = 	snop;
	(pc) =	sbr.rel @p0 .LBB2_20-.Ltmp14, $1  }
0xa2: {  	_ =	sdelay $0x3  }
0xa3: {  	p0 =	seq.s32 s25, $0x4E  }
.Ltmp15:
0xa4: {  	_ = 	snop;
	(pc) =	sbr.rel @p0 .LBB2_21-.Ltmp15, $1  }
0xa5: {  	_ =	sdelay $0x3  }
0xa6: {  	_ =	swait.ge [sflag:s11], $0x2000  }
0xa7: {  	[sflag:s11] =	ssyncset.done $0x0  }
0xa8: {  	[sflag:s11] =	ssyncadd.s32 $0xFFFFE000  }
.LBB2_20:
0xa9: {  	_ =	swait.ge [sflag:s18], $0x100  }
0xaa: {  	[sflag:s18] =	ssyncset.done $0x0  }
0xab: {  	s7 =	simm.s32 $0x300;
	[sflag:s18] =	ssyncadd.s32 $0xFFFFFF00  }
0xac: {  	[tilespmem:s20], [sflag:$0xC] =	stream.indirect.gather [spmem:s2], $0x40, s7, s26, $0xb8;
	[tilespmem:$0x1C480] =	vst v63  }
.LBB2_21:
0xad: {  	_ =	swait.ge [sflag:s5], $0x2000  }
0xae: {  	p0 =	sgt.u32 s25, $0x4B;
	[sflag:s5] =	ssyncset.done $0x0  }
0xaf: {  	s24 =	simm.s32 @!p0 $0x0;
	s7 =	simm.s32 @!p0 $0x500;
	[sflag:s5] =	ssyncadd.s32 $0xFFFFE000  }
0xb0: {  	[tilespmem:s7], [sflag:$0x6] =	stream.linear.gather @!p0 [hbm4b:s4+s24], $0x100, $0x38;
	[tilespmem:$0x1C480] =	vst v63  }
0xb1: {  	p0 =	sgt.s32 s13, $0x4  }
.Ltmp16:
0xb2: {  	_ = 	snop;
	(pc) =	sbr.rel @p0 .LBB2_24-.Ltmp16, $3  }
0xb3: {  	_ =	sdelay $0x1  }
0xb4: {  	s24 =	simm.s32 $0x280  }
0xb5: {  	[spmem:s3] =	stream.indirect.scatter.add.f32 [tilespmem:s0], [sflag:$0xF], $0x40, s24, s26, $0xb8;
	[tilespmem:$0x1C480] =	vst v63  }
0xb6: {  	p0 =	seq.s32 s13, $0x3  }
.Ltmp17:
0xb7: {  	_ = 	snop;
	(pc) =	sbr.rel @p0 .LBB2_27-.Ltmp17, $1  }
0xb8: {  	_ =	sdelay $0x3  }
0xb9: {  	p0 =	seq.s32 s13, $0x4  }
.Ltmp18:
0xba: {  	_ = 	snop;
	(pc) =	sbr.rel @p0 .LBB2_34-.Ltmp18, $4  }
.Ltmp19:
0xbb: {  	_ = 	snop;
	(pc) =	sbr.rel @!p0 .LBB2_56-.Ltmp19, $4  }
0xbc: {  	_ = 	snop  }
0xbd: {  	_ = 	snop  }
0xbe: {  	_ = 	snop  }
0xbf: {  	_ = 	snop  }
.LBB2_50:
0xc0: {  	p0 =	seq.s32 s13, $0x6  }
.Ltmp20:
0xc1: {  	_ = 	snop;
	(pc) =	sbr.rel @p0 .LBB2_45-.Ltmp20, $1  }
0xc2: {  	_ =	sdelay $0x3  }
0xc3: {  	p0 =	slt.u32 s25, $0x3  }
.Ltmp21:
0xc4: {  	_ = 	snop;
	(pc) =	sbr.rel @p0 .LBB2_54-.Ltmp21, $1  }
0xc5: {  	_ =	sdelay $0x3  }
0xc6: {  	p0 =	seq.s32 s25, $0x4E  }
.Ltmp22:
0xc7: {  	_ = 	snop;
	(pc) =	sbr.rel @p0 .LBB2_55-.Ltmp22, $1  }
0xc8: {  	_ =	sdelay $0x3  }
0xc9: {  	_ =	swait.ge [sflag:s16], $0x2000  }
0xca: {  	[sflag:s16] =	ssyncset.done $0x0  }
0xcb: {  	[sflag:s16] =	ssyncadd.s32 $0xFFFFE000  }
.LBB2_54:
0xcc: {  	_ =	swait.ge [sflag:s15], $0x100  }
0xcd: {  	[sflag:s15] =	ssyncset.done $0x0  }
0xce: {  	s7 =	simm.s32 $0x0;
	[sflag:s15] =	ssyncadd.s32 $0xFFFFFF00  }
0xcf: {  	[tilespmem:s23], [sflag:$0x9] =	stream.indirect.gather [spmem:s2], $0x40, s7, s26, $0xb8;
	[tilespmem:$0x1C480] =	vst v63  }
.LBB2_55:
0xd0: {  	_ =	swait.ge [sflag:s14], $0x2000  }
.Ltmp23:
0xd1: {  	p0 =	sgt.u32 s25, $0x4B;
	[sflag:s14] =	ssyncset.done $0x0;
	(pc) =	sbr.rel .LBB2_56-.Ltmp23, $4  }
0xd2: {  	s7 =	simm.s32 @!p0 $0x0;
	s13 =	simm.s32 @!p0 $0x200;
	[sflag:s14] =	ssyncadd.s32 $0xFFFFE000  }
0xd3: {  	[tilespmem:s13], [sflag:$0x3] =	stream.linear.gather @!p0 [hbm4b:s4+s7], $0x100, $0x38;
	[tilespmem:$0x1C480] =	vst v63  }
0xd4: {  	s24 =	simm.s32 $0x780  }
0xd5: {  	[spmem:s3] =	stream.indirect.scatter.add.f32 [tilespmem:s20], [sflag:$0x10], $0x40, s24, s26, $0xb8;
	[tilespmem:$0x1C480] =	vst v63  }
.LBB2_27:
0xd6: {  	p0 =	slt.u32 s25, $0x3  }
.Ltmp24:
0xd7: {  	_ = 	snop;
	(pc) =	sbr.rel @p0 .LBB2_30-.Ltmp24, $1  }
0xd8: {  	_ =	sdelay $0x3  }
0xd9: {  	p0 =	seq.s32 s25, $0x4E  }
.Ltmp25:
0xda: {  	_ = 	snop;
	(pc) =	sbr.rel @p0 .LBB2_31-.Ltmp25, $1  }
0xdb: {  	_ =	sdelay $0x3  }
0xdc: {  	_ =	swait.ge [sflag:s16], $0x2000  }
0xdd: {  	[sflag:s16] =	ssyncset.done $0x0  }
0xde: {  	[sflag:s16] =	ssyncadd.s32 $0xFFFFE000  }
.LBB2_30:
0xdf: {  	_ =	swait.ge [sflag:s12], $0x100  }
0xe0: {  	[sflag:s12] =	ssyncset.done $0x0  }
0xe1: {  	s7 =	simm.s32 $0x400;
	[sflag:s12] =	ssyncadd.s32 $0xFFFFFF00  }
0xe2: {  	[tilespmem:s23], [sflag:$0x9] =	stream.indirect.gather [spmem:s2], $0x40, s7, s26, $0xb8;
	[tilespmem:$0x1C480] =	vst v63  }
.LBB2_31:
0xe3: {  	_ =	swait.ge [sflag:s14], $0x2000  }
0xe4: {  	p0 =	sgt.u32 s25, $0x4B;
	[sflag:s14] =	ssyncset.done $0x0  }
0xe5: {  	s7 =	simm.s32 @!p0 $0x0;
	s24 =	simm.s32 @!p0 $0x600;
	[sflag:s14] =	ssyncadd.s32 $0xFFFFE000  }
0xe6: {  	[tilespmem:s24], [sflag:$0x7] =	stream.linear.gather @!p0 [hbm4b:s4+s7], $0x100, $0x38;
	[tilespmem:$0x1C480] =	vst v63  }
0xe7: {  	p0 =	seq.s32 s13, $0x6  }
.Ltmp26:
0xe8: {  	_ = 	snop;
	(pc) =	sbr.rel @p0 .LBB2_45-.Ltmp26, $3  }
0xe9: {  	_ =	sdelay $0x1  }
0xea: {  	s24 =	simm.s32 $0x380  }
0xeb: {  	[spmem:s3] =	stream.indirect.scatter.add.f32 [tilespmem:s20], [sflag:$0x10], $0x40, s24, s26, $0xb8;
	[tilespmem:$0x1C480] =	vst v63  }
0xec: {  	p0 =	seq.s32 s13, $0x5  }
.Ltmp27:
0xed: {  	_ = 	snop;
	(pc) =	sbr.rel @p0 .LBB2_40-.Ltmp27, $1  }
0xee: {  	_ =	sdelay $0x3  }
0xef: {  	p0 =	sne.s32 s13, $0x4  }
.Ltmp28:
0xf0: {  	_ = 	snop;
	(pc) =	sbr.rel @p0 .LBB2_56-.Ltmp28, $1  }
0xf1: {  	_ =	sdelay $0x3  }
.LBB2_34:
0xf2: {  	p0 =	slt.u32 s25, $0x3  }
.Ltmp29:
0xf3: {  	_ = 	snop;
	(pc) =	sbr.rel @p0 .LBB2_37-.Ltmp29, $1  }
0xf4: {  	_ =	sdelay $0x3  }
0xf5: {  	p0 =	seq.s32 s25, $0x4E  }
.Ltmp30:
0xf6: {  	_ = 	snop;
	(pc) =	sbr.rel @p0 .LBB2_38-.Ltmp30, $1  }
0xf7: {  	_ =	sdelay $0x3  }
0xf8: {  	_ =	swait.ge [sflag:s31], $0x2000  }
0xf9: {  	[sflag:s31] =	ssyncset.done $0x0  }
0xfa: {  	[sflag:s31] =	ssyncadd.s32 $0xFFFFE000  }
.LBB2_37:
0xfb: {  	_ =	swait.ge [sflag:s10], $0x100  }
0xfc: {  	[sflag:s10] =	ssyncset.done $0x0  }
0xfd: {  	s7 =	simm.s32 $0x500;
	[sflag:s10] =	ssyncadd.s32 $0xFFFFFF00  }
0xfe: {  	[tilespmem:s29], [sflag:$0xA] =	stream.indirect.gather [spmem:s2], $0x40, s7, s26, $0xb8;
	[tilespmem:$0x1C480] =	vst v63  }
.LBB2_38:
0xff: {  	_ =	swait.ge [sflag:s30], $0x2000  }
0x100: {  	p0 =	sgt.u32 s25, $0x4B;
	[sflag:s30] =	ssyncset.done $0x0  }
0x101: {  	s7 =	simm.s32 @!p0 $0x0;
	s24 =	simm.s32 @!p0 $0x700;
	[sflag:s30] =	ssyncadd.s32 $0xFFFFE000  }
0x102: {  	[tilespmem:s24], [sflag:$0x8] =	stream.linear.gather @!p0 [hbm4b:s4+s7], $0x100, $0x38;
	[tilespmem:$0x1C480] =	vst v63  }
0x103: {  	p0 =	seq.s32 s13, $0x6  }
.Ltmp31:
0x104: {  	_ = 	snop;
	(pc) =	sbr.rel @p0 .LBB2_45-.Ltmp31, $3  }
0x105: {  	_ =	sdelay $0x1  }
0x106: {  	s24 =	simm.s32 $0x480  }
0x107: {  	[spmem:s3] =	stream.indirect.scatter.add.f32 [tilespmem:s23], [sflag:$0xD], $0x40, s24, s26, $0xb8;
	[tilespmem:$0x1C480] =	vst v63  }
0x108: {  	p0 =	sne.s32 s13, $0x5  }
.Ltmp32:
0x109: {  	_ = 	snop;
	(pc) =	sbr.rel @!p0 .LBB2_40-.Ltmp32, $4  }
.Ltmp33:
0x10a: {  	_ = 	snop;
	(pc) =	sbr.rel @p0 .LBB2_56-.Ltmp33, $4  }
0x10b: {  	_ = 	snop  }
0x10c: {  	_ = 	snop  }
0x10d: {  	_ = 	snop  }
0x10e: {  	_ = 	snop  }
.LBB2_12:
0x10f: {  	p0 =	slt.u32 s25, $0x3  }
.Ltmp34:
0x110: {  	_ = 	snop;
	(pc) =	sbr.rel @p0 .LBB2_15-.Ltmp34, $1  }
0x111: {  	_ =	sdelay $0x3  }
0x112: {  	p0 =	seq.s32 s25, $0x4E  }
.Ltmp35:
0x113: {  	_ = 	snop;
	(pc) =	sbr.rel @p0 .LBB2_16-.Ltmp35, $1  }
0x114: {  	_ =	sdelay $0x3  }
0x115: {  	_ =	swait.ge [sflag:s17], $0x2000  }
0x116: {  	[sflag:s17] =	ssyncset.done $0x0  }
0x117: {  	[sflag:s17] =	ssyncadd.s32 $0xFFFFE000  }
.LBB2_15:
0x118: {  	_ =	swait.ge [sflag:s1], $0x100  }
0x119: {  	[sflag:s1] =	ssyncset.done $0x0  }
0x11a: {  	s7 =	simm.s32 $0x200;
	[sflag:s1] =	ssyncadd.s32 $0xFFFFFF00  }
0x11b: {  	[tilespmem:s0], [sflag:$0xB] =	stream.indirect.gather [spmem:s2], $0x40, s7, s26, $0xb8;
	[tilespmem:$0x1C480] =	vst v63  }
.LBB2_16:
0x11c: {  	_ =	swait.ge [sflag:s6], $0x2000  }
.Ltmp36:
0x11d: {  	p0 =	sgt.u32 s25, $0x4B;
	[sflag:s6] =	ssyncset.done $0x0;
	(pc) =	sbr.rel .LBB2_56-.Ltmp36, $4  }
0x11e: {  	s13 =	simm.s32 @!p0 $0x0;
	s24 =	simm.s32 @!p0 $0x400;
	[sflag:s6] =	ssyncadd.s32 $0xFFFFE000  }
0x11f: {  	[tilespmem:s24], [sflag:$0x5] =	stream.linear.gather @!p0 [hbm4b:s4+s13], $0x100, $0x38;
	[tilespmem:$0x1C480] =	vst v63  }
0x120: {  	s7 =	simm.s32 $0x180  }
0x121: {  	[spmem:s3] =	stream.indirect.scatter.add.f32 [tilespmem:s29], [sflag:$0xE], $0x40, s7, s26, $0xb8;
	[tilespmem:$0x1C480] =	vst v63  }
.LBB2_24:
0x122: {  	p0 =	seq.s32 s13, $0x5  }
.Ltmp37:
0x123: {  	_ = 	snop;
	(pc) =	sbr.rel @p0 .LBB2_40-.Ltmp37, $1  }
0x124: {  	_ =	sdelay $0x3  }
0x125: {  	p0 =	seq.s32 s13, $0x6  }
.Ltmp38:
0x126: {  	_ = 	snop;
	(pc) =	sbr.rel @p0 .LBB2_45-.Ltmp38, $4  }
.Ltmp39:
0x127: {  	_ = 	snop;
	(pc) =	sbr.rel @!p0 .LBB2_56-.Ltmp39, $4  }
0x128: {  	_ = 	snop  }
0x129: {  	_ = 	snop  }
0x12a: {  	_ = 	snop  }
0x12b: {  	_ = 	snop  }
.LBB2_40:
0x12c: {  	p0 =	slt.u32 s25, $0x3  }
.Ltmp40:
0x12d: {  	_ = 	snop;
	(pc) =	sbr.rel @p0 .LBB2_43-.Ltmp40, $1  }
0x12e: {  	_ =	sdelay $0x3  }
0x12f: {  	p0 =	seq.s32 s25, $0x4E  }
.Ltmp41:
0x130: {  	_ = 	snop;
	(pc) =	sbr.rel @p0 .LBB2_44-.Ltmp41, $1  }
0x131: {  	_ =	sdelay $0x3  }
0x132: {  	_ =	swait.ge [sflag:s17], $0x2000  }
0x133: {  	[sflag:s17] =	ssyncset.done $0x0  }
0x134: {  	[sflag:s17] =	ssyncadd.s32 $0xFFFFE000  }
.LBB2_43:
0x135: {  	_ =	swait.ge [sflag:s8], $0x100  }
0x136: {  	[sflag:s8] =	ssyncset.done $0x0  }
0x137: {  	s7 =	simm.s32 $0x600;
	[sflag:s8] =	ssyncadd.s32 $0xFFFFFF00  }
0x138: {  	[tilespmem:s0], [sflag:$0xB] =	stream.indirect.gather [spmem:s2], $0x40, s7, s26, $0xb8;
	[tilespmem:$0x1C480] =	vst v63  }
.LBB2_44:
0x139: {  	_ =	swait.ge [sflag:s6], $0x2000  }
0x13a: {  	p0 =	sgt.u32 s25, $0x4B;
	[sflag:s6] =	ssyncset.done $0x0  }
0x13b: {  	s7 =	simm.s32 @!p0 $0x0;
	[sflag:s6] =	ssyncadd.s32 $0xFFFFE000  }
0x13c: {  	[tilespmem:s7], [sflag:$0x1] =	stream.linear.gather @!p0 [hbm4b:s4+s7], $0x100, $0x38;
	[tilespmem:$0x1C480] =	vst v63  }
0x13d: {  	p0 =	sne.s32 s13, $0x6  }
.Ltmp42:
0x13e: {  	_ = 	snop;
	(pc) =	sbr.rel @p0 .LBB2_56-.Ltmp42, $3  }
0x13f: {  	_ =	sdelay $0x1  }
0x140: {  	s24 =	simm.s32 $0x580  }
0x141: {  	[spmem:s3] =	stream.indirect.scatter.add.f32 [tilespmem:s29], [sflag:$0xE], $0x40, s24, s26, $0xb8;
	[tilespmem:$0x1C480] =	vst v63  }
.LBB2_45:
0x142: {  	p0 =	slt.u32 s25, $0x3  }
.Ltmp43:
0x143: {  	_ = 	snop;
	(pc) =	sbr.rel @p0 .LBB2_48-.Ltmp43, $1  }
0x144: {  	_ =	sdelay $0x3  }
0x145: {  	p0 =	seq.s32 s25, $0x4E  }
.Ltmp44:
0x146: {  	_ = 	snop;
	(pc) =	sbr.rel @p0 .LBB2_49-.Ltmp44, $1  }
0x147: {  	_ =	sdelay $0x3  }
.Ltmp45:
0x148: {  	(pc) =	sbr.rel .LBB2_48-.Ltmp45, $4  }
0x149: {  	_ = 	snop  }
0x14a: {  	_ =	swait.ge [sflag:s11], $0x2000  }
0x14b: {  	[sflag:s11] =	ssyncset.done $0x0  }
0x14c: {  	[sflag:s11] =	ssyncadd.s32 $0xFFFFE000  }
.LBB2_57:
0x14d: {  	_ =	swait.ge [sflag:s11], $0x2000  }
0x14e: {  	[sflag:s11] =	ssyncset.done $0x0  }
0x14f: {  	[sflag:s11] =	ssyncadd.s32 $0xFFFFE000  }
0x150: {  	_ =	swait.ge [sflag:s16], $0x2000  }
0x151: {  	[sflag:s16] =	ssyncset.done $0x0  }
0x152: {  	[sflag:s16] =	ssyncadd.s32 $0xFFFFE000  }
0x153: {  	_ =	swait.ge [sflag:s31], $0x2000  }
0x154: {  	[sflag:s31] =	ssyncset.done $0x0  }
0x155: {  	[sflag:s31] =	ssyncadd.s32 $0xFFFFE000  }
0x156: {  	_ =	swait.ge [sflag:s17], $0x2000  }
0x157: {  	[sflag:s17] =	ssyncset.done $0x0  }
0x158: {  	[sflag:s17] =	ssyncadd.s32 $0xFFFFE000  }
0x159: {  	[bflag:$0x0] =	sbarrier.arrive $0xFFFF  }
0x15a: {  	s13 =	rddreg [dreg:$0x9]  }
0x15b: {  	s4 =	rddreg [dreg:$0x8]  }
0x15c: {  	s7 =	rddreg [dreg:$0x11];
	s24 =	sshrl.u32 s13, $0x3  }
0x15d: {  	[dreg:$0x18] =	wrdreg s24  }
0x15e: {  	[hbm:s7], [sflag:s4] =	dma.local [spmem:s24], $0x1400  }
0x15f: {  	_ =	swait.ge [sflag:s22], $0x1400  }
0x160: {  	[sflag:s22] =	ssyncset.done $0x0  }
0x161: {  	[sflag:s22] =	ssyncadd.s32 $0xFFFFEC00  }
0x162: {  	[bflag:$0x0] =	sbarrier.arrive $0xFFFF  }
0x163: {  	s24 =	rddreg [dreg:$0x12]  }
0x164: {  	s25 =	rddreg [dreg:$0x17]  }
0x165: {  	[spmem:s25], [sflag:s4] =	dma.local [hbm:s24], $0x1388  }
0x166: {  	_ =	swait.ge [sflag:s22], $0x1388  }
0x167: {  	[sflag:s22] =	ssyncset.done $0x0  }
0x168: {  	s4 =	simm.s32 $0x0;
	s24 =	rddreg [dreg:$0x5];
	[sflag:s22] =	ssyncadd.s32 $0xFFFFEC78  }
0x169: {  	[tilespmem:s23], [sflag:$0x11] =	stream.linear.gather [hbm4b:s24+s4], $0x2000, $0x38;
	[tilespmem:$0x1C480] =	vst v63  }
0x16a: {  	_ =	swait.ge [sflag:s22], $0x2000  }
0x16b: {  	[sflag:s22] =	ssyncset.done $0x0  }
0x16c: {  	[sflag:s22] =	ssyncadd.s32 $0xFFFFE000  }
0x16d: {  	[spmem:s13] =	stream.linear.scatter [tilespmem:s23], [sflag:$0x11], $0x2000, $0x38;
	[tilespmem:$0x1C480] =	vst v63  }
0x16e: {  	_ =	swait.ge [sflag:s22], $0x2000  }
0x16f: {  	[sflag:s22] =	ssyncset.done $0x0  }
0x170: {  	s25 =	rddreg [dreg:$0xa];
	[sflag:s22] =	ssyncadd.s32 $0xFFFFE000  }
0x171: {  	[spmem:s25] =	stream.linear.scatter [tilespmem:s23], [sflag:$0x11], $0x2000, $0x38;
	[tilespmem:$0x1C480] =	vst v63  }
0x172: {  	_ =	swait.ge [sflag:s22], $0x2000  }
0x173: {  	[sflag:s22] =	ssyncset.done $0x0  }
0x174: {  	s13 =	rddreg [dreg:$0xb];
	[sflag:s22] =	ssyncadd.s32 $0xFFFFE000  }
0x175: {  	[spmem:s13] =	stream.linear.scatter [tilespmem:s23], [sflag:$0x11], $0x2000, $0x38;
	[tilespmem:$0x1C480] =	vst v63  }
0x176: {  	_ =	swait.ge [sflag:s22], $0x2000  }
0x177: {  	[sflag:s22] =	ssyncset.done $0x0  }
0x178: {  	s24 =	rddreg [dreg:$0xc];
	[sflag:s22] =	ssyncadd.s32 $0xFFFFE000  }
0x179: {  	[spmem:s24] =	stream.linear.scatter [tilespmem:s23], [sflag:$0x11], $0x2000, $0x38;
	[tilespmem:$0x1C480] =	vst v63  }
0x17a: {  	_ =	swait.ge [sflag:s22], $0x2000  }
0x17b: {  	[sflag:s22] =	ssyncset.done $0x0  }
0x17c: {  	s25 =	rddreg [dreg:$0xd];
	[sflag:s22] =	ssyncadd.s32 $0xFFFFE000  }
0x17d: {  	[spmem:s25] =	stream.linear.scatter [tilespmem:s23], [sflag:$0x11], $0x2000, $0x38;
	[tilespmem:$0x1C480] =	vst v63  }
0x17e: {  	_ =	swait.ge [sflag:s22], $0x2000  }
0x17f: {  	[sflag:s22] =	ssyncset.done $0x0  }
0x180: {  	[sflag:s22] =	ssyncadd.s32 $0xFFFFE000  }
0x181: {  	[bflag:$0x0] =	sbarrier.arrive $0xFFFF  }
0x182: {  	s13 =	rddreg [dreg:$0xe]  }
0x183: {  	[tilespmem:s4], [sflag:$0x11] =	stream.linear.gather [hbm4b:s13+s4], $0x100, $0x38;
	[tilespmem:$0x1C480] =	vst v63  }
0x184: {  	_ =	swait.ge [sflag:s22], $0x100  }
0x185: {  	[sflag:s22] =	ssyncset.done $0x0  }
0x186: {  	s25 =	simm.s32 $0x100;
	s24 =	rddreg [dreg:$0xf];
	[sflag:s22] =	ssyncadd.s32 $0xFFFFFF00  }
0x187: {  	[tilespmem:s25], [sflag:$0x2] =	stream.linear.gather [hbm4b:s24+s4], $0x100, $0x38;
	[tilespmem:$0x1C480] =	vst v63  }
.Ltmp46:
0x188: {  	_ = 	snop;
	(pc) =	sbr.rel .LBB2_58-.Ltmp46, $4  }
0x189: {  	s24 =	rddreg [dreg:$0x10];
	s25 =	simm.s32 $0x200  }
0x18a: {  	[tilespmem:s25], [sflag:$0x3] =	stream.linear.gather [hbm4b:s24+s4], $0x100, $0x38;
	[tilespmem:$0x1C480] =	vst v63  }
0x18b: {  	s25 =	rddreg [dreg:$0x15]  }
0x18c: {  	[tilespmem:s23], [sflag:$0x9] =	stream.indirect.gather [spmem:s2], $0x40, s4, s26, $0xb8;
	[tilespmem:$0x1C480] =	vst v63  }
.LBB2_104:
0x18d: {  	_ =	swait.ge [sflag:s21], $0x100  }
0x18e: {  	[sflag:s21] =	ssyncset.done $0x0  }
0x18f: {  	[sflag:s21] =	ssyncadd.s32 $0xFFFFFF00  }
0x190: {  	[tilespmem:s20], [sflag:$0xC] =	stream.indirect.gather [spmem:s2], $0x40, s9, s26, $0xb8;
	[tilespmem:$0x1C480] =	vst v63  }
.LBB2_105:
0x191: {  	_ =	swait.ge [sflag:s5], $0x2000  }
0x192: {  	p0 =	sgt.u32 s4, $0x4B;
	[sflag:s5] =	ssyncset.done $0x0  }
0x193: {  	s7 =	simm.s32 @!p0 $0x0;
	s13 =	simm.s32 @!p0 $0x100;
	[sflag:s5] =	ssyncadd.s32 $0xFFFFE000  }
0x194: {  	[tilespmem:s13], [sflag:$0x2] =	stream.linear.gather @!p0 [hbm4b:s25+s7], $0x100, $0x38;
	[tilespmem:$0x1C480] =	vst v63  }
0x195: {  	_ = 	snop  }
0x196: {  	[spmem:s3] =	stream.indirect.scatter.add.f32 [tilespmem:s0], [sflag:$0xF], $0x40, s19, s26, $0xb8;
	[tilespmem:$0x1C480] =	vst v63  }
.LBB2_112:
0x197: {  	s4 =	sadd.s32 $0x1, s4  }
0x198: {  	p0 =	sne.s32 s4, $0x4F  }
.Ltmp47:
0x199: {  	_ = 	snop;
	(pc) =	sbr.rel @!p0 .LBB2_113-.Ltmp47, $2  }
0x19a: {  	_ =	sdelay $0x2  }
0x19b: {  	s25 =	sadd.s32 $0x20, s25  }
.LBB2_58:
0x19c: {  	s13 =	sand.u32 $0x7, s4  }
0x19d: {  	p0 =	sgt.s32 s13, $0x3  }
.Ltmp48:
0x19e: {  	_ = 	snop;
	(pc) =	sbr.rel @p0 .LBB2_66-.Ltmp48, $1  }
0x19f: {  	_ =	sdelay $0x3  }
0x1a0: {  	p0 =	sgt.s32 s13, $0x1  }
.Ltmp49:
0x1a1: {  	_ = 	snop;
	(pc) =	sbr.rel @p0 .LBB2_82-.Ltmp49, $1  }
0x1a2: {  	_ =	sdelay $0x3  }
0x1a3: {  	p0 =	seq.s32 s13, $0x0  }
.Ltmp50:
0x1a4: {  	_ = 	snop;
	(pc) =	sbr.rel @!p0 .LBB2_68-.Ltmp50, $1  }
0x1a5: {  	_ =	sdelay $0x3  }
0x1a6: {  	p0 =	slt.u32 s4, $0x3  }
.Ltmp51:
0x1a7: {  	_ = 	snop;
	(pc) =	sbr.rel @p0 .LBB2_64-.Ltmp51, $1  }
0x1a8: {  	_ =	sdelay $0x3  }
0x1a9: {  	p0 =	seq.s32 s4, $0x4E  }
.Ltmp52:
0x1aa: {  	_ = 	snop;
	(pc) =	sbr.rel @p0 .LBB2_65-.Ltmp52, $1  }
0x1ab: {  	_ =	sdelay $0x3  }
0x1ac: {  	_ =	swait.ge [sflag:s31], $0x2000  }
0x1ad: {  	[sflag:s31] =	ssyncset.done $0x0  }
0x1ae: {  	[sflag:s31] =	ssyncadd.s32 $0xFFFFE000  }
.LBB2_64:
0x1af: {  	_ =	swait.ge [sflag:s28], $0x100  }
0x1b0: {  	[sflag:s28] =	ssyncset.done $0x0  }
0x1b1: {  	s7 =	simm.s32 $0x100;
	[sflag:s28] =	ssyncadd.s32 $0xFFFFFF00  }
0x1b2: {  	[tilespmem:s29], [sflag:$0xA] =	stream.indirect.gather [spmem:s2], $0x40, s7, s26, $0xb8;
	[tilespmem:$0x1C480] =	vst v63  }
.LBB2_65:
0x1b3: {  	_ =	swait.ge [sflag:s30], $0x2000  }
.Ltmp53:
0x1b4: {  	p0 =	sgt.u32 s4, $0x4B;
	[sflag:s30] =	ssyncset.done $0x0;
	(pc) =	sbr.rel .LBB2_112-.Ltmp53, $4  }
0x1b5: {  	s7 =	simm.s32 @!p0 $0x0;
	s13 =	simm.s32 @!p0 $0x300;
	[sflag:s30] =	ssyncadd.s32 $0xFFFFE000  }
0x1b6: {  	[tilespmem:s13], [sflag:$0x4] =	stream.linear.gather @!p0 [hbm4b:s25+s7], $0x100, $0x38;
	[tilespmem:$0x1C480] =	vst v63  }
0x1b7: {  	_ = 	snop  }
0x1b8: {  	[spmem:s3] =	stream.indirect.scatter.add.f32 [tilespmem:s23], [sflag:$0xD], $0x40, s26, s26, $0xb8;
	[tilespmem:$0x1C480] =	vst v63  }
.LBB2_66:
0x1b9: {  	p0 =	sgt.s32 s13, $0x5  }
.Ltmp54:
0x1ba: {  	_ = 	snop;
	(pc) =	sbr.rel @p0 .LBB2_106-.Ltmp54, $1  }
0x1bb: {  	_ =	sdelay $0x3  }
0x1bc: {  	p0 =	seq.s32 s13, $0x4  }
.Ltmp55:
0x1bd: {  	_ = 	snop;
	(pc) =	sbr.rel @p0 .LBB2_90-.Ltmp55, $4  }
.Ltmp56:
0x1be: {  	_ = 	snop;
	(pc) =	sbr.rel @!p0 .LBB2_96-.Ltmp56, $4  }
0x1bf: {  	_ = 	snop  }
0x1c0: {  	_ = 	snop  }
0x1c1: {  	_ = 	snop  }
0x1c2: {  	_ = 	snop  }
.LBB2_82:
0x1c3: {  	p0 =	seq.s32 s13, $0x2  }
.Ltmp57:
0x1c4: {  	_ = 	snop;
	(pc) =	sbr.rel @!p0 .LBB2_83-.Ltmp57, $1  }
0x1c5: {  	_ =	sdelay $0x3  }
0x1c6: {  	p0 =	slt.u32 s4, $0x3  }
.Ltmp58:
0x1c7: {  	_ = 	snop;
	(pc) =	sbr.rel @p0 .LBB2_76-.Ltmp58, $1  }
0x1c8: {  	_ =	sdelay $0x3  }
0x1c9: {  	p0 =	seq.s32 s4, $0x4E  }
.Ltmp59:
0x1ca: {  	_ = 	snop;
	(pc) =	sbr.rel @p0 .LBB2_77-.Ltmp59, $1  }
0x1cb: {  	_ =	sdelay $0x3  }
0x1cc: {  	_ =	swait.ge [sflag:s11], $0x2000  }
0x1cd: {  	[sflag:s11] =	ssyncset.done $0x0  }
0x1ce: {  	[sflag:s11] =	ssyncadd.s32 $0xFFFFE000  }
.LBB2_76:
0x1cf: {  	_ =	swait.ge [sflag:s18], $0x100  }
0x1d0: {  	[sflag:s18] =	ssyncset.done $0x0  }
0x1d1: {  	s7 =	simm.s32 $0x300;
	[sflag:s18] =	ssyncadd.s32 $0xFFFFFF00  }
0x1d2: {  	[tilespmem:s20], [sflag:$0xC] =	stream.indirect.gather [spmem:s2], $0x40, s7, s26, $0xb8;
	[tilespmem:$0x1C480] =	vst v63  }
.LBB2_77:
0x1d3: {  	_ =	swait.ge [sflag:s5], $0x2000  }
0x1d4: {  	p0 =	sgt.u32 s4, $0x4B;
	[sflag:s5] =	ssyncset.done $0x0  }
0x1d5: {  	s7 =	simm.s32 @!p0 $0x0;
	s24 =	simm.s32 @!p0 $0x500;
	[sflag:s5] =	ssyncadd.s32 $0xFFFFE000  }
0x1d6: {  	[tilespmem:s24], [sflag:$0x6] =	stream.linear.gather @!p0 [hbm4b:s25+s7], $0x100, $0x38;
	[tilespmem:$0x1C480] =	vst v63  }
0x1d7: {  	p0 =	sgt.s32 s13, $0x4  }
.Ltmp60:
0x1d8: {  	_ = 	snop;
	(pc) =	sbr.rel @p0 .LBB2_80-.Ltmp60, $3  }
0x1d9: {  	_ =	sdelay $0x1  }
0x1da: {  	s24 =	simm.s32 $0x280  }
0x1db: {  	[spmem:s3] =	stream.indirect.scatter.add.f32 [tilespmem:s0], [sflag:$0xF], $0x40, s24, s26, $0xb8;
	[tilespmem:$0x1C480] =	vst v63  }
0x1dc: {  	p0 =	seq.s32 s13, $0x3  }
.Ltmp61:
0x1dd: {  	_ = 	snop;
	(pc) =	sbr.rel @p0 .LBB2_83-.Ltmp61, $1  }
0x1de: {  	_ =	sdelay $0x3  }
0x1df: {  	p0 =	seq.s32 s13, $0x4  }
.Ltmp62:
0x1e0: {  	_ = 	snop;
	(pc) =	sbr.rel @p0 .LBB2_90-.Ltmp62, $4  }
.Ltmp63:
0x1e1: {  	_ = 	snop;
	(pc) =	sbr.rel @!p0 .LBB2_112-.Ltmp63, $4  }
0x1e2: {  	_ = 	snop  }
0x1e3: {  	_ = 	snop  }
0x1e4: {  	_ = 	snop  }
0x1e5: {  	_ = 	snop  }
.LBB2_106:
0x1e6: {  	p0 =	seq.s32 s13, $0x6  }
.Ltmp64:
0x1e7: {  	_ = 	snop;
	(pc) =	sbr.rel @p0 .LBB2_101-.Ltmp64, $1  }
0x1e8: {  	_ =	sdelay $0x3  }
0x1e9: {  	p0 =	slt.u32 s4, $0x3  }
.Ltmp65:
0x1ea: {  	_ = 	snop;
	(pc) =	sbr.rel @p0 .LBB2_110-.Ltmp65, $1  }
0x1eb: {  	_ =	sdelay $0x3  }
0x1ec: {  	p0 =	seq.s32 s4, $0x4E  }
.Ltmp66:
0x1ed: {  	_ = 	snop;
	(pc) =	sbr.rel @p0 .LBB2_111-.Ltmp66, $1  }
0x1ee: {  	_ =	sdelay $0x3  }
0x1ef: {  	_ =	swait.ge [sflag:s16], $0x2000  }
0x1f0: {  	[sflag:s16] =	ssyncset.done $0x0  }
0x1f1: {  	[sflag:s16] =	ssyncadd.s32 $0xFFFFE000  }
.LBB2_110:
0x1f2: {  	_ =	swait.ge [sflag:s15], $0x100  }
0x1f3: {  	[sflag:s15] =	ssyncset.done $0x0  }
0x1f4: {  	s7 =	simm.s32 $0x0;
	[sflag:s15] =	ssyncadd.s32 $0xFFFFFF00  }
0x1f5: {  	[tilespmem:s23], [sflag:$0x9] =	stream.indirect.gather [spmem:s2], $0x40, s7, s26, $0xb8;
	[tilespmem:$0x1C480] =	vst v63  }
.LBB2_111:
0x1f6: {  	_ =	swait.ge [sflag:s14], $0x2000  }
.Ltmp67:
0x1f7: {  	p0 =	sgt.u32 s4, $0x4B;
	[sflag:s14] =	ssyncset.done $0x0;
	(pc) =	sbr.rel .LBB2_112-.Ltmp67, $4  }
0x1f8: {  	s7 =	simm.s32 @!p0 $0x0;
	s13 =	simm.s32 @!p0 $0x200;
	[sflag:s14] =	ssyncadd.s32 $0xFFFFE000  }
0x1f9: {  	[tilespmem:s13], [sflag:$0x3] =	stream.linear.gather @!p0 [hbm4b:s25+s7], $0x100, $0x38;
	[tilespmem:$0x1C480] =	vst v63  }
0x1fa: {  	s24 =	simm.s32 $0x780  }
0x1fb: {  	[spmem:s3] =	stream.indirect.scatter.add.f32 [tilespmem:s20], [sflag:$0x10], $0x40, s24, s26, $0xb8;
	[tilespmem:$0x1C480] =	vst v63  }
.LBB2_83:
0x1fc: {  	p0 =	slt.u32 s4, $0x3  }
.Ltmp68:
0x1fd: {  	_ = 	snop;
	(pc) =	sbr.rel @p0 .LBB2_86-.Ltmp68, $1  }
0x1fe: {  	_ =	sdelay $0x3  }
0x1ff: {  	p0 =	seq.s32 s4, $0x4E  }
.Ltmp69:
0x200: {  	_ = 	snop;
	(pc) =	sbr.rel @p0 .LBB2_87-.Ltmp69, $1  }
0x201: {  	_ =	sdelay $0x3  }
0x202: {  	_ =	swait.ge [sflag:s16], $0x2000  }
0x203: {  	[sflag:s16] =	ssyncset.done $0x0  }
0x204: {  	[sflag:s16] =	ssyncadd.s32 $0xFFFFE000  }
.LBB2_86:
0x205: {  	_ =	swait.ge [sflag:s12], $0x100  }
0x206: {  	[sflag:s12] =	ssyncset.done $0x0  }
0x207: {  	s7 =	simm.s32 $0x400;
	[sflag:s12] =	ssyncadd.s32 $0xFFFFFF00  }
0x208: {  	[tilespmem:s23], [sflag:$0x9] =	stream.indirect.gather [spmem:s2], $0x40, s7, s26, $0xb8;
	[tilespmem:$0x1C480] =	vst v63  }
.LBB2_87:
0x209: {  	_ =	swait.ge [sflag:s14], $0x2000  }
0x20a: {  	p0 =	sgt.u32 s4, $0x4B;
	[sflag:s14] =	ssyncset.done $0x0  }
0x20b: {  	s7 =	simm.s32 @!p0 $0x0;
	s24 =	simm.s32 @!p0 $0x600;
	[sflag:s14] =	ssyncadd.s32 $0xFFFFE000  }
0x20c: {  	[tilespmem:s24], [sflag:$0x7] =	stream.linear.gather @!p0 [hbm4b:s25+s7], $0x100, $0x38;
	[tilespmem:$0x1C480] =	vst v63  }
0x20d: {  	p0 =	seq.s32 s13, $0x6  }
.Ltmp70:
0x20e: {  	_ = 	snop;
	(pc) =	sbr.rel @p0 .LBB2_101-.Ltmp70, $3  }
0x20f: {  	_ =	sdelay $0x1  }
0x210: {  	s24 =	simm.s32 $0x380  }
0x211: {  	[spmem:s3] =	stream.indirect.scatter.add.f32 [tilespmem:s20], [sflag:$0x10], $0x40, s24, s26, $0xb8;
	[tilespmem:$0x1C480] =	vst v63  }
0x212: {  	p0 =	seq.s32 s13, $0x5  }
.Ltmp71:
0x213: {  	_ = 	snop;
	(pc) =	sbr.rel @p0 .LBB2_96-.Ltmp71, $1  }
0x214: {  	_ =	sdelay $0x3  }
0x215: {  	p0 =	sne.s32 s13, $0x4  }
.Ltmp72:
0x216: {  	_ = 	snop;
	(pc) =	sbr.rel @p0 .LBB2_112-.Ltmp72, $1  }
0x217: {  	_ =	sdelay $0x3  }
.LBB2_90:
0x218: {  	p0 =	slt.u32 s4, $0x3  }
.Ltmp73:
0x219: {  	_ = 	snop;
	(pc) =	sbr.rel @p0 .LBB2_93-.Ltmp73, $1  }
0x21a: {  	_ =	sdelay $0x3  }
0x21b: {  	p0 =	seq.s32 s4, $0x4E  }
.Ltmp74:
0x21c: {  	_ = 	snop;
	(pc) =	sbr.rel @p0 .LBB2_94-.Ltmp74, $1  }
0x21d: {  	_ =	sdelay $0x3  }
0x21e: {  	_ =	swait.ge [sflag:s31], $0x2000  }
0x21f: {  	[sflag:s31] =	ssyncset.done $0x0  }
0x220: {  	[sflag:s31] =	ssyncadd.s32 $0xFFFFE000  }
.LBB2_93:
0x221: {  	_ =	swait.ge [sflag:s10], $0x100  }
0x222: {  	[sflag:s10] =	ssyncset.done $0x0  }
0x223: {  	s7 =	simm.s32 $0x500;
	[sflag:s10] =	ssyncadd.s32 $0xFFFFFF00  }
0x224: {  	[tilespmem:s29], [sflag:$0xA] =	stream.indirect.gather [spmem:s2], $0x40, s7, s26, $0xb8;
	[tilespmem:$0x1C480] =	vst v63  }
.LBB2_94:
0x225: {  	_ =	swait.ge [sflag:s30], $0x2000  }
0x226: {  	p0 =	sgt.u32 s4, $0x4B;
	[sflag:s30] =	ssyncset.done $0x0  }
0x227: {  	s7 =	simm.s32 @!p0 $0x0;
	s24 =	simm.s32 @!p0 $0x700;
	[sflag:s30] =	ssyncadd.s32 $0xFFFFE000  }
0x228: {  	[tilespmem:s24], [sflag:$0x8] =	stream.linear.gather @!p0 [hbm4b:s25+s7], $0x100, $0x38;
	[tilespmem:$0x1C480] =	vst v63  }
0x229: {  	p0 =	seq.s32 s13, $0x6  }
.Ltmp75:
0x22a: {  	_ = 	snop;
	(pc) =	sbr.rel @p0 .LBB2_101-.Ltmp75, $3  }
0x22b: {  	_ =	sdelay $0x1  }
0x22c: {  	s24 =	simm.s32 $0x480  }
0x22d: {  	[spmem:s3] =	stream.indirect.scatter.add.f32 [tilespmem:s23], [sflag:$0xD], $0x40, s24, s26, $0xb8;
	[tilespmem:$0x1C480] =	vst v63  }
0x22e: {  	p0 =	sne.s32 s13, $0x5  }
.Ltmp76:
0x22f: {  	_ = 	snop;
	(pc) =	sbr.rel @!p0 .LBB2_96-.Ltmp76, $4  }
.Ltmp77:
0x230: {  	_ = 	snop;
	(pc) =	sbr.rel @p0 .LBB2_112-.Ltmp77, $4  }
0x231: {  	_ = 	snop  }
0x232: {  	_ = 	snop  }
0x233: {  	_ = 	snop  }
0x234: {  	_ = 	snop  }
.LBB2_68:
0x235: {  	p0 =	slt.u32 s4, $0x3  }
.Ltmp78:
0x236: {  	_ = 	snop;
	(pc) =	sbr.rel @p0 .LBB2_71-.Ltmp78, $1  }
0x237: {  	_ =	sdelay $0x3  }
0x238: {  	p0 =	seq.s32 s4, $0x4E  }
.Ltmp79:
0x239: {  	_ = 	snop;
	(pc) =	sbr.rel @p0 .LBB2_72-.Ltmp79, $1  }
0x23a: {  	_ =	sdelay $0x3  }
0x23b: {  	_ =	swait.ge [sflag:s17], $0x2000  }
0x23c: {  	[sflag:s17] =	ssyncset.done $0x0  }
0x23d: {  	[sflag:s17] =	ssyncadd.s32 $0xFFFFE000  }
.LBB2_71:
0x23e: {  	_ =	swait.ge [sflag:s1], $0x100  }
0x23f: {  	[sflag:s1] =	ssyncset.done $0x0  }
0x240: {  	s7 =	simm.s32 $0x200;
	[sflag:s1] =	ssyncadd.s32 $0xFFFFFF00  }
0x241: {  	[tilespmem:s0], [sflag:$0xB] =	stream.indirect.gather [spmem:s2], $0x40, s7, s26, $0xb8;
	[tilespmem:$0x1C480] =	vst v63  }
.LBB2_72:
0x242: {  	_ =	swait.ge [sflag:s6], $0x2000  }
.Ltmp80:
0x243: {  	p0 =	sgt.u32 s4, $0x4B;
	[sflag:s6] =	ssyncset.done $0x0;
	(pc) =	sbr.rel .LBB2_112-.Ltmp80, $4  }
0x244: {  	s7 =	simm.s32 @!p0 $0x0;
	s13 =	simm.s32 @!p0 $0x400;
	[sflag:s6] =	ssyncadd.s32 $0xFFFFE000  }
0x245: {  	[tilespmem:s13], [sflag:$0x5] =	stream.linear.gather @!p0 [hbm4b:s25+s7], $0x100, $0x38;
	[tilespmem:$0x1C480] =	vst v63  }
0x246: {  	s24 =	simm.s32 $0x180  }
0x247: {  	[spmem:s3] =	stream.indirect.scatter.add.f32 [tilespmem:s29], [sflag:$0xE], $0x40, s24, s26, $0xb8;
	[tilespmem:$0x1C480] =	vst v63  }
.LBB2_80:
0x248: {  	p0 =	seq.s32 s13, $0x5  }
.Ltmp81:
0x249: {  	_ = 	snop;
	(pc) =	sbr.rel @p0 .LBB2_96-.Ltmp81, $1  }
0x24a: {  	_ =	sdelay $0x3  }
0x24b: {  	p0 =	seq.s32 s13, $0x6  }
.Ltmp82:
0x24c: {  	_ = 	snop;
	(pc) =	sbr.rel @p0 .LBB2_101-.Ltmp82, $4  }
.Ltmp83:
0x24d: {  	_ = 	snop;
	(pc) =	sbr.rel @!p0 .LBB2_112-.Ltmp83, $4  }
0x24e: {  	_ = 	snop  }
0x24f: {  	_ = 	snop  }
0x250: {  	_ = 	snop  }
0x251: {  	_ = 	snop  }
.LBB2_96:
0x252: {  	p0 =	slt.u32 s4, $0x3  }
.Ltmp84:
0x253: {  	_ = 	snop;
	(pc) =	sbr.rel @p0 .LBB2_99-.Ltmp84, $1  }
0x254: {  	_ =	sdelay $0x3  }
0x255: {  	p0 =	seq.s32 s4, $0x4E  }
.Ltmp85:
0x256: {  	_ = 	snop;
	(pc) =	sbr.rel @p0 .LBB2_100-.Ltmp85, $1  }
0x257: {  	_ =	sdelay $0x3  }
0x258: {  	_ =	swait.ge [sflag:s17], $0x2000  }
0x259: {  	[sflag:s17] =	ssyncset.done $0x0  }
0x25a: {  	[sflag:s17] =	ssyncadd.s32 $0xFFFFE000  }
.LBB2_99:
0x25b: {  	_ =	swait.ge [sflag:s8], $0x100  }
0x25c: {  	[sflag:s8] =	ssyncset.done $0x0  }
0x25d: {  	s7 =	simm.s32 $0x600;
	[sflag:s8] =	ssyncadd.s32 $0xFFFFFF00  }
0x25e: {  	[tilespmem:s0], [sflag:$0xB] =	stream.indirect.gather [spmem:s2], $0x40, s7, s26, $0xb8;
	[tilespmem:$0x1C480] =	vst v63  }
.LBB2_100:
0x25f: {  	_ =	swait.ge [sflag:s6], $0x2000  }
0x260: {  	p0 =	sgt.u32 s4, $0x4B;
	[sflag:s6] =	ssyncset.done $0x0  }
0x261: {  	s7 =	simm.s32 @!p0 $0x0;
	[sflag:s6] =	ssyncadd.s32 $0xFFFFE000  }
0x262: {  	[tilespmem:s7], [sflag:$0x1] =	stream.linear.gather @!p0 [hbm4b:s25+s7], $0x100, $0x38;
	[tilespmem:$0x1C480] =	vst v63  }
0x263: {  	p0 =	sne.s32 s13, $0x6  }
.Ltmp86:
0x264: {  	_ = 	snop;
	(pc) =	sbr.rel @p0 .LBB2_112-.Ltmp86, $3  }
0x265: {  	_ =	sdelay $0x1  }
0x266: {  	s24 =	simm.s32 $0x580  }
0x267: {  	[spmem:s3] =	stream.indirect.scatter.add.f32 [tilespmem:s29], [sflag:$0xE], $0x40, s24, s26, $0xb8;
	[tilespmem:$0x1C480] =	vst v63  }
.LBB2_101:
0x268: {  	p0 =	slt.u32 s4, $0x3  }
.Ltmp87:
0x269: {  	_ = 	snop;
	(pc) =	sbr.rel @p0 .LBB2_104-.Ltmp87, $1  }
0x26a: {  	_ =	sdelay $0x3  }
0x26b: {  	p0 =	seq.s32 s4, $0x4E  }
.Ltmp88:
0x26c: {  	_ = 	snop;
	(pc) =	sbr.rel @p0 .LBB2_105-.Ltmp88, $1  }
0x26d: {  	_ =	sdelay $0x3  }
.Ltmp89:
0x26e: {  	(pc) =	sbr.rel .LBB2_104-.Ltmp89, $4  }
0x26f: {  	_ = 	snop  }
0x270: {  	_ =	swait.ge [sflag:s11], $0x2000  }
0x271: {  	[sflag:s11] =	ssyncset.done $0x0  }
0x272: {  	[sflag:s11] =	ssyncadd.s32 $0xFFFFE000  }
.LBB2_114:
0x273: {  	_ =	sfence.sel $0x180000  }
0x274: {  	[bflag:$0x0] =	sbarrier.arrive $0xFFFF  }
0x275: {  	_ =	strace $0x9000004D  }
0x276: {  	s0 =	stileid.u32;
	[bflag:$0x2] =	sbarrier.arrive $0xFFFF  }
0x277: {  	p0 =	sne.s32 s0, $0x0;
	s0 =	rddreg [dreg:$0x4]  }
0x278: {  	s0 =	sadd.s32 @!p0 $0x100000, s0  }
0x279: {  	[sflag:s0] =	ssyncadd.tile.s32 @!p0 $0x1;
	_ =	shalt  }
.Lfunc_end2:
_tile_overlayer_lowered:
.L_overlay_start_2:
0x27a: {  	(tag) =	ssettag $0x2  }
0x27b: {  	s0 =	rddreg [dreg:$0x0];
	s2 =	stileid.u32  }
0x27c: {  	s1 =	rddreg [dreg:$0x1];
	p0 =	sne.s32 s2, $0x0  }
0x27d: {  	s3 =	rddreg [dreg:$0x2];
	[bflag:$0x3] =	sbarrier.arrive $0xFFFF;
	s2 =	simm.s32 @!p0 $0x1C11  }
0x27e: {  	[timem:s3], [sflag:s2] =	dma.local @!p0 [hbm:s0], s1  }
0x27f: {  	s0 =	simm.s32 @!p0 $0x11  }
0x280: {  	_ =	swait.ge @!p0 [sflag:s0], s1  }
0x281: {  	s1 =	ssub.s32 @!p0 $0x0, s1;
	[sflag:s0] =	ssyncset.done @!p0 $0x0  }
0x282: {  	[sflag:s0] =	ssyncadd.s32 @!p0 s1  }
0x283: {  	[bflag:$0x3] =	sbarrier.arrive $0xFFFF  }
0x284: {  	_ =	shalt  }

// kernel: kernel.9.cloned.1.call-start
scs
__scs_entry_jumppad:
0x0: {  	(pc) =	sbr.rel $0x88, $3  }
0x1: {  	(tag) =	ssettag $0x0;
	lr =	simm.s32 $0x1  }
0x2: {  	[smem:$0x3F9B] =	sst lr;
	_ =	strace $0xD0000000  }
0x3: {  	_ = 	snop  }
0x4: {  	_ = 	snop  }
0x5: {  	_ = 	snop  }
0x6: {  	_ = 	snop  }
0x7: {  	_ = 	snop  }
__scs_overlays_trampoline_lowered:
0x8: {  	[smem:$0x3FAA] =	sst s0  }
0x9: {  	[smem:$0x3FAB] =	sst s1  }
0xa: {  	[smem:$0x3FAC] =	sst s2  }
0xb: {  	[smem:$0x3FAD] =	sst s3  }
0xc: {  	[smem:$0x3FAE] =	sst s4  }
0xd: {  	[smem:$0x3FAF] =	sst s5  }
0xe: {  	[smem:$0x3FB0] =	sst s6  }
0xf: {  	[smem:$0x3FB1] =	sst s7  }
0x10: {  	[smem:$0x3FB2] =	sst s8  }
0x11: {  	[smem:$0x3FB3] =	sst s9;
	s0 =	simm.s32 @!p0 $0x0  }
0x12: {  	s1 =	sld [smem:$0x3F99];
	s0 =	simm.s32 @p0 $0x1  }
0x13: {  	[smem:$0x3FB4] =	sst s0;
	s0 =	simm.s32 @!p1 $0x0  }
0x14: {  	s2 =	sld [smem:$0x3F98];
	s0 =	simm.s32 @p1 $0x1  }
0x15: {  	[smem:$0x3FB5] =	sst s0;
	s0 =	simm.s32 @!p2 $0x0  }
0x16: {  	s3 =	sld [smem:$0x3FDB];
	s0 =	simm.s32 @p2 $0x1  }
0x17: {  	s4 =	simm.s32 $0x1BF5;
	[smem:$0x3FB7] =	sst s0  }
0x18: {  	s0 =	sld [smem:$0x3F9A];
	_ =	swait.ge [sflag:s4], $0x0  }
0x19: {  	s7 =	sld [smem:$0x3F9B]  }
0x1a: {  	s8 =	sadd.s32 $0xFFFFE003, lr  }
0x1b: {  	s9 =	sadd.s32 $0xFFFFFEF7, lr;
	s5 =	simm.s32 $0xFFFFFFFF;
	p2 =	slt.u32 s8, $0xFFFFF086  }
0x1c: {  	p1 =	slt.u32 s9, $0xF7A;
	s5 =	simm.s32 @!p2 $0x0  }
0x1d: {  	s5 =	simm.s32 @p1 $0x1;
	p0 =	seq.s32 s7, s2  }
0x1e: {  	s7 =	smul.u32 @!p0 $0xF7A, s2;
	p2 =	seq.s32 @!p0 s5, $0x0  }
0x1f: {  	s9 =	smul.u32 $0xF7A, s1;
	s8 =	simm.s32 @!p0 $0x1BF5;
	p2 =	por !p2, p0  }
0x20: {  	[sflag:s8] =	ssyncset.s32 @!p0 $0xFFFFF086;
	s6 =	sadd.s32 @!p0 s3, s7;
	s7 =	simm.s32 @!p0 $0x108  }
0x21: {  	s3 =	sadd.s32 s3, s9;
	s6 =	sadd.s32 @!p0 $0x88, s6;
	s7 =	simm.s32 @p2 $0x1082  }
0x22: {  	[simem:s7], [sflag:s8] =	dma.local @!p0 [hbm:s6], $0xF7A  }
0x23: {  	s9 =	sor.u32 $0xD0000000, s2;
	s6 =	simm.s32 $0x108;
	_ =	swait.ge @!p0 [sflag:s8], $0x0  }
0x24: {  	s3 =	sadd.s32 $0x88, s3;
	s6 =	simm.s32 @!p1 $0x1082;
	[sflag:s4] =	ssyncset.s32 $0xFFFFF086  }
0x25: {  	[simem:s6], [sflag:s4] =	dma.local [hbm:s3], $0xF7A  }
0x26: {  	[smem:$0x3F9B] =	sst s1;
	(tag) =	ssettag s2;
	_ =	strace s9  }
0x27: {  	s1 =	sld [smem:$0x3FAB]  }
0x28: {  	s2 =	sld [smem:$0x3FAC]  }
0x29: {  	s4 =	sld [smem:$0x3FAE]  }
0x2a: {  	p0 =	seq.s32 s5, $0x0;
	s5 =	sld [smem:$0x3FAF]  }
0x2b: {  	s6 =	sld [smem:$0x3FB0]  }
0x2c: {  	s7 =	sld [smem:$0x3FB1]  }
0x2d: {  	s3 =	simm.s32 $0x108;
	s8 =	sld [smem:$0x3FB2]  }
0x2e: {  	s3 =	simm.s32 @!p0 $0x1082;
	s9 =	sld [smem:$0x3FB3]  }
0x2f: {  	lr =	sadd.s32 s0, s3;
	s0 =	sld [smem:$0x3FAA]  }
0x30: {  	s3 =	sld [smem:$0x3FAD]  }
0x31: {  	[smem:$0x3FB6] =	sst s10  }
0x32: {  	s10 =	sld [smem:$0x3FB4];
	_ =	sdelay $0x3  }
0x33: {  	p0 =	seq.s32 s10, $0x1;
	s10 =	sld [smem:$0x3FB6];
	_ =	sdelay $0x3  }
0x34: {  	[smem:$0x3FB6] =	sst s10  }
0x35: {  	s10 =	sld [smem:$0x3FB5];
	_ =	sdelay $0x3  }
0x36: {  	p1 =	seq.s32 s10, $0x1;
	s10 =	sld [smem:$0x3FB6];
	_ =	sdelay $0x3  }
0x37: {  	[smem:$0x3FB6] =	sst s10  }
0x38: {  	s10 =	sld [smem:$0x3FB7]  }
0x39: {  	_ = 	snop;
	(pc) =	sbr.ind lr, $3  }
0x3a: {  	_ = 	snop  }
0x3b: {  	_ = 	snop  }
0x3c: {  	p2 =	seq.s32 s10, $0x1;
	s10 =	sld [smem:$0x3FB6]  }
0x3d: {  	_ =	shalt  }
0x3e: {  	_ =	shalt  }
0x3f: {  	_ =	shalt  }
0x40: {  	_ =	shalt  }
0x41: {  	_ =	shalt  }
0x42: {  	_ =	shalt  }
0x43: {  	_ =	shalt  }
0x44: {  	_ =	shalt  }
0x45: {  	_ =	shalt  }
0x46: {  	_ =	shalt  }
0x47: {  	_ =	shalt  }
0x48: {  	_ =	shalt  }
0x49: {  	_ =	shalt  }
0x4a: {  	_ =	shalt  }
0x4b: {  	_ =	shalt  }
0x4c: {  	_ =	shalt  }
0x4d: {  	_ =	shalt  }
0x4e: {  	_ =	shalt  }
0x4f: {  	_ =	shalt  }
0x50: {  	_ =	shalt  }
0x51: {  	_ =	shalt  }
0x52: {  	_ =	shalt  }
0x53: {  	_ =	shalt  }
0x54: {  	_ =	shalt  }
0x55: {  	_ =	shalt  }
0x56: {  	_ =	shalt  }
0x57: {  	_ =	shalt  }
0x58: {  	_ =	shalt  }
0x59: {  	_ =	shalt  }
0x5a: {  	_ =	shalt  }
0x5b: {  	_ =	shalt  }
0x5c: {  	_ =	shalt  }
0x5d: {  	_ =	shalt  }
0x5e: {  	_ =	shalt  }
0x5f: {  	_ =	shalt  }
0x60: {  	_ =	shalt  }
0x61: {  	_ =	shalt  }
0x62: {  	_ =	shalt  }
0x63: {  	_ =	shalt  }
0x64: {  	_ =	shalt  }
0x65: {  	_ =	shalt  }
0x66: {  	_ =	shalt  }
0x67: {  	_ =	shalt  }
0x68: {  	_ =	shalt  }
0x69: {  	_ =	shalt  }
0x6a: {  	_ =	shalt  }
0x6b: {  	_ =	shalt  }
0x6c: {  	_ =	shalt  }
0x6d: {  	_ =	shalt  }
0x6e: {  	_ =	shalt  }
0x6f: {  	_ =	shalt  }
0x70: {  	_ =	shalt  }
0x71: {  	_ =	shalt  }
0x72: {  	_ =	shalt  }
0x73: {  	_ =	shalt  }
0x74: {  	_ =	shalt  }
0x75: {  	_ =	shalt  }
0x76: {  	_ =	shalt  }
0x77: {  	_ =	shalt  }
0x78: {  	_ =	shalt  }
0x79: {  	_ =	shalt  }
0x7a: {  	_ =	shalt  }
0x7b: {  	_ =	shalt  }
0x7c: {  	_ =	shalt  }
0x7d: {  	_ =	shalt  }
0x7e: {  	_ =	shalt  }
0x7f: {  	_ =	shalt  }
0x80: {  	_ =	shalt  }
0x81: {  	_ =	shalt  }
0x82: {  	_ =	shalt  }
0x83: {  	_ =	shalt  }
0x84: {  	_ =	shalt  }
0x85: {  	_ =	shalt  }
0x86: {  	_ =	shalt  }
0x87: {  	_ =	shalt  }
.Lfunc_end0:
.L_simem_size_0:
called_computation_lowered:
.L_overlay_start_0:
0x88: {  	s2 =	sld [smem:$0x3FD9]  }
0x89: {  	s3 =	sld [smem:$0x3FFE];
	_ =	sdelay $0x1  }
0x8a: {  	s1 =	srdreg.scid  }
0x8b: {  	s0 =	sand.u32 $0x1, s1  }
0x8c: {  	s17 =	sshll.u32 s0, $0xA;
	s2 =	sadd.s32 s3, s2  }
0x8d: {  	s2 =	sadd.s32 s2, s17  }
0x8e: {  	[smem:$0x3FC2] =	sst s2  }
0x8f: {  	_ = 	snop  }
0x90: {  	s2 =	sld [smem:$0x3FD0];
	(tm) =	ssettm $0x1  }
0x91: {  	s18 =	sld [smem:$0x3FFB];
	_ =	sdelay $0x3  }
0x92: {  	_ =	strace s18  }
0x93: {  	s3 =	sld [smem:$0x3FFC];
	_ =	sdelay $0x3  }
0x94: {  	_ =	strace s3  }
0x95: {  	s3 =	sld [smem:$0x3FFD];
	_ =	sdelay $0x3  }
0x96: {  	_ =	strace s3  }
0x97: {  	_ =	strace $0x8FFFFFFF  }
0x98: {  	s19 =	sld [smem:$0x3FDB];
	_ =	sdelay $0x1  }
0x99: {  	s4 =	simm.s32 $_scs_section_size  }
0x9a: {  	s5 =	simm.s32 $_size__tile_overlayer_lowered;
	s6 =	simm.s32 $_tile_overlayer_lowered  }
0x9b: {  	s22 =	simm.s32 $0x1BFF;
	s21 =	sshll.u32 s6, $0x1;
	s3 =	sadd.s32 s4, s19  }
0x9c: {  	s7 =	simm.s32 $0x0;
	s20 =	sshll.u32 s5, $0x1;
	s5 =	sadd.s32 s21, s3  }
0x9d: {  	[timem:s7], [sflag:s22] =	dma.local [hbm:s5], s20  }
0x9e: {  	_ =	swait.ge [sflag:s22], s20  }
0x9f: {  	s4 =	ssub.s32 $0x0, s20;
	[sflag:s22] =	ssyncset.done $0x0  }
0xa0: {  	[sflag:s22] =	ssyncadd.s32 s4;
	_ =	sdelay $0x1  }
0xa1: {  	s23 =	simm.s32 $0x1B8B  }
0xa2: {  	_ =	swait.ge [sflag:s23], $0x1  }
0xa3: {  	[sflag:s23] =	ssyncset.done $0x0  }
0xa4: {  	s25 =	simm.s32 $0x1B8E;
	s24 =	sld [smem:$0x3FFE];
	[sflag:s23] =	ssyncadd.s32 $0xFFFFFFFF  }
0xa5: {  	s26 =	simm.s32 $execute0_lowered;
	[smem:$0x3FD2] =	sst s25  }
0xa6: {  	s5 =	sshll.u32 s26, $0x1;
	_ =	strace $0x80000046;
	[dreg:$0x1] =	wrdreg $0xFFFFFFFF  }
0xa7: {  	s28 =	simm.s32 $_size_execute0_lowered;
	s3 =	sadd.s32 s3, s5;
	[dreg:$0x0] =	wrdreg $0x0  }
0xa8: {  	s5 =	sshll.u32 s28, $0x1;
	[dreg:$0x2] =	wrdreg s3  }
0xa9: {  	[dreg:$0x3] =	wrdreg s5  }
0xaa: {  	[dreg:$0x4] =	wrdreg $0xC0  }
0xab: {  	_ =	task [dreg:s7], $0x5FFFF  }
0xac: {  	[dreg:$0x1] =	wrdreg $0xFFFFFFFF  }
0xad: {  	[dreg:$0x0] =	wrdreg $0x60  }
0xae: {  	[dreg:$0x2] =	wrdreg s2  }
0xaf: {  	[dreg:$0x3] =	wrdreg s24  }
0xb0: {  	[dreg:$0x4] =	wrdreg $0x50000  }
0xb1: {  	[dreg:$0x5] =	wrdreg $0x9  }
0xb2: {  	_ =	task.clear_ibuf [dreg:s7], $0x6FFFF;
	_ =	strace $0x90000046  }
0xb3: {  	s29 =	simm.s32 $0x9;
	_ =	strace $0x80000048  }
0xb4: {  	_ =	swait.ge [sflag:s29], $0x1  }
0xb5: {  	[sflag:s29] =	ssyncadd.s32 $0xFFFFFFFF  }
0xb6: {  	_ =	strace $0x90000048  }
0xb7: {  	_ =	sfence  }
0xb8: {  	s30 =	sld [smem:$0x0];
	_ =	sdelay $0x2  }
0xb9: {  	s31 =	sshll.u32 s1, $0xD;
	s1 =	sshrl.u32 s1, $0x2  }
0xba: {  	s3 =	sand.u32 $0x4000, s31;
	s1 =	sadd.s32 s1, s30  }
0xbb: {  	s0 =	sor.u32 s3, s0;
	s1 =	sshll.u32 s1, $0x11  }
0xbc: {  	s0 =	sor.u32 s1, s0  }
0xbd: {  	s0 =	sadd.s32 $0x8F2B, s0  }
0xbe: {  	[sflag:s0] =	ssyncadd.remote.s32 $0x1  }
0xbf: {  	_ =	sfence.sel $0xFFFF  }
0xc0: {  	[dreg:$0x0] =	wrdreg $0xFFFFFFFF;
	(pc) =	sbr.abs _section_cstart, $3  }
0xc1: {  	[dreg:$0x1] =	wrdreg $0xFFFFFFFF  }
0xc2: {  	_ =	task.clear_ibuf [dreg:s7], $0x2FFFF;
	_ =	strace $0x9FFFFFFF  }
0xc3: {  	(tm) =	ssettm $0x7FFFFFFF  }
tec
execute0_lowered:
.L_overlay_start_1:
0x0: {  	(tag) =	ssettag $0x1  }
0x1: {  	s6 =	rddreg [dreg:$0x0]  }
0x2: {  	s7 =	rddreg [dreg:$0x1]  }
0x3: {  	s2 =	rddreg [dreg:$0x2]  }
0x4: {  	s0 =	rddreg [dreg:$0x3];
	s3 =	simm.s32 $0x0;
	s4 =	srdreg.scid  }
0x5: {  	s1 =	stileid.u32;
	s15 =	simm.s32 $0x4F00;
	s16 =	simm.s32 $0x4F80  }
0x6: {  	s17 =	simm.s32 $0x80;
	s18 =	simm.s32 $0x180;
	s19 =	simm.s32 $0x280  }
0x7: {  	s20 =	simm.s32 $0x380;
	s21 =	simm.s32 $0x1;
	s22 =	simm.s32 $0x4  }
0x8: {  	s23 =	simm.s32 $0x2;
	s24 =	simm.s32 $0x3;
	s26 =	simm.s32 $0x0  }
0x9: {  	[smem:$0x7FF] =	sst s3;
	s8 =	sand.u32 $0x1, s4;
	s9 =	smul.u32 $0x280, s1  }
0xa: {  	s4 =	sadd.s32 $0x2600, s7;
	s5 =	sadd.s32 $0x2400, s7;
	s11 =	sshll.u32 s1, $0x1  }
0xb: {  	s12 =	smul.u32 $0xA00, s1;
	s25 =	sshll.u32 s1, $0x6;
	_ =	strace $0x80000047  }
0xc: {  	s10 =	smul.u32 $0x2800, s8;
	s11 =	sor.u32 s8, s11;
	s8 =	ssub.s32 $0x2, s8  }
0xd: {  	s25 =	sor.u32 $0x1C05, s25;
	s11 =	smul.u32 $0x9E0, s11;
	s29 =	sshrl.u32 s8, $0x1  }
0xe: {  	s30 =	sshrl.u32 s12, $0x2;
	s10 =	sadd.s32 s9, s10;
	s14 =	ssub.s32 s8, s29  }
0xf: {  	s31 =	sadd.s32 s30, s2;
	s10 =	sshrl.u32 s10, $0x3;
	s6 =	sadd.s32 s6, s11  }
0x10: {  	s8 =	sadd.s32 $0x80, s31;
	s11 =	sadd.s32 $0x200, s31;
	s13 =	sadd.s32 s10, s7  }
0x11: {  	s7 =	sadd.s32 s9, s2;
	s9 =	sadd.s32 $0x100, s31;
	s10 =	sadd.s32 $0x180, s31  }
0x12: {  	s12 =	sadd.s32 $0x2800, s13;
	s13 =	smax.u32 s14, $0x1;
	s14 =	simm.s32 $0x5  }
.LBB2_1:
0x13: {  	[tilespmem:s3], [sflag:$0x5] =	stream.linear.gather [hbm4b:s6+s3], $0x4F00, $0x38;
	[tilespmem:$0x5280] =	vst v63  }
0x14: {  	_ =	swait.ge [sflag:s14], $0x4F00  }
0x15: {  	[sflag:s14] =	ssyncset.done $0x0  }
0x16: {  	[sflag:s14] =	ssyncadd.s32 $0xFFFFB100  }
0x17: {  	[tilespmem:s15], [sflag:$0x5] =	stream.linear.gather [hbm4b:s4+s3], $0x80, $0x38;
	[tilespmem:$0x5280] =	vst v63  }
0x18: {  	_ =	swait.ge [sflag:s14], $0x80  }
0x19: {  	[sflag:s14] =	ssyncset.done $0x0  }
0x1a: {  	[sflag:s14] =	ssyncadd.s32 $0xFFFFFF80  }
0x1b: {  	[tilespmem:s16], [sflag:$0x5] =	stream.linear.gather [hbm4b:s5+s3], $0x80, $0x38;
	[tilespmem:$0x5280] =	vst v63  }
0x1c: {  	_ =	swait.ge [sflag:s14], $0x80  }
0x1d: {  	[sflag:s14] =	ssyncset.done $0x0  }
0x1e: {  	[sflag:s14] =	ssyncadd.s32 $0xFFFFFF80  }
0x1f: {  	[spmem:s7] =	stream.linear.scatter [tilespmem:s16], [sflag:$0x5], $0x80, $0x38;
	[tilespmem:$0x5280] =	vst v63  }
0x20: {  	_ =	swait.ge [sflag:s14], $0x80  }
0x21: {  	[sflag:s14] =	ssyncset.done $0x0  }
0x22: {  	[sflag:s14] =	ssyncadd.s32 $0xFFFFFF80  }
0x23: {  	[spmem:s8] =	stream.linear.scatter [tilespmem:s16], [sflag:$0x5], $0x80, $0x38;
	[tilespmem:$0x5280] =	vst v63  }
0x24: {  	_ =	swait.ge [sflag:s14], $0x80  }
0x25: {  	[sflag:s14] =	ssyncset.done $0x0  }
0x26: {  	[sflag:s14] =	ssyncadd.s32 $0xFFFFFF80  }
0x27: {  	[spmem:s9] =	stream.linear.scatter [tilespmem:s16], [sflag:$0x5], $0x80, $0x38;
	[tilespmem:$0x5280] =	vst v63  }
0x28: {  	_ =	swait.ge [sflag:s14], $0x80  }
0x29: {  	[sflag:s14] =	ssyncset.done $0x0  }
0x2a: {  	[sflag:s14] =	ssyncadd.s32 $0xFFFFFF80  }
0x2b: {  	[spmem:s10] =	stream.linear.scatter [tilespmem:s16], [sflag:$0x5], $0x80, $0x38;
	[tilespmem:$0x5280] =	vst v63  }
0x2c: {  	_ =	swait.ge [sflag:s14], $0x80  }
0x2d: {  	[sflag:s14] =	ssyncset.done $0x0  }
0x2e: {  	[sflag:s14] =	ssyncadd.s32 $0xFFFFFF80  }
0x2f: {  	[spmem:s11] =	stream.linear.scatter [tilespmem:s16], [sflag:$0x5], $0x80, $0x38;
	[tilespmem:$0x5280] =	vst v63  }
0x30: {  	_ =	swait.ge [sflag:s14], $0x80  }
0x31: {  	[sflag:s14] =	ssyncset.done $0x0  }
0x32: {  	[sflag:s14] =	ssyncadd.s32 $0xFFFFFF80  }
0x33: {  	[bflag:$0x0] =	sbarrier.arrive $0xFFFF  }
0x34: {  	[spmem:s2] =	stream.indirect.scatter.add.f32 [tilespmem:s15], [sflag:$0x1], $0x1, s17, s17, $0xb8;
	[tilespmem:$0x5280] =	vst v63  }
0x35: {  	_ = 	snop  }
0x36: {  	[spmem:s2] =	stream.indirect.scatter.add.f32 [tilespmem:s15], [sflag:$0x2], $0x1, s18, s17, $0xb8;
	[tilespmem:$0x5280] =	vst v63  }
0x37: {  	_ = 	snop  }
0x38: {  	[spmem:s2] =	stream.indirect.scatter.add.f32 [tilespmem:s15], [sflag:$0x3], $0x1, s19, s17, $0xb8;
	[tilespmem:$0x5280] =	vst v63  }
0x39: {  	s28 =	simm.s32 $0x480;
	s29 =	simm.s32 $0x4  }
0x3a: {  	[spmem:s2] =	stream.indirect.scatter.add.f32 [tilespmem:s15], [sflag:$0x4], $0x1, s20, s17, $0xb8;
	[tilespmem:$0x5280] =	vst v63  }
.LBB2_2:
0x3b: {  	s30 =	sand.u32 $0x3, s29  }
0x3c: {  	p0 =	sgt.s32 s30, $0x1  }
0x3d: {  	p1 =	seq.s32 @p0 s30, $0x2  }
0x3e: {  	p2 =	seq.s32 @!p0 s30, $0x0;
	p1 =	por !p1, !p0  }
0x3f: {  	s30 =	simm.s32 $0x1;
	p2 =	por !p2, p0;
	s31 =	simm.s32 @!p1 $0x3  }
0x40: {  	s29 =	sadd.s32 $0x1, s29;
	s30 =	simm.s32 @p2 $0x2;
	s31 =	simm.s32 @p1 $0x4  }
0x41: {  	s30 =	smov.u32 @p0 s31;
	p0 =	sne.s32 s29, $0x4F  }
.Ltmp0:
0x42: {  	_ =	swait.ge [sflag:s30], $0x80;
	(pc) =	sbr.rel @p0 .LBB2_2-.Ltmp0, $4  }
0x43: {  	[sflag:s30] =	ssyncset.done $0x0  }
0x44: {  	[sflag:s30] =	ssyncadd.s32 $0xFFFFFF80  }
0x45: {  	[spmem:s2] =	stream.indirect.scatter.add.f32 [tilespmem:s15], [sflag:s30], $0x1, s28, s17, $0xb8;
	[tilespmem:$0x5280] =	vst v63  }
0x46: {  	s28 =	sadd.s32 $0x100, s28  }
0x47: {  	_ =	swait.ge [sflag:s22], $0x80  }
0x48: {  	[sflag:s22] =	ssyncset.done $0x0  }
0x49: {  	[sflag:s22] =	ssyncadd.s32 $0xFFFFFF80  }
0x4a: {  	_ =	swait.ge [sflag:s21], $0x80  }
0x4b: {  	[sflag:s21] =	ssyncset.done $0x0  }
0x4c: {  	[sflag:s21] =	ssyncadd.s32 $0xFFFFFF80  }
0x4d: {  	_ =	swait.ge [sflag:s23], $0x80  }
0x4e: {  	[sflag:s23] =	ssyncset.done $0x0  }
0x4f: {  	[sflag:s23] =	ssyncadd.s32 $0xFFFFFF80  }
0x50: {  	_ =	swait.ge [sflag:s24], $0x80  }
0x51: {  	s26 =	sadd.s32 $0x1, s26;
	[sflag:s24] =	ssyncset.done $0x0  }
0x52: {  	p0 =	sne.s32 s26, s13;
	[sflag:s24] =	ssyncadd.s32 $0xFFFFFF80  }
.Ltmp1:
0x53: {  	s28 =	sshrl.u32 s7, $0x3;
	[bflag:$0x0] =	sbarrier.arrive $0xFFFF;
	(pc) =	sbr.rel @p0 .LBB2_1-.Ltmp1, $4  }
0x54: {  	[hbm:s12], [sflag:s25] =	dma.local [spmem:s28], $0x50  }
0x55: {  	_ =	swait.ge [sflag:s14], $0x50  }
0x56: {  	[sflag:s14] =	ssyncset.done $0x0  }
0x57: {  	[sflag:s14] =	ssyncadd.s32 $0xFFFFFFB0  }
0x58: {  	_ =	sfence.sel $0x180000  }
0x59: {  	[bflag:$0x0] =	sbarrier.arrive $0xFFFF  }
0x5a: {  	p0 =	sne.s32 s1, $0x0;
	_ =	strace $0x90000047  }
0x5b: {  	s0 =	sadd.s32 @!p0 $0x100000, s0;
	[bflag:$0x2] =	sbarrier.arrive $0xFFFF  }
0x5c: {  	[sflag:s0] =	ssyncadd.tile.s32 @!p0 $0x1;
	_ =	shalt  }
.Lfunc_end2:
_tile_overlayer_lowered:
.L_overlay_start_2:
0x5d: {  	(tag) =	ssettag $0x2  }
0x5e: {  	s0 =	rddreg [dreg:$0x0];
	s2 =	stileid.u32  }
0x5f: {  	s1 =	rddreg [dreg:$0x1];
	p0 =	sne.s32 s2, $0x0  }
0x60: {  	s3 =	rddreg [dreg:$0x2];
	[bflag:$0x3] =	sbarrier.arrive $0xFFFF;
	s2 =	simm.s32 @!p0 $0x1C05  }
0x61: {  	[timem:s3], [sflag:s2] =	dma.local @!p0 [hbm:s0], s1  }
0x62: {  	s0 =	simm.s32 @!p0 $0x5  }
0x63: {  	_ =	swait.ge @!p0 [sflag:s0], s1  }
0x64: {  	s1 =	ssub.s32 @!p0 $0x0, s1;
	[sflag:s0] =	ssyncset.done @!p0 $0x0  }
0x65: {  	[sflag:s0] =	ssyncadd.s32 @!p0 s1  }
0x66: {  	[bflag:$0x3] =	sbarrier.arrive $0xFFFF  }
0x67: {  	_ =	shalt  }

</sc_bundles>
